<compile_context>
chip_gen: v7x
topology: tpu7x:2x2x1
jax: 0.10.2.dev20260603
libtpu: 0.0.44.dev20260713+nightly
codegen_flags: <defaults>
</compile_context>

<pallas_src>
import functools

import jax
import jax.numpy as jnp
from jax import lax
from jax.experimental import pallas as pl
from jax.experimental.pallas import tpu as pltpu
from jax.experimental.pallas import tpu_sc as plsc

_PSIZES = (41, 37, 31, 23)
_D = 16
_NT = 4
_B = 16384
_NC = 2
_NS = 16
_NW = _NC * _NS
_BPW = _B // _NW
_L = 16
_PR = 48
_PCOL = 128

_GATHER_DNUMS = lax.GatherDimensionNumbers(
    offset_dims=(), collapsed_slice_dims=(0,), start_index_map=(0,)
)


def _bcast_lane(vec, j):
    jj = jnp.full((_L, 1), j, jnp.int32)
    return lax.gather(
        vec, jj, _GATHER_DNUMS, (1,),
        mode=lax.GatherScatterMode.PROMISE_IN_BOUNDS,
    )


def _body(uid_hbm, w_hbm, out_hbm, uid_v, w_v, out_v, sem):
    wid = lax.axis_index("s") * _NC + lax.axis_index("c")
    base = wid * _BPW

    with jax.named_scope("stage"):
        cp_uid = pltpu.async_copy(uid_hbm.at[pl.ds(base, _BPW)], uid_v, sem)
        cp_w = pltpu.async_copy(w_hbm, w_v, sem)
        cp_uid.wait()
        cp_w.wait()

    lanes = lax.iota(jnp.int32, _L)
    lane_off = [lanes + t * _D for t in range(_NT)]

    def g_step(i):
        u = uid_v[pl.ds(i, _L)]
        uf = u.astype(jnp.float32)
        idxs = []
        for t, p in enumerate(_PSIZES):
            q = (uf * (1.0 / p)).astype(jnp.int32).astype(jnp.float32)
            r = uf - q * float(p)
            r = jnp.where(r < 0.0, r + p, r)
            r = jnp.where(r >= p, r - p, r)
            idxs.append(r.astype(jnp.int32))
        for j in range(_L):
            for t in range(_NT):
                row = _bcast_lane(idxs[t], j)
                vals = plsc.load_gather(w_v, [row, lane_off[t]])
                out_v[i + j, pl.ds(t * _D, _D)] = vals

    half = _BPW // 2
    with jax.named_scope("lookup"):
        plsc.parallel_loop(0, half, step=_L, unroll=4)(g_step)
        cp0 = pltpu.async_copy(
            out_v.at[pl.ds(0, half)], out_hbm.at[pl.ds(base, half)], sem
        )
        plsc.parallel_loop(half, _BPW, step=_L, unroll=4)(g_step)
        cp1 = pltpu.async_copy(
            out_v.at[pl.ds(half, half)],
            out_hbm.at[pl.ds(base + half, half)],
            sem,
        )

    with jax.named_scope("writeback"):
        cp0.wait()
        cp1.wait()


@functools.partial(
    pl.kernel,
    out_type=jax.ShapeDtypeStruct((_B, _NT * _D), jnp.float32),
    mesh=plsc.VectorSubcoreMesh(core_axis_name="c", subcore_axis_name="s"),
    scratch_types=[
        pltpu.VMEM((_BPW,), jnp.int32),
        pltpu.VMEM((_PR, _PCOL), jnp.float32),
        pltpu.VMEM((_BPW, _NT * _D), jnp.float32),
        pltpu.SemaphoreType.DMA,
    ],
    compiler_params=pltpu.CompilerParams(
        use_tc_tiling_on_sc=True,
        needs_layout_passes=False,
        disable_bounds_checks=True,
    ),
)
def _sc_lookup(uid_hbm, w_hbm, out_hbm, uid_v, w_v, out_v, sem):
    _body(uid_hbm, w_hbm, out_hbm, uid_v, w_v, out_v, sem)


def kernel(user_ids, W0, W1, W2, W3):
    cols = jnp.concatenate(
        [
            jnp.pad(w, ((0, _PR - w.shape[0]), (0, 0)))
            for w in (W0, W1, W2, W3)
        ],
        axis=1,
    )
    w_pack = jnp.pad(cols, ((0, 0), (0, _PCOL - _NT * _D)))
    return _sc_lookup(user_ids.astype(jnp.int32), w_pack)

# --- scband reference (transcript-rebuilt; emitter-appended) ---
"""Pipeline reference for scband-complementary-partition-embedding-12652973654521 (READ-ONLY COPY).

The authoritative reference and input builder live on the scoring server;
editing this copy changes nothing except your own understanding.
"""

import jax, jax.numpy as jnp
import numpy as np

PARTITION_SIZES = [41, 37, 31, 23]
PARTITION_DIM = 16
NUM_EMBEDDINGS = 1000000
BATCH = 16384


def setup_inputs(seed: int = 0) -> dict:
    key = jax.random.key(seed)
    ks = jax.random.split(key, len(PARTITION_SIZES) + 1)
    inp = {
        "user_ids": jax.random.randint(ks[0], (BATCH,), 0, NUM_EMBEDDINGS, dtype=jnp.int64 if jax.config.read('jax_enable_x64') else jnp.int32)
    }
    for i, p in enumerate(PARTITION_SIZES):
        inp[f"W{i}"] = jax.random.normal(ks[i + 1], (p, PARTITION_DIM), dtype=jnp.float32)
    return inp


def reference(user_ids, W0, W1, W2, W3):
    # ComplementaryPartitionEmbedding.forward with operation='concat':
    # partition_idx_i = user_ids % partition_size_i
    # emb_i = sub_embedding_i(partition_idx_i)
    # out = concat(emb_0, ..., emb_3, axis=-1)
    tables = [W0, W1, W2, W3]
    embeddings = []
    for W, p in zip(tables, PARTITION_SIZES):
        idx = user_ids % p
        embeddings.append(jnp.take(W, idx, axis=0))
    composed = jnp.concatenate(embeddings, axis=-1)
    return composed

if __name__ == "__main__":
    import jax
    _d = setup_inputs()
    print(jax.jit(kernel)(*tuple(_d.values())))

</pallas_src>

<mosaic_0001>
#map = affine_map<(d0, d1) -> (0)>
#map1 = affine_map<(d0, d1) -> (0, 0)>
module attributes {stable_mosaic.version = 14 : i64} {
  func.func @_sc_lookup(%arg0: i32, %arg1: i32, %arg2: memref<16384xi32, #tpu.memory_space<hbm>>, %arg3: memref<48x128xf32, #tpu.memory_space<hbm>>, %arg4: memref<16384x64xf32, #tpu.memory_space<hbm>>, %arg5: memref<512xi32, #tpu.memory_space<vmem>>, %arg6: memref<48x128xf32, #tpu.memory_space<vmem>>, %arg7: memref<512x64xf32, #tpu.memory_space<vmem>>, %arg8: memref<!tpu.dma_semaphore, #tpu.memory_space<semaphore_mem>>) attributes {dimension_semantics = [#tpu.dimension_semantics<core_parallel>, #tpu.dimension_semantics<subcore_parallel>], iteration_bounds = array<i64: 2, 16>, scalar_prefetch = 0 : i64, scratch_operands = 4 : i64, tpu.core_type = #tpu.core_type<sc_vector_subcore>, window_params = [{transform_indices = #map}, {transform_indices = #map1}, {transform_indices = #map1}]} {
    %mul3A = arith.constant 2 : i32
    %mul3A_0 = arith.muli %arg1, %mul3A : i32
    %add3A = arith.addi %mul3A_0, %arg0 : i32
    %mul3A_1 = arith.constant 512 : i32
    %mul3A_2 = arith.muli %add3A, %mul3A_1 : i32
    "tpu.trace_start"() <{level = 10 : i32, message = "stage"}> : () -> ()
    %dma_start3A = tpu.memref_slice %arg2[%mul3A_2] : memref<16384xi32, #tpu.memory_space<hbm>> -> memref<512xi32, #tpu.memory_space<hbm>>
    %dma_start3A_3 = tpu.memref_slice %arg2[%mul3A_2] : memref<16384xi32, #tpu.memory_space<hbm>> -> memref<512xi32, #tpu.memory_space<hbm>>
    tpu.enqueue_dma source(%dma_start3A_3 : memref<512xi32, #tpu.memory_space<hbm>>) target(%arg5 : memref<512xi32, #tpu.memory_space<vmem>>) target_semaphore(%arg8 : memref<!tpu.dma_semaphore, #tpu.memory_space<semaphore_mem>>)
    tpu.enqueue_dma source(%arg3 : memref<48x128xf32, #tpu.memory_space<hbm>>) target(%arg6 : memref<48x128xf32, #tpu.memory_space<vmem>>) target_semaphore(%arg8 : memref<!tpu.dma_semaphore, #tpu.memory_space<semaphore_mem>>)
    %dma_wait3A = tpu.memref_slice %arg2[%mul3A_2] : memref<16384xi32, #tpu.memory_space<hbm>> -> memref<512xi32, #tpu.memory_space<hbm>>
    %dma_wait3A_4 = tpu.memref_slice %arg2[%mul3A_2] : memref<16384xi32, #tpu.memory_space<hbm>> -> memref<512xi32, #tpu.memory_space<hbm>>
    tpu.wait_dma2 semaphore(%arg8 : memref<!tpu.dma_semaphore, #tpu.memory_space<semaphore_mem>>) src(%dma_wait3A_4 : memref<512xi32, #tpu.memory_space<hbm>>) dst(%arg5 : memref<512xi32, #tpu.memory_space<vmem>>)
    tpu.wait_dma2 semaphore(%arg8 : memref<!tpu.dma_semaphore, #tpu.memory_space<semaphore_mem>>) src(%arg3 : memref<48x128xf32, #tpu.memory_space<hbm>>) dst(%arg6 : memref<48x128xf32, #tpu.memory_space<vmem>>)
    "tpu.trace_stop"() : () -> ()
    %iota3A = tpu.iota {dimensions = array<i32: 0>} : vector<16xi32>
    %add3A_5 = arith.constant 0 : i32
    %add3A_6 = vector.broadcast %add3A_5 : i32 to vector<16xi32>
    %add3A_7 = arith.addi %iota3A, %add3A_6 : vector<16xi32>
    %add3A_8 = arith.constant 16 : i32
    %add3A_9 = vector.broadcast %add3A_8 : i32 to vector<16xi32>
    %add3A_10 = arith.addi %iota3A, %add3A_9 : vector<16xi32>
    %add3A_11 = arith.constant 32 : i32
    %add3A_12 = vector.broadcast %add3A_11 : i32 to vector<16xi32>
    %add3A_13 = arith.addi %iota3A, %add3A_12 : vector<16xi32>
    %add3A_14 = arith.constant 48 : i32
    %add3A_15 = vector.broadcast %add3A_14 : i32 to vector<16xi32>
    %add3A_16 = arith.addi %iota3A, %add3A_15 : vector<16xi32>
    %parallel_loop3A = arith.constant 0 : i32
    %parallel_loop3A_17 = arith.constant 256 : i32
    %parallel_loop3A_18 = arith.constant 16 : i32
    "tpu.trace_start"() <{level = 10 : i32, message = "lookup"}> : () -> ()
    scf.for %parallel_loop3A_64 = %parallel_loop3A to %parallel_loop3A_17 step %parallel_loop3A_18  : i32 {
      %parallel_loop3A_65 = arith.index_cast %parallel_loop3A_64 : i32 to index
      %parallel_loop3A_66 = tpu.vector_load %arg5[%parallel_loop3A_65] {strides = array<i32>} : memref<512xi32, #tpu.memory_space<vmem>>, vector<16xi32>,
      %parallel_loop3A_67 = arith.sitofp %parallel_loop3A_66 : vector<16xi32> to vector<16xf32>
      %parallel_loop3A_68 = arith.constant 0.024390243 : f32
      %parallel_loop3A_69 = vector.broadcast %parallel_loop3A_68 : f32 to vector<16xf32>
      %parallel_loop3A_70 = arith.mulf %parallel_loop3A_67, %parallel_loop3A_69 : vector<16xf32>
      %parallel_loop3A_71 = arith.fptosi %parallel_loop3A_70 : vector<16xf32> to vector<16xi32>
      %parallel_loop3A_72 = arith.sitofp %parallel_loop3A_71 : vector<16xi32> to vector<16xf32>
      %parallel_loop3A_73 = arith.constant 4.100000e+01 : f32
      %parallel_loop3A_74 = vector.broadcast %parallel_loop3A_73 : f32 to vector<16xf32>
      %parallel_loop3A_75 = arith.mulf %parallel_loop3A_72, %parallel_loop3A_74 : vector<16xf32>
      %parallel_loop3A_76 = arith.subf %parallel_loop3A_67, %parallel_loop3A_75 : vector<16xf32>
      %parallel_loop3A_77 = arith.constant 0.000000e+00 : f32
      %parallel_loop3A_78 = vector.broadcast %parallel_loop3A_77 : f32 to vector<16xf32>
      %parallel_loop3A_79 = arith.cmpf olt, %parallel_loop3A_76, %parallel_loop3A_78 : vector<16xf32>
      %parallel_loop3A_80 = arith.constant 4.100000e+01 : f32
      %parallel_loop3A_81 = vector.broadcast %parallel_loop3A_80 : f32 to vector<16xf32>
      %parallel_loop3A_82 = arith.addf %parallel_loop3A_76, %parallel_loop3A_81 : vector<16xf32>
      %parallel_loop3A_83 = arith.select %parallel_loop3A_79, %parallel_loop3A_82, %parallel_loop3A_76 : vector<16xi1>, vector<16xf32>
      %parallel_loop3A_84 = arith.constant 4.100000e+01 : f32
      %parallel_loop3A_85 = vector.broadcast %parallel_loop3A_84 : f32 to vector<16xf32>
      %parallel_loop3A_86 = arith.cmpf oge, %parallel_loop3A_83, %parallel_loop3A_85 : vector<16xf32>
      %parallel_loop3A_87 = arith.constant 4.100000e+01 : f32
      %parallel_loop3A_88 = vector.broadcast %parallel_loop3A_87 : f32 to vector<16xf32>
      %parallel_loop3A_89 = arith.subf %parallel_loop3A_83, %parallel_loop3A_88 : vector<16xf32>
      %parallel_loop3A_90 = arith.select %parallel_loop3A_86, %parallel_loop3A_89, %parallel_loop3A_83 : vector<16xi1>, vector<16xf32>
      %parallel_loop3A_91 = arith.fptosi %parallel_loop3A_90 : vector<16xf32> to vector<16xi32>
      %parallel_loop3A_92 = arith.constant 0.0270270277 : f32
      %parallel_loop3A_93 = vector.broadcast %parallel_loop3A_92 : f32 to vector<16xf32>
      %parallel_loop3A_94 = arith.mulf %parallel_loop3A_67, %parallel_loop3A_93 : vector<16xf32>
      %parallel_loop3A_95 = arith.fptosi %parallel_loop3A_94 : vector<16xf32> to vector<16xi32>
      %parallel_loop3A_96 = arith.sitofp %parallel_loop3A_95 : vector<16xi32> to vector<16xf32>
      %parallel_loop3A_97 = arith.constant 3.700000e+01 : f32
      %parallel_loop3A_98 = vector.broadcast %parallel_loop3A_97 : f32 to vector<16xf32>
      %parallel_loop3A_99 = arith.mulf %parallel_loop3A_96, %parallel_loop3A_98 : vector<16xf32>
      %parallel_loop3A_100 = arith.subf %parallel_loop3A_67, %parallel_loop3A_99 : vector<16xf32>
      %parallel_loop3A_101 = arith.constant 0.000000e+00 : f32
      %parallel_loop3A_102 = vector.broadcast %parallel_loop3A_101 : f32 to vector<16xf32>
      %parallel_loop3A_103 = arith.cmpf olt, %parallel_loop3A_100, %parallel_loop3A_102 : vector<16xf32>
      %parallel_loop3A_104 = arith.constant 3.700000e+01 : f32
      %parallel_loop3A_105 = vector.broadcast %parallel_loop3A_104 : f32 to vector<16xf32>
      %parallel_loop3A_106 = arith.addf %parallel_loop3A_100, %parallel_loop3A_105 : vector<16xf32>
      %parallel_loop3A_107 = arith.select %parallel_loop3A_103, %parallel_loop3A_106, %parallel_loop3A_100 : vector<16xi1>, vector<16xf32>
      %parallel_loop3A_108 = arith.constant 3.700000e+01 : f32
      %parallel_loop3A_109 = vector.broadcast %parallel_loop3A_108 : f32 to vector<16xf32>
      %parallel_loop3A_110 = arith.cmpf oge, %parallel_loop3A_107, %parallel_loop3A_109 : vector<16xf32>
      %parallel_loop3A_111 = arith.constant 3.700000e+01 : f32
      %parallel_loop3A_112 = vector.broadcast %parallel_loop3A_111 : f32 to vector<16xf32>
      %parallel_loop3A_113 = arith.subf %parallel_loop3A_107, %parallel_loop3A_112 : vector<16xf32>
      %parallel_loop3A_114 = arith.select %parallel_loop3A_110, %parallel_loop3A_113, %parallel_loop3A_107 : vector<16xi1>, vector<16xf32>
      %parallel_loop3A_115 = arith.fptosi %parallel_loop3A_114 : vector<16xf32> to vector<16xi32>
      %parallel_loop3A_116 = arith.constant 0.0322580636 : f32
      %parallel_loop3A_117 = vector.broadcast %parallel_loop3A_116 : f32 to vector<16xf32>
      %parallel_loop3A_118 = arith.mulf %parallel_loop3A_67, %parallel_loop3A_117 : vector<16xf32>
      %parallel_loop3A_119 = arith.fptosi %parallel_loop3A_118 : vector<16xf32> to vector<16xi32>
      %parallel_loop3A_120 = arith.sitofp %parallel_loop3A_119 : vector<16xi32> to vector<16xf32>
      %parallel_loop3A_121 = arith.constant 3.100000e+01 : f32
      %parallel_loop3A_122 = vector.broadcast %parallel_loop3A_121 : f32 to vector<16xf32>
      %parallel_loop3A_123 = arith.mulf %parallel_loop3A_120, %parallel_loop3A_122 : vector<16xf32>
      %parallel_loop3A_124 = arith.subf %parallel_loop3A_67, %parallel_loop3A_123 : vector<16xf32>
      %parallel_loop3A_125 = arith.constant 0.000000e+00 : f32
      %parallel_loop3A_126 = vector.broadcast %parallel_loop3A_125 : f32 to vector<16xf32>
      %parallel_loop3A_127 = arith.cmpf olt, %parallel_loop3A_124, %parallel_loop3A_126 : vector<16xf32>
      %parallel_loop3A_128 = arith.constant 3.100000e+01 : f32
      %parallel_loop3A_129 = vector.broadcast %parallel_loop3A_128 : f32 to vector<16xf32>
      %parallel_loop3A_130 = arith.addf %parallel_loop3A_124, %parallel_loop3A_129 : vector<16xf32>
      %parallel_loop3A_131 = arith.select %parallel_loop3A_127, %parallel_loop3A_130, %parallel_loop3A_124 : vector<16xi1>, vector<16xf32>
      %parallel_loop3A_132 = arith.constant 3.100000e+01 : f32
      %parallel_loop3A_133 = vector.broadcast %parallel_loop3A_132 : f32 to vector<16xf32>
      %parallel_loop3A_134 = arith.cmpf oge, %parallel_loop3A_131, %parallel_loop3A_133 : vector<16xf32>
      %parallel_loop3A_135 = arith.constant 3.100000e+01 : f32
      %parallel_loop3A_136 = vector.broadcast %parallel_loop3A_135 : f32 to vector<16xf32>
      %parallel_loop3A_137 = arith.subf %parallel_loop3A_131, %parallel_loop3A_136 : vector<16xf32>
      %parallel_loop3A_138 = arith.select %parallel_loop3A_134, %parallel_loop3A_137, %parallel_loop3A_131 : vector<16xi1>, vector<16xf32>
      %parallel_loop3A_139 = arith.fptosi %parallel_loop3A_138 : vector<16xf32> to vector<16xi32>
      %parallel_loop3A_140 = arith.constant 0.0434782617 : f32
      %parallel_loop3A_141 = vector.broadcast %parallel_loop3A_140 : f32 to vector<16xf32>
      %parallel_loop3A_142 = arith.mulf %parallel_loop3A_67, %parallel_loop3A_141 : vector<16xf32>
      %parallel_loop3A_143 = arith.fptosi %parallel_loop3A_142 : vector<16xf32> to vector<16xi32>
      %parallel_loop3A_144 = arith.sitofp %parallel_loop3A_143 : vector<16xi32> to vector<16xf32>
      %parallel_loop3A_145 = arith.constant 2.300000e+01 : f32
      %parallel_loop3A_146 = vector.broadcast %parallel_loop3A_145 : f32 to vector<16xf32>
      %parallel_loop3A_147 = arith.mulf %parallel_loop3A_144, %parallel_loop3A_146 : vector<16xf32>
      %parallel_loop3A_148 = arith.subf %parallel_loop3A_67, %parallel_loop3A_147 : vector<16xf32>
      %parallel_loop3A_149 = arith.constant 0.000000e+00 : f32
      %parallel_loop3A_150 = vector.broadcast %parallel_loop3A_149 : f32 to vector<16xf32>
      %parallel_loop3A_151 = arith.cmpf olt, %parallel_loop3A_148, %parallel_loop3A_150 : vector<16xf32>
      %parallel_loop3A_152 = arith.constant 2.300000e+01 : f32
      %parallel_loop3A_153 = vector.broadcast %parallel_loop3A_152 : f32 to vector<16xf32>
      %parallel_loop3A_154 = arith.addf %parallel_loop3A_148, %parallel_loop3A_153 : vector<16xf32>
      %parallel_loop3A_155 = arith.select %parallel_loop3A_151, %parallel_loop3A_154, %parallel_loop3A_148 : vector<16xi1>, vector<16xf32>
      %parallel_loop3A_156 = arith.constant 2.300000e+01 : f32
      %parallel_loop3A_157 = vector.broadcast %parallel_loop3A_156 : f32 to vector<16xf32>
      %parallel_loop3A_158 = arith.cmpf oge, %parallel_loop3A_155, %parallel_loop3A_157 : vector<16xf32>
      %parallel_loop3A_159 = arith.constant 2.300000e+01 : f32
      %parallel_loop3A_160 = vector.broadcast %parallel_loop3A_159 : f32 to vector<16xf32>
      %parallel_loop3A_161 = arith.subf %parallel_loop3A_155, %parallel_loop3A_160 : vector<16xf32>
      %parallel_loop3A_162 = arith.select %parallel_loop3A_158, %parallel_loop3A_161, %parallel_loop3A_155 : vector<16xi1>, vector<16xf32>
      %parallel_loop3A_163 = arith.fptosi %parallel_loop3A_162 : vector<16xf32> to vector<16xi32>
      %parallel_loop3A_164 = arith.constant 0 : i32
      %parallel_loop3A_165 = vector.broadcast %parallel_loop3A_164 : i32 to vector<16x1xi32>
      %parallel_loop3A_166 = vector.shape_cast %parallel_loop3A_165 : vector<16x1xi32> to vector<16xi32>
      %parallel_loop3A_167 = tpu.dynamic_gather %parallel_loop3A_91[%parallel_loop3A_166] in [0] : vector<16xi32>, vector<16xi32> -> vector<16xi32>
      %parallel_loop3A_168 = tpu.vector_load_idx %arg6[%parallel_loop3A_167, %add3A_7] : memref<48x128xf32, #tpu.memory_space<vmem>>[vector<16xi32>, vector<16xi32>], vector<16xf32>,
      %parallel_loop3A_169 = arith.constant 0 : i32
      %parallel_loop3A_170 = arith.addi %parallel_loop3A_64, %parallel_loop3A_169 : i32
      %parallel_loop3A_171 = arith.index_cast %parallel_loop3A_170 : i32 to index
      %parallel_loop3A_172 = arith.constant 0 : index
      %parallel_loop3A_173 = tpu.vector_load %arg7[%parallel_loop3A_171, %parallel_loop3A_172] {strides = array<i32>} : memref<512x64xf32, #tpu.memory_space<vmem>>, vector<16xf32>,
      tpu.vector_store %arg7[%parallel_loop3A_171, %parallel_loop3A_172], %parallel_loop3A_168 {strides = array<i32>} : memref<512x64xf32, #tpu.memory_space<vmem>>, vector<16xf32>,
      %parallel_loop3A_174 = arith.constant 0 : i32
      %parallel_loop3A_175 = vector.broadcast %parallel_loop3A_174 : i32 to vector<16x1xi32>
      %parallel_loop3A_176 = vector.shape_cast %parallel_loop3A_175 : vector<16x1xi32> to vector<16xi32>
      %parallel_loop3A_177 = tpu.dynamic_gather %parallel_loop3A_115[%parallel_loop3A_176] in [0] : vector<16xi32>, vector<16xi32> -> vector<16xi32>
      %parallel_loop3A_178 = tpu.vector_load_idx %arg6[%parallel_loop3A_177, %add3A_10] : memref<48x128xf32, #tpu.memory_space<vmem>>[vector<16xi32>, vector<16xi32>], vector<16xf32>,
      %parallel_loop3A_179 = arith.constant 0 : i32
      %parallel_loop3A_180 = arith.addi %parallel_loop3A_64, %parallel_loop3A_179 : i32
      %parallel_loop3A_181 = arith.index_cast %parallel_loop3A_180 : i32 to index
      %parallel_loop3A_182 = arith.constant 16 : index
      %parallel_loop3A_183 = tpu.vector_load %arg7[%parallel_loop3A_181, %parallel_loop3A_182] {strides = array<i32>} : memref<512x64xf32, #tpu.memory_space<vmem>>, vector<16xf32>,
      tpu.vector_store %arg7[%parallel_loop3A_181, %parallel_loop3A_182], %parallel_loop3A_178 {strides = array<i32>} : memref<512x64xf32, #tpu.memory_space<vmem>>, vector<16xf32>,
      %parallel_loop3A_184 = arith.constant 0 : i32
      %parallel_loop3A_185 = vector.broadcast %parallel_loop3A_184 : i32 to vector<16x1xi32>
      %parallel_loop3A_186 = vector.shape_cast %parallel_loop3A_185 : vector<16x1xi32> to vector<16xi32>
      %parallel_loop3A_187 = tpu.dynamic_gather %parallel_loop3A_139[%parallel_loop3A_186] in [0] : vector<16xi32>, vector<16xi32> -> vector<16xi32>
      %parallel_loop3A_188 = tpu.vector_load_idx %arg6[%parallel_loop3A_187, %add3A_13] : memref<48x128xf32, #tpu.memory_space<vmem>>[vector<16xi32>, vector<16xi32>], vector<16xf32>,
      %parallel_loop3A_189 = arith.constant 0 : i32
      %parallel_loop3A_190 = arith.addi %parallel_loop3A_64, %parallel_loop3A_189 : i32
      %parallel_loop3A_191 = arith.index_cast %parallel_loop3A_190 : i32 to index
      %parallel_loop3A_192 = arith.constant 32 : index
      %parallel_loop3A_193 = tpu.vector_load %arg7[%parallel_loop3A_191, %parallel_loop3A_192] {strides = array<i32>} : memref<512x64xf32, #tpu.memory_space<vmem>>, vector<16xf32>,
      tpu.vector_store %arg7[%parallel_loop3A_191, %parallel_loop3A_192], %parallel_loop3A_188 {strides = array<i32>} : memref<512x64xf32, #tpu.memory_space<vmem>>, vector<16xf32>,
      %parallel_loop3A_194 = arith.constant 0 : i32
      %parallel_loop3A_195 = vector.broadcast %parallel_loop3A_194 : i32 to vector<16x1xi32>
      %parallel_loop3A_196 = vector.shape_cast %parallel_loop3A_195 : vector<16x1xi32> to vector<16xi32>
      %parallel_loop3A_197 = tpu.dynamic_gather %parallel_loop3A_163[%parallel_loop3A_196] in [0] : vector<16xi32>, vector<16xi32> -> vector<16xi32>
      %parallel_loop3A_198 = tpu.vector_load_idx %arg6[%parallel_loop3A_197, %add3A_16] : memref<48x128xf32, #tpu.memory_space<vmem>>[vector<16xi32>, vector<16xi32>], vector<16xf32>,
      %parallel_loop3A_199 = arith.constant 0 : i32
      %parallel_loop3A_200 = arith.addi %parallel_loop3A_64, %parallel_loop3A_199 : i32
      %parallel_loop3A_201 = arith.index_cast %parallel_loop3A_200 : i32 to index
      %parallel_loop3A_202 = arith.constant 48 : index
      %parallel_loop3A_203 = tpu.vector_load %arg7[%parallel_loop3A_201, %parallel_loop3A_202] {strides = array<i32>} : memref<512x64xf32, #tpu.memory_space<vmem>>, vector<16xf32>,
      tpu.vector_store %arg7[%parallel_loop3A_201, %parallel_loop3A_202], %parallel_loop3A_198 {strides = array<i32>} : memref<512x64xf32, #tpu.memory_space<vmem>>, vector<16xf32>,
      %parallel_loop3A_204 = arith.constant 1 : i32
      %parallel_loop3A_205 = vector.broadcast %parallel_loop3A_204 : i32 to vector<16x1xi32>
      %parallel_loop3A_206 = vector.shape_cast %parallel_loop3A_205 : vector<16x1xi32> to vector<16xi32>
      %parallel_loop3A_207 = tpu.dynamic_gather %parallel_loop3A_91[%parallel_loop3A_206] in [0] : vector<16xi32>, vector<16xi32> -> vector<16xi32>
      %parallel_loop3A_208 = tpu.vector_load_idx %arg6[%parallel_loop3A_207, %add3A_7] : memref<48x128xf32, #tpu.memory_space<vmem>>[vector<16xi32>, vector<16xi32>], vector<16xf32>,
      %parallel_loop3A_209 = arith.constant 1 : i32
      %parallel_loop3A_210 = arith.addi %parallel_loop3A_64, %parallel_loop3A_209 : i32
      %parallel_loop3A_211 = arith.index_cast %parallel_loop3A_210 : i32 to index
      %parallel_loop3A_212 = arith.constant 0 : index
      %parallel_loop3A_213 = tpu.vector_load %arg7[%parallel_loop3A_211, %parallel_loop3A_212] {strides = array<i32>} : memref<512x64xf32, #tpu.memory_space<vmem>>, vector<16xf32>,
      tpu.vector_store %arg7[%parallel_loop3A_211, %parallel_loop3A_212], %parallel_loop3A_208 {strides = array<i32>} : memref<512x64xf32, #tpu.memory_space<vmem>>, vector<16xf32>,
      %parallel_loop3A_214 = arith.constant 1 : i32
      %parallel_loop3A_215 = vector.broadcast %parallel_loop3A_214 : i32 to vector<16x1xi32>
      %parallel_loop3A_216 = vector.shape_cast %parallel_loop3A_215 : vector<16x1xi32> to vector<16xi32>
      %parallel_loop3A_217 = tpu.dynamic_gather %parallel_loop3A_115[%parallel_loop3A_216] in [0] : vector<16xi32>, vector<16xi32> -> vector<16xi32>
      %parallel_loop3A_218 = tpu.vector_load_idx %arg6[%parallel_loop3A_217, %add3A_10] : memref<48x128xf32, #tpu.memory_space<vmem>>[vector<16xi32>, vector<16xi32>], vector<16xf32>,
      %parallel_loop3A_219 = arith.constant 1 : i32
      %parallel_loop3A_220 = arith.addi %parallel_loop3A_64, %parallel_loop3A_219 : i32
      %parallel_loop3A_221 = arith.index_cast %parallel_loop3A_220 : i32 to index
      %parallel_loop3A_222 = arith.constant 16 : index
      %parallel_loop3A_223 = tpu.vector_load %arg7[%parallel_loop3A_221, %parallel_loop3A_222] {strides = array<i32>} : memref<512x64xf32, #tpu.memory_space<vmem>>, vector<16xf32>,
      tpu.vector_store %arg7[%parallel_loop3A_221, %parallel_loop3A_222], %parallel_loop3A_218 {strides = array<i32>} : memref<512x64xf32, #tpu.memory_space<vmem>>, vector<16xf32>,
      %parallel_loop3A_224 = arith.constant 1 : i32
      %parallel_loop3A_225 = vector.broadcast %parallel_loop3A_224 : i32 to vector<16x1xi32>
      %parallel_loop3A_226 = vector.shape_cast %parallel_loop3A_225 : vector<16x1xi32> to vector<16xi32>
      %parallel_loop3A_227 = tpu.dynamic_gather %parallel_loop3A_139[%parallel_loop3A_226] in [0] : vector<16xi32>, vector<16xi32> -> vector<16xi32>
      %parallel_loop3A_228 = tpu.vector_load_idx %arg6[%parallel_loop3A_227, %add3A_13] : memref<48x128xf32, #tpu.memory_space<vmem>>[vector<16xi32>, vector<16xi32>], vector<16xf32>,
      %parallel_loop3A_229 = arith.constant 1 : i32
      %parallel_loop3A_230 = arith.addi %parallel_loop3A_64, %parallel_loop3A_229 : i32
      %parallel_loop3A_231 = arith.index_cast %parallel_loop3A_230 : i32 to index
      %parallel_loop3A_232 = arith.constant 32 : index
      %parallel_loop3A_233 = tpu.vector_load %arg7[%parallel_loop3A_231, %parallel_loop3A_232] {strides = array<i32>} : memref<512x64xf32, #tpu.memory_space<vmem>>, vector<16xf32>,
      tpu.vector_store %arg7[%parallel_loop3A_231, %parallel_loop3A_232], %parallel_loop3A_228 {strides = array<i32>} : memref<512x64xf32, #tpu.memory_space<vmem>>, vector<16xf32>,
      %parallel_loop3A_234 = arith.constant 1 : i32
      %parallel_loop3A_235 = vector.broadcast %parallel_loop3A_234 : i32 to vector<16x1xi32>
      %parallel_loop3A_236 = vector.shape_cast %parallel_loop3A_235 : vector<16x1xi32> to vector<16xi32>
      %parallel_loop3A_237 = tpu.dynamic_gather %parallel_loop3A_163[%parallel_loop3A_236] in [0] : vector<16xi32>, vector<16xi32> -> vector<16xi32>
      %parallel_loop3A_238 = tpu.vector_load_idx %arg6[%parallel_loop3A_237, %add3A_16] : memref<48x128xf32, #tpu.memory_space<vmem>>[vector<16xi32>, vector<16xi32>], vector<16xf32>,
      %parallel_loop3A_239 = arith.constant 1 : i32
      %parallel_loop3A_240 = arith.addi %parallel_loop3A_64, %parallel_loop3A_239 : i32
      %parallel_loop3A_241 = arith.index_cast %parallel_loop3A_240 : i32 to index
      %parallel_loop3A_242 = arith.constant 48 : index
      %parallel_loop3A_243 = tpu.vector_load %arg7[%parallel_loop3A_241, %parallel_loop3A_242] {strides = array<i32>} : memref<512x64xf32, #tpu.memory_space<vmem>>, vector<16xf32>,
      tpu.vector_store %arg7[%parallel_loop3A_241, %parallel_loop3A_242], %parallel_loop3A_238 {strides = array<i32>} : memref<512x64xf32, #tpu.memory_space<vmem>>, vector<16xf32>,
      %parallel_loop3A_244 = arith.constant 2 : i32
      %parallel_loop3A_245 = vector.broadcast %parallel_loop3A_244 : i32 to vector<16x1xi32>
      %parallel_loop3A_246 = vector.shape_cast %parallel_loop3A_245 : vector<16x1xi32> to vector<16xi32>
      %parallel_loop3A_247 = tpu.dynamic_gather %parallel_loop3A_91[%parallel_loop3A_246] in [0] : vector<16xi32>, vector<16xi32> -> vector<16xi32>
      %parallel_loop3A_248 = tpu.vector_load_idx %arg6[%parallel_loop3A_247, %add3A_7] : memref<48x128xf32, #tpu.memory_space<vmem>>[vector<16xi32>, vector<16xi32>], vector<16xf32>,
      %parallel_loop3A_249 = arith.constant 2 : i32
      %parallel_loop3A_250 = arith.addi %parallel_loop3A_64, %parallel_loop3A_249 : i32
      %parallel_loop3A_251 = arith.index_cast %parallel_loop3A_250 : i32 to index
      %parallel_loop3A_252 = arith.constant 0 : index
      %parallel_loop3A_253 = tpu.vector_load %arg7[%parallel_loop3A_251, %parallel_loop3A_252] {strides = array<i32>} : memref<512x64xf32, #tpu.memory_space<vmem>>, vector<16xf32>,
      tpu.vector_store %arg7[%parallel_loop3A_251, %parallel_loop3A_252], %parallel_loop3A_248 {strides = array<i32>} : memref<512x64xf32, #tpu.memory_space<vmem>>, vector<16xf32>,
      %parallel_loop3A_254 = arith.constant 2 : i32
      %parallel_loop3A_255 = vector.broadcast %parallel_loop3A_254 : i32 to vector<16x1xi32>
      %parallel_loop3A_256 = vector.shape_cast %parallel_loop3A_255 : vector<16x1xi32> to vector<16xi32>
      %parallel_loop3A_257 = tpu.dynamic_gather %parallel_loop3A_115[%parallel_loop3A_256] in [0] : vector<16xi32>, vector<16xi32> -> vector<16xi32>
      %parallel_loop3A_258 = tpu.vector_load_idx %arg6[%parallel_loop3A_257, %add3A_10] : memref<48x128xf32, #tpu.memory_space<vmem>>[vector<16xi32>, vector<16xi32>], vector<16xf32>,
      %parallel_loop3A_259 = arith.constant 2 : i32
      %parallel_loop3A_260 = arith.addi %parallel_loop3A_64, %parallel_loop3A_259 : i32
      %parallel_loop3A_261 = arith.index_cast %parallel_loop3A_260 : i32 to index
      %parallel_loop3A_262 = arith.constant 16 : index
      %parallel_loop3A_263 = tpu.vector_load %arg7[%parallel_loop3A_261, %parallel_loop3A_262] {strides = array<i32>} : memref<512x64xf32, #tpu.memory_space<vmem>>, vector<16xf32>,
      tpu.vector_store %arg7[%parallel_loop3A_261, %parallel_loop3A_262], %parallel_loop3A_258 {strides = array<i32>} : memref<512x64xf32, #tpu.memory_space<vmem>>, vector<16xf32>,
      %parallel_loop3A_264 = arith.constant 2 : i32
      %parallel_loop3A_265 = vector.broadcast %parallel_loop3A_264 : i32 to vector<16x1xi32>
      %parallel_loop3A_266 = vector.shape_cast %parallel_loop3A_265 : vector<16x1xi32> to vector<16xi32>
      %parallel_loop3A_267 = tpu.dynamic_gather %parallel_loop3A_139[%parallel_loop3A_266] in [0] : vector<16xi32>, vector<16xi32> -> vector<16xi32>
      %parallel_loop3A_268 = tpu.vector_load_idx %arg6[%parallel_loop3A_267, %add3A_13] : memref<48x128xf32, #tpu.memory_space<vmem>>[vector<16xi32>, vector<16xi32>], vector<16xf32>,
      %parallel_loop3A_269 = arith.constant 2 : i32
      %parallel_loop3A_270 = arith.addi %parallel_loop3A_64, %parallel_loop3A_269 : i32
      %parallel_loop3A_271 = arith.index_cast %parallel_loop3A_270 : i32 to index
      %parallel_loop3A_272 = arith.constant 32 : index
      %parallel_loop3A_273 = tpu.vector_load %arg7[%parallel_loop3A_271, %parallel_loop3A_272] {strides = array<i32>} : memref<512x64xf32, #tpu.memory_space<vmem>>, vector<16xf32>,
      tpu.vector_store %arg7[%parallel_loop3A_271, %parallel_loop3A_272], %parallel_loop3A_268 {strides = array<i32>} : memref<512x64xf32, #tpu.memory_space<vmem>>, vector<16xf32>,
      %parallel_loop3A_274 = arith.constant 2 : i32
      %parallel_loop3A_275 = vector.broadcast %parallel_loop3A_274 : i32 to vector<16x1xi32>
      %parallel_loop3A_276 = vector.shape_cast %parallel_loop3A_275 : vector<16x1xi32> to vector<16xi32>
      %parallel_loop3A_277 = tpu.dynamic_gather %parallel_loop3A_163[%parallel_loop3A_276] in [0] : vector<16xi32>, vector<16xi32> -> vector<16xi32>
      %parallel_loop3A_278 = tpu.vector_load_idx %arg6[%parallel_loop3A_277, %add3A_16] : memref<48x128xf32, #tpu.memory_space<vmem>>[vector<16xi32>, vector<16xi32>], vector<16xf32>,
      %parallel_loop3A_279 = arith.constant 2 : i32
      %parallel_loop3A_280 = arith.addi %parallel_loop3A_64, %parallel_loop3A_279 : i32
      %parallel_loop3A_281 = arith.index_cast %parallel_loop3A_280 : i32 to index
      %parallel_loop3A_282 = arith.constant 48 : index
      %parallel_loop3A_283 = tpu.vector_load %arg7[%parallel_loop3A_281, %parallel_loop3A_282] {strides = array<i32>} : memref<512x64xf32, #tpu.memory_space<vmem>>, vector<16xf32>,
      tpu.vector_store %arg7[%parallel_loop3A_281, %parallel_loop3A_282], %parallel_loop3A_278 {strides = array<i32>} : memref<512x64xf32, #tpu.memory_space<vmem>>, vector<16xf32>,
      %parallel_loop3A_284 = arith.constant 3 : i32
      %parallel_loop3A_285 = vector.broadcast %parallel_loop3A_284 : i32 to vector<16x1xi32>
      %parallel_loop3A_286 = vector.shape_cast %parallel_loop3A_285 : vector<16x1xi32> to vector<16xi32>
      %parallel_loop3A_287 = tpu.dynamic_gather %parallel_loop3A_91[%parallel_loop3A_286] in [0] : vector<16xi32>, vector<16xi32> -> vector<16xi32>
      %parallel_loop3A_288 = tpu.vector_load_idx %arg6[%parallel_loop3A_287, %add3A_7] : memref<48x128xf32, #tpu.memory_space<vmem>>[vector<16xi32>, vector<16xi32>], vector<16xf32>,
      %parallel_loop3A_289 = arith.constant 3 : i32
      %parallel_loop3A_290 = arith.addi %parallel_loop3A_64, %parallel_loop3A_289 : i32
      %parallel_loop3A_291 = arith.index_cast %parallel_loop3A_290 : i32 to index
      %parallel_loop3A_292 = arith.constant 0 : index
      %parallel_loop3A_293 = tpu.vector_load %arg7[%parallel_loop3A_291, %parallel_loop3A_292] {strides = array<i32>} : memref<512x64xf32, #tpu.memory_space<vmem>>, vector<16xf32>,
      tpu.vector_store %arg7[%parallel_loop3A_291, %parallel_loop3A_292], %parallel_loop3A_288 {strides = array<i32>} : memref<512x64xf32, #tpu.memory_space<vmem>>, vector<16xf32>,
      %parallel_loop3A_294 = arith.constant 3 : i32
      %parallel_loop3A_295 = vector.broadcast %parallel_loop3A_294 : i32 to vector<16x1xi32>
      %parallel_loop3A_296 = vector.shape_cast %parallel_loop3A_295 : vector<16x1xi32> to vector<16xi32>
      %parallel_loop3A_297 = tpu.dynamic_gather %parallel_loop3A_115[%parallel_loop3A_296] in [0] : vector<16xi32>, vector<16xi32> -> vector<16xi32>
      %parallel_loop3A_298 = tpu.vector_load_idx %arg6[%parallel_loop3A_297, %add3A_10] : memref<48x128xf32, #tpu.memory_space<vmem>>[vector<16xi32>, vector<16xi32>], vector<16xf32>,
      %parallel_loop3A_299 = arith.constant 3 : i32
      %parallel_loop3A_300 = arith.addi %parallel_loop3A_64, %parallel_loop3A_299 : i32
      %parallel_loop3A_301 = arith.index_cast %parallel_loop3A_300 : i32 to index
      %parallel_loop3A_302 = arith.constant 16 : index
      %parallel_loop3A_303 = tpu.vector_load %arg7[%parallel_loop3A_301, %parallel_loop3A_302] {strides = array<i32>} : memref<512x64xf32, #tpu.memory_space<vmem>>, vector<16xf32>,
      tpu.vector_store %arg7[%parallel_loop3A_301, %parallel_loop3A_302], %parallel_loop3A_298 {strides = array<i32>} : memref<512x64xf32, #tpu.memory_space<vmem>>, vector<16xf32>,
      %parallel_loop3A_304 = arith.constant 3 : i32
      %parallel_loop3A_305 = vector.broadcast %parallel_loop3A_304 : i32 to vector<16x1xi32>
      %parallel_loop3A_306 = vector.shape_cast %parallel_loop3A_305 : vector<16x1xi32> to vector<16xi32>
      %parallel_loop3A_307 = tpu.dynamic_gather %parallel_loop3A_139[%parallel_loop3A_306] in [0] : vector<16xi32>, vector<16xi32> -> vector<16xi32>
      %parallel_loop3A_308 = tpu.vector_load_idx %arg6[%parallel_loop3A_307, %add3A_13] : memref<48x128xf32, #tpu.memory_space<vmem>>[vector<16xi32>, vector<16xi32>], vector<16xf32>,
      %parallel_loop3A_309 = arith.constant 3 : i32
      %parallel_loop3A_310 = arith.addi %parallel_loop3A_64, %parallel_loop3A_309 : i32
      %parallel_loop3A_311 = arith.index_cast %parallel_loop3A_310 : i32 to index
      %parallel_loop3A_312 = arith.constant 32 : index
      %parallel_loop3A_313 = tpu.vector_load %arg7[%parallel_loop3A_311, %parallel_loop3A_312] {strides = array<i32>} : memref<512x64xf32, #tpu.memory_space<vmem>>, vector<16xf32>,
      tpu.vector_store %arg7[%parallel_loop3A_311, %parallel_loop3A_312], %parallel_loop3A_308 {strides = array<i32>} : memref<512x64xf32, #tpu.memory_space<vmem>>, vector<16xf32>,
      %parallel_loop3A_314 = arith.constant 3 : i32
      %parallel_loop3A_315 = vector.broadcast %parallel_loop3A_314 : i32 to vector<16x1xi32>
      %parallel_loop3A_316 = vector.shape_cast %parallel_loop3A_315 : vector<16x1xi32> to vector<16xi32>
      %parallel_loop3A_317 = tpu.dynamic_gather %parallel_loop3A_163[%parallel_loop3A_316] in [0] : vector<16xi32>, vector<16xi32> -> vector<16xi32>
      %parallel_loop3A_318 = tpu.vector_load_idx %arg6[%parallel_loop3A_317, %add3A_16] : memref<48x128xf32, #tpu.memory_space<vmem>>[vector<16xi32>, vector<16xi32>], vector<16xf32>,
      %parallel_loop3A_319 = arith.constant 3 : i32
      %parallel_loop3A_320 = arith.addi %parallel_loop3A_64, %parallel_loop3A_319 : i32
      %parallel_loop3A_321 = arith.index_cast %parallel_loop3A_320 : i32 to index
      %parallel_loop3A_322 = arith.constant 48 : index
      %parallel_loop3A_323 = tpu.vector_load %arg7[%parallel_loop3A_321, %parallel_loop3A_322] {strides = array<i32>} : memref<512x64xf32, #tpu.memory_space<vmem>>, vector<16xf32>,
      tpu.vector_store %arg7[%parallel_loop3A_321, %parallel_loop3A_322], %parallel_loop3A_318 {strides = array<i32>} : memref<512x64xf32, #tpu.memory_space<vmem>>, vector<16xf32>,
      %parallel_loop3A_324 = arith.constant 4 : i32
      %parallel_loop3A_325 = vector.broadcast %parallel_loop3A_324 : i32 to vector<16x1xi32>
      %parallel_loop3A_326 = vector.shape_cast %parallel_loop3A_325 : vector<16x1xi32> to vector<16xi32>
      %parallel_loop3A_327 = tpu.dynamic_gather %parallel_loop3A_91[%parallel_loop3A_326] in [0] : vector<16xi32>, vector<16xi32> -> vector<16xi32>
      %parallel_loop3A_328 = tpu.vector_load_idx %arg6[%parallel_loop3A_327, %add3A_7] : memref<48x128xf32, #tpu.memory_space<vmem>>[vector<16xi32>, vector<16xi32>], vector<16xf32>,
      %parallel_loop3A_329 = arith.constant 4 : i32
      %parallel_loop3A_330 = arith.addi %parallel_loop3A_64, %parallel_loop3A_329 : i32
      %parallel_loop3A_331 = arith.index_cast %parallel_loop3A_330 : i32 to index
      %parallel_loop3A_332 = arith.constant 0 : index
      %parallel_loop3A_333 = tpu.vector_load %arg7[%parallel_loop3A_331, %parallel_loop3A_332] {strides = array<i32>} : memref<512x64xf32, #tpu.memory_space<vmem>>, vector<16xf32>,
      tpu.vector_store %arg7[%parallel_loop3A_331, %parallel_loop3A_332], %parallel_loop3A_328 {strides = array<i32>} : memref<512x64xf32, #tpu.memory_space<vmem>>, vector<16xf32>,
      %parallel_loop3A_334 = arith.constant 4 : i32
      %parallel_loop3A_335 = vector.broadcast %parallel_loop3A_334 : i32 to vector<16x1xi32>
      %parallel_loop3A_336 = vector.shape_cast %parallel_loop3A_335 : vector<16x1xi32> to vector<16xi32>
      %parallel_loop3A_337 = tpu.dynamic_gather %parallel_loop3A_115[%parallel_loop3A_336] in [0] : vector<16xi32>, vector<16xi32> -> vector<16xi32>
      %parallel_loop3A_338 = tpu.vector_load_idx %arg6[%parallel_loop3A_337, %add3A_10] : memref<48x128xf32, #tpu.memory_space<vmem>>[vector<16xi32>, vector<16xi32>], vector<16xf32>,
      %parallel_loop3A_339 = arith.constant 4 : i32
      %parallel_loop3A_340 = arith.addi %parallel_loop3A_64, %parallel_loop3A_339 : i32
      %parallel_loop3A_341 = arith.index_cast %parallel_loop3A_340 : i32 to index
      %parallel_loop3A_342 = arith.constant 16 : index
      %parallel_loop3A_343 = tpu.vector_load %arg7[%parallel_loop3A_341, %parallel_loop3A_342] {strides = array<i32>} : memref<512x64xf32, #tpu.memory_space<vmem>>, vector<16xf32>,
      tpu.vector_store %arg7[%parallel_loop3A_341, %parallel_loop3A_342], %parallel_loop3A_338 {strides = array<i32>} : memref<512x64xf32, #tpu.memory_space<vmem>>, vector<16xf32>,
      %parallel_loop3A_344 = arith.constant 4 : i32
      %parallel_loop3A_345 = vector.broadcast %parallel_loop3A_344 : i32 to vector<16x1xi32>
      %parallel_loop3A_346 = vector.shape_cast %parallel_loop3A_345 : vector<16x1xi32> to vector<16xi32>
      %parallel_loop3A_347 = tpu.dynamic_gather %parallel_loop3A_139[%parallel_loop3A_346] in [0] : vector<16xi32>, vector<16xi32> -> vector<16xi32>
      %parallel_loop3A_348 = tpu.vector_load_idx %arg6[%parallel_loop3A_347, %add3A_13] : memref<48x128xf32, #tpu.memory_space<vmem>>[vector<16xi32>, vector<16xi32>], vector<16xf32>,
      %parallel_loop3A_349 = arith.constant 4 : i32
      %parallel_loop3A_350 = arith.addi %parallel_loop3A_64, %parallel_loop3A_349 : i32
      %parallel_loop3A_351 = arith.index_cast %parallel_loop3A_350 : i32 to index
      %parallel_loop3A_352 = arith.constant 32 : index
      %parallel_loop3A_353 = tpu.vector_load %arg7[%parallel_loop3A_351, %parallel_loop3A_352] {strides = array<i32>} : memref<512x64xf32, #tpu.memory_space<vmem>>, vector<16xf32>,
      tpu.vector_store %arg7[%parallel_loop3A_351, %parallel_loop3A_352], %parallel_loop3A_348 {strides = array<i32>} : memref<512x64xf32, #tpu.memory_space<vmem>>, vector<16xf32>,
      %parallel_loop3A_354 = arith.constant 4 : i32
      %parallel_loop3A_355 = vector.broadcast %parallel_loop3A_354 : i32 to vector<16x1xi32>
      %parallel_loop3A_356 = vector.shape_cast %parallel_loop3A_355 : vector<16x1xi32> to vector<16xi32>
      %parallel_loop3A_357 = tpu.dynamic_gather %parallel_loop3A_163[%parallel_loop3A_356] in [0] : vector<16xi32>, vector<16xi32> -> vector<16xi32>
      %parallel_loop3A_358 = tpu.vector_load_idx %arg6[%parallel_loop3A_357, %add3A_16] : memref<48x128xf32, #tpu.memory_space<vmem>>[vector<16xi32>, vector<16xi32>], vector<16xf32>,
      %parallel_loop3A_359 = arith.constant 4 : i32
      %parallel_loop3A_360 = arith.addi %parallel_loop3A_64, %parallel_loop3A_359 : i32
      %parallel_loop3A_361 = arith.index_cast %parallel_loop3A_360 : i32 to index
      %parallel_loop3A_362 = arith.constant 48 : index
      %parallel_loop3A_363 = tpu.vector_load %arg7[%parallel_loop3A_361, %parallel_loop3A_362] {strides = array<i32>} : memref<512x64xf32, #tpu.memory_space<vmem>>, vector<16xf32>,
      tpu.vector_store %arg7[%parallel_loop3A_361, %parallel_loop3A_362], %parallel_loop3A_358 {strides = array<i32>} : memref<512x64xf32, #tpu.memory_space<vmem>>, vector<16xf32>,
      %parallel_loop3A_364 = arith.constant 5 : i32
      %parallel_loop3A_365 = vector.broadcast %parallel_loop3A_364 : i32 to vector<16x1xi32>
      %parallel_loop3A_366 = vector.shape_cast %parallel_loop3A_365 : vector<16x1xi32> to vector<16xi32>
      %parallel_loop3A_367 = tpu.dynamic_gather %parallel_loop3A_91[%parallel_loop3A_366] in [0] : vector<16xi32>, vector<16xi32> -> vector<16xi32>
      %parallel_loop3A_368 = tpu.vector_load_idx %arg6[%parallel_loop3A_367, %add3A_7] : memref<48x128xf32, #tpu.memory_space<vmem>>[vector<16xi32>, vector<16xi32>], vector<16xf32>,
      %parallel_loop3A_369 = arith.constant 5 : i32
      %parallel_loop3A_370 = arith.addi %parallel_loop3A_64, %parallel_loop3A_369 : i32
      %parallel_loop3A_371 = arith.index_cast %parallel_loop3A_370 : i32 to index
      %parallel_loop3A_372 = arith.constant 0 : index
      %parallel_loop3A_373 = tpu.vector_load %arg7[%parallel_loop3A_371, %parallel_loop3A_372] {strides = array<i32>} : memref<512x64xf32, #tpu.memory_space<vmem>>, vector<16xf32>,
      tpu.vector_store %arg7[%parallel_loop3A_371, %parallel_loop3A_372], %parallel_loop3A_368 {strides = array<i32>} : memref<512x64xf32, #tpu.memory_space<vmem>>, vector<16xf32>,
      %parallel_loop3A_374 = arith.constant 5 : i32
      %parallel_loop3A_375 = vector.broadcast %parallel_loop3A_374 : i32 to vector<16x1xi32>
      %parallel_loop3A_376 = vector.shape_cast %parallel_loop3A_375 : vector<16x1xi32> to vector<16xi32>
      %parallel_loop3A_377 = tpu.dynamic_gather %parallel_loop3A_115[%parallel_loop3A_376] in [0] : vector<16xi32>, vector<16xi32> -> vector<16xi32>
      %parallel_loop3A_378 = tpu.vector_load_idx %arg6[%parallel_loop3A_377, %add3A_10] : memref<48x128xf32, #tpu.memory_space<vmem>>[vector<16xi32>, vector<16xi32>], vector<16xf32>,
      %parallel_loop3A_379 = arith.constant 5 : i32
      %parallel_loop3A_380 = arith.addi %parallel_loop3A_64, %parallel_loop3A_379 : i32
      %parallel_loop3A_381 = arith.index_cast %parallel_loop3A_380 : i32 to index
      %parallel_loop3A_382 = arith.constant 16 : index
      %parallel_loop3A_383 = tpu.vector_load %arg7[%parallel_loop3A_381, %parallel_loop3A_382] {strides = array<i32>} : memref<512x64xf32, #tpu.memory_space<vmem>>, vector<16xf32>,
      tpu.vector_store %arg7[%parallel_loop3A_381, %parallel_loop3A_382], %parallel_loop3A_378 {strides = array<i32>} : memref<512x64xf32, #tpu.memory_space<vmem>>, vector<16xf32>,
      %parallel_loop3A_384 = arith.constant 5 : i32
      %parallel_loop3A_385 = vector.broadcast %parallel_loop3A_384 : i32 to vector<16x1xi32>
      %parallel_loop3A_386 = vector.shape_cast %parallel_loop3A_385 : vector<16x1xi32> to vector<16xi32>
      %parallel_loop3A_387 = tpu.dynamic_gather %parallel_loop3A_139[%parallel_loop3A_386] in [0] : vector<16xi32>, vector<16xi32> -> vector<16xi32>
      %parallel_loop3A_388 = tpu.vector_load_idx %arg6[%parallel_loop3A_387, %add3A_13] : memref<48x128xf32, #tpu.memory_space<vmem>>[vector<16xi32>, vector<16xi32>], vector<16xf32>,
      %parallel_loop3A_389 = arith.constant 5 : i32
      %parallel_loop3A_390 = arith.addi %parallel_loop3A_64, %parallel_loop3A_389 : i32
      %parallel_loop3A_391 = arith.index_cast %parallel_loop3A_390 : i32 to index
      %parallel_loop3A_392 = arith.constant 32 : index
      %parallel_loop3A_393 = tpu.vector_load %arg7[%parallel_loop3A_391, %parallel_loop3A_392] {strides = array<i32>} : memref<512x64xf32, #tpu.memory_space<vmem>>, vector<16xf32>,
      tpu.vector_store %arg7[%parallel_loop3A_391, %parallel_loop3A_392], %parallel_loop3A_388 {strides = array<i32>} : memref<512x64xf32, #tpu.memory_space<vmem>>, vector<16xf32>,
      %parallel_loop3A_394 = arith.constant 5 : i32
      %parallel_loop3A_395 = vector.broadcast %parallel_loop3A_394 : i32 to vector<16x1xi32>
      %parallel_loop3A_396 = vector.shape_cast %parallel_loop3A_395 : vector<16x1xi32> to vector<16xi32>
      %parallel_loop3A_397 = tpu.dynamic_gather %parallel_loop3A_163[%parallel_loop3A_396] in [0] : vector<16xi32>, vector<16xi32> -> vector<16xi32>
      %parallel_loop3A_398 = tpu.vector_load_idx %arg6[%parallel_loop3A_397, %add3A_16] : memref<48x128xf32, #tpu.memory_space<vmem>>[vector<16xi32>, vector<16xi32>], vector<16xf32>,
      %parallel_loop3A_399 = arith.constant 5 : i32
      %parallel_loop3A_400 = arith.addi %parallel_loop3A_64, %parallel_loop3A_399 : i32
      %parallel_loop3A_401 = arith.index_cast %parallel_loop3A_400 : i32 to index
      %parallel_loop3A_402 = arith.constant 48 : index
      %parallel_loop3A_403 = tpu.vector_load %arg7[%parallel_loop3A_401, %parallel_loop3A_402] {strides = array<i32>} : memref<512x64xf32, #tpu.memory_space<vmem>>, vector<16xf32>,
      tpu.vector_store %arg7[%parallel_loop3A_401, %parallel_loop3A_402], %parallel_loop3A_398 {strides = array<i32>} : memref<512x64xf32, #tpu.memory_space<vmem>>, vector<16xf32>,
      %parallel_loop3A_404 = arith.constant 6 : i32
      %parallel_loop3A_405 = vector.broadcast %parallel_loop3A_404 : i32 to vector<16x1xi32>
      %parallel_loop3A_406 = vector.shape_cast %parallel_loop3A_405 : vector<16x1xi32> to vector<16xi32>
      %parallel_loop3A_407 = tpu.dynamic_gather %parallel_loop3A_91[%parallel_loop3A_406] in [0] : vector<16xi32>, vector<16xi32> -> vector<16xi32>
      %parallel_loop3A_408 = tpu.vector_load_idx %arg6[%parallel_loop3A_407, %add3A_7] : memref<48x128xf32, #tpu.memory_space<vmem>>[vector<16xi32>, vector<16xi32>], vector<16xf32>,
      %parallel_loop3A_409 = arith.constant 6 : i32
      %parallel_loop3A_410 = arith.addi %parallel_loop3A_64, %parallel_loop3A_409 : i32
      %parallel_loop3A_411 = arith.index_cast %parallel_loop3A_410 : i32 to index
      %parallel_loop3A_412 = arith.constant 0 : index
      %parallel_loop3A_413 = tpu.vector_load %arg7[%parallel_loop3A_411, %parallel_loop3A_412] {strides = array<i32>} : memref<512x64xf32, #tpu.memory_space<vmem>>, vector<16xf32>,
      tpu.vector_store %arg7[%parallel_loop3A_411, %parallel_loop3A_412], %parallel_loop3A_408 {strides = array<i32>} : memref<512x64xf32, #tpu.memory_space<vmem>>, vector<16xf32>,
      %parallel_loop3A_414 = arith.constant 6 : i32
      %parallel_loop3A_415 = vector.broadcast %parallel_loop3A_414 : i32 to vector<16x1xi32>
      %parallel_loop3A_416 = vector.shape_cast %parallel_loop3A_415 : vector<16x1xi32> to vector<16xi32>
      %parallel_loop3A_417 = tpu.dynamic_gather %parallel_loop3A_115[%parallel_loop3A_416] in [0] : vector<16xi32>, vector<16xi32> -> vector<16xi32>
      %parallel_loop3A_418 = tpu.vector_load_idx %arg6[%parallel_loop3A_417, %add3A_10] : memref<48x128xf32, #tpu.memory_space<vmem>>[vector<16xi32>, vector<16xi32>], vector<16xf32>,
      %parallel_loop3A_419 = arith.constant 6 : i32
      %parallel_loop3A_420 = arith.addi %parallel_loop3A_64, %parallel_loop3A_419 : i32
      %parallel_loop3A_421 = arith.index_cast %parallel_loop3A_420 : i32 to index
      %parallel_loop3A_422 = arith.constant 16 : index
      %parallel_loop3A_423 = tpu.vector_load %arg7[%parallel_loop3A_421, %parallel_loop3A_422] {strides = array<i32>} : memref<512x64xf32, #tpu.memory_space<vmem>>, vector<16xf32>,
      tpu.vector_store %arg7[%parallel_loop3A_421, %parallel_loop3A_422], %parallel_loop3A_418 {strides = array<i32>} : memref<512x64xf32, #tpu.memory_space<vmem>>, vector<16xf32>,
      %parallel_loop3A_424 = arith.constant 6 : i32
      %parallel_loop3A_425 = vector.broadcast %parallel_loop3A_424 : i32 to vector<16x1xi32>
      %parallel_loop3A_426 = vector.shape_cast %parallel_loop3A_425 : vector<16x1xi32> to vector<16xi32>
      %parallel_loop3A_427 = tpu.dynamic_gather %parallel_loop3A_139[%parallel_loop3A_426] in [0] : vector<16xi32>, vector<16xi32> -> vector<16xi32>
      %parallel_loop3A_428 = tpu.vector_load_idx %arg6[%parallel_loop3A_427, %add3A_13] : memref<48x128xf32, #tpu.memory_space<vmem>>[vector<16xi32>, vector<16xi32>], vector<16xf32>,
      %parallel_loop3A_429 = arith.constant 6 : i32
      %parallel_loop3A_430 = arith.addi %parallel_loop3A_64, %parallel_loop3A_429 : i32
      %parallel_loop3A_431 = arith.index_cast %parallel_loop3A_430 : i32 to index
      %parallel_loop3A_432 = arith.constant 32 : index
      %parallel_loop3A_433 = tpu.vector_load %arg7[%parallel_loop3A_431, %parallel_loop3A_432] {strides = array<i32>} : memref<512x64xf32, #tpu.memory_space<vmem>>, vector<16xf32>,
      tpu.vector_store %arg7[%parallel_loop3A_431, %parallel_loop3A_432], %parallel_loop3A_428 {strides = array<i32>} : memref<512x64xf32, #tpu.memory_space<vmem>>, vector<16xf32>,
      %parallel_loop3A_434 = arith.constant 6 : i32
      %parallel_loop3A_435 = vector.broadcast %parallel_loop3A_434 : i32 to vector<16x1xi32>
      %parallel_loop3A_436 = vector.shape_cast %parallel_loop3A_435 : vector<16x1xi32> to vector<16xi32>
      %parallel_loop3A_437 = tpu.dynamic_gather %parallel_loop3A_163[%parallel_loop3A_436] in [0] : vector<16xi32>, vector<16xi32> -> vector<16xi32>
      %parallel_loop3A_438 = tpu.vector_load_idx %arg6[%parallel_loop3A_437, %add3A_16] : memref<48x128xf32, #tpu.memory_space<vmem>>[vector<16xi32>, vector<16xi32>], vector<16xf32>,
      %parallel_loop3A_439 = arith.constant 6 : i32
      %parallel_loop3A_440 = arith.addi %parallel_loop3A_64, %parallel_loop3A_439 : i32
      %parallel_loop3A_441 = arith.index_cast %parallel_loop3A_440 : i32 to index
      %parallel_loop3A_442 = arith.constant 48 : index
      %parallel_loop3A_443 = tpu.vector_load %arg7[%parallel_loop3A_441, %parallel_loop3A_442] {strides = array<i32>} : memref<512x64xf32, #tpu.memory_space<vmem>>, vector<16xf32>,
      tpu.vector_store %arg7[%parallel_loop3A_441, %parallel_loop3A_442], %parallel_loop3A_438 {strides = array<i32>} : memref<512x64xf32, #tpu.memory_space<vmem>>, vector<16xf32>,
      %parallel_loop3A_444 = arith.constant 7 : i32
      %parallel_loop3A_445 = vector.broadcast %parallel_loop3A_444 : i32 to vector<16x1xi32>
      %parallel_loop3A_446 = vector.shape_cast %parallel_loop3A_445 : vector<16x1xi32> to vector<16xi32>
      %parallel_loop3A_447 = tpu.dynamic_gather %parallel_loop3A_91[%parallel_loop3A_446] in [0] : vector<16xi32>, vector<16xi32> -> vector<16xi32>
      %parallel_loop3A_448 = tpu.vector_load_idx %arg6[%parallel_loop3A_447, %add3A_7] : memref<48x128xf32, #tpu.memory_space<vmem>>[vector<16xi32>, vector<16xi32>], vector<16xf32>,
      %parallel_loop3A_449 = arith.constant 7 : i32
      %parallel_loop3A_450 = arith.addi %parallel_loop3A_64, %parallel_loop3A_449 : i32
      %parallel_loop3A_451 = arith.index_cast %parallel_loop3A_450 : i32 to index
      %parallel_loop3A_452 = arith.constant 0 : index
      %parallel_loop3A_453 = tpu.vector_load %arg7[%parallel_loop3A_451, %parallel_loop3A_452] {strides = array<i32>} : memref<512x64xf32, #tpu.memory_space<vmem>>, vector<16xf32>,
      tpu.vector_store %arg7[%parallel_loop3A_451, %parallel_loop3A_452], %parallel_loop3A_448 {strides = array<i32>} : memref<512x64xf32, #tpu.memory_space<vmem>>, vector<16xf32>,
      %parallel_loop3A_454 = arith.constant 7 : i32
      %parallel_loop3A_455 = vector.broadcast %parallel_loop3A_454 : i32 to vector<16x1xi32>
      %parallel_loop3A_456 = vector.shape_cast %parallel_loop3A_455 : vector<16x1xi32> to vector<16xi32>
      %parallel_loop3A_457 = tpu.dynamic_gather %parallel_loop3A_115[%parallel_loop3A_456] in [0] : vector<16xi32>, vector<16xi32> -> vector<16xi32>
      %parallel_loop3A_458 = tpu.vector_load_idx %arg6[%parallel_loop3A_457, %add3A_10] : memref<48x128xf32, #tpu.memory_space<vmem>>[vector<16xi32>, vector<16xi32>], vector<16xf32>,
      %parallel_loop3A_459 = arith.constant 7 : i32
      %parallel_loop3A_460 = arith.addi %parallel_loop3A_64, %parallel_loop3A_459 : i32
      %parallel_loop3A_461 = arith.index_cast %parallel_loop3A_460 : i32 to index
      %parallel_loop3A_462 = arith.constant 16 : index
      %parallel_loop3A_463 = tpu.vector_load %arg7[%parallel_loop3A_461, %parallel_loop3A_462] {strides = array<i32>} : memref<512x64xf32, #tpu.memory_space<vmem>>, vector<16xf32>,
      tpu.vector_store %arg7[%parallel_loop3A_461, %parallel_loop3A_462], %parallel_loop3A_458 {strides = array<i32>} : memref<512x64xf32, #tpu.memory_space<vmem>>, vector<16xf32>,
      %parallel_loop3A_464 = arith.constant 7 : i32
      %parallel_loop3A_465 = vector.broadcast %parallel_loop3A_464 : i32 to vector<16x1xi32>
      %parallel_loop3A_466 = vector.shape_cast %parallel_loop3A_465 : vector<16x1xi32> to vector<16xi32>
      %parallel_loop3A_467 = tpu.dynamic_gather %parallel_loop3A_139[%parallel_loop3A_466] in [0] : vector<16xi32>, vector<16xi32> -> vector<16xi32>
      %parallel_loop3A_468 = tpu.vector_load_idx %arg6[%parallel_loop3A_467, %add3A_13] : memref<48x128xf32, #tpu.memory_space<vmem>>[vector<16xi32>, vector<16xi32>], vector<16xf32>,
      %parallel_loop3A_469 = arith.constant 7 : i32
      %parallel_loop3A_470 = arith.addi %parallel_loop3A_64, %parallel_loop3A_469 : i32
      %parallel_loop3A_471 = arith.index_cast %parallel_loop3A_470 : i32 to index
      %parallel_loop3A_472 = arith.constant 32 : index
      %parallel_loop3A_473 = tpu.vector_load %arg7[%parallel_loop3A_471, %parallel_loop3A_472] {strides = array<i32>} : memref<512x64xf32, #tpu.memory_space<vmem>>, vector<16xf32>,
      tpu.vector_store %arg7[%parallel_loop3A_471, %parallel_loop3A_472], %parallel_loop3A_468 {strides = array<i32>} : memref<512x64xf32, #tpu.memory_space<vmem>>, vector<16xf32>,
      %parallel_loop3A_474 = arith.constant 7 : i32
      %parallel_loop3A_475 = vector.broadcast %parallel_loop3A_474 : i32 to vector<16x1xi32>
      %parallel_loop3A_476 = vector.shape_cast %parallel_loop3A_475 : vector<16x1xi32> to vector<16xi32>
      %parallel_loop3A_477 = tpu.dynamic_gather %parallel_loop3A_163[%parallel_loop3A_476] in [0] : vector<16xi32>, vector<16xi32> -> vector<16xi32>
      %parallel_loop3A_478 = tpu.vector_load_idx %arg6[%parallel_loop3A_477, %add3A_16] : memref<48x128xf32, #tpu.memory_space<vmem>>[vector<16xi32>, vector<16xi32>], vector<16xf32>,
      %parallel_loop3A_479 = arith.constant 7 : i32
      %parallel_loop3A_480 = arith.addi %parallel_loop3A_64, %parallel_loop3A_479 : i32
      %parallel_loop3A_481 = arith.index_cast %parallel_loop3A_480 : i32 to index
      %parallel_loop3A_482 = arith.constant 48 : index
      %parallel_loop3A_483 = tpu.vector_load %arg7[%parallel_loop3A_481, %parallel_loop3A_482] {strides = array<i32>} : memref<512x64xf32, #tpu.memory_space<vmem>>, vector<16xf32>,
      tpu.vector_store %arg7[%parallel_loop3A_481, %parallel_loop3A_482], %parallel_loop3A_478 {strides = array<i32>} : memref<512x64xf32, #tpu.memory_space<vmem>>, vector<16xf32>,
      %parallel_loop3A_484 = arith.constant 8 : i32
      %parallel_loop3A_485 = vector.broadcast %parallel_loop3A_484 : i32 to vector<16x1xi32>
      %parallel_loop3A_486 = vector.shape_cast %parallel_loop3A_485 : vector<16x1xi32> to vector<16xi32>
      %parallel_loop3A_487 = tpu.dynamic_gather %parallel_loop3A_91[%parallel_loop3A_486] in [0] : vector<16xi32>, vector<16xi32> -> vector<16xi32>
      %parallel_loop3A_488 = tpu.vector_load_idx %arg6[%parallel_loop3A_487, %add3A_7] : memref<48x128xf32, #tpu.memory_space<vmem>>[vector<16xi32>, vector<16xi32>], vector<16xf32>,
      %parallel_loop3A_489 = arith.constant 8 : i32
      %parallel_loop3A_490 = arith.addi %parallel_loop3A_64, %parallel_loop3A_489 : i32
      %parallel_loop3A_491 = arith.index_cast %parallel_loop3A_490 : i32 to index
      %parallel_loop3A_492 = arith.constant 0 : index
      %parallel_loop3A_493 = tpu.vector_load %arg7[%parallel_loop3A_491, %parallel_loop3A_492] {strides = array<i32>} : memref<512x64xf32, #tpu.memory_space<vmem>>, vector<16xf32>,
      tpu.vector_store %arg7[%parallel_loop3A_491, %parallel_loop3A_492], %parallel_loop3A_488 {strides = array<i32>} : memref<512x64xf32, #tpu.memory_space<vmem>>, vector<16xf32>,
      %parallel_loop3A_494 = arith.constant 8 : i32
      %parallel_loop3A_495 = vector.broadcast %parallel_loop3A_494 : i32 to vector<16x1xi32>
      %parallel_loop3A_496 = vector.shape_cast %parallel_loop3A_495 : vector<16x1xi32> to vector<16xi32>
      %parallel_loop3A_497 = tpu.dynamic_gather %parallel_loop3A_115[%parallel_loop3A_496] in [0] : vector<16xi32>, vector<16xi32> -> vector<16xi32>
      %parallel_loop3A_498 = tpu.vector_load_idx %arg6[%parallel_loop3A_497, %add3A_10] : memref<48x128xf32, #tpu.memory_space<vmem>>[vector<16xi32>, vector<16xi32>], vector<16xf32>,
      %parallel_loop3A_499 = arith.constant 8 : i32
      %parallel_loop3A_500 = arith.addi %parallel_loop3A_64, %parallel_loop3A_499 : i32
      %parallel_loop3A_501 = arith.index_cast %parallel_loop3A_500 : i32 to index
      %parallel_loop3A_502 = arith.constant 16 : index
      %parallel_loop3A_503 = tpu.vector_load %arg7[%parallel_loop3A_501, %parallel_loop3A_502] {strides = array<i32>} : memref<512x64xf32, #tpu.memory_space<vmem>>, vector<16xf32>,
      tpu.vector_store %arg7[%parallel_loop3A_501, %parallel_loop3A_502], %parallel_loop3A_498 {strides = array<i32>} : memref<512x64xf32, #tpu.memory_space<vmem>>, vector<16xf32>,
      %parallel_loop3A_504 = arith.constant 8 : i32
      %parallel_loop3A_505 = vector.broadcast %parallel_loop3A_504 : i32 to vector<16x1xi32>
      %parallel_loop3A_506 = vector.shape_cast %parallel_loop3A_505 : vector<16x1xi32> to vector<16xi32>
      %parallel_loop3A_507 = tpu.dynamic_gather %parallel_loop3A_139[%parallel_loop3A_506] in [0] : vector<16xi32>, vector<16xi32> -> vector<16xi32>
      %parallel_loop3A_508 = tpu.vector_load_idx %arg6[%parallel_loop3A_507, %add3A_13] : memref<48x128xf32, #tpu.memory_space<vmem>>[vector<16xi32>, vector<16xi32>], vector<16xf32>,
      %parallel_loop3A_509 = arith.constant 8 : i32
      %parallel_loop3A_510 = arith.addi %parallel_loop3A_64, %parallel_loop3A_509 : i32
      %parallel_loop3A_511 = arith.index_cast %parallel_loop3A_510 : i32 to index
      %parallel_loop3A_512 = arith.constant 32 : index
      %parallel_loop3A_513 = tpu.vector_load %arg7[%parallel_loop3A_511, %parallel_loop3A_512] {strides = array<i32>} : memref<512x64xf32, #tpu.memory_space<vmem>>, vector<16xf32>,
      tpu.vector_store %arg7[%parallel_loop3A_511, %parallel_loop3A_512], %parallel_loop3A_508 {strides = array<i32>} : memref<512x64xf32, #tpu.memory_space<vmem>>, vector<16xf32>,
      %parallel_loop3A_514 = arith.constant 8 : i32
      %parallel_loop3A_515 = vector.broadcast %parallel_loop3A_514 : i32 to vector<16x1xi32>
      %parallel_loop3A_516 = vector.shape_cast %parallel_loop3A_515 : vector<16x1xi32> to vector<16xi32>
      %parallel_loop3A_517 = tpu.dynamic_gather %parallel_loop3A_163[%parallel_loop3A_516] in [0] : vector<16xi32>, vector<16xi32> -> vector<16xi32>
      %parallel_loop3A_518 = tpu.vector_load_idx %arg6[%parallel_loop3A_517, %add3A_16] : memref<48x128xf32, #tpu.memory_space<vmem>>[vector<16xi32>, vector<16xi32>], vector<16xf32>,
      %parallel_loop3A_519 = arith.constant 8 : i32
      %parallel_loop3A_520 = arith.addi %parallel_loop3A_64, %parallel_loop3A_519 : i32
      %parallel_loop3A_521 = arith.index_cast %parallel_loop3A_520 : i32 to index
      %parallel_loop3A_522 = arith.constant 48 : index
      %parallel_loop3A_523 = tpu.vector_load %arg7[%parallel_loop3A_521, %parallel_loop3A_522] {strides = array<i32>} : memref<512x64xf32, #tpu.memory_space<vmem>>, vector<16xf32>,
      tpu.vector_store %arg7[%parallel_loop3A_521, %parallel_loop3A_522], %parallel_loop3A_518 {strides = array<i32>} : memref<512x64xf32, #tpu.memory_space<vmem>>, vector<16xf32>,
      %parallel_loop3A_524 = arith.constant 9 : i32
      %parallel_loop3A_525 = vector.broadcast %parallel_loop3A_524 : i32 to vector<16x1xi32>
      %parallel_loop3A_526 = vector.shape_cast %parallel_loop3A_525 : vector<16x1xi32> to vector<16xi32>
      %parallel_loop3A_527 = tpu.dynamic_gather %parallel_loop3A_91[%parallel_loop3A_526] in [0] : vector<16xi32>, vector<16xi32> -> vector<16xi32>
      %parallel_loop3A_528 = tpu.vector_load_idx %arg6[%parallel_loop3A_527, %add3A_7] : memref<48x128xf32, #tpu.memory_space<vmem>>[vector<16xi32>, vector<16xi32>], vector<16xf32>,
      %parallel_loop3A_529 = arith.constant 9 : i32
      %parallel_loop3A_530 = arith.addi %parallel_loop3A_64, %parallel_loop3A_529 : i32
      %parallel_loop3A_531 = arith.index_cast %parallel_loop3A_530 : i32 to index
      %parallel_loop3A_532 = arith.constant 0 : index
      %parallel_loop3A_533 = tpu.vector_load %arg7[%parallel_loop3A_531, %parallel_loop3A_532] {strides = array<i32>} : memref<512x64xf32, #tpu.memory_space<vmem>>, vector<16xf32>,
      tpu.vector_store %arg7[%parallel_loop3A_531, %parallel_loop3A_532], %parallel_loop3A_528 {strides = array<i32>} : memref<512x64xf32, #tpu.memory_space<vmem>>, vector<16xf32>,
      %parallel_loop3A_534 = arith.constant 9 : i32
      %parallel_loop3A_535 = vector.broadcast %parallel_loop3A_534 : i32 to vector<16x1xi32>
      %parallel_loop3A_536 = vector.shape_cast %parallel_loop3A_535 : vector<16x1xi32> to vector<16xi32>
      %parallel_loop3A_537 = tpu.dynamic_gather %parallel_loop3A_115[%parallel_loop3A_536] in [0] : vector<16xi32>, vector<16xi32> -> vector<16xi32>
      %parallel_loop3A_538 = tpu.vector_load_idx %arg6[%parallel_loop3A_537, %add3A_10] : memref<48x128xf32, #tpu.memory_space<vmem>>[vector<16xi32>, vector<16xi32>], vector<16xf32>,
      %parallel_loop3A_539 = arith.constant 9 : i32
      %parallel_loop3A_540 = arith.addi %parallel_loop3A_64, %parallel_loop3A_539 : i32
      %parallel_loop3A_541 = arith.index_cast %parallel_loop3A_540 : i32 to index
      %parallel_loop3A_542 = arith.constant 16 : index
      %parallel_loop3A_543 = tpu.vector_load %arg7[%parallel_loop3A_541, %parallel_loop3A_542] {strides = array<i32>} : memref<512x64xf32, #tpu.memory_space<vmem>>, vector<16xf32>,
      tpu.vector_store %arg7[%parallel_loop3A_541, %parallel_loop3A_542], %parallel_loop3A_538 {strides = array<i32>} : memref<512x64xf32, #tpu.memory_space<vmem>>, vector<16xf32>,
      %parallel_loop3A_544 = arith.constant 9 : i32
      %parallel_loop3A_545 = vector.broadcast %parallel_loop3A_544 : i32 to vector<16x1xi32>
      %parallel_loop3A_546 = vector.shape_cast %parallel_loop3A_545 : vector<16x1xi32> to vector<16xi32>
      %parallel_loop3A_547 = tpu.dynamic_gather %parallel_loop3A_139[%parallel_loop3A_546] in [0] : vector<16xi32>, vector<16xi32> -> vector<16xi32>
      %parallel_loop3A_548 = tpu.vector_load_idx %arg6[%parallel_loop3A_547, %add3A_13] : memref<48x128xf32, #tpu.memory_space<vmem>>[vector<16xi32>, vector<16xi32>], vector<16xf32>,
      %parallel_loop3A_549 = arith.constant 9 : i32
      %parallel_loop3A_550 = arith.addi %parallel_loop3A_64, %parallel_loop3A_549 : i32
      %parallel_loop3A_551 = arith.index_cast %parallel_loop3A_550 : i32 to index
      %parallel_loop3A_552 = arith.constant 32 : index
      %parallel_loop3A_553 = tpu.vector_load %arg7[%parallel_loop3A_551, %parallel_loop3A_552] {strides = array<i32>} : memref<512x64xf32, #tpu.memory_space<vmem>>, vector<16xf32>,
      tpu.vector_store %arg7[%parallel_loop3A_551, %parallel_loop3A_552], %parallel_loop3A_548 {strides = array<i32>} : memref<512x64xf32, #tpu.memory_space<vmem>>, vector<16xf32>,
      %parallel_loop3A_554 = arith.constant 9 : i32
      %parallel_loop3A_555 = vector.broadcast %parallel_loop3A_554 : i32 to vector<16x1xi32>
      %parallel_loop3A_556 = vector.shape_cast %parallel_loop3A_555 : vector<16x1xi32> to vector<16xi32>
      %parallel_loop3A_557 = tpu.dynamic_gather %parallel_loop3A_163[%parallel_loop3A_556] in [0] : vector<16xi32>, vector<16xi32> -> vector<16xi32>
      %parallel_loop3A_558 = tpu.vector_load_idx %arg6[%parallel_loop3A_557, %add3A_16] : memref<48x128xf32, #tpu.memory_space<vmem>>[vector<16xi32>, vector<16xi32>], vector<16xf32>,
      %parallel_loop3A_559 = arith.constant 9 : i32
      %parallel_loop3A_560 = arith.addi %parallel_loop3A_64, %parallel_loop3A_559 : i32
      %parallel_loop3A_561 = arith.index_cast %parallel_loop3A_560 : i32 to index
      %parallel_loop3A_562 = arith.constant 48 : index
      %parallel_loop3A_563 = tpu.vector_load %arg7[%parallel_loop3A_561, %parallel_loop3A_562] {strides = array<i32>} : memref<512x64xf32, #tpu.memory_space<vmem>>, vector<16xf32>,
      tpu.vector_store %arg7[%parallel_loop3A_561, %parallel_loop3A_562], %parallel_loop3A_558 {strides = array<i32>} : memref<512x64xf32, #tpu.memory_space<vmem>>, vector<16xf32>,
      %parallel_loop3A_564 = arith.constant 10 : i32
      %parallel_loop3A_565 = vector.broadcast %parallel_loop3A_564 : i32 to vector<16x1xi32>
      %parallel_loop3A_566 = vector.shape_cast %parallel_loop3A_565 : vector<16x1xi32> to vector<16xi32>
      %parallel_loop3A_567 = tpu.dynamic_gather %parallel_loop3A_91[%parallel_loop3A_566] in [0] : vector<16xi32>, vector<16xi32> -> vector<16xi32>
      %parallel_loop3A_568 = tpu.vector_load_idx %arg6[%parallel_loop3A_567, %add3A_7] : memref<48x128xf32, #tpu.memory_space<vmem>>[vector<16xi32>, vector<16xi32>], vector<16xf32>,
      %parallel_loop3A_569 = arith.constant 10 : i32
      %parallel_loop3A_570 = arith.addi %parallel_loop3A_64, %parallel_loop3A_569 : i32
      %parallel_loop3A_571 = arith.index_cast %parallel_loop3A_570 : i32 to index
      %parallel_loop3A_572 = arith.constant 0 : index
      %parallel_loop3A_573 = tpu.vector_load %arg7[%parallel_loop3A_571, %parallel_loop3A_572] {strides = array<i32>} : memref<512x64xf32, #tpu.memory_space<vmem>>, vector<16xf32>,
      tpu.vector_store %arg7[%parallel_loop3A_571, %parallel_loop3A_572], %parallel_loop3A_568 {strides = array<i32>} : memref<512x64xf32, #tpu.memory_space<vmem>>, vector<16xf32>,
      %parallel_loop3A_574 = arith.constant 10 : i32
      %parallel_loop3A_575 = vector.broadcast %parallel_loop3A_574 : i32 to vector<16x1xi32>
      %parallel_loop3A_576 = vector.shape_cast %parallel_loop3A_575 : vector<16x1xi32> to vector<16xi32>
      %parallel_loop3A_577 = tpu.dynamic_gather %parallel_loop3A_115[%parallel_loop3A_576] in [0] : vector<16xi32>, vector<16xi32> -> vector<16xi32>
      %parallel_loop3A_578 = tpu.vector_load_idx %arg6[%parallel_loop3A_577, %add3A_10] : memref<48x128xf32, #tpu.memory_space<vmem>>[vector<16xi32>, vector<16xi32>], vector<16xf32>,
      %parallel_loop3A_579 = arith.constant 10 : i32
      %parallel_loop3A_580 = arith.addi %parallel_loop3A_64, %parallel_loop3A_579 : i32
      %parallel_loop3A_581 = arith.index_cast %parallel_loop3A_580 : i32 to index
      %parallel_loop3A_582 = arith.constant 16 : index
      %parallel_loop3A_583 = tpu.vector_load %arg7[%parallel_loop3A_581, %parallel_loop3A_582] {strides = array<i32>} : memref<512x64xf32, #tpu.memory_space<vmem>>, vector<16xf32>,
      tpu.vector_store %arg7[%parallel_loop3A_581, %parallel_loop3A_582], %parallel_loop3A_578 {strides = array<i32>} : memref<512x64xf32, #tpu.memory_space<vmem>>, vector<16xf32>,
      %parallel_loop3A_584 = arith.constant 10 : i32
      %parallel_loop3A_585 = vector.broadcast %parallel_loop3A_584 : i32 to vector<16x1xi32>
      %parallel_loop3A_586 = vector.shape_cast %parallel_loop3A_585 : vector<16x1xi32> to vector<16xi32>
      %parallel_loop3A_587 = tpu.dynamic_gather %parallel_loop3A_139[%parallel_loop3A_586] in [0] : vector<16xi32>, vector<16xi32> -> vector<16xi32>
      %parallel_loop3A_588 = tpu.vector_load_idx %arg6[%parallel_loop3A_587, %add3A_13] : memref<48x128xf32, #tpu.memory_space<vmem>>[vector<16xi32>, vector<16xi32>], vector<16xf32>,
      %parallel_loop3A_589 = arith.constant 10 : i32
      %parallel_loop3A_590 = arith.addi %parallel_loop3A_64, %parallel_loop3A_589 : i32
      %parallel_loop3A_591 = arith.index_cast %parallel_loop3A_590 : i32 to index
      %parallel_loop3A_592 = arith.constant 32 : index
      %parallel_loop3A_593 = tpu.vector_load %arg7[%parallel_loop3A_591, %parallel_loop3A_592] {strides = array<i32>} : memref<512x64xf32, #tpu.memory_space<vmem>>, vector<16xf32>,
      tpu.vector_store %arg7[%parallel_loop3A_591, %parallel_loop3A_592], %parallel_loop3A_588 {strides = array<i32>} : memref<512x64xf32, #tpu.memory_space<vmem>>, vector<16xf32>,
      %parallel_loop3A_594 = arith.constant 10 : i32
      %parallel_loop3A_595 = vector.broadcast %parallel_loop3A_594 : i32 to vector<16x1xi32>
      %parallel_loop3A_596 = vector.shape_cast %parallel_loop3A_595 : vector<16x1xi32> to vector<16xi32>
      %parallel_loop3A_597 = tpu.dynamic_gather %parallel_loop3A_163[%parallel_loop3A_596] in [0] : vector<16xi32>, vector<16xi32> -> vector<16xi32>
      %parallel_loop3A_598 = tpu.vector_load_idx %arg6[%parallel_loop3A_597, %add3A_16] : memref<48x128xf32, #tpu.memory_space<vmem>>[vector<16xi32>, vector<16xi32>], vector<16xf32>,
      %parallel_loop3A_599 = arith.constant 10 : i32
      %parallel_loop3A_600 = arith.addi %parallel_loop3A_64, %parallel_loop3A_599 : i32
      %parallel_loop3A_601 = arith.index_cast %parallel_loop3A_600 : i32 to index
      %parallel_loop3A_602 = arith.constant 48 : index
      %parallel_loop3A_603 = tpu.vector_load %arg7[%parallel_loop3A_601, %parallel_loop3A_602] {strides = array<i32>} : memref<512x64xf32, #tpu.memory_space<vmem>>, vector<16xf32>,
      tpu.vector_store %arg7[%parallel_loop3A_601, %parallel_loop3A_602], %parallel_loop3A_598 {strides = array<i32>} : memref<512x64xf32, #tpu.memory_space<vmem>>, vector<16xf32>,
      %parallel_loop3A_604 = arith.constant 11 : i32
      %parallel_loop3A_605 = vector.broadcast %parallel_loop3A_604 : i32 to vector<16x1xi32>
      %parallel_loop3A_606 = vector.shape_cast %parallel_loop3A_605 : vector<16x1xi32> to vector<16xi32>
      %parallel_loop3A_607 = tpu.dynamic_gather %parallel_loop3A_91[%parallel_loop3A_606] in [0] : vector<16xi32>, vector<16xi32> -> vector<16xi32>
      %parallel_loop3A_608 = tpu.vector_load_idx %arg6[%parallel_loop3A_607, %add3A_7] : memref<48x128xf32, #tpu.memory_space<vmem>>[vector<16xi32>, vector<16xi32>], vector<16xf32>,
      %parallel_loop3A_609 = arith.constant 11 : i32
      %parallel_loop3A_610 = arith.addi %parallel_loop3A_64, %parallel_loop3A_609 : i32
      %parallel_loop3A_611 = arith.index_cast %parallel_loop3A_610 : i32 to index
      %parallel_loop3A_612 = arith.constant 0 : index
      %parallel_loop3A_613 = tpu.vector_load %arg7[%parallel_loop3A_611, %parallel_loop3A_612] {strides = array<i32>} : memref<512x64xf32, #tpu.memory_space<vmem>>, vector<16xf32>,
      tpu.vector_store %arg7[%parallel_loop3A_611, %parallel_loop3A_612], %parallel_loop3A_608 {strides = array<i32>} : memref<512x64xf32, #tpu.memory_space<vmem>>, vector<16xf32>,
      %parallel_loop3A_614 = arith.constant 11 : i32
      %parallel_loop3A_615 = vector.broadcast %parallel_loop3A_614 : i32 to vector<16x1xi32>
      %parallel_loop3A_616 = vector.shape_cast %parallel_loop3A_615 : vector<16x1xi32> to vector<16xi32>
      %parallel_loop3A_617 = tpu.dynamic_gather %parallel_loop3A_115[%parallel_loop3A_616] in [0] : vector<16xi32>, vector<16xi32> -> vector<16xi32>
      %parallel_loop3A_618 = tpu.vector_load_idx %arg6[%parallel_loop3A_617, %add3A_10] : memref<48x128xf32, #tpu.memory_space<vmem>>[vector<16xi32>, vector<16xi32>], vector<16xf32>,
      %parallel_loop3A_619 = arith.constant 11 : i32
      %parallel_loop3A_620 = arith.addi %parallel_loop3A_64, %parallel_loop3A_619 : i32
      %parallel_loop3A_621 = arith.index_cast %parallel_loop3A_620 : i32 to index
      %parallel_loop3A_622 = arith.constant 16 : index
      %parallel_loop3A_623 = tpu.vector_load %arg7[%parallel_loop3A_621, %parallel_loop3A_622] {strides = array<i32>} : memref<512x64xf32, #tpu.memory_space<vmem>>, vector<16xf32>,
      tpu.vector_store %arg7[%parallel_loop3A_621, %parallel_loop3A_622], %parallel_loop3A_618 {strides = array<i32>} : memref<512x64xf32, #tpu.memory_space<vmem>>, vector<16xf32>,
      %parallel_loop3A_624 = arith.constant 11 : i32
      %parallel_loop3A_625 = vector.broadcast %parallel_loop3A_624 : i32 to vector<16x1xi32>
      %parallel_loop3A_626 = vector.shape_cast %parallel_loop3A_625 : vector<16x1xi32> to vector<16xi32>
      %parallel_loop3A_627 = tpu.dynamic_gather %parallel_loop3A_139[%parallel_loop3A_626] in [0] : vector<16xi32>, vector<16xi32> -> vector<16xi32>
      %parallel_loop3A_628 = tpu.vector_load_idx %arg6[%parallel_loop3A_627, %add3A_13] : memref<48x128xf32, #tpu.memory_space<vmem>>[vector<16xi32>, vector<16xi32>], vector<16xf32>,
      %parallel_loop3A_629 = arith.constant 11 : i32
      %parallel_loop3A_630 = arith.addi %parallel_loop3A_64, %parallel_loop3A_629 : i32
      %parallel_loop3A_631 = arith.index_cast %parallel_loop3A_630 : i32 to index
      %parallel_loop3A_632 = arith.constant 32 : index
      %parallel_loop3A_633 = tpu.vector_load %arg7[%parallel_loop3A_631, %parallel_loop3A_632] {strides = array<i32>} : memref<512x64xf32, #tpu.memory_space<vmem>>, vector<16xf32>,
      tpu.vector_store %arg7[%parallel_loop3A_631, %parallel_loop3A_632], %parallel_loop3A_628 {strides = array<i32>} : memref<512x64xf32, #tpu.memory_space<vmem>>, vector<16xf32>,
      %parallel_loop3A_634 = arith.constant 11 : i32
      %parallel_loop3A_635 = vector.broadcast %parallel_loop3A_634 : i32 to vector<16x1xi32>
      %parallel_loop3A_636 = vector.shape_cast %parallel_loop3A_635 : vector<16x1xi32> to vector<16xi32>
      %parallel_loop3A_637 = tpu.dynamic_gather %parallel_loop3A_163[%parallel_loop3A_636] in [0] : vector<16xi32>, vector<16xi32> -> vector<16xi32>
      %parallel_loop3A_638 = tpu.vector_load_idx %arg6[%parallel_loop3A_637, %add3A_16] : memref<48x128xf32, #tpu.memory_space<vmem>>[vector<16xi32>, vector<16xi32>], vector<16xf32>,
      %parallel_loop3A_639 = arith.constant 11 : i32
      %parallel_loop3A_640 = arith.addi %parallel_loop3A_64, %parallel_loop3A_639 : i32
      %parallel_loop3A_641 = arith.index_cast %parallel_loop3A_640 : i32 to index
      %parallel_loop3A_642 = arith.constant 48 : index
      %parallel_loop3A_643 = tpu.vector_load %arg7[%parallel_loop3A_641, %parallel_loop3A_642] {strides = array<i32>} : memref<512x64xf32, #tpu.memory_space<vmem>>, vector<16xf32>,
      tpu.vector_store %arg7[%parallel_loop3A_641, %parallel_loop3A_642], %parallel_loop3A_638 {strides = array<i32>} : memref<512x64xf32, #tpu.memory_space<vmem>>, vector<16xf32>,
      %parallel_loop3A_644 = arith.constant 12 : i32
      %parallel_loop3A_645 = vector.broadcast %parallel_loop3A_644 : i32 to vector<16x1xi32>
      %parallel_loop3A_646 = vector.shape_cast %parallel_loop3A_645 : vector<16x1xi32> to vector<16xi32>
      %parallel_loop3A_647 = tpu.dynamic_gather %parallel_loop3A_91[%parallel_loop3A_646] in [0] : vector<16xi32>, vector<16xi32> -> vector<16xi32>
      %parallel_loop3A_648 = tpu.vector_load_idx %arg6[%parallel_loop3A_647, %add3A_7] : memref<48x128xf32, #tpu.memory_space<vmem>>[vector<16xi32>, vector<16xi32>], vector<16xf32>,
      %parallel_loop3A_649 = arith.constant 12 : i32
      %parallel_loop3A_650 = arith.addi %parallel_loop3A_64, %parallel_loop3A_649 : i32
      %parallel_loop3A_651 = arith.index_cast %parallel_loop3A_650 : i32 to index
      %parallel_loop3A_652 = arith.constant 0 : index
      %parallel_loop3A_653 = tpu.vector_load %arg7[%parallel_loop3A_651, %parallel_loop3A_652] {strides = array<i32>} : memref<512x64xf32, #tpu.memory_space<vmem>>, vector<16xf32>,
      tpu.vector_store %arg7[%parallel_loop3A_651, %parallel_loop3A_652], %parallel_loop3A_648 {strides = array<i32>} : memref<512x64xf32, #tpu.memory_space<vmem>>, vector<16xf32>,
      %parallel_loop3A_654 = arith.constant 12 : i32
      %parallel_loop3A_655 = vector.broadcast %parallel_loop3A_654 : i32 to vector<16x1xi32>
      %parallel_loop3A_656 = vector.shape_cast %parallel_loop3A_655 : vector<16x1xi32> to vector<16xi32>
      %parallel_loop3A_657 = tpu.dynamic_gather %parallel_loop3A_115[%parallel_loop3A_656] in [0] : vector<16xi32>, vector<16xi32> -> vector<16xi32>
      %parallel_loop3A_658 = tpu.vector_load_idx %arg6[%parallel_loop3A_657, %add3A_10] : memref<48x128xf32, #tpu.memory_space<vmem>>[vector<16xi32>, vector<16xi32>], vector<16xf32>,
      %parallel_loop3A_659 = arith.constant 12 : i32
      %parallel_loop3A_660 = arith.addi %parallel_loop3A_64, %parallel_loop3A_659 : i32
      %parallel_loop3A_661 = arith.index_cast %parallel_loop3A_660 : i32 to index
      %parallel_loop3A_662 = arith.constant 16 : index
      %parallel_loop3A_663 = tpu.vector_load %arg7[%parallel_loop3A_661, %parallel_loop3A_662] {strides = array<i32>} : memref<512x64xf32, #tpu.memory_space<vmem>>, vector<16xf32>,
      tpu.vector_store %arg7[%parallel_loop3A_661, %parallel_loop3A_662], %parallel_loop3A_658 {strides = array<i32>} : memref<512x64xf32, #tpu.memory_space<vmem>>, vector<16xf32>,
      %parallel_loop3A_664 = arith.constant 12 : i32
      %parallel_loop3A_665 = vector.broadcast %parallel_loop3A_664 : i32 to vector<16x1xi32>
      %parallel_loop3A_666 = vector.shape_cast %parallel_loop3A_665 : vector<16x1xi32> to vector<16xi32>
      %parallel_loop3A_667 = tpu.dynamic_gather %parallel_loop3A_139[%parallel_loop3A_666] in [0] : vector<16xi32>, vector<16xi32> -> vector<16xi32>
      %parallel_loop3A_668 = tpu.vector_load_idx %arg6[%parallel_loop3A_667, %add3A_13] : memref<48x128xf32, #tpu.memory_space<vmem>>[vector<16xi32>, vector<16xi32>], vector<16xf32>,
      %parallel_loop3A_669 = arith.constant 12 : i32
      %parallel_loop3A_670 = arith.addi %parallel_loop3A_64, %parallel_loop3A_669 : i32
      %parallel_loop3A_671 = arith.index_cast %parallel_loop3A_670 : i32 to index
      %parallel_loop3A_672 = arith.constant 32 : index
      %parallel_loop3A_673 = tpu.vector_load %arg7[%parallel_loop3A_671, %parallel_loop3A_672] {strides = array<i32>} : memref<512x64xf32, #tpu.memory_space<vmem>>, vector<16xf32>,
      tpu.vector_store %arg7[%parallel_loop3A_671, %parallel_loop3A_672], %parallel_loop3A_668 {strides = array<i32>} : memref<512x64xf32, #tpu.memory_space<vmem>>, vector<16xf32>,
      %parallel_loop3A_674 = arith.constant 12 : i32
      %parallel_loop3A_675 = vector.broadcast %parallel_loop3A_674 : i32 to vector<16x1xi32>
      %parallel_loop3A_676 = vector.shape_cast %parallel_loop3A_675 : vector<16x1xi32> to vector<16xi32>
      %parallel_loop3A_677 = tpu.dynamic_gather %parallel_loop3A_163[%parallel_loop3A_676] in [0] : vector<16xi32>, vector<16xi32> -> vector<16xi32>
      %parallel_loop3A_678 = tpu.vector_load_idx %arg6[%parallel_loop3A_677, %add3A_16] : memref<48x128xf32, #tpu.memory_space<vmem>>[vector<16xi32>, vector<16xi32>], vector<16xf32>,
      %parallel_loop3A_679 = arith.constant 12 : i32
      %parallel_loop3A_680 = arith.addi %parallel_loop3A_64, %parallel_loop3A_679 : i32
      %parallel_loop3A_681 = arith.index_cast %parallel_loop3A_680 : i32 to index
      %parallel_loop3A_682 = arith.constant 48 : index
      %parallel_loop3A_683 = tpu.vector_load %arg7[%parallel_loop3A_681, %parallel_loop3A_682] {strides = array<i32>} : memref<512x64xf32, #tpu.memory_space<vmem>>, vector<16xf32>,
      tpu.vector_store %arg7[%parallel_loop3A_681, %parallel_loop3A_682], %parallel_loop3A_678 {strides = array<i32>} : memref<512x64xf32, #tpu.memory_space<vmem>>, vector<16xf32>,
      %parallel_loop3A_684 = arith.constant 13 : i32
      %parallel_loop3A_685 = vector.broadcast %parallel_loop3A_684 : i32 to vector<16x1xi32>
      %parallel_loop3A_686 = vector.shape_cast %parallel_loop3A_685 : vector<16x1xi32> to vector<16xi32>
      %parallel_loop3A_687 = tpu.dynamic_gather %parallel_loop3A_91[%parallel_loop3A_686] in [0] : vector<16xi32>, vector<16xi32> -> vector<16xi32>
      %parallel_loop3A_688 = tpu.vector_load_idx %arg6[%parallel_loop3A_687, %add3A_7] : memref<48x128xf32, #tpu.memory_space<vmem>>[vector<16xi32>, vector<16xi32>], vector<16xf32>,
      %parallel_loop3A_689 = arith.constant 13 : i32
      %parallel_loop3A_690 = arith.addi %parallel_loop3A_64, %parallel_loop3A_689 : i32
      %parallel_loop3A_691 = arith.index_cast %parallel_loop3A_690 : i32 to index
      %parallel_loop3A_692 = arith.constant 0 : index
      %parallel_loop3A_693 = tpu.vector_load %arg7[%parallel_loop3A_691, %parallel_loop3A_692] {strides = array<i32>} : memref<512x64xf32, #tpu.memory_space<vmem>>, vector<16xf32>,
      tpu.vector_store %arg7[%parallel_loop3A_691, %parallel_loop3A_692], %parallel_loop3A_688 {strides = array<i32>} : memref<512x64xf32, #tpu.memory_space<vmem>>, vector<16xf32>,
      %parallel_loop3A_694 = arith.constant 13 : i32
      %parallel_loop3A_695 = vector.broadcast %parallel_loop3A_694 : i32 to vector<16x1xi32>
      %parallel_loop3A_696 = vector.shape_cast %parallel_loop3A_695 : vector<16x1xi32> to vector<16xi32>
      %parallel_loop3A_697 = tpu.dynamic_gather %parallel_loop3A_115[%parallel_loop3A_696] in [0] : vector<16xi32>, vector<16xi32> -> vector<16xi32>
      %parallel_loop3A_698 = tpu.vector_load_idx %arg6[%parallel_loop3A_697, %add3A_10] : memref<48x128xf32, #tpu.memory_space<vmem>>[vector<16xi32>, vector<16xi32>], vector<16xf32>,
      %parallel_loop3A_699 = arith.constant 13 : i32
      %parallel_loop3A_700 = arith.addi %parallel_loop3A_64, %parallel_loop3A_699 : i32
      %parallel_loop3A_701 = arith.index_cast %parallel_loop3A_700 : i32 to index
      %parallel_loop3A_702 = arith.constant 16 : index
      %parallel_loop3A_703 = tpu.vector_load %arg7[%parallel_loop3A_701, %parallel_loop3A_702] {strides = array<i32>} : memref<512x64xf32, #tpu.memory_space<vmem>>, vector<16xf32>,
      tpu.vector_store %arg7[%parallel_loop3A_701, %parallel_loop3A_702], %parallel_loop3A_698 {strides = array<i32>} : memref<512x64xf32, #tpu.memory_space<vmem>>, vector<16xf32>,
      %parallel_loop3A_704 = arith.constant 13 : i32
      %parallel_loop3A_705 = vector.broadcast %parallel_loop3A_704 : i32 to vector<16x1xi32>
      %parallel_loop3A_706 = vector.shape_cast %parallel_loop3A_705 : vector<16x1xi32> to vector<16xi32>
      %parallel_loop3A_707 = tpu.dynamic_gather %parallel_loop3A_139[%parallel_loop3A_706] in [0] : vector<16xi32>, vector<16xi32> -> vector<16xi32>
      %parallel_loop3A_708 = tpu.vector_load_idx %arg6[%parallel_loop3A_707, %add3A_13] : memref<48x128xf32, #tpu.memory_space<vmem>>[vector<16xi32>, vector<16xi32>], vector<16xf32>,
      %parallel_loop3A_709 = arith.constant 13 : i32
      %parallel_loop3A_710 = arith.addi %parallel_loop3A_64, %parallel_loop3A_709 : i32
      %parallel_loop3A_711 = arith.index_cast %parallel_loop3A_710 : i32 to index
      %parallel_loop3A_712 = arith.constant 32 : index
      %parallel_loop3A_713 = tpu.vector_load %arg7[%parallel_loop3A_711, %parallel_loop3A_712] {strides = array<i32>} : memref<512x64xf32, #tpu.memory_space<vmem>>, vector<16xf32>,
      tpu.vector_store %arg7[%parallel_loop3A_711, %parallel_loop3A_712], %parallel_loop3A_708 {strides = array<i32>} : memref<512x64xf32, #tpu.memory_space<vmem>>, vector<16xf32>,
      %parallel_loop3A_714 = arith.constant 13 : i32
      %parallel_loop3A_715 = vector.broadcast %parallel_loop3A_714 : i32 to vector<16x1xi32>
      %parallel_loop3A_716 = vector.shape_cast %parallel_loop3A_715 : vector<16x1xi32> to vector<16xi32>
      %parallel_loop3A_717 = tpu.dynamic_gather %parallel_loop3A_163[%parallel_loop3A_716] in [0] : vector<16xi32>, vector<16xi32> -> vector<16xi32>
      %parallel_loop3A_718 = tpu.vector_load_idx %arg6[%parallel_loop3A_717, %add3A_16] : memref<48x128xf32, #tpu.memory_space<vmem>>[vector<16xi32>, vector<16xi32>], vector<16xf32>,
      %parallel_loop3A_719 = arith.constant 13 : i32
      %parallel_loop3A_720 = arith.addi %parallel_loop3A_64, %parallel_loop3A_719 : i32
      %parallel_loop3A_721 = arith.index_cast %parallel_loop3A_720 : i32 to index
      %parallel_loop3A_722 = arith.constant 48 : index
      %parallel_loop3A_723 = tpu.vector_load %arg7[%parallel_loop3A_721, %parallel_loop3A_722] {strides = array<i32>} : memref<512x64xf32, #tpu.memory_space<vmem>>, vector<16xf32>,
      tpu.vector_store %arg7[%parallel_loop3A_721, %parallel_loop3A_722], %parallel_loop3A_718 {strides = array<i32>} : memref<512x64xf32, #tpu.memory_space<vmem>>, vector<16xf32>,
      %parallel_loop3A_724 = arith.constant 14 : i32
      %parallel_loop3A_725 = vector.broadcast %parallel_loop3A_724 : i32 to vector<16x1xi32>
      %parallel_loop3A_726 = vector.shape_cast %parallel_loop3A_725 : vector<16x1xi32> to vector<16xi32>
      %parallel_loop3A_727 = tpu.dynamic_gather %parallel_loop3A_91[%parallel_loop3A_726] in [0] : vector<16xi32>, vector<16xi32> -> vector<16xi32>
      %parallel_loop3A_728 = tpu.vector_load_idx %arg6[%parallel_loop3A_727, %add3A_7] : memref<48x128xf32, #tpu.memory_space<vmem>>[vector<16xi32>, vector<16xi32>], vector<16xf32>,
      %parallel_loop3A_729 = arith.constant 14 : i32
      %parallel_loop3A_730 = arith.addi %parallel_loop3A_64, %parallel_loop3A_729 : i32
      %parallel_loop3A_731 = arith.index_cast %parallel_loop3A_730 : i32 to index
      %parallel_loop3A_732 = arith.constant 0 : index
      %parallel_loop3A_733 = tpu.vector_load %arg7[%parallel_loop3A_731, %parallel_loop3A_732] {strides = array<i32>} : memref<512x64xf32, #tpu.memory_space<vmem>>, vector<16xf32>,
      tpu.vector_store %arg7[%parallel_loop3A_731, %parallel_loop3A_732], %parallel_loop3A_728 {strides = array<i32>} : memref<512x64xf32, #tpu.memory_space<vmem>>, vector<16xf32>,
      %parallel_loop3A_734 = arith.constant 14 : i32
      %parallel_loop3A_735 = vector.broadcast %parallel_loop3A_734 : i32 to vector<16x1xi32>
      %parallel_loop3A_736 = vector.shape_cast %parallel_loop3A_735 : vector<16x1xi32> to vector<16xi32>
      %parallel_loop3A_737 = tpu.dynamic_gather %parallel_loop3A_115[%parallel_loop3A_736] in [0] : vector<16xi32>, vector<16xi32> -> vector<16xi32>
      %parallel_loop3A_738 = tpu.vector_load_idx %arg6[%parallel_loop3A_737, %add3A_10] : memref<48x128xf32, #tpu.memory_space<vmem>>[vector<16xi32>, vector<16xi32>], vector<16xf32>,
      %parallel_loop3A_739 = arith.constant 14 : i32
      %parallel_loop3A_740 = arith.addi %parallel_loop3A_64, %parallel_loop3A_739 : i32
      %parallel_loop3A_741 = arith.index_cast %parallel_loop3A_740 : i32 to index
      %parallel_loop3A_742 = arith.constant 16 : index
      %parallel_loop3A_743 = tpu.vector_load %arg7[%parallel_loop3A_741, %parallel_loop3A_742] {strides = array<i32>} : memref<512x64xf32, #tpu.memory_space<vmem>>, vector<16xf32>,
      tpu.vector_store %arg7[%parallel_loop3A_741, %parallel_loop3A_742], %parallel_loop3A_738 {strides = array<i32>} : memref<512x64xf32, #tpu.memory_space<vmem>>, vector<16xf32>,
      %parallel_loop3A_744 = arith.constant 14 : i32
      %parallel_loop3A_745 = vector.broadcast %parallel_loop3A_744 : i32 to vector<16x1xi32>
      %parallel_loop3A_746 = vector.shape_cast %parallel_loop3A_745 : vector<16x1xi32> to vector<16xi32>
      %parallel_loop3A_747 = tpu.dynamic_gather %parallel_loop3A_139[%parallel_loop3A_746] in [0] : vector<16xi32>, vector<16xi32> -> vector<16xi32>
      %parallel_loop3A_748 = tpu.vector_load_idx %arg6[%parallel_loop3A_747, %add3A_13] : memref<48x128xf32, #tpu.memory_space<vmem>>[vector<16xi32>, vector<16xi32>], vector<16xf32>,
      %parallel_loop3A_749 = arith.constant 14 : i32
      %parallel_loop3A_750 = arith.addi %parallel_loop3A_64, %parallel_loop3A_749 : i32
      %parallel_loop3A_751 = arith.index_cast %parallel_loop3A_750 : i32 to index
      %parallel_loop3A_752 = arith.constant 32 : index
      %parallel_loop3A_753 = tpu.vector_load %arg7[%parallel_loop3A_751, %parallel_loop3A_752] {strides = array<i32>} : memref<512x64xf32, #tpu.memory_space<vmem>>, vector<16xf32>,
      tpu.vector_store %arg7[%parallel_loop3A_751, %parallel_loop3A_752], %parallel_loop3A_748 {strides = array<i32>} : memref<512x64xf32, #tpu.memory_space<vmem>>, vector<16xf32>,
      %parallel_loop3A_754 = arith.constant 14 : i32
      %parallel_loop3A_755 = vector.broadcast %parallel_loop3A_754 : i32 to vector<16x1xi32>
      %parallel_loop3A_756 = vector.shape_cast %parallel_loop3A_755 : vector<16x1xi32> to vector<16xi32>
      %parallel_loop3A_757 = tpu.dynamic_gather %parallel_loop3A_163[%parallel_loop3A_756] in [0] : vector<16xi32>, vector<16xi32> -> vector<16xi32>
      %parallel_loop3A_758 = tpu.vector_load_idx %arg6[%parallel_loop3A_757, %add3A_16] : memref<48x128xf32, #tpu.memory_space<vmem>>[vector<16xi32>, vector<16xi32>], vector<16xf32>,
      %parallel_loop3A_759 = arith.constant 14 : i32
      %parallel_loop3A_760 = arith.addi %parallel_loop3A_64, %parallel_loop3A_759 : i32
      %parallel_loop3A_761 = arith.index_cast %parallel_loop3A_760 : i32 to index
      %parallel_loop3A_762 = arith.constant 48 : index
      %parallel_loop3A_763 = tpu.vector_load %arg7[%parallel_loop3A_761, %parallel_loop3A_762] {strides = array<i32>} : memref<512x64xf32, #tpu.memory_space<vmem>>, vector<16xf32>,
      tpu.vector_store %arg7[%parallel_loop3A_761, %parallel_loop3A_762], %parallel_loop3A_758 {strides = array<i32>} : memref<512x64xf32, #tpu.memory_space<vmem>>, vector<16xf32>,
      %parallel_loop3A_764 = arith.constant 15 : i32
      %parallel_loop3A_765 = vector.broadcast %parallel_loop3A_764 : i32 to vector<16x1xi32>
      %parallel_loop3A_766 = vector.shape_cast %parallel_loop3A_765 : vector<16x1xi32> to vector<16xi32>
      %parallel_loop3A_767 = tpu.dynamic_gather %parallel_loop3A_91[%parallel_loop3A_766] in [0] : vector<16xi32>, vector<16xi32> -> vector<16xi32>
      %parallel_loop3A_768 = tpu.vector_load_idx %arg6[%parallel_loop3A_767, %add3A_7] : memref<48x128xf32, #tpu.memory_space<vmem>>[vector<16xi32>, vector<16xi32>], vector<16xf32>,
      %parallel_loop3A_769 = arith.constant 15 : i32
      %parallel_loop3A_770 = arith.addi %parallel_loop3A_64, %parallel_loop3A_769 : i32
      %parallel_loop3A_771 = arith.index_cast %parallel_loop3A_770 : i32 to index
      %parallel_loop3A_772 = arith.constant 0 : index
      %parallel_loop3A_773 = tpu.vector_load %arg7[%parallel_loop3A_771, %parallel_loop3A_772] {strides = array<i32>} : memref<512x64xf32, #tpu.memory_space<vmem>>, vector<16xf32>,
      tpu.vector_store %arg7[%parallel_loop3A_771, %parallel_loop3A_772], %parallel_loop3A_768 {strides = array<i32>} : memref<512x64xf32, #tpu.memory_space<vmem>>, vector<16xf32>,
      %parallel_loop3A_774 = arith.constant 15 : i32
      %parallel_loop3A_775 = vector.broadcast %parallel_loop3A_774 : i32 to vector<16x1xi32>
      %parallel_loop3A_776 = vector.shape_cast %parallel_loop3A_775 : vector<16x1xi32> to vector<16xi32>
      %parallel_loop3A_777 = tpu.dynamic_gather %parallel_loop3A_115[%parallel_loop3A_776] in [0] : vector<16xi32>, vector<16xi32> -> vector<16xi32>
      %parallel_loop3A_778 = tpu.vector_load_idx %arg6[%parallel_loop3A_777, %add3A_10] : memref<48x128xf32, #tpu.memory_space<vmem>>[vector<16xi32>, vector<16xi32>], vector<16xf32>,
      %parallel_loop3A_779 = arith.constant 15 : i32
      %parallel_loop3A_780 = arith.addi %parallel_loop3A_64, %parallel_loop3A_779 : i32
      %parallel_loop3A_781 = arith.index_cast %parallel_loop3A_780 : i32 to index
      %parallel_loop3A_782 = arith.constant 16 : index
      %parallel_loop3A_783 = tpu.vector_load %arg7[%parallel_loop3A_781, %parallel_loop3A_782] {strides = array<i32>} : memref<512x64xf32, #tpu.memory_space<vmem>>, vector<16xf32>,
      tpu.vector_store %arg7[%parallel_loop3A_781, %parallel_loop3A_782], %parallel_loop3A_778 {strides = array<i32>} : memref<512x64xf32, #tpu.memory_space<vmem>>, vector<16xf32>,
      %parallel_loop3A_784 = arith.constant 15 : i32
      %parallel_loop3A_785 = vector.broadcast %parallel_loop3A_784 : i32 to vector<16x1xi32>
      %parallel_loop3A_786 = vector.shape_cast %parallel_loop3A_785 : vector<16x1xi32> to vector<16xi32>
      %parallel_loop3A_787 = tpu.dynamic_gather %parallel_loop3A_139[%parallel_loop3A_786] in [0] : vector<16xi32>, vector<16xi32> -> vector<16xi32>
      %parallel_loop3A_788 = tpu.vector_load_idx %arg6[%parallel_loop3A_787, %add3A_13] : memref<48x128xf32, #tpu.memory_space<vmem>>[vector<16xi32>, vector<16xi32>], vector<16xf32>,
      %parallel_loop3A_789 = arith.constant 15 : i32
      %parallel_loop3A_790 = arith.addi %parallel_loop3A_64, %parallel_loop3A_789 : i32
      %parallel_loop3A_791 = arith.index_cast %parallel_loop3A_790 : i32 to index
      %parallel_loop3A_792 = arith.constant 32 : index
      %parallel_loop3A_793 = tpu.vector_load %arg7[%parallel_loop3A_791, %parallel_loop3A_792] {strides = array<i32>} : memref<512x64xf32, #tpu.memory_space<vmem>>, vector<16xf32>,
      tpu.vector_store %arg7[%parallel_loop3A_791, %parallel_loop3A_792], %parallel_loop3A_788 {strides = array<i32>} : memref<512x64xf32, #tpu.memory_space<vmem>>, vector<16xf32>,
      %parallel_loop3A_794 = arith.constant 15 : i32
      %parallel_loop3A_795 = vector.broadcast %parallel_loop3A_794 : i32 to vector<16x1xi32>
      %parallel_loop3A_796 = vector.shape_cast %parallel_loop3A_795 : vector<16x1xi32> to vector<16xi32>
      %parallel_loop3A_797 = tpu.dynamic_gather %parallel_loop3A_163[%parallel_loop3A_796] in [0] : vector<16xi32>, vector<16xi32> -> vector<16xi32>
      %parallel_loop3A_798 = tpu.vector_load_idx %arg6[%parallel_loop3A_797, %add3A_16] : memref<48x128xf32, #tpu.memory_space<vmem>>[vector<16xi32>, vector<16xi32>], vector<16xf32>,
      %parallel_loop3A_799 = arith.constant 15 : i32
      %parallel_loop3A_800 = arith.addi %parallel_loop3A_64, %parallel_loop3A_799 : i32
      %parallel_loop3A_801 = arith.index_cast %parallel_loop3A_800 : i32 to index
      %parallel_loop3A_802 = arith.constant 48 : index
      %parallel_loop3A_803 = tpu.vector_load %arg7[%parallel_loop3A_801, %parallel_loop3A_802] {strides = array<i32>} : memref<512x64xf32, #tpu.memory_space<vmem>>, vector<16xf32>,
      tpu.vector_store %arg7[%parallel_loop3A_801, %parallel_loop3A_802], %parallel_loop3A_798 {strides = array<i32>} : memref<512x64xf32, #tpu.memory_space<vmem>>, vector<16xf32>,
    } {sc.loop_unroll_factor = 4 : i64, sc.parallel_access}
    %dma_start3A_19 = arith.constant 0 : i32
    %dma_start3A_20 = arith.constant 0 : i32
    %dma_start3A_21 = tpu.memref_slice %arg7[%dma_start3A_19, %dma_start3A_20] : memref<512x64xf32, #tpu.memory_space<vmem>> -> memref<256x64xf32, #tpu.memory_space<vmem>>
    %dma_start3A_22 = arith.constant 0 : i32
    %dma_start3A_23 = tpu.memref_slice %arg4[%mul3A_2, %dma_start3A_22] : memref<16384x64xf32, #tpu.memory_space<hbm>> -> memref<256x64xf32, #tpu.memory_space<hbm>>
    %dma_start3A_24 = arith.constant 0 : i32
    %dma_start3A_25 = tpu.memref_slice %arg4[%mul3A_2, %dma_start3A_24] : memref<16384x64xf32, #tpu.memory_space<hbm>> -> memref<256x64xf32, #tpu.memory_space<hbm>>
    %dma_start3A_26 = arith.constant 0 : i32
    %dma_start3A_27 = arith.constant 0 : i32
    %dma_start3A_28 = tpu.memref_slice %arg7[%dma_start3A_26, %dma_start3A_27] : memref<512x64xf32, #tpu.memory_space<vmem>> -> memref<256x64xf32, #tpu.memory_space<vmem>>
    tpu.enqueue_dma source(%dma_start3A_28 : memref<256x64xf32, #tpu.memory_space<vmem>>) target(%dma_start3A_25 : memref<256x64xf32, #tpu.memory_space<hbm>>) target_semaphore(%arg8 : memref<!tpu.dma_semaphore, #tpu.memory_space<semaphore_mem>>)
    %parallel_loop3A_29 = arith.constant 256 : i32
    %parallel_loop3A_30 = arith.constant 512 : i32
    %parallel_loop3A_31 = arith.constant 16 : i32
    scf.for %parallel_loop3A_64 = %parallel_loop3A_29 to %parallel_loop3A_30 step %parallel_loop3A_31  : i32 {
      %parallel_loop3A_65 = arith.index_cast %parallel_loop3A_64 : i32 to index
      %parallel_loop3A_66 = tpu.vector_load %arg5[%parallel_loop3A_65] {strides = array<i32>} : memref<512xi32, #tpu.memory_space<vmem>>, vector<16xi32>,
      %parallel_loop3A_67 = arith.sitofp %parallel_loop3A_66 : vector<16xi32> to vector<16xf32>
      %parallel_loop3A_68 = arith.constant 0.024390243 : f32
      %parallel_loop3A_69 = vector.broadcast %parallel_loop3A_68 : f32 to vector<16xf32>
      %parallel_loop3A_70 = arith.mulf %parallel_loop3A_67, %parallel_loop3A_69 : vector<16xf32>
      %parallel_loop3A_71 = arith.fptosi %parallel_loop3A_70 : vector<16xf32> to vector<16xi32>
      %parallel_loop3A_72 = arith.sitofp %parallel_loop3A_71 : vector<16xi32> to vector<16xf32>
      %parallel_loop3A_73 = arith.constant 4.100000e+01 : f32
      %parallel_loop3A_74 = vector.broadcast %parallel_loop3A_73 : f32 to vector<16xf32>
      %parallel_loop3A_75 = arith.mulf %parallel_loop3A_72, %parallel_loop3A_74 : vector<16xf32>
      %parallel_loop3A_76 = arith.subf %parallel_loop3A_67, %parallel_loop3A_75 : vector<16xf32>
      %parallel_loop3A_77 = arith.constant 0.000000e+00 : f32
      %parallel_loop3A_78 = vector.broadcast %parallel_loop3A_77 : f32 to vector<16xf32>
      %parallel_loop3A_79 = arith.cmpf olt, %parallel_loop3A_76, %parallel_loop3A_78 : vector<16xf32>
      %parallel_loop3A_80 = arith.constant 4.100000e+01 : f32
      %parallel_loop3A_81 = vector.broadcast %parallel_loop3A_80 : f32 to vector<16xf32>
      %parallel_loop3A_82 = arith.addf %parallel_loop3A_76, %parallel_loop3A_81 : vector<16xf32>
      %parallel_loop3A_83 = arith.select %parallel_loop3A_79, %parallel_loop3A_82, %parallel_loop3A_76 : vector<16xi1>, vector<16xf32>
      %parallel_loop3A_84 = arith.constant 4.100000e+01 : f32
      %parallel_loop3A_85 = vector.broadcast %parallel_loop3A_84 : f32 to vector<16xf32>
      %parallel_loop3A_86 = arith.cmpf oge, %parallel_loop3A_83, %parallel_loop3A_85 : vector<16xf32>
      %parallel_loop3A_87 = arith.constant 4.100000e+01 : f32
      %parallel_loop3A_88 = vector.broadcast %parallel_loop3A_87 : f32 to vector<16xf32>
      %parallel_loop3A_89 = arith.subf %parallel_loop3A_83, %parallel_loop3A_88 : vector<16xf32>
      %parallel_loop3A_90 = arith.select %parallel_loop3A_86, %parallel_loop3A_89, %parallel_loop3A_83 : vector<16xi1>, vector<16xf32>
      %parallel_loop3A_91 = arith.fptosi %parallel_loop3A_90 : vector<16xf32> to vector<16xi32>
      %parallel_loop3A_92 = arith.constant 0.0270270277 : f32
      %parallel_loop3A_93 = vector.broadcast %parallel_loop3A_92 : f32 to vector<16xf32>
      %parallel_loop3A_94 = arith.mulf %parallel_loop3A_67, %parallel_loop3A_93 : vector<16xf32>
      %parallel_loop3A_95 = arith.fptosi %parallel_loop3A_94 : vector<16xf32> to vector<16xi32>
      %parallel_loop3A_96 = arith.sitofp %parallel_loop3A_95 : vector<16xi32> to vector<16xf32>
      %parallel_loop3A_97 = arith.constant 3.700000e+01 : f32
      %parallel_loop3A_98 = vector.broadcast %parallel_loop3A_97 : f32 to vector<16xf32>
      %parallel_loop3A_99 = arith.mulf %parallel_loop3A_96, %parallel_loop3A_98 : vector<16xf32>
      %parallel_loop3A_100 = arith.subf %parallel_loop3A_67, %parallel_loop3A_99 : vector<16xf32>
      %parallel_loop3A_101 = arith.constant 0.000000e+00 : f32
      %parallel_loop3A_102 = vector.broadcast %parallel_loop3A_101 : f32 to vector<16xf32>
      %parallel_loop3A_103 = arith.cmpf olt, %parallel_loop3A_100, %parallel_loop3A_102 : vector<16xf32>
      %parallel_loop3A_104 = arith.constant 3.700000e+01 : f32
      %parallel_loop3A_105 = vector.broadcast %parallel_loop3A_104 : f32 to vector<16xf32>
      %parallel_loop3A_106 = arith.addf %parallel_loop3A_100, %parallel_loop3A_105 : vector<16xf32>
      %parallel_loop3A_107 = arith.select %parallel_loop3A_103, %parallel_loop3A_106, %parallel_loop3A_100 : vector<16xi1>, vector<16xf32>
      %parallel_loop3A_108 = arith.constant 3.700000e+01 : f32
      %parallel_loop3A_109 = vector.broadcast %parallel_loop3A_108 : f32 to vector<16xf32>
      %parallel_loop3A_110 = arith.cmpf oge, %parallel_loop3A_107, %parallel_loop3A_109 : vector<16xf32>
      %parallel_loop3A_111 = arith.constant 3.700000e+01 : f32
      %parallel_loop3A_112 = vector.broadcast %parallel_loop3A_111 : f32 to vector<16xf32>
      %parallel_loop3A_113 = arith.subf %parallel_loop3A_107, %parallel_loop3A_112 : vector<16xf32>
      %parallel_loop3A_114 = arith.select %parallel_loop3A_110, %parallel_loop3A_113, %parallel_loop3A_107 : vector<16xi1>, vector<16xf32>
      %parallel_loop3A_115 = arith.fptosi %parallel_loop3A_114 : vector<16xf32> to vector<16xi32>
      %parallel_loop3A_116 = arith.constant 0.0322580636 : f32
      %parallel_loop3A_117 = vector.broadcast %parallel_loop3A_116 : f32 to vector<16xf32>
      %parallel_loop3A_118 = arith.mulf %parallel_loop3A_67, %parallel_loop3A_117 : vector<16xf32>
      %parallel_loop3A_119 = arith.fptosi %parallel_loop3A_118 : vector<16xf32> to vector<16xi32>
      %parallel_loop3A_120 = arith.sitofp %parallel_loop3A_119 : vector<16xi32> to vector<16xf32>
      %parallel_loop3A_121 = arith.constant 3.100000e+01 : f32
      %parallel_loop3A_122 = vector.broadcast %parallel_loop3A_121 : f32 to vector<16xf32>
      %parallel_loop3A_123 = arith.mulf %parallel_loop3A_120, %parallel_loop3A_122 : vector<16xf32>
      %parallel_loop3A_124 = arith.subf %parallel_loop3A_67, %parallel_loop3A_123 : vector<16xf32>
      %parallel_loop3A_125 = arith.constant 0.000000e+00 : f32
      %parallel_loop3A_126 = vector.broadcast %parallel_loop3A_125 : f32 to vector<16xf32>
      %parallel_loop3A_127 = arith.cmpf olt, %parallel_loop3A_124, %parallel_loop3A_126 : vector<16xf32>
      %parallel_loop3A_128 = arith.constant 3.100000e+01 : f32
      %parallel_loop3A_129 = vector.broadcast %parallel_loop3A_128 : f32 to vector<16xf32>
      %parallel_loop3A_130 = arith.addf %parallel_loop3A_124, %parallel_loop3A_129 : vector<16xf32>
      %parallel_loop3A_131 = arith.select %parallel_loop3A_127, %parallel_loop3A_130, %parallel_loop3A_124 : vector<16xi1>, vector<16xf32>
      %parallel_loop3A_132 = arith.constant 3.100000e+01 : f32
      %parallel_loop3A_133 = vector.broadcast %parallel_loop3A_132 : f32 to vector<16xf32>
      %parallel_loop3A_134 = arith.cmpf oge, %parallel_loop3A_131, %parallel_loop3A_133 : vector<16xf32>
      %parallel_loop3A_135 = arith.constant 3.100000e+01 : f32
      %parallel_loop3A_136 = vector.broadcast %parallel_loop3A_135 : f32 to vector<16xf32>
      %parallel_loop3A_137 = arith.subf %parallel_loop3A_131, %parallel_loop3A_136 : vector<16xf32>
      %parallel_loop3A_138 = arith.select %parallel_loop3A_134, %parallel_loop3A_137, %parallel_loop3A_131 : vector<16xi1>, vector<16xf32>
      %parallel_loop3A_139 = arith.fptosi %parallel_loop3A_138 : vector<16xf32> to vector<16xi32>
      %parallel_loop3A_140 = arith.constant 0.0434782617 : f32
      %parallel_loop3A_141 = vector.broadcast %parallel_loop3A_140 : f32 to vector<16xf32>
      %parallel_loop3A_142 = arith.mulf %parallel_loop3A_67, %parallel_loop3A_141 : vector<16xf32>
      %parallel_loop3A_143 = arith.fptosi %parallel_loop3A_142 : vector<16xf32> to vector<16xi32>
      %parallel_loop3A_144 = arith.sitofp %parallel_loop3A_143 : vector<16xi32> to vector<16xf32>
      %parallel_loop3A_145 = arith.constant 2.300000e+01 : f32
      %parallel_loop3A_146 = vector.broadcast %parallel_loop3A_145 : f32 to vector<16xf32>
      %parallel_loop3A_147 = arith.mulf %parallel_loop3A_144, %parallel_loop3A_146 : vector<16xf32>
      %parallel_loop3A_148 = arith.subf %parallel_loop3A_67, %parallel_loop3A_147 : vector<16xf32>
      %parallel_loop3A_149 = arith.constant 0.000000e+00 : f32
      %parallel_loop3A_150 = vector.broadcast %parallel_loop3A_149 : f32 to vector<16xf32>
      %parallel_loop3A_151 = arith.cmpf olt, %parallel_loop3A_148, %parallel_loop3A_150 : vector<16xf32>
      %parallel_loop3A_152 = arith.constant 2.300000e+01 : f32
      %parallel_loop3A_153 = vector.broadcast %parallel_loop3A_152 : f32 to vector<16xf32>
      %parallel_loop3A_154 = arith.addf %parallel_loop3A_148, %parallel_loop3A_153 : vector<16xf32>
      %parallel_loop3A_155 = arith.select %parallel_loop3A_151, %parallel_loop3A_154, %parallel_loop3A_148 : vector<16xi1>, vector<16xf32>
      %parallel_loop3A_156 = arith.constant 2.300000e+01 : f32
      %parallel_loop3A_157 = vector.broadcast %parallel_loop3A_156 : f32 to vector<16xf32>
      %parallel_loop3A_158 = arith.cmpf oge, %parallel_loop3A_155, %parallel_loop3A_157 : vector<16xf32>
      %parallel_loop3A_159 = arith.constant 2.300000e+01 : f32
      %parallel_loop3A_160 = vector.broadcast %parallel_loop3A_159 : f32 to vector<16xf32>
      %parallel_loop3A_161 = arith.subf %parallel_loop3A_155, %parallel_loop3A_160 : vector<16xf32>
      %parallel_loop3A_162 = arith.select %parallel_loop3A_158, %parallel_loop3A_161, %parallel_loop3A_155 : vector<16xi1>, vector<16xf32>
      %parallel_loop3A_163 = arith.fptosi %parallel_loop3A_162 : vector<16xf32> to vector<16xi32>
      %parallel_loop3A_164 = arith.constant 0 : i32
      %parallel_loop3A_165 = vector.broadcast %parallel_loop3A_164 : i32 to vector<16x1xi32>
      %parallel_loop3A_166 = vector.shape_cast %parallel_loop3A_165 : vector<16x1xi32> to vector<16xi32>
      %parallel_loop3A_167 = tpu.dynamic_gather %parallel_loop3A_91[%parallel_loop3A_166] in [0] : vector<16xi32>, vector<16xi32> -> vector<16xi32>
      %parallel_loop3A_168 = tpu.vector_load_idx %arg6[%parallel_loop3A_167, %add3A_7] : memref<48x128xf32, #tpu.memory_space<vmem>>[vector<16xi32>, vector<16xi32>], vector<16xf32>,
      %parallel_loop3A_169 = arith.constant 0 : i32
      %parallel_loop3A_170 = arith.addi %parallel_loop3A_64, %parallel_loop3A_169 : i32
      %parallel_loop3A_171 = arith.index_cast %parallel_loop3A_170 : i32 to index
      %parallel_loop3A_172 = arith.constant 0 : index
      %parallel_loop3A_173 = tpu.vector_load %arg7[%parallel_loop3A_171, %parallel_loop3A_172] {strides = array<i32>} : memref<512x64xf32, #tpu.memory_space<vmem>>, vector<16xf32>,
      tpu.vector_store %arg7[%parallel_loop3A_171, %parallel_loop3A_172], %parallel_loop3A_168 {strides = array<i32>} : memref<512x64xf32, #tpu.memory_space<vmem>>, vector<16xf32>,
      %parallel_loop3A_174 = arith.constant 0 : i32
      %parallel_loop3A_175 = vector.broadcast %parallel_loop3A_174 : i32 to vector<16x1xi32>
      %parallel_loop3A_176 = vector.shape_cast %parallel_loop3A_175 : vector<16x1xi32> to vector<16xi32>
      %parallel_loop3A_177 = tpu.dynamic_gather %parallel_loop3A_115[%parallel_loop3A_176] in [0] : vector<16xi32>, vector<16xi32> -> vector<16xi32>
      %parallel_loop3A_178 = tpu.vector_load_idx %arg6[%parallel_loop3A_177, %add3A_10] : memref<48x128xf32, #tpu.memory_space<vmem>>[vector<16xi32>, vector<16xi32>], vector<16xf32>,
      %parallel_loop3A_179 = arith.constant 0 : i32
      %parallel_loop3A_180 = arith.addi %parallel_loop3A_64, %parallel_loop3A_179 : i32
      %parallel_loop3A_181 = arith.index_cast %parallel_loop3A_180 : i32 to index
      %parallel_loop3A_182 = arith.constant 16 : index
      %parallel_loop3A_183 = tpu.vector_load %arg7[%parallel_loop3A_181, %parallel_loop3A_182] {strides = array<i32>} : memref<512x64xf32, #tpu.memory_space<vmem>>, vector<16xf32>,
      tpu.vector_store %arg7[%parallel_loop3A_181, %parallel_loop3A_182], %parallel_loop3A_178 {strides = array<i32>} : memref<512x64xf32, #tpu.memory_space<vmem>>, vector<16xf32>,
      %parallel_loop3A_184 = arith.constant 0 : i32
      %parallel_loop3A_185 = vector.broadcast %parallel_loop3A_184 : i32 to vector<16x1xi32>
      %parallel_loop3A_186 = vector.shape_cast %parallel_loop3A_185 : vector<16x1xi32> to vector<16xi32>
      %parallel_loop3A_187 = tpu.dynamic_gather %parallel_loop3A_139[%parallel_loop3A_186] in [0] : vector<16xi32>, vector<16xi32> -> vector<16xi32>
      %parallel_loop3A_188 = tpu.vector_load_idx %arg6[%parallel_loop3A_187, %add3A_13] : memref<48x128xf32, #tpu.memory_space<vmem>>[vector<16xi32>, vector<16xi32>], vector<16xf32>,
      %parallel_loop3A_189 = arith.constant 0 : i32
      %parallel_loop3A_190 = arith.addi %parallel_loop3A_64, %parallel_loop3A_189 : i32
      %parallel_loop3A_191 = arith.index_cast %parallel_loop3A_190 : i32 to index
      %parallel_loop3A_192 = arith.constant 32 : index
      %parallel_loop3A_193 = tpu.vector_load %arg7[%parallel_loop3A_191, %parallel_loop3A_192] {strides = array<i32>} : memref<512x64xf32, #tpu.memory_space<vmem>>, vector<16xf32>,
      tpu.vector_store %arg7[%parallel_loop3A_191, %parallel_loop3A_192], %parallel_loop3A_188 {strides = array<i32>} : memref<512x64xf32, #tpu.memory_space<vmem>>, vector<16xf32>,
      %parallel_loop3A_194 = arith.constant 0 : i32
      %parallel_loop3A_195 = vector.broadcast %parallel_loop3A_194 : i32 to vector<16x1xi32>
      %parallel_loop3A_196 = vector.shape_cast %parallel_loop3A_195 : vector<16x1xi32> to vector<16xi32>
      %parallel_loop3A_197 = tpu.dynamic_gather %parallel_loop3A_163[%parallel_loop3A_196] in [0] : vector<16xi32>, vector<16xi32> -> vector<16xi32>
      %parallel_loop3A_198 = tpu.vector_load_idx %arg6[%parallel_loop3A_197, %add3A_16] : memref<48x128xf32, #tpu.memory_space<vmem>>[vector<16xi32>, vector<16xi32>], vector<16xf32>,
      %parallel_loop3A_199 = arith.constant 0 : i32
      %parallel_loop3A_200 = arith.addi %parallel_loop3A_64, %parallel_loop3A_199 : i32
      %parallel_loop3A_201 = arith.index_cast %parallel_loop3A_200 : i32 to index
      %parallel_loop3A_202 = arith.constant 48 : index
      %parallel_loop3A_203 = tpu.vector_load %arg7[%parallel_loop3A_201, %parallel_loop3A_202] {strides = array<i32>} : memref<512x64xf32, #tpu.memory_space<vmem>>, vector<16xf32>,
      tpu.vector_store %arg7[%parallel_loop3A_201, %parallel_loop3A_202], %parallel_loop3A_198 {strides = array<i32>} : memref<512x64xf32, #tpu.memory_space<vmem>>, vector<16xf32>,
      %parallel_loop3A_204 = arith.constant 1 : i32
      %parallel_loop3A_205 = vector.broadcast %parallel_loop3A_204 : i32 to vector<16x1xi32>
      %parallel_loop3A_206 = vector.shape_cast %parallel_loop3A_205 : vector<16x1xi32> to vector<16xi32>
      %parallel_loop3A_207 = tpu.dynamic_gather %parallel_loop3A_91[%parallel_loop3A_206] in [0] : vector<16xi32>, vector<16xi32> -> vector<16xi32>
      %parallel_loop3A_208 = tpu.vector_load_idx %arg6[%parallel_loop3A_207, %add3A_7] : memref<48x128xf32, #tpu.memory_space<vmem>>[vector<16xi32>, vector<16xi32>], vector<16xf32>,
      %parallel_loop3A_209 = arith.constant 1 : i32
      %parallel_loop3A_210 = arith.addi %parallel_loop3A_64, %parallel_loop3A_209 : i32
      %parallel_loop3A_211 = arith.index_cast %parallel_loop3A_210 : i32 to index
      %parallel_loop3A_212 = arith.constant 0 : index
      %parallel_loop3A_213 = tpu.vector_load %arg7[%parallel_loop3A_211, %parallel_loop3A_212] {strides = array<i32>} : memref<512x64xf32, #tpu.memory_space<vmem>>, vector<16xf32>,
      tpu.vector_store %arg7[%parallel_loop3A_211, %parallel_loop3A_212], %parallel_loop3A_208 {strides = array<i32>} : memref<512x64xf32, #tpu.memory_space<vmem>>, vector<16xf32>,
      %parallel_loop3A_214 = arith.constant 1 : i32
      %parallel_loop3A_215 = vector.broadcast %parallel_loop3A_214 : i32 to vector<16x1xi32>
      %parallel_loop3A_216 = vector.shape_cast %parallel_loop3A_215 : vector<16x1xi32> to vector<16xi32>
      %parallel_loop3A_217 = tpu.dynamic_gather %parallel_loop3A_115[%parallel_loop3A_216] in [0] : vector<16xi32>, vector<16xi32> -> vector<16xi32>
      %parallel_loop3A_218 = tpu.vector_load_idx %arg6[%parallel_loop3A_217, %add3A_10] : memref<48x128xf32, #tpu.memory_space<vmem>>[vector<16xi32>, vector<16xi32>], vector<16xf32>,
      %parallel_loop3A_219 = arith.constant 1 : i32
      %parallel_loop3A_220 = arith.addi %parallel_loop3A_64, %parallel_loop3A_219 : i32
      %parallel_loop3A_221 = arith.index_cast %parallel_loop3A_220 : i32 to index
      %parallel_loop3A_222 = arith.constant 16 : index
      %parallel_loop3A_223 = tpu.vector_load %arg7[%parallel_loop3A_221, %parallel_loop3A_222] {strides = array<i32>} : memref<512x64xf32, #tpu.memory_space<vmem>>, vector<16xf32>,
      tpu.vector_store %arg7[%parallel_loop3A_221, %parallel_loop3A_222], %parallel_loop3A_218 {strides = array<i32>} : memref<512x64xf32, #tpu.memory_space<vmem>>, vector<16xf32>,
      %parallel_loop3A_224 = arith.constant 1 : i32
      %parallel_loop3A_225 = vector.broadcast %parallel_loop3A_224 : i32 to vector<16x1xi32>
      %parallel_loop3A_226 = vector.shape_cast %parallel_loop3A_225 : vector<16x1xi32> to vector<16xi32>
      %parallel_loop3A_227 = tpu.dynamic_gather %parallel_loop3A_139[%parallel_loop3A_226] in [0] : vector<16xi32>, vector<16xi32> -> vector<16xi32>
      %parallel_loop3A_228 = tpu.vector_load_idx %arg6[%parallel_loop3A_227, %add3A_13] : memref<48x128xf32, #tpu.memory_space<vmem>>[vector<16xi32>, vector<16xi32>], vector<16xf32>,
      %parallel_loop3A_229 = arith.constant 1 : i32
      %parallel_loop3A_230 = arith.addi %parallel_loop3A_64, %parallel_loop3A_229 : i32
      %parallel_loop3A_231 = arith.index_cast %parallel_loop3A_230 : i32 to index
      %parallel_loop3A_232 = arith.constant 32 : index
      %parallel_loop3A_233 = tpu.vector_load %arg7[%parallel_loop3A_231, %parallel_loop3A_232] {strides = array<i32>} : memref<512x64xf32, #tpu.memory_space<vmem>>, vector<16xf32>,
      tpu.vector_store %arg7[%parallel_loop3A_231, %parallel_loop3A_232], %parallel_loop3A_228 {strides = array<i32>} : memref<512x64xf32, #tpu.memory_space<vmem>>, vector<16xf32>,
      %parallel_loop3A_234 = arith.constant 1 : i32
      %parallel_loop3A_235 = vector.broadcast %parallel_loop3A_234 : i32 to vector<16x1xi32>
      %parallel_loop3A_236 = vector.shape_cast %parallel_loop3A_235 : vector<16x1xi32> to vector<16xi32>
      %parallel_loop3A_237 = tpu.dynamic_gather %parallel_loop3A_163[%parallel_loop3A_236] in [0] : vector<16xi32>, vector<16xi32> -> vector<16xi32>
      %parallel_loop3A_238 = tpu.vector_load_idx %arg6[%parallel_loop3A_237, %add3A_16] : memref<48x128xf32, #tpu.memory_space<vmem>>[vector<16xi32>, vector<16xi32>], vector<16xf32>,
      %parallel_loop3A_239 = arith.constant 1 : i32
      %parallel_loop3A_240 = arith.addi %parallel_loop3A_64, %parallel_loop3A_239 : i32
      %parallel_loop3A_241 = arith.index_cast %parallel_loop3A_240 : i32 to index
      %parallel_loop3A_242 = arith.constant 48 : index
      %parallel_loop3A_243 = tpu.vector_load %arg7[%parallel_loop3A_241, %parallel_loop3A_242] {strides = array<i32>} : memref<512x64xf32, #tpu.memory_space<vmem>>, vector<16xf32>,
      tpu.vector_store %arg7[%parallel_loop3A_241, %parallel_loop3A_242], %parallel_loop3A_238 {strides = array<i32>} : memref<512x64xf32, #tpu.memory_space<vmem>>, vector<16xf32>,
      %parallel_loop3A_244 = arith.constant 2 : i32
      %parallel_loop3A_245 = vector.broadcast %parallel_loop3A_244 : i32 to vector<16x1xi32>
      %parallel_loop3A_246 = vector.shape_cast %parallel_loop3A_245 : vector<16x1xi32> to vector<16xi32>
      %parallel_loop3A_247 = tpu.dynamic_gather %parallel_loop3A_91[%parallel_loop3A_246] in [0] : vector<16xi32>, vector<16xi32> -> vector<16xi32>
      %parallel_loop3A_248 = tpu.vector_load_idx %arg6[%parallel_loop3A_247, %add3A_7] : memref<48x128xf32, #tpu.memory_space<vmem>>[vector<16xi32>, vector<16xi32>], vector<16xf32>,
      %parallel_loop3A_249 = arith.constant 2 : i32
      %parallel_loop3A_250 = arith.addi %parallel_loop3A_64, %parallel_loop3A_249 : i32
      %parallel_loop3A_251 = arith.index_cast %parallel_loop3A_250 : i32 to index
      %parallel_loop3A_252 = arith.constant 0 : index
      %parallel_loop3A_253 = tpu.vector_load %arg7[%parallel_loop3A_251, %parallel_loop3A_252] {strides = array<i32>} : memref<512x64xf32, #tpu.memory_space<vmem>>, vector<16xf32>,
      tpu.vector_store %arg7[%parallel_loop3A_251, %parallel_loop3A_252], %parallel_loop3A_248 {strides = array<i32>} : memref<512x64xf32, #tpu.memory_space<vmem>>, vector<16xf32>,
      %parallel_loop3A_254 = arith.constant 2 : i32
      %parallel_loop3A_255 = vector.broadcast %parallel_loop3A_254 : i32 to vector<16x1xi32>
      %parallel_loop3A_256 = vector.shape_cast %parallel_loop3A_255 : vector<16x1xi32> to vector<16xi32>
      %parallel_loop3A_257 = tpu.dynamic_gather %parallel_loop3A_115[%parallel_loop3A_256] in [0] : vector<16xi32>, vector<16xi32> -> vector<16xi32>
      %parallel_loop3A_258 = tpu.vector_load_idx %arg6[%parallel_loop3A_257, %add3A_10] : memref<48x128xf32, #tpu.memory_space<vmem>>[vector<16xi32>, vector<16xi32>], vector<16xf32>,
      %parallel_loop3A_259 = arith.constant 2 : i32
      %parallel_loop3A_260 = arith.addi %parallel_loop3A_64, %parallel_loop3A_259 : i32
      %parallel_loop3A_261 = arith.index_cast %parallel_loop3A_260 : i32 to index
      %parallel_loop3A_262 = arith.constant 16 : index
      %parallel_loop3A_263 = tpu.vector_load %arg7[%parallel_loop3A_261, %parallel_loop3A_262] {strides = array<i32>} : memref<512x64xf32, #tpu.memory_space<vmem>>, vector<16xf32>,
      tpu.vector_store %arg7[%parallel_loop3A_261, %parallel_loop3A_262], %parallel_loop3A_258 {strides = array<i32>} : memref<512x64xf32, #tpu.memory_space<vmem>>, vector<16xf32>,
      %parallel_loop3A_264 = arith.constant 2 : i32
      %parallel_loop3A_265 = vector.broadcast %parallel_loop3A_264 : i32 to vector<16x1xi32>
      %parallel_loop3A_266 = vector.shape_cast %parallel_loop3A_265 : vector<16x1xi32> to vector<16xi32>
      %parallel_loop3A_267 = tpu.dynamic_gather %parallel_loop3A_139[%parallel_loop3A_266] in [0] : vector<16xi32>, vector<16xi32> -> vector<16xi32>
      %parallel_loop3A_268 = tpu.vector_load_idx %arg6[%parallel_loop3A_267, %add3A_13] : memref<48x128xf32, #tpu.memory_space<vmem>>[vector<16xi32>, vector<16xi32>], vector<16xf32>,
      %parallel_loop3A_269 = arith.constant 2 : i32
      %parallel_loop3A_270 = arith.addi %parallel_loop3A_64, %parallel_loop3A_269 : i32
      %parallel_loop3A_271 = arith.index_cast %parallel_loop3A_270 : i32 to index
      %parallel_loop3A_272 = arith.constant 32 : index
      %parallel_loop3A_273 = tpu.vector_load %arg7[%parallel_loop3A_271, %parallel_loop3A_272] {strides = array<i32>} : memref<512x64xf32, #tpu.memory_space<vmem>>, vector<16xf32>,
      tpu.vector_store %arg7[%parallel_loop3A_271, %parallel_loop3A_272], %parallel_loop3A_268 {strides = array<i32>} : memref<512x64xf32, #tpu.memory_space<vmem>>, vector<16xf32>,
      %parallel_loop3A_274 = arith.constant 2 : i32
      %parallel_loop3A_275 = vector.broadcast %parallel_loop3A_274 : i32 to vector<16x1xi32>
      %parallel_loop3A_276 = vector.shape_cast %parallel_loop3A_275 : vector<16x1xi32> to vector<16xi32>
      %parallel_loop3A_277 = tpu.dynamic_gather %parallel_loop3A_163[%parallel_loop3A_276] in [0] : vector<16xi32>, vector<16xi32> -> vector<16xi32>
      %parallel_loop3A_278 = tpu.vector_load_idx %arg6[%parallel_loop3A_277, %add3A_16] : memref<48x128xf32, #tpu.memory_space<vmem>>[vector<16xi32>, vector<16xi32>], vector<16xf32>,
      %parallel_loop3A_279 = arith.constant 2 : i32
      %parallel_loop3A_280 = arith.addi %parallel_loop3A_64, %parallel_loop3A_279 : i32
      %parallel_loop3A_281 = arith.index_cast %parallel_loop3A_280 : i32 to index
      %parallel_loop3A_282 = arith.constant 48 : index
      %parallel_loop3A_283 = tpu.vector_load %arg7[%parallel_loop3A_281, %parallel_loop3A_282] {strides = array<i32>} : memref<512x64xf32, #tpu.memory_space<vmem>>, vector<16xf32>,
      tpu.vector_store %arg7[%parallel_loop3A_281, %parallel_loop3A_282], %parallel_loop3A_278 {strides = array<i32>} : memref<512x64xf32, #tpu.memory_space<vmem>>, vector<16xf32>,
      %parallel_loop3A_284 = arith.constant 3 : i32
      %parallel_loop3A_285 = vector.broadcast %parallel_loop3A_284 : i32 to vector<16x1xi32>
      %parallel_loop3A_286 = vector.shape_cast %parallel_loop3A_285 : vector<16x1xi32> to vector<16xi32>
      %parallel_loop3A_287 = tpu.dynamic_gather %parallel_loop3A_91[%parallel_loop3A_286] in [0] : vector<16xi32>, vector<16xi32> -> vector<16xi32>
      %parallel_loop3A_288 = tpu.vector_load_idx %arg6[%parallel_loop3A_287, %add3A_7] : memref<48x128xf32, #tpu.memory_space<vmem>>[vector<16xi32>, vector<16xi32>], vector<16xf32>,
      %parallel_loop3A_289 = arith.constant 3 : i32
      %parallel_loop3A_290 = arith.addi %parallel_loop3A_64, %parallel_loop3A_289 : i32
      %parallel_loop3A_291 = arith.index_cast %parallel_loop3A_290 : i32 to index
      %parallel_loop3A_292 = arith.constant 0 : index
      %parallel_loop3A_293 = tpu.vector_load %arg7[%parallel_loop3A_291, %parallel_loop3A_292] {strides = array<i32>} : memref<512x64xf32, #tpu.memory_space<vmem>>, vector<16xf32>,
      tpu.vector_store %arg7[%parallel_loop3A_291, %parallel_loop3A_292], %parallel_loop3A_288 {strides = array<i32>} : memref<512x64xf32, #tpu.memory_space<vmem>>, vector<16xf32>,
      %parallel_loop3A_294 = arith.constant 3 : i32
      %parallel_loop3A_295 = vector.broadcast %parallel_loop3A_294 : i32 to vector<16x1xi32>
      %parallel_loop3A_296 = vector.shape_cast %parallel_loop3A_295 : vector<16x1xi32> to vector<16xi32>
      %parallel_loop3A_297 = tpu.dynamic_gather %parallel_loop3A_115[%parallel_loop3A_296] in [0] : vector<16xi32>, vector<16xi32> -> vector<16xi32>
      %parallel_loop3A_298 = tpu.vector_load_idx %arg6[%parallel_loop3A_297, %add3A_10] : memref<48x128xf32, #tpu.memory_space<vmem>>[vector<16xi32>, vector<16xi32>], vector<16xf32>,
      %parallel_loop3A_299 = arith.constant 3 : i32
      %parallel_loop3A_300 = arith.addi %parallel_loop3A_64, %parallel_loop3A_299 : i32
      %parallel_loop3A_301 = arith.index_cast %parallel_loop3A_300 : i32 to index
      %parallel_loop3A_302 = arith.constant 16 : index
      %parallel_loop3A_303 = tpu.vector_load %arg7[%parallel_loop3A_301, %parallel_loop3A_302] {strides = array<i32>} : memref<512x64xf32, #tpu.memory_space<vmem>>, vector<16xf32>,
      tpu.vector_store %arg7[%parallel_loop3A_301, %parallel_loop3A_302], %parallel_loop3A_298 {strides = array<i32>} : memref<512x64xf32, #tpu.memory_space<vmem>>, vector<16xf32>,
      %parallel_loop3A_304 = arith.constant 3 : i32
      %parallel_loop3A_305 = vector.broadcast %parallel_loop3A_304 : i32 to vector<16x1xi32>
      %parallel_loop3A_306 = vector.shape_cast %parallel_loop3A_305 : vector<16x1xi32> to vector<16xi32>
      %parallel_loop3A_307 = tpu.dynamic_gather %parallel_loop3A_139[%parallel_loop3A_306] in [0] : vector<16xi32>, vector<16xi32> -> vector<16xi32>
      %parallel_loop3A_308 = tpu.vector_load_idx %arg6[%parallel_loop3A_307, %add3A_13] : memref<48x128xf32, #tpu.memory_space<vmem>>[vector<16xi32>, vector<16xi32>], vector<16xf32>,
      %parallel_loop3A_309 = arith.constant 3 : i32
      %parallel_loop3A_310 = arith.addi %parallel_loop3A_64, %parallel_loop3A_309 : i32
      %parallel_loop3A_311 = arith.index_cast %parallel_loop3A_310 : i32 to index
      %parallel_loop3A_312 = arith.constant 32 : index
      %parallel_loop3A_313 = tpu.vector_load %arg7[%parallel_loop3A_311, %parallel_loop3A_312] {strides = array<i32>} : memref<512x64xf32, #tpu.memory_space<vmem>>, vector<16xf32>,
      tpu.vector_store %arg7[%parallel_loop3A_311, %parallel_loop3A_312], %parallel_loop3A_308 {strides = array<i32>} : memref<512x64xf32, #tpu.memory_space<vmem>>, vector<16xf32>,
      %parallel_loop3A_314 = arith.constant 3 : i32
      %parallel_loop3A_315 = vector.broadcast %parallel_loop3A_314 : i32 to vector<16x1xi32>
      %parallel_loop3A_316 = vector.shape_cast %parallel_loop3A_315 : vector<16x1xi32> to vector<16xi32>
      %parallel_loop3A_317 = tpu.dynamic_gather %parallel_loop3A_163[%parallel_loop3A_316] in [0] : vector<16xi32>, vector<16xi32> -> vector<16xi32>
      %parallel_loop3A_318 = tpu.vector_load_idx %arg6[%parallel_loop3A_317, %add3A_16] : memref<48x128xf32, #tpu.memory_space<vmem>>[vector<16xi32>, vector<16xi32>], vector<16xf32>,
      %parallel_loop3A_319 = arith.constant 3 : i32
      %parallel_loop3A_320 = arith.addi %parallel_loop3A_64, %parallel_loop3A_319 : i32
      %parallel_loop3A_321 = arith.index_cast %parallel_loop3A_320 : i32 to index
      %parallel_loop3A_322 = arith.constant 48 : index
      %parallel_loop3A_323 = tpu.vector_load %arg7[%parallel_loop3A_321, %parallel_loop3A_322] {strides = array<i32>} : memref<512x64xf32, #tpu.memory_space<vmem>>, vector<16xf32>,
      tpu.vector_store %arg7[%parallel_loop3A_321, %parallel_loop3A_322], %parallel_loop3A_318 {strides = array<i32>} : memref<512x64xf32, #tpu.memory_space<vmem>>, vector<16xf32>,
      %parallel_loop3A_324 = arith.constant 4 : i32
      %parallel_loop3A_325 = vector.broadcast %parallel_loop3A_324 : i32 to vector<16x1xi32>
      %parallel_loop3A_326 = vector.shape_cast %parallel_loop3A_325 : vector<16x1xi32> to vector<16xi32>
      %parallel_loop3A_327 = tpu.dynamic_gather %parallel_loop3A_91[%parallel_loop3A_326] in [0] : vector<16xi32>, vector<16xi32> -> vector<16xi32>
      %parallel_loop3A_328 = tpu.vector_load_idx %arg6[%parallel_loop3A_327, %add3A_7] : memref<48x128xf32, #tpu.memory_space<vmem>>[vector<16xi32>, vector<16xi32>], vector<16xf32>,
      %parallel_loop3A_329 = arith.constant 4 : i32
      %parallel_loop3A_330 = arith.addi %parallel_loop3A_64, %parallel_loop3A_329 : i32
      %parallel_loop3A_331 = arith.index_cast %parallel_loop3A_330 : i32 to index
      %parallel_loop3A_332 = arith.constant 0 : index
      %parallel_loop3A_333 = tpu.vector_load %arg7[%parallel_loop3A_331, %parallel_loop3A_332] {strides = array<i32>} : memref<512x64xf32, #tpu.memory_space<vmem>>, vector<16xf32>,
      tpu.vector_store %arg7[%parallel_loop3A_331, %parallel_loop3A_332], %parallel_loop3A_328 {strides = array<i32>} : memref<512x64xf32, #tpu.memory_space<vmem>>, vector<16xf32>,
      %parallel_loop3A_334 = arith.constant 4 : i32
      %parallel_loop3A_335 = vector.broadcast %parallel_loop3A_334 : i32 to vector<16x1xi32>
      %parallel_loop3A_336 = vector.shape_cast %parallel_loop3A_335 : vector<16x1xi32> to vector<16xi32>
      %parallel_loop3A_337 = tpu.dynamic_gather %parallel_loop3A_115[%parallel_loop3A_336] in [0] : vector<16xi32>, vector<16xi32> -> vector<16xi32>
      %parallel_loop3A_338 = tpu.vector_load_idx %arg6[%parallel_loop3A_337, %add3A_10] : memref<48x128xf32, #tpu.memory_space<vmem>>[vector<16xi32>, vector<16xi32>], vector<16xf32>,
      %parallel_loop3A_339 = arith.constant 4 : i32
      %parallel_loop3A_340 = arith.addi %parallel_loop3A_64, %parallel_loop3A_339 : i32
      %parallel_loop3A_341 = arith.index_cast %parallel_loop3A_340 : i32 to index
      %parallel_loop3A_342 = arith.constant 16 : index
      %parallel_loop3A_343 = tpu.vector_load %arg7[%parallel_loop3A_341, %parallel_loop3A_342] {strides = array<i32>} : memref<512x64xf32, #tpu.memory_space<vmem>>, vector<16xf32>,
      tpu.vector_store %arg7[%parallel_loop3A_341, %parallel_loop3A_342], %parallel_loop3A_338 {strides = array<i32>} : memref<512x64xf32, #tpu.memory_space<vmem>>, vector<16xf32>,
      %parallel_loop3A_344 = arith.constant 4 : i32
      %parallel_loop3A_345 = vector.broadcast %parallel_loop3A_344 : i32 to vector<16x1xi32>
      %parallel_loop3A_346 = vector.shape_cast %parallel_loop3A_345 : vector<16x1xi32> to vector<16xi32>
      %parallel_loop3A_347 = tpu.dynamic_gather %parallel_loop3A_139[%parallel_loop3A_346] in [0] : vector<16xi32>, vector<16xi32> -> vector<16xi32>
      %parallel_loop3A_348 = tpu.vector_load_idx %arg6[%parallel_loop3A_347, %add3A_13] : memref<48x128xf32, #tpu.memory_space<vmem>>[vector<16xi32>, vector<16xi32>], vector<16xf32>,
      %parallel_loop3A_349 = arith.constant 4 : i32
      %parallel_loop3A_350 = arith.addi %parallel_loop3A_64, %parallel_loop3A_349 : i32
      %parallel_loop3A_351 = arith.index_cast %parallel_loop3A_350 : i32 to index
      %parallel_loop3A_352 = arith.constant 32 : index
      %parallel_loop3A_353 = tpu.vector_load %arg7[%parallel_loop3A_351, %parallel_loop3A_352] {strides = array<i32>} : memref<512x64xf32, #tpu.memory_space<vmem>>, vector<16xf32>,
      tpu.vector_store %arg7[%parallel_loop3A_351, %parallel_loop3A_352], %parallel_loop3A_348 {strides = array<i32>} : memref<512x64xf32, #tpu.memory_space<vmem>>, vector<16xf32>,
      %parallel_loop3A_354 = arith.constant 4 : i32
      %parallel_loop3A_355 = vector.broadcast %parallel_loop3A_354 : i32 to vector<16x1xi32>
      %parallel_loop3A_356 = vector.shape_cast %parallel_loop3A_355 : vector<16x1xi32> to vector<16xi32>
      %parallel_loop3A_357 = tpu.dynamic_gather %parallel_loop3A_163[%parallel_loop3A_356] in [0] : vector<16xi32>, vector<16xi32> -> vector<16xi32>
      %parallel_loop3A_358 = tpu.vector_load_idx %arg6[%parallel_loop3A_357, %add3A_16] : memref<48x128xf32, #tpu.memory_space<vmem>>[vector<16xi32>, vector<16xi32>], vector<16xf32>,
      %parallel_loop3A_359 = arith.constant 4 : i32
      %parallel_loop3A_360 = arith.addi %parallel_loop3A_64, %parallel_loop3A_359 : i32
      %parallel_loop3A_361 = arith.index_cast %parallel_loop3A_360 : i32 to index
      %parallel_loop3A_362 = arith.constant 48 : index
      %parallel_loop3A_363 = tpu.vector_load %arg7[%parallel_loop3A_361, %parallel_loop3A_362] {strides = array<i32>} : memref<512x64xf32, #tpu.memory_space<vmem>>, vector<16xf32>,
      tpu.vector_store %arg7[%parallel_loop3A_361, %parallel_loop3A_362], %parallel_loop3A_358 {strides = array<i32>} : memref<512x64xf32, #tpu.memory_space<vmem>>, vector<16xf32>,
      %parallel_loop3A_364 = arith.constant 5 : i32
      %parallel_loop3A_365 = vector.broadcast %parallel_loop3A_364 : i32 to vector<16x1xi32>
      %parallel_loop3A_366 = vector.shape_cast %parallel_loop3A_365 : vector<16x1xi32> to vector<16xi32>
      %parallel_loop3A_367 = tpu.dynamic_gather %parallel_loop3A_91[%parallel_loop3A_366] in [0] : vector<16xi32>, vector<16xi32> -> vector<16xi32>
      %parallel_loop3A_368 = tpu.vector_load_idx %arg6[%parallel_loop3A_367, %add3A_7] : memref<48x128xf32, #tpu.memory_space<vmem>>[vector<16xi32>, vector<16xi32>], vector<16xf32>,
      %parallel_loop3A_369 = arith.constant 5 : i32
      %parallel_loop3A_370 = arith.addi %parallel_loop3A_64, %parallel_loop3A_369 : i32
      %parallel_loop3A_371 = arith.index_cast %parallel_loop3A_370 : i32 to index
      %parallel_loop3A_372 = arith.constant 0 : index
      %parallel_loop3A_373 = tpu.vector_load %arg7[%parallel_loop3A_371, %parallel_loop3A_372] {strides = array<i32>} : memref<512x64xf32, #tpu.memory_space<vmem>>, vector<16xf32>,
      tpu.vector_store %arg7[%parallel_loop3A_371, %parallel_loop3A_372], %parallel_loop3A_368 {strides = array<i32>} : memref<512x64xf32, #tpu.memory_space<vmem>>, vector<16xf32>,
      %parallel_loop3A_374 = arith.constant 5 : i32
      %parallel_loop3A_375 = vector.broadcast %parallel_loop3A_374 : i32 to vector<16x1xi32>
      %parallel_loop3A_376 = vector.shape_cast %parallel_loop3A_375 : vector<16x1xi32> to vector<16xi32>
      %parallel_loop3A_377 = tpu.dynamic_gather %parallel_loop3A_115[%parallel_loop3A_376] in [0] : vector<16xi32>, vector<16xi32> -> vector<16xi32>
      %parallel_loop3A_378 = tpu.vector_load_idx %arg6[%parallel_loop3A_377, %add3A_10] : memref<48x128xf32, #tpu.memory_space<vmem>>[vector<16xi32>, vector<16xi32>], vector<16xf32>,
      %parallel_loop3A_379 = arith.constant 5 : i32
      %parallel_loop3A_380 = arith.addi %parallel_loop3A_64, %parallel_loop3A_379 : i32
      %parallel_loop3A_381 = arith.index_cast %parallel_loop3A_380 : i32 to index
      %parallel_loop3A_382 = arith.constant 16 : index
      %parallel_loop3A_383 = tpu.vector_load %arg7[%parallel_loop3A_381, %parallel_loop3A_382] {strides = array<i32>} : memref<512x64xf32, #tpu.memory_space<vmem>>, vector<16xf32>,
      tpu.vector_store %arg7[%parallel_loop3A_381, %parallel_loop3A_382], %parallel_loop3A_378 {strides = array<i32>} : memref<512x64xf32, #tpu.memory_space<vmem>>, vector<16xf32>,
      %parallel_loop3A_384 = arith.constant 5 : i32
      %parallel_loop3A_385 = vector.broadcast %parallel_loop3A_384 : i32 to vector<16x1xi32>
      %parallel_loop3A_386 = vector.shape_cast %parallel_loop3A_385 : vector<16x1xi32> to vector<16xi32>
      %parallel_loop3A_387 = tpu.dynamic_gather %parallel_loop3A_139[%parallel_loop3A_386] in [0] : vector<16xi32>, vector<16xi32> -> vector<16xi32>
      %parallel_loop3A_388 = tpu.vector_load_idx %arg6[%parallel_loop3A_387, %add3A_13] : memref<48x128xf32, #tpu.memory_space<vmem>>[vector<16xi32>, vector<16xi32>], vector<16xf32>,
      %parallel_loop3A_389 = arith.constant 5 : i32
      %parallel_loop3A_390 = arith.addi %parallel_loop3A_64, %parallel_loop3A_389 : i32
      %parallel_loop3A_391 = arith.index_cast %parallel_loop3A_390 : i32 to index
      %parallel_loop3A_392 = arith.constant 32 : index
      %parallel_loop3A_393 = tpu.vector_load %arg7[%parallel_loop3A_391, %parallel_loop3A_392] {strides = array<i32>} : memref<512x64xf32, #tpu.memory_space<vmem>>, vector<16xf32>,
      tpu.vector_store %arg7[%parallel_loop3A_391, %parallel_loop3A_392], %parallel_loop3A_388 {strides = array<i32>} : memref<512x64xf32, #tpu.memory_space<vmem>>, vector<16xf32>,
      %parallel_loop3A_394 = arith.constant 5 : i32
      %parallel_loop3A_395 = vector.broadcast %parallel_loop3A_394 : i32 to vector<16x1xi32>
      %parallel_loop3A_396 = vector.shape_cast %parallel_loop3A_395 : vector<16x1xi32> to vector<16xi32>
      %parallel_loop3A_397 = tpu.dynamic_gather %parallel_loop3A_163[%parallel_loop3A_396] in [0] : vector<16xi32>, vector<16xi32> -> vector<16xi32>
      %parallel_loop3A_398 = tpu.vector_load_idx %arg6[%parallel_loop3A_397, %add3A_16] : memref<48x128xf32, #tpu.memory_space<vmem>>[vector<16xi32>, vector<16xi32>], vector<16xf32>,
      %parallel_loop3A_399 = arith.constant 5 : i32
      %parallel_loop3A_400 = arith.addi %parallel_loop3A_64, %parallel_loop3A_399 : i32
      %parallel_loop3A_401 = arith.index_cast %parallel_loop3A_400 : i32 to index
      %parallel_loop3A_402 = arith.constant 48 : index
      %parallel_loop3A_403 = tpu.vector_load %arg7[%parallel_loop3A_401, %parallel_loop3A_402] {strides = array<i32>} : memref<512x64xf32, #tpu.memory_space<vmem>>, vector<16xf32>,
      tpu.vector_store %arg7[%parallel_loop3A_401, %parallel_loop3A_402], %parallel_loop3A_398 {strides = array<i32>} : memref<512x64xf32, #tpu.memory_space<vmem>>, vector<16xf32>,
      %parallel_loop3A_404 = arith.constant 6 : i32
      %parallel_loop3A_405 = vector.broadcast %parallel_loop3A_404 : i32 to vector<16x1xi32>
      %parallel_loop3A_406 = vector.shape_cast %parallel_loop3A_405 : vector<16x1xi32> to vector<16xi32>
      %parallel_loop3A_407 = tpu.dynamic_gather %parallel_loop3A_91[%parallel_loop3A_406] in [0] : vector<16xi32>, vector<16xi32> -> vector<16xi32>
      %parallel_loop3A_408 = tpu.vector_load_idx %arg6[%parallel_loop3A_407, %add3A_7] : memref<48x128xf32, #tpu.memory_space<vmem>>[vector<16xi32>, vector<16xi32>], vector<16xf32>,
      %parallel_loop3A_409 = arith.constant 6 : i32
      %parallel_loop3A_410 = arith.addi %parallel_loop3A_64, %parallel_loop3A_409 : i32
      %parallel_loop3A_411 = arith.index_cast %parallel_loop3A_410 : i32 to index
      %parallel_loop3A_412 = arith.constant 0 : index
      %parallel_loop3A_413 = tpu.vector_load %arg7[%parallel_loop3A_411, %parallel_loop3A_412] {strides = array<i32>} : memref<512x64xf32, #tpu.memory_space<vmem>>, vector<16xf32>,
      tpu.vector_store %arg7[%parallel_loop3A_411, %parallel_loop3A_412], %parallel_loop3A_408 {strides = array<i32>} : memref<512x64xf32, #tpu.memory_space<vmem>>, vector<16xf32>,
      %parallel_loop3A_414 = arith.constant 6 : i32
      %parallel_loop3A_415 = vector.broadcast %parallel_loop3A_414 : i32 to vector<16x1xi32>
      %parallel_loop3A_416 = vector.shape_cast %parallel_loop3A_415 : vector<16x1xi32> to vector<16xi32>
      %parallel_loop3A_417 = tpu.dynamic_gather %parallel_loop3A_115[%parallel_loop3A_416] in [0] : vector<16xi32>, vector<16xi32> -> vector<16xi32>
      %parallel_loop3A_418 = tpu.vector_load_idx %arg6[%parallel_loop3A_417, %add3A_10] : memref<48x128xf32, #tpu.memory_space<vmem>>[vector<16xi32>, vector<16xi32>], vector<16xf32>,
      %parallel_loop3A_419 = arith.constant 6 : i32
      %parallel_loop3A_420 = arith.addi %parallel_loop3A_64, %parallel_loop3A_419 : i32
      %parallel_loop3A_421 = arith.index_cast %parallel_loop3A_420 : i32 to index
      %parallel_loop3A_422 = arith.constant 16 : index
      %parallel_loop3A_423 = tpu.vector_load %arg7[%parallel_loop3A_421, %parallel_loop3A_422] {strides = array<i32>} : memref<512x64xf32, #tpu.memory_space<vmem>>, vector<16xf32>,
      tpu.vector_store %arg7[%parallel_loop3A_421, %parallel_loop3A_422], %parallel_loop3A_418 {strides = array<i32>} : memref<512x64xf32, #tpu.memory_space<vmem>>, vector<16xf32>,
      %parallel_loop3A_424 = arith.constant 6 : i32
      %parallel_loop3A_425 = vector.broadcast %parallel_loop3A_424 : i32 to vector<16x1xi32>
      %parallel_loop3A_426 = vector.shape_cast %parallel_loop3A_425 : vector<16x1xi32> to vector<16xi32>
      %parallel_loop3A_427 = tpu.dynamic_gather %parallel_loop3A_139[%parallel_loop3A_426] in [0] : vector<16xi32>, vector<16xi32> -> vector<16xi32>
      %parallel_loop3A_428 = tpu.vector_load_idx %arg6[%parallel_loop3A_427, %add3A_13] : memref<48x128xf32, #tpu.memory_space<vmem>>[vector<16xi32>, vector<16xi32>], vector<16xf32>,
      %parallel_loop3A_429 = arith.constant 6 : i32
      %parallel_loop3A_430 = arith.addi %parallel_loop3A_64, %parallel_loop3A_429 : i32
      %parallel_loop3A_431 = arith.index_cast %parallel_loop3A_430 : i32 to index
      %parallel_loop3A_432 = arith.constant 32 : index
      %parallel_loop3A_433 = tpu.vector_load %arg7[%parallel_loop3A_431, %parallel_loop3A_432] {strides = array<i32>} : memref<512x64xf32, #tpu.memory_space<vmem>>, vector<16xf32>,
      tpu.vector_store %arg7[%parallel_loop3A_431, %parallel_loop3A_432], %parallel_loop3A_428 {strides = array<i32>} : memref<512x64xf32, #tpu.memory_space<vmem>>, vector<16xf32>,
      %parallel_loop3A_434 = arith.constant 6 : i32
      %parallel_loop3A_435 = vector.broadcast %parallel_loop3A_434 : i32 to vector<16x1xi32>
      %parallel_loop3A_436 = vector.shape_cast %parallel_loop3A_435 : vector<16x1xi32> to vector<16xi32>
      %parallel_loop3A_437 = tpu.dynamic_gather %parallel_loop3A_163[%parallel_loop3A_436] in [0] : vector<16xi32>, vector<16xi32> -> vector<16xi32>
      %parallel_loop3A_438 = tpu.vector_load_idx %arg6[%parallel_loop3A_437, %add3A_16] : memref<48x128xf32, #tpu.memory_space<vmem>>[vector<16xi32>, vector<16xi32>], vector<16xf32>,
      %parallel_loop3A_439 = arith.constant 6 : i32
      %parallel_loop3A_440 = arith.addi %parallel_loop3A_64, %parallel_loop3A_439 : i32
      %parallel_loop3A_441 = arith.index_cast %parallel_loop3A_440 : i32 to index
      %parallel_loop3A_442 = arith.constant 48 : index
      %parallel_loop3A_443 = tpu.vector_load %arg7[%parallel_loop3A_441, %parallel_loop3A_442] {strides = array<i32>} : memref<512x64xf32, #tpu.memory_space<vmem>>, vector<16xf32>,
      tpu.vector_store %arg7[%parallel_loop3A_441, %parallel_loop3A_442], %parallel_loop3A_438 {strides = array<i32>} : memref<512x64xf32, #tpu.memory_space<vmem>>, vector<16xf32>,
      %parallel_loop3A_444 = arith.constant 7 : i32
      %parallel_loop3A_445 = vector.broadcast %parallel_loop3A_444 : i32 to vector<16x1xi32>
      %parallel_loop3A_446 = vector.shape_cast %parallel_loop3A_445 : vector<16x1xi32> to vector<16xi32>
      %parallel_loop3A_447 = tpu.dynamic_gather %parallel_loop3A_91[%parallel_loop3A_446] in [0] : vector<16xi32>, vector<16xi32> -> vector<16xi32>
      %parallel_loop3A_448 = tpu.vector_load_idx %arg6[%parallel_loop3A_447, %add3A_7] : memref<48x128xf32, #tpu.memory_space<vmem>>[vector<16xi32>, vector<16xi32>], vector<16xf32>,
      %parallel_loop3A_449 = arith.constant 7 : i32
      %parallel_loop3A_450 = arith.addi %parallel_loop3A_64, %parallel_loop3A_449 : i32
      %parallel_loop3A_451 = arith.index_cast %parallel_loop3A_450 : i32 to index
      %parallel_loop3A_452 = arith.constant 0 : index
      %parallel_loop3A_453 = tpu.vector_load %arg7[%parallel_loop3A_451, %parallel_loop3A_452] {strides = array<i32>} : memref<512x64xf32, #tpu.memory_space<vmem>>, vector<16xf32>,
      tpu.vector_store %arg7[%parallel_loop3A_451, %parallel_loop3A_452], %parallel_loop3A_448 {strides = array<i32>} : memref<512x64xf32, #tpu.memory_space<vmem>>, vector<16xf32>,
      %parallel_loop3A_454 = arith.constant 7 : i32
      %parallel_loop3A_455 = vector.broadcast %parallel_loop3A_454 : i32 to vector<16x1xi32>
      %parallel_loop3A_456 = vector.shape_cast %parallel_loop3A_455 : vector<16x1xi32> to vector<16xi32>
      %parallel_loop3A_457 = tpu.dynamic_gather %parallel_loop3A_115[%parallel_loop3A_456] in [0] : vector<16xi32>, vector<16xi32> -> vector<16xi32>
      %parallel_loop3A_458 = tpu.vector_load_idx %arg6[%parallel_loop3A_457, %add3A_10] : memref<48x128xf32, #tpu.memory_space<vmem>>[vector<16xi32>, vector<16xi32>], vector<16xf32>,
      %parallel_loop3A_459 = arith.constant 7 : i32
      %parallel_loop3A_460 = arith.addi %parallel_loop3A_64, %parallel_loop3A_459 : i32
      %parallel_loop3A_461 = arith.index_cast %parallel_loop3A_460 : i32 to index
      %parallel_loop3A_462 = arith.constant 16 : index
      %parallel_loop3A_463 = tpu.vector_load %arg7[%parallel_loop3A_461, %parallel_loop3A_462] {strides = array<i32>} : memref<512x64xf32, #tpu.memory_space<vmem>>, vector<16xf32>,
      tpu.vector_store %arg7[%parallel_loop3A_461, %parallel_loop3A_462], %parallel_loop3A_458 {strides = array<i32>} : memref<512x64xf32, #tpu.memory_space<vmem>>, vector<16xf32>,
      %parallel_loop3A_464 = arith.constant 7 : i32
      %parallel_loop3A_465 = vector.broadcast %parallel_loop3A_464 : i32 to vector<16x1xi32>
      %parallel_loop3A_466 = vector.shape_cast %parallel_loop3A_465 : vector<16x1xi32> to vector<16xi32>
      %parallel_loop3A_467 = tpu.dynamic_gather %parallel_loop3A_139[%parallel_loop3A_466] in [0] : vector<16xi32>, vector<16xi32> -> vector<16xi32>
      %parallel_loop3A_468 = tpu.vector_load_idx %arg6[%parallel_loop3A_467, %add3A_13] : memref<48x128xf32, #tpu.memory_space<vmem>>[vector<16xi32>, vector<16xi32>], vector<16xf32>,
      %parallel_loop3A_469 = arith.constant 7 : i32
      %parallel_loop3A_470 = arith.addi %parallel_loop3A_64, %parallel_loop3A_469 : i32
      %parallel_loop3A_471 = arith.index_cast %parallel_loop3A_470 : i32 to index
      %parallel_loop3A_472 = arith.constant 32 : index
      %parallel_loop3A_473 = tpu.vector_load %arg7[%parallel_loop3A_471, %parallel_loop3A_472] {strides = array<i32>} : memref<512x64xf32, #tpu.memory_space<vmem>>, vector<16xf32>,
      tpu.vector_store %arg7[%parallel_loop3A_471, %parallel_loop3A_472], %parallel_loop3A_468 {strides = array<i32>} : memref<512x64xf32, #tpu.memory_space<vmem>>, vector<16xf32>,
      %parallel_loop3A_474 = arith.constant 7 : i32
      %parallel_loop3A_475 = vector.broadcast %parallel_loop3A_474 : i32 to vector<16x1xi32>
      %parallel_loop3A_476 = vector.shape_cast %parallel_loop3A_475 : vector<16x1xi32> to vector<16xi32>
      %parallel_loop3A_477 = tpu.dynamic_gather %parallel_loop3A_163[%parallel_loop3A_476] in [0] : vector<16xi32>, vector<16xi32> -> vector<16xi32>
      %parallel_loop3A_478 = tpu.vector_load_idx %arg6[%parallel_loop3A_477, %add3A_16] : memref<48x128xf32, #tpu.memory_space<vmem>>[vector<16xi32>, vector<16xi32>], vector<16xf32>,
      %parallel_loop3A_479 = arith.constant 7 : i32
      %parallel_loop3A_480 = arith.addi %parallel_loop3A_64, %parallel_loop3A_479 : i32
      %parallel_loop3A_481 = arith.index_cast %parallel_loop3A_480 : i32 to index
      %parallel_loop3A_482 = arith.constant 48 : index
      %parallel_loop3A_483 = tpu.vector_load %arg7[%parallel_loop3A_481, %parallel_loop3A_482] {strides = array<i32>} : memref<512x64xf32, #tpu.memory_space<vmem>>, vector<16xf32>,
      tpu.vector_store %arg7[%parallel_loop3A_481, %parallel_loop3A_482], %parallel_loop3A_478 {strides = array<i32>} : memref<512x64xf32, #tpu.memory_space<vmem>>, vector<16xf32>,
      %parallel_loop3A_484 = arith.constant 8 : i32
      %parallel_loop3A_485 = vector.broadcast %parallel_loop3A_484 : i32 to vector<16x1xi32>
      %parallel_loop3A_486 = vector.shape_cast %parallel_loop3A_485 : vector<16x1xi32> to vector<16xi32>
      %parallel_loop3A_487 = tpu.dynamic_gather %parallel_loop3A_91[%parallel_loop3A_486] in [0] : vector<16xi32>, vector<16xi32> -> vector<16xi32>
      %parallel_loop3A_488 = tpu.vector_load_idx %arg6[%parallel_loop3A_487, %add3A_7] : memref<48x128xf32, #tpu.memory_space<vmem>>[vector<16xi32>, vector<16xi32>], vector<16xf32>,
      %parallel_loop3A_489 = arith.constant 8 : i32
      %parallel_loop3A_490 = arith.addi %parallel_loop3A_64, %parallel_loop3A_489 : i32
      %parallel_loop3A_491 = arith.index_cast %parallel_loop3A_490 : i32 to index
      %parallel_loop3A_492 = arith.constant 0 : index
      %parallel_loop3A_493 = tpu.vector_load %arg7[%parallel_loop3A_491, %parallel_loop3A_492] {strides = array<i32>} : memref<512x64xf32, #tpu.memory_space<vmem>>, vector<16xf32>,
      tpu.vector_store %arg7[%parallel_loop3A_491, %parallel_loop3A_492], %parallel_loop3A_488 {strides = array<i32>} : memref<512x64xf32, #tpu.memory_space<vmem>>, vector<16xf32>,
      %parallel_loop3A_494 = arith.constant 8 : i32
      %parallel_loop3A_495 = vector.broadcast %parallel_loop3A_494 : i32 to vector<16x1xi32>
      %parallel_loop3A_496 = vector.shape_cast %parallel_loop3A_495 : vector<16x1xi32> to vector<16xi32>
      %parallel_loop3A_497 = tpu.dynamic_gather %parallel_loop3A_115[%parallel_loop3A_496] in [0] : vector<16xi32>, vector<16xi32> -> vector<16xi32>
      %parallel_loop3A_498 = tpu.vector_load_idx %arg6[%parallel_loop3A_497, %add3A_10] : memref<48x128xf32, #tpu.memory_space<vmem>>[vector<16xi32>, vector<16xi32>], vector<16xf32>,
      %parallel_loop3A_499 = arith.constant 8 : i32
      %parallel_loop3A_500 = arith.addi %parallel_loop3A_64, %parallel_loop3A_499 : i32
      %parallel_loop3A_501 = arith.index_cast %parallel_loop3A_500 : i32 to index
      %parallel_loop3A_502 = arith.constant 16 : index
      %parallel_loop3A_503 = tpu.vector_load %arg7[%parallel_loop3A_501, %parallel_loop3A_502] {strides = array<i32>} : memref<512x64xf32, #tpu.memory_space<vmem>>, vector<16xf32>,
      tpu.vector_store %arg7[%parallel_loop3A_501, %parallel_loop3A_502], %parallel_loop3A_498 {strides = array<i32>} : memref<512x64xf32, #tpu.memory_space<vmem>>, vector<16xf32>,
      %parallel_loop3A_504 = arith.constant 8 : i32
      %parallel_loop3A_505 = vector.broadcast %parallel_loop3A_504 : i32 to vector<16x1xi32>
      %parallel_loop3A_506 = vector.shape_cast %parallel_loop3A_505 : vector<16x1xi32> to vector<16xi32>
      %parallel_loop3A_507 = tpu.dynamic_gather %parallel_loop3A_139[%parallel_loop3A_506] in [0] : vector<16xi32>, vector<16xi32> -> vector<16xi32>
      %parallel_loop3A_508 = tpu.vector_load_idx %arg6[%parallel_loop3A_507, %add3A_13] : memref<48x128xf32, #tpu.memory_space<vmem>>[vector<16xi32>, vector<16xi32>], vector<16xf32>,
      %parallel_loop3A_509 = arith.constant 8 : i32
      %parallel_loop3A_510 = arith.addi %parallel_loop3A_64, %parallel_loop3A_509 : i32
      %parallel_loop3A_511 = arith.index_cast %parallel_loop3A_510 : i32 to index
      %parallel_loop3A_512 = arith.constant 32 : index
      %parallel_loop3A_513 = tpu.vector_load %arg7[%parallel_loop3A_511, %parallel_loop3A_512] {strides = array<i32>} : memref<512x64xf32, #tpu.memory_space<vmem>>, vector<16xf32>,
      tpu.vector_store %arg7[%parallel_loop3A_511, %parallel_loop3A_512], %parallel_loop3A_508 {strides = array<i32>} : memref<512x64xf32, #tpu.memory_space<vmem>>, vector<16xf32>,
      %parallel_loop3A_514 = arith.constant 8 : i32
      %parallel_loop3A_515 = vector.broadcast %parallel_loop3A_514 : i32 to vector<16x1xi32>
      %parallel_loop3A_516 = vector.shape_cast %parallel_loop3A_515 : vector<16x1xi32> to vector<16xi32>
      %parallel_loop3A_517 = tpu.dynamic_gather %parallel_loop3A_163[%parallel_loop3A_516] in [0] : vector<16xi32>, vector<16xi32> -> vector<16xi32>
      %parallel_loop3A_518 = tpu.vector_load_idx %arg6[%parallel_loop3A_517, %add3A_16] : memref<48x128xf32, #tpu.memory_space<vmem>>[vector<16xi32>, vector<16xi32>], vector<16xf32>,
      %parallel_loop3A_519 = arith.constant 8 : i32
      %parallel_loop3A_520 = arith.addi %parallel_loop3A_64, %parallel_loop3A_519 : i32
      %parallel_loop3A_521 = arith.index_cast %parallel_loop3A_520 : i32 to index
      %parallel_loop3A_522 = arith.constant 48 : index
      %parallel_loop3A_523 = tpu.vector_load %arg7[%parallel_loop3A_521, %parallel_loop3A_522] {strides = array<i32>} : memref<512x64xf32, #tpu.memory_space<vmem>>, vector<16xf32>,
      tpu.vector_store %arg7[%parallel_loop3A_521, %parallel_loop3A_522], %parallel_loop3A_518 {strides = array<i32>} : memref<512x64xf32, #tpu.memory_space<vmem>>, vector<16xf32>,
      %parallel_loop3A_524 = arith.constant 9 : i32
      %parallel_loop3A_525 = vector.broadcast %parallel_loop3A_524 : i32 to vector<16x1xi32>
      %parallel_loop3A_526 = vector.shape_cast %parallel_loop3A_525 : vector<16x1xi32> to vector<16xi32>
      %parallel_loop3A_527 = tpu.dynamic_gather %parallel_loop3A_91[%parallel_loop3A_526] in [0] : vector<16xi32>, vector<16xi32> -> vector<16xi32>
      %parallel_loop3A_528 = tpu.vector_load_idx %arg6[%parallel_loop3A_527, %add3A_7] : memref<48x128xf32, #tpu.memory_space<vmem>>[vector<16xi32>, vector<16xi32>], vector<16xf32>,
      %parallel_loop3A_529 = arith.constant 9 : i32
      %parallel_loop3A_530 = arith.addi %parallel_loop3A_64, %parallel_loop3A_529 : i32
      %parallel_loop3A_531 = arith.index_cast %parallel_loop3A_530 : i32 to index
      %parallel_loop3A_532 = arith.constant 0 : index
      %parallel_loop3A_533 = tpu.vector_load %arg7[%parallel_loop3A_531, %parallel_loop3A_532] {strides = array<i32>} : memref<512x64xf32, #tpu.memory_space<vmem>>, vector<16xf32>,
      tpu.vector_store %arg7[%parallel_loop3A_531, %parallel_loop3A_532], %parallel_loop3A_528 {strides = array<i32>} : memref<512x64xf32, #tpu.memory_space<vmem>>, vector<16xf32>,
      %parallel_loop3A_534 = arith.constant 9 : i32
      %parallel_loop3A_535 = vector.broadcast %parallel_loop3A_534 : i32 to vector<16x1xi32>
      %parallel_loop3A_536 = vector.shape_cast %parallel_loop3A_535 : vector<16x1xi32> to vector<16xi32>
      %parallel_loop3A_537 = tpu.dynamic_gather %parallel_loop3A_115[%parallel_loop3A_536] in [0] : vector<16xi32>, vector<16xi32> -> vector<16xi32>
      %parallel_loop3A_538 = tpu.vector_load_idx %arg6[%parallel_loop3A_537, %add3A_10] : memref<48x128xf32, #tpu.memory_space<vmem>>[vector<16xi32>, vector<16xi32>], vector<16xf32>,
      %parallel_loop3A_539 = arith.constant 9 : i32
      %parallel_loop3A_540 = arith.addi %parallel_loop3A_64, %parallel_loop3A_539 : i32
      %parallel_loop3A_541 = arith.index_cast %parallel_loop3A_540 : i32 to index
      %parallel_loop3A_542 = arith.constant 16 : index
      %parallel_loop3A_543 = tpu.vector_load %arg7[%parallel_loop3A_541, %parallel_loop3A_542] {strides = array<i32>} : memref<512x64xf32, #tpu.memory_space<vmem>>, vector<16xf32>,
      tpu.vector_store %arg7[%parallel_loop3A_541, %parallel_loop3A_542], %parallel_loop3A_538 {strides = array<i32>} : memref<512x64xf32, #tpu.memory_space<vmem>>, vector<16xf32>,
      %parallel_loop3A_544 = arith.constant 9 : i32
      %parallel_loop3A_545 = vector.broadcast %parallel_loop3A_544 : i32 to vector<16x1xi32>
      %parallel_loop3A_546 = vector.shape_cast %parallel_loop3A_545 : vector<16x1xi32> to vector<16xi32>
      %parallel_loop3A_547 = tpu.dynamic_gather %parallel_loop3A_139[%parallel_loop3A_546] in [0] : vector<16xi32>, vector<16xi32> -> vector<16xi32>
      %parallel_loop3A_548 = tpu.vector_load_idx %arg6[%parallel_loop3A_547, %add3A_13] : memref<48x128xf32, #tpu.memory_space<vmem>>[vector<16xi32>, vector<16xi32>], vector<16xf32>,
      %parallel_loop3A_549 = arith.constant 9 : i32
      %parallel_loop3A_550 = arith.addi %parallel_loop3A_64, %parallel_loop3A_549 : i32
      %parallel_loop3A_551 = arith.index_cast %parallel_loop3A_550 : i32 to index
      %parallel_loop3A_552 = arith.constant 32 : index
      %parallel_loop3A_553 = tpu.vector_load %arg7[%parallel_loop3A_551, %parallel_loop3A_552] {strides = array<i32>} : memref<512x64xf32, #tpu.memory_space<vmem>>, vector<16xf32>,
      tpu.vector_store %arg7[%parallel_loop3A_551, %parallel_loop3A_552], %parallel_loop3A_548 {strides = array<i32>} : memref<512x64xf32, #tpu.memory_space<vmem>>, vector<16xf32>,
      %parallel_loop3A_554 = arith.constant 9 : i32
      %parallel_loop3A_555 = vector.broadcast %parallel_loop3A_554 : i32 to vector<16x1xi32>
      %parallel_loop3A_556 = vector.shape_cast %parallel_loop3A_555 : vector<16x1xi32> to vector<16xi32>
      %parallel_loop3A_557 = tpu.dynamic_gather %parallel_loop3A_163[%parallel_loop3A_556] in [0] : vector<16xi32>, vector<16xi32> -> vector<16xi32>
      %parallel_loop3A_558 = tpu.vector_load_idx %arg6[%parallel_loop3A_557, %add3A_16] : memref<48x128xf32, #tpu.memory_space<vmem>>[vector<16xi32>, vector<16xi32>], vector<16xf32>,
      %parallel_loop3A_559 = arith.constant 9 : i32
      %parallel_loop3A_560 = arith.addi %parallel_loop3A_64, %parallel_loop3A_559 : i32
      %parallel_loop3A_561 = arith.index_cast %parallel_loop3A_560 : i32 to index
      %parallel_loop3A_562 = arith.constant 48 : index
      %parallel_loop3A_563 = tpu.vector_load %arg7[%parallel_loop3A_561, %parallel_loop3A_562] {strides = array<i32>} : memref<512x64xf32, #tpu.memory_space<vmem>>, vector<16xf32>,
      tpu.vector_store %arg7[%parallel_loop3A_561, %parallel_loop3A_562], %parallel_loop3A_558 {strides = array<i32>} : memref<512x64xf32, #tpu.memory_space<vmem>>, vector<16xf32>,
      %parallel_loop3A_564 = arith.constant 10 : i32
      %parallel_loop3A_565 = vector.broadcast %parallel_loop3A_564 : i32 to vector<16x1xi32>
      %parallel_loop3A_566 = vector.shape_cast %parallel_loop3A_565 : vector<16x1xi32> to vector<16xi32>
      %parallel_loop3A_567 = tpu.dynamic_gather %parallel_loop3A_91[%parallel_loop3A_566] in [0] : vector<16xi32>, vector<16xi32> -> vector<16xi32>
      %parallel_loop3A_568 = tpu.vector_load_idx %arg6[%parallel_loop3A_567, %add3A_7] : memref<48x128xf32, #tpu.memory_space<vmem>>[vector<16xi32>, vector<16xi32>], vector<16xf32>,
      %parallel_loop3A_569 = arith.constant 10 : i32
      %parallel_loop3A_570 = arith.addi %parallel_loop3A_64, %parallel_loop3A_569 : i32
      %parallel_loop3A_571 = arith.index_cast %parallel_loop3A_570 : i32 to index
      %parallel_loop3A_572 = arith.constant 0 : index
      %parallel_loop3A_573 = tpu.vector_load %arg7[%parallel_loop3A_571, %parallel_loop3A_572] {strides = array<i32>} : memref<512x64xf32, #tpu.memory_space<vmem>>, vector<16xf32>,
      tpu.vector_store %arg7[%parallel_loop3A_571, %parallel_loop3A_572], %parallel_loop3A_568 {strides = array<i32>} : memref<512x64xf32, #tpu.memory_space<vmem>>, vector<16xf32>,
      %parallel_loop3A_574 = arith.constant 10 : i32
      %parallel_loop3A_575 = vector.broadcast %parallel_loop3A_574 : i32 to vector<16x1xi32>
      %parallel_loop3A_576 = vector.shape_cast %parallel_loop3A_575 : vector<16x1xi32> to vector<16xi32>
      %parallel_loop3A_577 = tpu.dynamic_gather %parallel_loop3A_115[%parallel_loop3A_576] in [0] : vector<16xi32>, vector<16xi32> -> vector<16xi32>
      %parallel_loop3A_578 = tpu.vector_load_idx %arg6[%parallel_loop3A_577, %add3A_10] : memref<48x128xf32, #tpu.memory_space<vmem>>[vector<16xi32>, vector<16xi32>], vector<16xf32>,
      %parallel_loop3A_579 = arith.constant 10 : i32
      %parallel_loop3A_580 = arith.addi %parallel_loop3A_64, %parallel_loop3A_579 : i32
      %parallel_loop3A_581 = arith.index_cast %parallel_loop3A_580 : i32 to index
      %parallel_loop3A_582 = arith.constant 16 : index
      %parallel_loop3A_583 = tpu.vector_load %arg7[%parallel_loop3A_581, %parallel_loop3A_582] {strides = array<i32>} : memref<512x64xf32, #tpu.memory_space<vmem>>, vector<16xf32>,
      tpu.vector_store %arg7[%parallel_loop3A_581, %parallel_loop3A_582], %parallel_loop3A_578 {strides = array<i32>} : memref<512x64xf32, #tpu.memory_space<vmem>>, vector<16xf32>,
      %parallel_loop3A_584 = arith.constant 10 : i32
      %parallel_loop3A_585 = vector.broadcast %parallel_loop3A_584 : i32 to vector<16x1xi32>
      %parallel_loop3A_586 = vector.shape_cast %parallel_loop3A_585 : vector<16x1xi32> to vector<16xi32>
      %parallel_loop3A_587 = tpu.dynamic_gather %parallel_loop3A_139[%parallel_loop3A_586] in [0] : vector<16xi32>, vector<16xi32> -> vector<16xi32>
      %parallel_loop3A_588 = tpu.vector_load_idx %arg6[%parallel_loop3A_587, %add3A_13] : memref<48x128xf32, #tpu.memory_space<vmem>>[vector<16xi32>, vector<16xi32>], vector<16xf32>,
      %parallel_loop3A_589 = arith.constant 10 : i32
      %parallel_loop3A_590 = arith.addi %parallel_loop3A_64, %parallel_loop3A_589 : i32
      %parallel_loop3A_591 = arith.index_cast %parallel_loop3A_590 : i32 to index
      %parallel_loop3A_592 = arith.constant 32 : index
      %parallel_loop3A_593 = tpu.vector_load %arg7[%parallel_loop3A_591, %parallel_loop3A_592] {strides = array<i32>} : memref<512x64xf32, #tpu.memory_space<vmem>>, vector<16xf32>,
      tpu.vector_store %arg7[%parallel_loop3A_591, %parallel_loop3A_592], %parallel_loop3A_588 {strides = array<i32>} : memref<512x64xf32, #tpu.memory_space<vmem>>, vector<16xf32>,
      %parallel_loop3A_594 = arith.constant 10 : i32
      %parallel_loop3A_595 = vector.broadcast %parallel_loop3A_594 : i32 to vector<16x1xi32>
      %parallel_loop3A_596 = vector.shape_cast %parallel_loop3A_595 : vector<16x1xi32> to vector<16xi32>
      %parallel_loop3A_597 = tpu.dynamic_gather %parallel_loop3A_163[%parallel_loop3A_596] in [0] : vector<16xi32>, vector<16xi32> -> vector<16xi32>
      %parallel_loop3A_598 = tpu.vector_load_idx %arg6[%parallel_loop3A_597, %add3A_16] : memref<48x128xf32, #tpu.memory_space<vmem>>[vector<16xi32>, vector<16xi32>], vector<16xf32>,
      %parallel_loop3A_599 = arith.constant 10 : i32
      %parallel_loop3A_600 = arith.addi %parallel_loop3A_64, %parallel_loop3A_599 : i32
      %parallel_loop3A_601 = arith.index_cast %parallel_loop3A_600 : i32 to index
      %parallel_loop3A_602 = arith.constant 48 : index
      %parallel_loop3A_603 = tpu.vector_load %arg7[%parallel_loop3A_601, %parallel_loop3A_602] {strides = array<i32>} : memref<512x64xf32, #tpu.memory_space<vmem>>, vector<16xf32>,
      tpu.vector_store %arg7[%parallel_loop3A_601, %parallel_loop3A_602], %parallel_loop3A_598 {strides = array<i32>} : memref<512x64xf32, #tpu.memory_space<vmem>>, vector<16xf32>,
      %parallel_loop3A_604 = arith.constant 11 : i32
      %parallel_loop3A_605 = vector.broadcast %parallel_loop3A_604 : i32 to vector<16x1xi32>
      %parallel_loop3A_606 = vector.shape_cast %parallel_loop3A_605 : vector<16x1xi32> to vector<16xi32>
      %parallel_loop3A_607 = tpu.dynamic_gather %parallel_loop3A_91[%parallel_loop3A_606] in [0] : vector<16xi32>, vector<16xi32> -> vector<16xi32>
      %parallel_loop3A_608 = tpu.vector_load_idx %arg6[%parallel_loop3A_607, %add3A_7] : memref<48x128xf32, #tpu.memory_space<vmem>>[vector<16xi32>, vector<16xi32>], vector<16xf32>,
      %parallel_loop3A_609 = arith.constant 11 : i32
      %parallel_loop3A_610 = arith.addi %parallel_loop3A_64, %parallel_loop3A_609 : i32
      %parallel_loop3A_611 = arith.index_cast %parallel_loop3A_610 : i32 to index
      %parallel_loop3A_612 = arith.constant 0 : index
      %parallel_loop3A_613 = tpu.vector_load %arg7[%parallel_loop3A_611, %parallel_loop3A_612] {strides = array<i32>} : memref<512x64xf32, #tpu.memory_space<vmem>>, vector<16xf32>,
      tpu.vector_store %arg7[%parallel_loop3A_611, %parallel_loop3A_612], %parallel_loop3A_608 {strides = array<i32>} : memref<512x64xf32, #tpu.memory_space<vmem>>, vector<16xf32>,
      %parallel_loop3A_614 = arith.constant 11 : i32
      %parallel_loop3A_615 = vector.broadcast %parallel_loop3A_614 : i32 to vector<16x1xi32>
      %parallel_loop3A_616 = vector.shape_cast %parallel_loop3A_615 : vector<16x1xi32> to vector<16xi32>
      %parallel_loop3A_617 = tpu.dynamic_gather %parallel_loop3A_115[%parallel_loop3A_616] in [0] : vector<16xi32>, vector<16xi32> -> vector<16xi32>
      %parallel_loop3A_618 = tpu.vector_load_idx %arg6[%parallel_loop3A_617, %add3A_10] : memref<48x128xf32, #tpu.memory_space<vmem>>[vector<16xi32>, vector<16xi32>], vector<16xf32>,
      %parallel_loop3A_619 = arith.constant 11 : i32
      %parallel_loop3A_620 = arith.addi %parallel_loop3A_64, %parallel_loop3A_619 : i32
      %parallel_loop3A_621 = arith.index_cast %parallel_loop3A_620 : i32 to index
      %parallel_loop3A_622 = arith.constant 16 : index
      %parallel_loop3A_623 = tpu.vector_load %arg7[%parallel_loop3A_621, %parallel_loop3A_622] {strides = array<i32>} : memref<512x64xf32, #tpu.memory_space<vmem>>, vector<16xf32>,
      tpu.vector_store %arg7[%parallel_loop3A_621, %parallel_loop3A_622], %parallel_loop3A_618 {strides = array<i32>} : memref<512x64xf32, #tpu.memory_space<vmem>>, vector<16xf32>,
      %parallel_loop3A_624 = arith.constant 11 : i32
      %parallel_loop3A_625 = vector.broadcast %parallel_loop3A_624 : i32 to vector<16x1xi32>
      %parallel_loop3A_626 = vector.shape_cast %parallel_loop3A_625 : vector<16x1xi32> to vector<16xi32>
      %parallel_loop3A_627 = tpu.dynamic_gather %parallel_loop3A_139[%parallel_loop3A_626] in [0] : vector<16xi32>, vector<16xi32> -> vector<16xi32>
      %parallel_loop3A_628 = tpu.vector_load_idx %arg6[%parallel_loop3A_627, %add3A_13] : memref<48x128xf32, #tpu.memory_space<vmem>>[vector<16xi32>, vector<16xi32>], vector<16xf32>,
      %parallel_loop3A_629 = arith.constant 11 : i32
      %parallel_loop3A_630 = arith.addi %parallel_loop3A_64, %parallel_loop3A_629 : i32
      %parallel_loop3A_631 = arith.index_cast %parallel_loop3A_630 : i32 to index
      %parallel_loop3A_632 = arith.constant 32 : index
      %parallel_loop3A_633 = tpu.vector_load %arg7[%parallel_loop3A_631, %parallel_loop3A_632] {strides = array<i32>} : memref<512x64xf32, #tpu.memory_space<vmem>>, vector<16xf32>,
      tpu.vector_store %arg7[%parallel_loop3A_631, %parallel_loop3A_632], %parallel_loop3A_628 {strides = array<i32>} : memref<512x64xf32, #tpu.memory_space<vmem>>, vector<16xf32>,
      %parallel_loop3A_634 = arith.constant 11 : i32
      %parallel_loop3A_635 = vector.broadcast %parallel_loop3A_634 : i32 to vector<16x1xi32>
      %parallel_loop3A_636 = vector.shape_cast %parallel_loop3A_635 : vector<16x1xi32> to vector<16xi32>
      %parallel_loop3A_637 = tpu.dynamic_gather %parallel_loop3A_163[%parallel_loop3A_636] in [0] : vector<16xi32>, vector<16xi32> -> vector<16xi32>
      %parallel_loop3A_638 = tpu.vector_load_idx %arg6[%parallel_loop3A_637, %add3A_16] : memref<48x128xf32, #tpu.memory_space<vmem>>[vector<16xi32>, vector<16xi32>], vector<16xf32>,
      %parallel_loop3A_639 = arith.constant 11 : i32
      %parallel_loop3A_640 = arith.addi %parallel_loop3A_64, %parallel_loop3A_639 : i32
      %parallel_loop3A_641 = arith.index_cast %parallel_loop3A_640 : i32 to index
      %parallel_loop3A_642 = arith.constant 48 : index
      %parallel_loop3A_643 = tpu.vector_load %arg7[%parallel_loop3A_641, %parallel_loop3A_642] {strides = array<i32>} : memref<512x64xf32, #tpu.memory_space<vmem>>, vector<16xf32>,
      tpu.vector_store %arg7[%parallel_loop3A_641, %parallel_loop3A_642], %parallel_loop3A_638 {strides = array<i32>} : memref<512x64xf32, #tpu.memory_space<vmem>>, vector<16xf32>,
      %parallel_loop3A_644 = arith.constant 12 : i32
      %parallel_loop3A_645 = vector.broadcast %parallel_loop3A_644 : i32 to vector<16x1xi32>
      %parallel_loop3A_646 = vector.shape_cast %parallel_loop3A_645 : vector<16x1xi32> to vector<16xi32>
      %parallel_loop3A_647 = tpu.dynamic_gather %parallel_loop3A_91[%parallel_loop3A_646] in [0] : vector<16xi32>, vector<16xi32> -> vector<16xi32>
      %parallel_loop3A_648 = tpu.vector_load_idx %arg6[%parallel_loop3A_647, %add3A_7] : memref<48x128xf32, #tpu.memory_space<vmem>>[vector<16xi32>, vector<16xi32>], vector<16xf32>,
      %parallel_loop3A_649 = arith.constant 12 : i32
      %parallel_loop3A_650 = arith.addi %parallel_loop3A_64, %parallel_loop3A_649 : i32
      %parallel_loop3A_651 = arith.index_cast %parallel_loop3A_650 : i32 to index
      %parallel_loop3A_652 = arith.constant 0 : index
      %parallel_loop3A_653 = tpu.vector_load %arg7[%parallel_loop3A_651, %parallel_loop3A_652] {strides = array<i32>} : memref<512x64xf32, #tpu.memory_space<vmem>>, vector<16xf32>,
      tpu.vector_store %arg7[%parallel_loop3A_651, %parallel_loop3A_652], %parallel_loop3A_648 {strides = array<i32>} : memref<512x64xf32, #tpu.memory_space<vmem>>, vector<16xf32>,
      %parallel_loop3A_654 = arith.constant 12 : i32
      %parallel_loop3A_655 = vector.broadcast %parallel_loop3A_654 : i32 to vector<16x1xi32>
      %parallel_loop3A_656 = vector.shape_cast %parallel_loop3A_655 : vector<16x1xi32> to vector<16xi32>
      %parallel_loop3A_657 = tpu.dynamic_gather %parallel_loop3A_115[%parallel_loop3A_656] in [0] : vector<16xi32>, vector<16xi32> -> vector<16xi32>
      %parallel_loop3A_658 = tpu.vector_load_idx %arg6[%parallel_loop3A_657, %add3A_10] : memref<48x128xf32, #tpu.memory_space<vmem>>[vector<16xi32>, vector<16xi32>], vector<16xf32>,
      %parallel_loop3A_659 = arith.constant 12 : i32
      %parallel_loop3A_660 = arith.addi %parallel_loop3A_64, %parallel_loop3A_659 : i32
      %parallel_loop3A_661 = arith.index_cast %parallel_loop3A_660 : i32 to index
      %parallel_loop3A_662 = arith.constant 16 : index
      %parallel_loop3A_663 = tpu.vector_load %arg7[%parallel_loop3A_661, %parallel_loop3A_662] {strides = array<i32>} : memref<512x64xf32, #tpu.memory_space<vmem>>, vector<16xf32>,
      tpu.vector_store %arg7[%parallel_loop3A_661, %parallel_loop3A_662], %parallel_loop3A_658 {strides = array<i32>} : memref<512x64xf32, #tpu.memory_space<vmem>>, vector<16xf32>,
      %parallel_loop3A_664 = arith.constant 12 : i32
      %parallel_loop3A_665 = vector.broadcast %parallel_loop3A_664 : i32 to vector<16x1xi32>
      %parallel_loop3A_666 = vector.shape_cast %parallel_loop3A_665 : vector<16x1xi32> to vector<16xi32>
      %parallel_loop3A_667 = tpu.dynamic_gather %parallel_loop3A_139[%parallel_loop3A_666] in [0] : vector<16xi32>, vector<16xi32> -> vector<16xi32>
      %parallel_loop3A_668 = tpu.vector_load_idx %arg6[%parallel_loop3A_667, %add3A_13] : memref<48x128xf32, #tpu.memory_space<vmem>>[vector<16xi32>, vector<16xi32>], vector<16xf32>,
      %parallel_loop3A_669 = arith.constant 12 : i32
      %parallel_loop3A_670 = arith.addi %parallel_loop3A_64, %parallel_loop3A_669 : i32
      %parallel_loop3A_671 = arith.index_cast %parallel_loop3A_670 : i32 to index
      %parallel_loop3A_672 = arith.constant 32 : index
      %parallel_loop3A_673 = tpu.vector_load %arg7[%parallel_loop3A_671, %parallel_loop3A_672] {strides = array<i32>} : memref<512x64xf32, #tpu.memory_space<vmem>>, vector<16xf32>,
      tpu.vector_store %arg7[%parallel_loop3A_671, %parallel_loop3A_672], %parallel_loop3A_668 {strides = array<i32>} : memref<512x64xf32, #tpu.memory_space<vmem>>, vector<16xf32>,
      %parallel_loop3A_674 = arith.constant 12 : i32
      %parallel_loop3A_675 = vector.broadcast %parallel_loop3A_674 : i32 to vector<16x1xi32>
      %parallel_loop3A_676 = vector.shape_cast %parallel_loop3A_675 : vector<16x1xi32> to vector<16xi32>
      %parallel_loop3A_677 = tpu.dynamic_gather %parallel_loop3A_163[%parallel_loop3A_676] in [0] : vector<16xi32>, vector<16xi32> -> vector<16xi32>
      %parallel_loop3A_678 = tpu.vector_load_idx %arg6[%parallel_loop3A_677, %add3A_16] : memref<48x128xf32, #tpu.memory_space<vmem>>[vector<16xi32>, vector<16xi32>], vector<16xf32>,
      %parallel_loop3A_679 = arith.constant 12 : i32
      %parallel_loop3A_680 = arith.addi %parallel_loop3A_64, %parallel_loop3A_679 : i32
      %parallel_loop3A_681 = arith.index_cast %parallel_loop3A_680 : i32 to index
      %parallel_loop3A_682 = arith.constant 48 : index
      %parallel_loop3A_683 = tpu.vector_load %arg7[%parallel_loop3A_681, %parallel_loop3A_682] {strides = array<i32>} : memref<512x64xf32, #tpu.memory_space<vmem>>, vector<16xf32>,
      tpu.vector_store %arg7[%parallel_loop3A_681, %parallel_loop3A_682], %parallel_loop3A_678 {strides = array<i32>} : memref<512x64xf32, #tpu.memory_space<vmem>>, vector<16xf32>,
      %parallel_loop3A_684 = arith.constant 13 : i32
      %parallel_loop3A_685 = vector.broadcast %parallel_loop3A_684 : i32 to vector<16x1xi32>
      %parallel_loop3A_686 = vector.shape_cast %parallel_loop3A_685 : vector<16x1xi32> to vector<16xi32>
      %parallel_loop3A_687 = tpu.dynamic_gather %parallel_loop3A_91[%parallel_loop3A_686] in [0] : vector<16xi32>, vector<16xi32> -> vector<16xi32>
      %parallel_loop3A_688 = tpu.vector_load_idx %arg6[%parallel_loop3A_687, %add3A_7] : memref<48x128xf32, #tpu.memory_space<vmem>>[vector<16xi32>, vector<16xi32>], vector<16xf32>,
      %parallel_loop3A_689 = arith.constant 13 : i32
      %parallel_loop3A_690 = arith.addi %parallel_loop3A_64, %parallel_loop3A_689 : i32
      %parallel_loop3A_691 = arith.index_cast %parallel_loop3A_690 : i32 to index
      %parallel_loop3A_692 = arith.constant 0 : index
      %parallel_loop3A_693 = tpu.vector_load %arg7[%parallel_loop3A_691, %parallel_loop3A_692] {strides = array<i32>} : memref<512x64xf32, #tpu.memory_space<vmem>>, vector<16xf32>,
      tpu.vector_store %arg7[%parallel_loop3A_691, %parallel_loop3A_692], %parallel_loop3A_688 {strides = array<i32>} : memref<512x64xf32, #tpu.memory_space<vmem>>, vector<16xf32>,
      %parallel_loop3A_694 = arith.constant 13 : i32
      %parallel_loop3A_695 = vector.broadcast %parallel_loop3A_694 : i32 to vector<16x1xi32>
      %parallel_loop3A_696 = vector.shape_cast %parallel_loop3A_695 : vector<16x1xi32> to vector<16xi32>
      %parallel_loop3A_697 = tpu.dynamic_gather %parallel_loop3A_115[%parallel_loop3A_696] in [0] : vector<16xi32>, vector<16xi32> -> vector<16xi32>
      %parallel_loop3A_698 = tpu.vector_load_idx %arg6[%parallel_loop3A_697, %add3A_10] : memref<48x128xf32, #tpu.memory_space<vmem>>[vector<16xi32>, vector<16xi32>], vector<16xf32>,
      %parallel_loop3A_699 = arith.constant 13 : i32
      %parallel_loop3A_700 = arith.addi %parallel_loop3A_64, %parallel_loop3A_699 : i32
      %parallel_loop3A_701 = arith.index_cast %parallel_loop3A_700 : i32 to index
      %parallel_loop3A_702 = arith.constant 16 : index
      %parallel_loop3A_703 = tpu.vector_load %arg7[%parallel_loop3A_701, %parallel_loop3A_702] {strides = array<i32>} : memref<512x64xf32, #tpu.memory_space<vmem>>, vector<16xf32>,
      tpu.vector_store %arg7[%parallel_loop3A_701, %parallel_loop3A_702], %parallel_loop3A_698 {strides = array<i32>} : memref<512x64xf32, #tpu.memory_space<vmem>>, vector<16xf32>,
      %parallel_loop3A_704 = arith.constant 13 : i32
      %parallel_loop3A_705 = vector.broadcast %parallel_loop3A_704 : i32 to vector<16x1xi32>
      %parallel_loop3A_706 = vector.shape_cast %parallel_loop3A_705 : vector<16x1xi32> to vector<16xi32>
      %parallel_loop3A_707 = tpu.dynamic_gather %parallel_loop3A_139[%parallel_loop3A_706] in [0] : vector<16xi32>, vector<16xi32> -> vector<16xi32>
      %parallel_loop3A_708 = tpu.vector_load_idx %arg6[%parallel_loop3A_707, %add3A_13] : memref<48x128xf32, #tpu.memory_space<vmem>>[vector<16xi32>, vector<16xi32>], vector<16xf32>,
      %parallel_loop3A_709 = arith.constant 13 : i32
      %parallel_loop3A_710 = arith.addi %parallel_loop3A_64, %parallel_loop3A_709 : i32
      %parallel_loop3A_711 = arith.index_cast %parallel_loop3A_710 : i32 to index
      %parallel_loop3A_712 = arith.constant 32 : index
      %parallel_loop3A_713 = tpu.vector_load %arg7[%parallel_loop3A_711, %parallel_loop3A_712] {strides = array<i32>} : memref<512x64xf32, #tpu.memory_space<vmem>>, vector<16xf32>,
      tpu.vector_store %arg7[%parallel_loop3A_711, %parallel_loop3A_712], %parallel_loop3A_708 {strides = array<i32>} : memref<512x64xf32, #tpu.memory_space<vmem>>, vector<16xf32>,
      %parallel_loop3A_714 = arith.constant 13 : i32
      %parallel_loop3A_715 = vector.broadcast %parallel_loop3A_714 : i32 to vector<16x1xi32>
      %parallel_loop3A_716 = vector.shape_cast %parallel_loop3A_715 : vector<16x1xi32> to vector<16xi32>
      %parallel_loop3A_717 = tpu.dynamic_gather %parallel_loop3A_163[%parallel_loop3A_716] in [0] : vector<16xi32>, vector<16xi32> -> vector<16xi32>
      %parallel_loop3A_718 = tpu.vector_load_idx %arg6[%parallel_loop3A_717, %add3A_16] : memref<48x128xf32, #tpu.memory_space<vmem>>[vector<16xi32>, vector<16xi32>], vector<16xf32>,
      %parallel_loop3A_719 = arith.constant 13 : i32
      %parallel_loop3A_720 = arith.addi %parallel_loop3A_64, %parallel_loop3A_719 : i32
      %parallel_loop3A_721 = arith.index_cast %parallel_loop3A_720 : i32 to index
      %parallel_loop3A_722 = arith.constant 48 : index
      %parallel_loop3A_723 = tpu.vector_load %arg7[%parallel_loop3A_721, %parallel_loop3A_722] {strides = array<i32>} : memref<512x64xf32, #tpu.memory_space<vmem>>, vector<16xf32>,
      tpu.vector_store %arg7[%parallel_loop3A_721, %parallel_loop3A_722], %parallel_loop3A_718 {strides = array<i32>} : memref<512x64xf32, #tpu.memory_space<vmem>>, vector<16xf32>,
      %parallel_loop3A_724 = arith.constant 14 : i32
      %parallel_loop3A_725 = vector.broadcast %parallel_loop3A_724 : i32 to vector<16x1xi32>
      %parallel_loop3A_726 = vector.shape_cast %parallel_loop3A_725 : vector<16x1xi32> to vector<16xi32>
      %parallel_loop3A_727 = tpu.dynamic_gather %parallel_loop3A_91[%parallel_loop3A_726] in [0] : vector<16xi32>, vector<16xi32> -> vector<16xi32>
      %parallel_loop3A_728 = tpu.vector_load_idx %arg6[%parallel_loop3A_727, %add3A_7] : memref<48x128xf32, #tpu.memory_space<vmem>>[vector<16xi32>, vector<16xi32>], vector<16xf32>,
      %parallel_loop3A_729 = arith.constant 14 : i32
      %parallel_loop3A_730 = arith.addi %parallel_loop3A_64, %parallel_loop3A_729 : i32
      %parallel_loop3A_731 = arith.index_cast %parallel_loop3A_730 : i32 to index
      %parallel_loop3A_732 = arith.constant 0 : index
      %parallel_loop3A_733 = tpu.vector_load %arg7[%parallel_loop3A_731, %parallel_loop3A_732] {strides = array<i32>} : memref<512x64xf32, #tpu.memory_space<vmem>>, vector<16xf32>,
      tpu.vector_store %arg7[%parallel_loop3A_731, %parallel_loop3A_732], %parallel_loop3A_728 {strides = array<i32>} : memref<512x64xf32, #tpu.memory_space<vmem>>, vector<16xf32>,
      %parallel_loop3A_734 = arith.constant 14 : i32
      %parallel_loop3A_735 = vector.broadcast %parallel_loop3A_734 : i32 to vector<16x1xi32>
      %parallel_loop3A_736 = vector.shape_cast %parallel_loop3A_735 : vector<16x1xi32> to vector<16xi32>
      %parallel_loop3A_737 = tpu.dynamic_gather %parallel_loop3A_115[%parallel_loop3A_736] in [0] : vector<16xi32>, vector<16xi32> -> vector<16xi32>
      %parallel_loop3A_738 = tpu.vector_load_idx %arg6[%parallel_loop3A_737, %add3A_10] : memref<48x128xf32, #tpu.memory_space<vmem>>[vector<16xi32>, vector<16xi32>], vector<16xf32>,
      %parallel_loop3A_739 = arith.constant 14 : i32
      %parallel_loop3A_740 = arith.addi %parallel_loop3A_64, %parallel_loop3A_739 : i32
      %parallel_loop3A_741 = arith.index_cast %parallel_loop3A_740 : i32 to index
      %parallel_loop3A_742 = arith.constant 16 : index
      %parallel_loop3A_743 = tpu.vector_load %arg7[%parallel_loop3A_741, %parallel_loop3A_742] {strides = array<i32>} : memref<512x64xf32, #tpu.memory_space<vmem>>, vector<16xf32>,
      tpu.vector_store %arg7[%parallel_loop3A_741, %parallel_loop3A_742], %parallel_loop3A_738 {strides = array<i32>} : memref<512x64xf32, #tpu.memory_space<vmem>>, vector<16xf32>,
      %parallel_loop3A_744 = arith.constant 14 : i32
      %parallel_loop3A_745 = vector.broadcast %parallel_loop3A_744 : i32 to vector<16x1xi32>
      %parallel_loop3A_746 = vector.shape_cast %parallel_loop3A_745 : vector<16x1xi32> to vector<16xi32>
      %parallel_loop3A_747 = tpu.dynamic_gather %parallel_loop3A_139[%parallel_loop3A_746] in [0] : vector<16xi32>, vector<16xi32> -> vector<16xi32>
      %parallel_loop3A_748 = tpu.vector_load_idx %arg6[%parallel_loop3A_747, %add3A_13] : memref<48x128xf32, #tpu.memory_space<vmem>>[vector<16xi32>, vector<16xi32>], vector<16xf32>,
      %parallel_loop3A_749 = arith.constant 14 : i32
      %parallel_loop3A_750 = arith.addi %parallel_loop3A_64, %parallel_loop3A_749 : i32
      %parallel_loop3A_751 = arith.index_cast %parallel_loop3A_750 : i32 to index
      %parallel_loop3A_752 = arith.constant 32 : index
      %parallel_loop3A_753 = tpu.vector_load %arg7[%parallel_loop3A_751, %parallel_loop3A_752] {strides = array<i32>} : memref<512x64xf32, #tpu.memory_space<vmem>>, vector<16xf32>,
      tpu.vector_store %arg7[%parallel_loop3A_751, %parallel_loop3A_752], %parallel_loop3A_748 {strides = array<i32>} : memref<512x64xf32, #tpu.memory_space<vmem>>, vector<16xf32>,
      %parallel_loop3A_754 = arith.constant 14 : i32
      %parallel_loop3A_755 = vector.broadcast %parallel_loop3A_754 : i32 to vector<16x1xi32>
      %parallel_loop3A_756 = vector.shape_cast %parallel_loop3A_755 : vector<16x1xi32> to vector<16xi32>
      %parallel_loop3A_757 = tpu.dynamic_gather %parallel_loop3A_163[%parallel_loop3A_756] in [0] : vector<16xi32>, vector<16xi32> -> vector<16xi32>
      %parallel_loop3A_758 = tpu.vector_load_idx %arg6[%parallel_loop3A_757, %add3A_16] : memref<48x128xf32, #tpu.memory_space<vmem>>[vector<16xi32>, vector<16xi32>], vector<16xf32>,
      %parallel_loop3A_759 = arith.constant 14 : i32
      %parallel_loop3A_760 = arith.addi %parallel_loop3A_64, %parallel_loop3A_759 : i32
      %parallel_loop3A_761 = arith.index_cast %parallel_loop3A_760 : i32 to index
      %parallel_loop3A_762 = arith.constant 48 : index
      %parallel_loop3A_763 = tpu.vector_load %arg7[%parallel_loop3A_761, %parallel_loop3A_762] {strides = array<i32>} : memref<512x64xf32, #tpu.memory_space<vmem>>, vector<16xf32>,
      tpu.vector_store %arg7[%parallel_loop3A_761, %parallel_loop3A_762], %parallel_loop3A_758 {strides = array<i32>} : memref<512x64xf32, #tpu.memory_space<vmem>>, vector<16xf32>,
      %parallel_loop3A_764 = arith.constant 15 : i32
      %parallel_loop3A_765 = vector.broadcast %parallel_loop3A_764 : i32 to vector<16x1xi32>
      %parallel_loop3A_766 = vector.shape_cast %parallel_loop3A_765 : vector<16x1xi32> to vector<16xi32>
      %parallel_loop3A_767 = tpu.dynamic_gather %parallel_loop3A_91[%parallel_loop3A_766] in [0] : vector<16xi32>, vector<16xi32> -> vector<16xi32>
      %parallel_loop3A_768 = tpu.vector_load_idx %arg6[%parallel_loop3A_767, %add3A_7] : memref<48x128xf32, #tpu.memory_space<vmem>>[vector<16xi32>, vector<16xi32>], vector<16xf32>,
      %parallel_loop3A_769 = arith.constant 15 : i32
      %parallel_loop3A_770 = arith.addi %parallel_loop3A_64, %parallel_loop3A_769 : i32
      %parallel_loop3A_771 = arith.index_cast %parallel_loop3A_770 : i32 to index
      %parallel_loop3A_772 = arith.constant 0 : index
      %parallel_loop3A_773 = tpu.vector_load %arg7[%parallel_loop3A_771, %parallel_loop3A_772] {strides = array<i32>} : memref<512x64xf32, #tpu.memory_space<vmem>>, vector<16xf32>,
      tpu.vector_store %arg7[%parallel_loop3A_771, %parallel_loop3A_772], %parallel_loop3A_768 {strides = array<i32>} : memref<512x64xf32, #tpu.memory_space<vmem>>, vector<16xf32>,
      %parallel_loop3A_774 = arith.constant 15 : i32
      %parallel_loop3A_775 = vector.broadcast %parallel_loop3A_774 : i32 to vector<16x1xi32>
      %parallel_loop3A_776 = vector.shape_cast %parallel_loop3A_775 : vector<16x1xi32> to vector<16xi32>
      %parallel_loop3A_777 = tpu.dynamic_gather %parallel_loop3A_115[%parallel_loop3A_776] in [0] : vector<16xi32>, vector<16xi32> -> vector<16xi32>
      %parallel_loop3A_778 = tpu.vector_load_idx %arg6[%parallel_loop3A_777, %add3A_10] : memref<48x128xf32, #tpu.memory_space<vmem>>[vector<16xi32>, vector<16xi32>], vector<16xf32>,
      %parallel_loop3A_779 = arith.constant 15 : i32
      %parallel_loop3A_780 = arith.addi %parallel_loop3A_64, %parallel_loop3A_779 : i32
      %parallel_loop3A_781 = arith.index_cast %parallel_loop3A_780 : i32 to index
      %parallel_loop3A_782 = arith.constant 16 : index
      %parallel_loop3A_783 = tpu.vector_load %arg7[%parallel_loop3A_781, %parallel_loop3A_782] {strides = array<i32>} : memref<512x64xf32, #tpu.memory_space<vmem>>, vector<16xf32>,
      tpu.vector_store %arg7[%parallel_loop3A_781, %parallel_loop3A_782], %parallel_loop3A_778 {strides = array<i32>} : memref<512x64xf32, #tpu.memory_space<vmem>>, vector<16xf32>,
      %parallel_loop3A_784 = arith.constant 15 : i32
      %parallel_loop3A_785 = vector.broadcast %parallel_loop3A_784 : i32 to vector<16x1xi32>
      %parallel_loop3A_786 = vector.shape_cast %parallel_loop3A_785 : vector<16x1xi32> to vector<16xi32>
      %parallel_loop3A_787 = tpu.dynamic_gather %parallel_loop3A_139[%parallel_loop3A_786] in [0] : vector<16xi32>, vector<16xi32> -> vector<16xi32>
      %parallel_loop3A_788 = tpu.vector_load_idx %arg6[%parallel_loop3A_787, %add3A_13] : memref<48x128xf32, #tpu.memory_space<vmem>>[vector<16xi32>, vector<16xi32>], vector<16xf32>,
      %parallel_loop3A_789 = arith.constant 15 : i32
      %parallel_loop3A_790 = arith.addi %parallel_loop3A_64, %parallel_loop3A_789 : i32
      %parallel_loop3A_791 = arith.index_cast %parallel_loop3A_790 : i32 to index
      %parallel_loop3A_792 = arith.constant 32 : index
      %parallel_loop3A_793 = tpu.vector_load %arg7[%parallel_loop3A_791, %parallel_loop3A_792] {strides = array<i32>} : memref<512x64xf32, #tpu.memory_space<vmem>>, vector<16xf32>,
      tpu.vector_store %arg7[%parallel_loop3A_791, %parallel_loop3A_792], %parallel_loop3A_788 {strides = array<i32>} : memref<512x64xf32, #tpu.memory_space<vmem>>, vector<16xf32>,
      %parallel_loop3A_794 = arith.constant 15 : i32
      %parallel_loop3A_795 = vector.broadcast %parallel_loop3A_794 : i32 to vector<16x1xi32>
      %parallel_loop3A_796 = vector.shape_cast %parallel_loop3A_795 : vector<16x1xi32> to vector<16xi32>
      %parallel_loop3A_797 = tpu.dynamic_gather %parallel_loop3A_163[%parallel_loop3A_796] in [0] : vector<16xi32>, vector<16xi32> -> vector<16xi32>
      %parallel_loop3A_798 = tpu.vector_load_idx %arg6[%parallel_loop3A_797, %add3A_16] : memref<48x128xf32, #tpu.memory_space<vmem>>[vector<16xi32>, vector<16xi32>], vector<16xf32>,
      %parallel_loop3A_799 = arith.constant 15 : i32
      %parallel_loop3A_800 = arith.addi %parallel_loop3A_64, %parallel_loop3A_799 : i32
      %parallel_loop3A_801 = arith.index_cast %parallel_loop3A_800 : i32 to index
      %parallel_loop3A_802 = arith.constant 48 : index
      %parallel_loop3A_803 = tpu.vector_load %arg7[%parallel_loop3A_801, %parallel_loop3A_802] {strides = array<i32>} : memref<512x64xf32, #tpu.memory_space<vmem>>, vector<16xf32>,
      tpu.vector_store %arg7[%parallel_loop3A_801, %parallel_loop3A_802], %parallel_loop3A_798 {strides = array<i32>} : memref<512x64xf32, #tpu.memory_space<vmem>>, vector<16xf32>,
    } {sc.loop_unroll_factor = 4 : i64, sc.parallel_access}
    %add3A_32 = arith.constant 256 : i32
    %add3A_33 = arith.addi %mul3A_2, %add3A_32 : i32
    %dma_start3A_34 = arith.constant 256 : i32
    %dma_start3A_35 = arith.constant 0 : i32
    %dma_start3A_36 = tpu.memref_slice %arg7[%dma_start3A_34, %dma_start3A_35] : memref<512x64xf32, #tpu.memory_space<vmem>> -> memref<256x64xf32, #tpu.memory_space<vmem>>
    %dma_start3A_37 = arith.constant 0 : i32
    %dma_start3A_38 = tpu.memref_slice %arg4[%add3A_33, %dma_start3A_37] : memref<16384x64xf32, #tpu.memory_space<hbm>> -> memref<256x64xf32, #tpu.memory_space<hbm>>
    %dma_start3A_39 = arith.constant 0 : i32
    %dma_start3A_40 = tpu.memref_slice %arg4[%add3A_33, %dma_start3A_39] : memref<16384x64xf32, #tpu.memory_space<hbm>> -> memref<256x64xf32, #tpu.memory_space<hbm>>
    %dma_start3A_41 = arith.constant 256 : i32
    %dma_start3A_42 = arith.constant 0 : i32
    %dma_start3A_43 = tpu.memref_slice %arg7[%dma_start3A_41, %dma_start3A_42] : memref<512x64xf32, #tpu.memory_space<vmem>> -> memref<256x64xf32, #tpu.memory_space<vmem>>
    tpu.enqueue_dma source(%dma_start3A_43 : memref<256x64xf32, #tpu.memory_space<vmem>>) target(%dma_start3A_40 : memref<256x64xf32, #tpu.memory_space<hbm>>) target_semaphore(%arg8 : memref<!tpu.dma_semaphore, #tpu.memory_space<semaphore_mem>>)
    "tpu.trace_stop"() : () -> ()
    "tpu.trace_start"() <{level = 10 : i32, message = "writeback"}> : () -> ()
    %dma_wait3A_44 = arith.constant 0 : i32
    %dma_wait3A_45 = arith.constant 0 : i32
    %dma_wait3A_46 = tpu.memref_slice %arg7[%dma_wait3A_44, %dma_wait3A_45] : memref<512x64xf32, #tpu.memory_space<vmem>> -> memref<256x64xf32, #tpu.memory_space<vmem>>
    %dma_wait3A_47 = arith.constant 0 : i32
    %dma_wait3A_48 = tpu.memref_slice %arg4[%mul3A_2, %dma_wait3A_47] : memref<16384x64xf32, #tpu.memory_space<hbm>> -> memref<256x64xf32, #tpu.memory_space<hbm>>
    %dma_wait3A_49 = arith.constant 0 : i32
    %dma_wait3A_50 = tpu.memref_slice %arg4[%mul3A_2, %dma_wait3A_49] : memref<16384x64xf32, #tpu.memory_space<hbm>> -> memref<256x64xf32, #tpu.memory_space<hbm>>
    %dma_wait3A_51 = arith.constant 0 : i32
    %dma_wait3A_52 = arith.constant 0 : i32
    %dma_wait3A_53 = tpu.memref_slice %arg7[%dma_wait3A_51, %dma_wait3A_52] : memref<512x64xf32, #tpu.memory_space<vmem>> -> memref<256x64xf32, #tpu.memory_space<vmem>>
    tpu.wait_dma2 semaphore(%arg8 : memref<!tpu.dma_semaphore, #tpu.memory_space<semaphore_mem>>) src(%dma_wait3A_53 : memref<256x64xf32, #tpu.memory_space<vmem>>) dst(%dma_wait3A_50 : memref<256x64xf32, #tpu.memory_space<hbm>>)
    %dma_wait3A_54 = arith.constant 256 : i32
    %dma_wait3A_55 = arith.constant 0 : i32
    %dma_wait3A_56 = tpu.memref_slice %arg7[%dma_wait3A_54, %dma_wait3A_55] : memref<512x64xf32, #tpu.memory_space<vmem>> -> memref<256x64xf32, #tpu.memory_space<vmem>>
    %dma_wait3A_57 = arith.constant 0 : i32
    %dma_wait3A_58 = tpu.memref_slice %arg4[%add3A_33, %dma_wait3A_57] : memref<16384x64xf32, #tpu.memory_space<hbm>> -> memref<256x64xf32, #tpu.memory_space<hbm>>
    %dma_wait3A_59 = arith.constant 0 : i32
    %dma_wait3A_60 = tpu.memref_slice %arg4[%add3A_33, %dma_wait3A_59] : memref<16384x64xf32, #tpu.memory_space<hbm>> -> memref<256x64xf32, #tpu.memory_space<hbm>>
    %dma_wait3A_61 = arith.constant 256 : i32
    %dma_wait3A_62 = arith.constant 0 : i32
    %dma_wait3A_63 = tpu.memref_slice %arg7[%dma_wait3A_61, %dma_wait3A_62] : memref<512x64xf32, #tpu.memory_space<vmem>> -> memref<256x64xf32, #tpu.memory_space<vmem>>
    tpu.wait_dma2 semaphore(%arg8 : memref<!tpu.dma_semaphore, #tpu.memory_space<semaphore_mem>>) src(%dma_wait3A_63 : memref<256x64xf32, #tpu.memory_space<vmem>>) dst(%dma_wait3A_60 : memref<256x64xf32, #tpu.memory_space<hbm>>)
    "tpu.trace_stop"() : () -> ()
    return
  }
}

</mosaic_0001>

<sc_bundles>
// kernel: kernel.3.cloned.1.call-start
scs
__scs_entry_jumppad:
0x0: {  	(pc) =	sbr.rel $0x88, $3  }
0x1: {  	(tag) =	ssettag $0x0;
	lr =	simm.s32 $0x1  }
0x2: {  	[smem:$0x3F9C] =	sst lr;
	_ =	strace $0xD0000000  }
0x3: {  	_ = 	snop  }
0x4: {  	_ = 	snop  }
0x5: {  	_ = 	snop  }
0x6: {  	_ = 	snop  }
0x7: {  	_ = 	snop  }
__scs_overlays_trampoline_lowered:
0x8: {  	[smem:$0x3FAB] =	sst s0  }
0x9: {  	[smem:$0x3FAC] =	sst s1  }
0xa: {  	[smem:$0x3FAD] =	sst s2  }
0xb: {  	[smem:$0x3FAE] =	sst s3  }
0xc: {  	[smem:$0x3FAF] =	sst s4  }
0xd: {  	[smem:$0x3FB0] =	sst s5  }
0xe: {  	[smem:$0x3FB1] =	sst s6  }
0xf: {  	[smem:$0x3FB2] =	sst s7  }
0x10: {  	[smem:$0x3FB3] =	sst s8  }
0x11: {  	[smem:$0x3FB4] =	sst s9;
	s0 =	simm.s32 @!p0 $0x0  }
0x12: {  	s1 =	sld [smem:$0x3F9A];
	s0 =	simm.s32 @p0 $0x1  }
0x13: {  	[smem:$0x3FB5] =	sst s0;
	s0 =	simm.s32 @!p1 $0x0  }
0x14: {  	s2 =	sld [smem:$0x3F99];
	s0 =	simm.s32 @p1 $0x1  }
0x15: {  	[smem:$0x3FB6] =	sst s0;
	s0 =	simm.s32 @!p2 $0x0  }
0x16: {  	s3 =	sld [smem:$0x3FDB];
	s0 =	simm.s32 @p2 $0x1  }
0x17: {  	s4 =	simm.s32 $0x1BF5;
	[smem:$0x3FB8] =	sst s0  }
0x18: {  	s0 =	sld [smem:$0x3F9B];
	_ =	swait.ge [sflag:s4], $0x0  }
0x19: {  	s7 =	sld [smem:$0x3F9C]  }
0x1a: {  	s8 =	sadd.s32 $0xFFFFE003, lr  }
0x1b: {  	s9 =	sadd.s32 $0xFFFFFEF7, lr;
	s5 =	simm.s32 $0xFFFFFFFF;
	p2 =	slt.u32 s8, $0xFFFFF086  }
0x1c: {  	p1 =	slt.u32 s9, $0xF7A;
	s5 =	simm.s32 @!p2 $0x0  }
0x1d: {  	s5 =	simm.s32 @p1 $0x1;
	p0 =	seq.s32 s7, s2  }
0x1e: {  	s7 =	smul.u32 @!p0 $0xF7A, s2;
	p2 =	seq.s32 @!p0 s5, $0x0  }
0x1f: {  	s9 =	smul.u32 $0xF7A, s1;
	s8 =	simm.s32 @!p0 $0x1BF5;
	p2 =	por !p2, p0  }
0x20: {  	[sflag:s8] =	ssyncset.s32 @!p0 $0xFFFFF086;
	s6 =	sadd.s32 @!p0 s3, s7;
	s7 =	simm.s32 @!p0 $0x108  }
0x21: {  	s3 =	sadd.s32 s3, s9;
	s6 =	sadd.s32 @!p0 $0x88, s6;
	s7 =	simm.s32 @p2 $0x1082  }
0x22: {  	[simem:s7], [sflag:s8] =	dma.local @!p0 [hbm:s6], $0xF7A  }
0x23: {  	s9 =	sor.u32 $0xD0000000, s2;
	s6 =	simm.s32 $0x108;
	_ =	swait.ge @!p0 [sflag:s8], $0x0  }
0x24: {  	s3 =	sadd.s32 $0x88, s3;
	s6 =	simm.s32 @!p1 $0x1082;
	[sflag:s4] =	ssyncset.s32 $0xFFFFF086  }
0x25: {  	[simem:s6], [sflag:s4] =	dma.local [hbm:s3], $0xF7A  }
0x26: {  	[smem:$0x3F9C] =	sst s1;
	(tag) =	ssettag s2;
	_ =	strace s9  }
0x27: {  	s1 =	sld [smem:$0x3FAC]  }
0x28: {  	s2 =	sld [smem:$0x3FAD]  }
0x29: {  	s4 =	sld [smem:$0x3FAF]  }
0x2a: {  	p0 =	seq.s32 s5, $0x0;
	s5 =	sld [smem:$0x3FB0]  }
0x2b: {  	s6 =	sld [smem:$0x3FB1]  }
0x2c: {  	s7 =	sld [smem:$0x3FB2]  }
0x2d: {  	s3 =	simm.s32 $0x108;
	s8 =	sld [smem:$0x3FB3]  }
0x2e: {  	s3 =	simm.s32 @!p0 $0x1082;
	s9 =	sld [smem:$0x3FB4]  }
0x2f: {  	lr =	sadd.s32 s0, s3;
	s0 =	sld [smem:$0x3FAB]  }
0x30: {  	s3 =	sld [smem:$0x3FAE]  }
0x31: {  	[smem:$0x3FB7] =	sst s10  }
0x32: {  	s10 =	sld [smem:$0x3FB5];
	_ =	sdelay $0x3  }
0x33: {  	p0 =	seq.s32 s10, $0x1;
	s10 =	sld [smem:$0x3FB7];
	_ =	sdelay $0x3  }
0x34: {  	[smem:$0x3FB7] =	sst s10  }
0x35: {  	s10 =	sld [smem:$0x3FB6];
	_ =	sdelay $0x3  }
0x36: {  	p1 =	seq.s32 s10, $0x1;
	s10 =	sld [smem:$0x3FB7];
	_ =	sdelay $0x3  }
0x37: {  	[smem:$0x3FB7] =	sst s10  }
0x38: {  	s10 =	sld [smem:$0x3FB8]  }
0x39: {  	_ = 	snop;
	(pc) =	sbr.ind lr, $3  }
0x3a: {  	_ = 	snop  }
0x3b: {  	_ = 	snop  }
0x3c: {  	p2 =	seq.s32 s10, $0x1;
	s10 =	sld [smem:$0x3FB7]  }
0x3d: {  	_ =	shalt  }
0x3e: {  	_ =	shalt  }
0x3f: {  	_ =	shalt  }
0x40: {  	_ =	shalt  }
0x41: {  	_ =	shalt  }
0x42: {  	_ =	shalt  }
0x43: {  	_ =	shalt  }
0x44: {  	_ =	shalt  }
0x45: {  	_ =	shalt  }
0x46: {  	_ =	shalt  }
0x47: {  	_ =	shalt  }
0x48: {  	_ =	shalt  }
0x49: {  	_ =	shalt  }
0x4a: {  	_ =	shalt  }
0x4b: {  	_ =	shalt  }
0x4c: {  	_ =	shalt  }
0x4d: {  	_ =	shalt  }
0x4e: {  	_ =	shalt  }
0x4f: {  	_ =	shalt  }
0x50: {  	_ =	shalt  }
0x51: {  	_ =	shalt  }
0x52: {  	_ =	shalt  }
0x53: {  	_ =	shalt  }
0x54: {  	_ =	shalt  }
0x55: {  	_ =	shalt  }
0x56: {  	_ =	shalt  }
0x57: {  	_ =	shalt  }
0x58: {  	_ =	shalt  }
0x59: {  	_ =	shalt  }
0x5a: {  	_ =	shalt  }
0x5b: {  	_ =	shalt  }
0x5c: {  	_ =	shalt  }
0x5d: {  	_ =	shalt  }
0x5e: {  	_ =	shalt  }
0x5f: {  	_ =	shalt  }
0x60: {  	_ =	shalt  }
0x61: {  	_ =	shalt  }
0x62: {  	_ =	shalt  }
0x63: {  	_ =	shalt  }
0x64: {  	_ =	shalt  }
0x65: {  	_ =	shalt  }
0x66: {  	_ =	shalt  }
0x67: {  	_ =	shalt  }
0x68: {  	_ =	shalt  }
0x69: {  	_ =	shalt  }
0x6a: {  	_ =	shalt  }
0x6b: {  	_ =	shalt  }
0x6c: {  	_ =	shalt  }
0x6d: {  	_ =	shalt  }
0x6e: {  	_ =	shalt  }
0x6f: {  	_ =	shalt  }
0x70: {  	_ =	shalt  }
0x71: {  	_ =	shalt  }
0x72: {  	_ =	shalt  }
0x73: {  	_ =	shalt  }
0x74: {  	_ =	shalt  }
0x75: {  	_ =	shalt  }
0x76: {  	_ =	shalt  }
0x77: {  	_ =	shalt  }
0x78: {  	_ =	shalt  }
0x79: {  	_ =	shalt  }
0x7a: {  	_ =	shalt  }
0x7b: {  	_ =	shalt  }
0x7c: {  	_ =	shalt  }
0x7d: {  	_ =	shalt  }
0x7e: {  	_ =	shalt  }
0x7f: {  	_ =	shalt  }
0x80: {  	_ =	shalt  }
0x81: {  	_ =	shalt  }
0x82: {  	_ =	shalt  }
0x83: {  	_ =	shalt  }
0x84: {  	_ =	shalt  }
0x85: {  	_ =	shalt  }
0x86: {  	_ =	shalt  }
0x87: {  	_ =	shalt  }
.Lfunc_end0:
.L_simem_size_0:
called_computation_lowered:
.L_overlay_start_0:
0x88: {  	s2 =	sld [smem:$0x3FD9]  }
0x89: {  	s3 =	sld [smem:$0x3FFE];
	_ =	sdelay $0x1  }
0x8a: {  	s1 =	srdreg.scid  }
0x8b: {  	s0 =	sand.u32 $0x1, s1  }
0x8c: {  	s17 =	sshll.u32 s0, $0xA;
	s2 =	sadd.s32 s3, s2  }
0x8d: {  	s2 =	sadd.s32 s2, s17  }
0x8e: {  	[smem:$0x3FC3] =	sst s2  }
0x8f: {  	_ = 	snop  }
0x90: {  	s2 =	sld [smem:$0x3FC9]  }
0x91: {  	s18 =	sld [smem:$0x3FD0];
	(tm) =	ssettm $0x1  }
0x92: {  	s4 =	sld [smem:$0x3FFB];
	_ =	sdelay $0x3  }
0x93: {  	_ =	strace s4  }
0x94: {  	s4 =	sld [smem:$0x3FFC];
	_ =	sdelay $0x3  }
0x95: {  	_ =	strace s4  }
0x96: {  	s4 =	sld [smem:$0x3FFD];
	_ =	sdelay $0x3  }
0x97: {  	_ =	strace s4  }
0x98: {  	_ =	strace $0x8FFFFFFF  }
0x99: {  	s19 =	sld [smem:$0x3FDB];
	_ =	sdelay $0x1  }
0x9a: {  	s5 =	simm.s32 $_scs_section_size  }
0x9b: {  	s6 =	simm.s32 $_size__tile_overlayer_lowered;
	s7 =	simm.s32 $_tile_overlayer_lowered  }
0x9c: {  	s22 =	simm.s32 $0x1BFF;
	s21 =	sshll.u32 s7, $0x1;
	s4 =	sadd.s32 s5, s19  }
0x9d: {  	s8 =	simm.s32 $0x0;
	s20 =	sshll.u32 s6, $0x1;
	s6 =	sadd.s32 s21, s4  }
0x9e: {  	[timem:s8], [sflag:s22] =	dma.local [hbm:s6], s20  }
0x9f: {  	_ =	swait.ge [sflag:s22], s20  }
0xa0: {  	s5 =	ssub.s32 $0x0, s20;
	[sflag:s22] =	ssyncset.done $0x0  }
0xa1: {  	[sflag:s22] =	ssyncadd.s32 s5;
	_ =	sdelay $0x1  }
0xa2: {  	s23 =	simm.s32 $0x1B8B  }
0xa3: {  	_ =	swait.ge [sflag:s23], $0x1  }
0xa4: {  	[sflag:s23] =	ssyncset.done $0x0  }
0xa5: {  	s25 =	simm.s32 $0x1B8E;
	s24 =	sld [smem:$0x3FFE];
	[sflag:s23] =	ssyncadd.s32 $0xFFFFFFFF  }
0xa6: {  	s26 =	simm.s32 $execute0_lowered;
	[smem:$0x3FD2] =	sst s25  }
0xa7: {  	s6 =	sshll.u32 s26, $0x1;
	_ =	strace $0x80000046;
	[dreg:$0x1] =	wrdreg $0xFFFFFFFF  }
0xa8: {  	s28 =	simm.s32 $_size_execute0_lowered;
	s4 =	sadd.s32 s4, s6;
	[dreg:$0x0] =	wrdreg $0x0  }
0xa9: {  	s6 =	sshll.u32 s28, $0x1;
	[dreg:$0x2] =	wrdreg s4  }
0xaa: {  	[dreg:$0x3] =	wrdreg s6  }
0xab: {  	[dreg:$0x4] =	wrdreg $0xC0  }
0xac: {  	_ =	task [dreg:s8], $0x5FFFF  }
0xad: {  	[dreg:$0x1] =	wrdreg $0xFFFFFFFF  }
0xae: {  	[dreg:$0x0] =	wrdreg $0x60  }
0xaf: {  	[dreg:$0x2] =	wrdreg s2  }
0xb0: {  	[dreg:$0x3] =	wrdreg s18  }
0xb1: {  	[dreg:$0x4] =	wrdreg s24  }
0xb2: {  	[dreg:$0x5] =	wrdreg $0x9  }
0xb3: {  	_ =	task.clear_ibuf [dreg:s8], $0x6FFFF;
	_ =	strace $0x90000046  }
0xb4: {  	s29 =	simm.s32 $0x9;
	_ =	strace $0x8000004B  }
0xb5: {  	_ =	swait.ge [sflag:s29], $0x1  }
0xb6: {  	[sflag:s29] =	ssyncadd.s32 $0xFFFFFFFF  }
0xb7: {  	_ =	strace $0x9000004B  }
0xb8: {  	_ =	sfence  }
0xb9: {  	s30 =	sld [smem:$0x0];
	_ =	sdelay $0x2  }
0xba: {  	s31 =	sshll.u32 s1, $0xD;
	s1 =	sshrl.u32 s1, $0x2  }
0xbb: {  	s3 =	sand.u32 $0x4000, s31;
	s1 =	sadd.s32 s1, s30  }
0xbc: {  	s0 =	sor.u32 s3, s0;
	s1 =	sshll.u32 s1, $0x11  }
0xbd: {  	s0 =	sor.u32 s1, s0  }
0xbe: {  	s0 =	sadd.s32 $0x8F2B, s0  }
0xbf: {  	[sflag:s0] =	ssyncadd.remote.s32 $0x1  }
0xc0: {  	_ =	sfence.sel $0xFFFF  }
0xc1: {  	[dreg:$0x0] =	wrdreg $0xFFFFFFFF;
	(pc) =	sbr.abs _section_cstart, $3  }
0xc2: {  	[dreg:$0x1] =	wrdreg $0xFFFFFFFF  }
0xc3: {  	_ =	task.clear_ibuf [dreg:s8], $0x2FFFF;
	_ =	strace $0x9FFFFFFF  }
0xc4: {  	(tm) =	ssettm $0x7FFFFFFF  }
0xc5: {  	_ =	shalt  }
tec
execute0_lowered:
.L_overlay_start_1:
0x0: {  	(tag) =	ssettag $0x1  }
0x1: {  	s4 =	rddreg [dreg:$0x0]  }
0x2: {  	s2 =	rddreg [dreg:$0x1]  }
0x3: {  	s5 =	rddreg [dreg:$0x2];
	s3 =	srdreg.scid  }
0x4: {  	s0 =	rddreg [dreg:$0x3];
	s1 =	stileid.u32;
	s10 =	simm.s32 $0x1A00  }
0x5: {  	v0 =	vimm.s32 $0x0;
	v1 =	vlaneseq.u32;
	s11 =	simm.s32 $0x9A00;
	s12 =	simm.s32 $0x0;
	s6 =	sand.u32 $0x1, s3  }
0x6: {  	v2 =	vimm.s32 $0x7;
	v6 =	vimm.s32 $0x1;
	v7 =	vimm.s32 $0x2;
	s3 =	simm.s32 $0x0;
	s7 =	sshll.u32 s1, $0xA;
	s8 =	sshll.u32 s6, $0x9  }
0x7: {  	v8 =	vimm.s32 $0x3;
	v9 =	vimm.s32 $0x4;
	v10 =	vimm.s32 $0x5;
	[smem:$0x7FF] =	sst s3;
	s6 =	ssub.s32 $0x2, s6;
	s7 =	sor.u32 s8, s7  }
0x8: {  	v11 =	vimm.s32 $0x6;
	v12 =	vimm.s32 $0x8;
	v13 =	vimm.s32 $0x9;
	_ =	strace $0x80000047;
	s9 =	sshrl.u32 s6, $0x1;
	s8 =	sshll.u32 s7, $0x4  }
0x9: {  	v14 =	vimm.s32 $0xA;
	v15 =	vimm.s32 $0xB;
	v16 =	vimm.s32 $0xC;
	s9 =	ssub.s32 s6, s9;
	s31 =	sshrl.u32 s7, $0x3;
	s8 =	sadd.s32 s8, s5  }
0xa: {  	v17 =	vimm.s32 $0xD;
	v18 =	vimm.s32 $0xE;
	v19 =	vimm.s32 $0xF;
	s4 =	sadd.s32 s4, s31;
	s7 =	smax.u32 s9, $0x1;
	s9 =	simm.s32 $0x1  }
0xb: {  	v3 =	vor.u32 $0x10, v1;
	v4 =	vor.u32 $0x20, v1;
	v5 =	vor.u32 $0x30, v1;
	s5 =	sadd.s32 $0x400, s8;
	s6 =	sadd.s32 $0x1400, s8;
	s8 =	simm.s32 $0x200  }
.LBB2_1:
0xc: {  	_ =	strace $0x80000048  }
0xd: {  	[tilespmem:s3], [sflag:$0x1] =	stream.linear.gather [hbm4b:s4+s3], $0x200, $0x200038;
	[tilespmem:$0x11A00] =	vst v63  }
0xe: {  	_ = 	snop  }
0xf: {  	[tilespmem:s8], [sflag:$0x1] =	stream.linear.gather [hbm4b:s2+s3], $0x1800, $0x200038;
	[tilespmem:$0x11A00] =	vst v63  }
0x10: {  	_ =	swait.ge [sflag:s9], $0x200  }
0x11: {  	[sflag:s9] =	ssyncset.done $0x0  }
0x12: {  	[sflag:s9] =	ssyncadd.s32 $0xFFFFFE00  }
0x13: {  	_ =	swait.ge [sflag:s9], $0x1800  }
0x14: {  	[sflag:s9] =	ssyncset.done $0x0  }
0x15: {  	[sflag:s9] =	ssyncadd.s32 $0xFFFFE800  }
0x16: {  	_ =	strace $0x90000048  }
0x17: {  	s13 =	simm.s32 $0x0;
	_ =	strace $0x80000049  }
.LBB2_2:
0x18: {  	v20 =	vld [tilespmem:s13+$0x0];
	_ =	sdelay $0x4  }
0x19: {  	v20 =	vcvt.s32.f32 v20;
	_ =	sdelay $0x1  }
0x1a: {  	v21 =	vmul.f32 $2.439024300e-02, v20;
	_ =	sdelay $0x1  }
0x1b: {  	v21 =	vtrunc.f32 v21  }
0x1c: {  	v21 =	vcvt.f32.s32 v21;
	_ =	sdelay $0x1  }
0x1d: {  	v21 =	vcvt.s32.f32 v21  }
0x1e: {  	v22 =	vmul.f32 $2.702702770e-02, v20  }
0x1f: {  	v21 =	vmul.f32 $4.100000000e+01, v21  }
0x20: {  	v22 =	vtrunc.f32 v22  }
0x21: {  	v22 =	vcvt.f32.s32 v22;
	v21 =	vsub.f32 v20, v21  }
0x22: {  	v24 =	vmul.f32 $3.225806360e-02, v20  }
0x23: {  	v22 =	vcvt.s32.f32 v22;
	v23 =	vadd.f32 $4.100000000e+01, v21  }
0x24: {  	v24 =	vtrunc.f32 v24;
	vm0 =	vlt.f32 v21, $0.0e+00  }
0x25: {  	v24 =	vcvt.f32.s32 v24;
	v22 =	vmul.f32 $3.700000000e+01, v22;
	v21 =	vsel vm0, v23, v21  }
0x26: {  	v23 =	vadd.f32 $-4.100000000e+01, v21  }
0x27: {  	v24 =	vcvt.s32.f32 v24;
	v22 =	vsub.f32 v20, v22;
	vm0 =	vge.f32 v21, $4.100000000e+01  }
0x28: {  	v21 =	vsel vm0, v23, v21  }
0x29: {  	v24 =	vmul.f32 $3.100000000e+01, v24;
	v25 =	vadd.f32 $3.700000000e+01, v22;
	v21 =	vtrunc.f32 v21  }
0x2a: {  	v35 =	vmul.f32 $4.347826170e-02, v20;
	vm6 =	vlt.f32 v22, $0.0e+00;
	v23 =	vcvt.f32.s32 v21  }
0x2b: {  	v24 =	vsub.f32 v20, v24;
	v34 =	vsel vm6, v25, v22  }
0x2c: {  	v22 =	vtrunc.f32 v35;
	v25 =	vadd.f32 $-3.700000000e+01, v34;
	v26 =	vperm.xlane v23, v0  }
0x2d: {  	v22 =	vcvt.f32.s32 v22;
	vm0 =	vge.f32 v34, $3.700000000e+01  }
0x2e: {  	v37 =	vadd.f32 $3.100000000e+01, v24;
	v21 =	vsel vm0, v25, v34;
	v36 =	vshll.u32 v26, $0x7  }
0x2f: {  	v27 =	vcvt.s32.f32 v22;
	v21 =	vtrunc.f32 v21;
	v25 =	vor.u32 v1, v36  }
0x30: {  	vm7 =	vlt.f32 v24, $0.0e+00;
	v22 =	vcvt.f32.s32 v21  }
0x31: {  	v38 =	vsel vm7, v37, v24;
	v39 =	vmul.f32 $2.300000000e+01, v27  }
0x32: {  	v26 =	vadd.f32 $-3.100000000e+01, v38;
	v40 =	vperm.xlane v22, v0  }
0x33: {  	vm0 =	vge.f32 v38, $3.100000000e+01;
	v20 =	vsub.f32 v20, v39  }
0x34: {  	v21 =	vsel vm0, v26, v38;
	v42 =	vshll.u32 v40, $0x7;
	v41 =	vld.idx.msk [tilespmem:v25+s8+$0x0], $0xffff  }
0x35: {  	v43 =	vadd.f32 $2.300000000e+01, v20;
	v21 =	vtrunc.f32 v21;
	v25 =	vor.u32 v3, v42  }
0x36: {  	vm8 =	vlt.f32 v20, $0.0e+00;
	v21 =	vcvt.f32.s32 v21  }
0x37: {  	s14 =	sshll.u32 s13, $0x7;
	v20 =	vsel vm8, v43, v20  }
0x38: {  	s14 =	sand.u32 $0x3FFFFF80, s14;
	v26 =	vadd.f32 $-2.300000000e+01, v20;
	v44 =	vperm.xlane v21, v0  }
0x39: {  	vm0 =	vge.f32 v20, $2.300000000e+01;
	[tilespmem:s14+$0x1A00] =	vst v41  }
0x3a: {  	v20 =	vsel vm0, v26, v20;
	v45 =	vshll.u32 v44, $0x7;
	v24 =	vld.idx.msk [tilespmem:v25+s8+$0x0], $0xffff  }
0x3b: {  	v20 =	vtrunc.f32 v20;
	v25 =	vor.u32 v4, v45  }
0x3c: {  	v20 =	vcvt.f32.s32 v20;
	_ =	sdelay $0x1  }
0x3d: {  	v46 =	vperm.xlane v20, v0  }
0x3e: {  	[tilespmem:s14+$0x1A10] =	vst v24  }
0x3f: {  	v47 =	vshll.u32 v46, $0x7;
	v24 =	vld.idx.msk [tilespmem:v25+s8+$0x0], $0xffff  }
0x40: {  	v25 =	vor.u32 v5, v47;
	_ =	sdelay $0x2  }
0x41: {  	v48 =	vperm.xlane v23, v6  }
0x42: {  	[tilespmem:s14+$0x1A20] =	vst v24  }
0x43: {  	v49 =	vshll.u32 v48, $0x7;
	v24 =	vld.idx.msk [tilespmem:v25+s8+$0x0], $0xffff  }
0x44: {  	v25 =	vor.u32 v1, v49;
	_ =	sdelay $0x2  }
0x45: {  	v50 =	vperm.xlane v22, v6  }
0x46: {  	[tilespmem:s14+$0x1A30] =	vst v24  }
0x47: {  	v51 =	vshll.u32 v50, $0x7;
	v24 =	vld.idx.msk [tilespmem:v25+s8+$0x0], $0xffff  }
0x48: {  	v25 =	vor.u32 v3, v51;
	_ =	sdelay $0x2  }
0x49: {  	v52 =	vperm.xlane v21, v6  }
0x4a: {  	[tilespmem:s14+$0x1A80] =	vst v24  }
0x4b: {  	v53 =	vshll.u32 v52, $0x7;
	v24 =	vld.idx.msk [tilespmem:v25+s8+$0x0], $0xffff  }
0x4c: {  	v25 =	vor.u32 v4, v53;
	_ =	sdelay $0x2  }
0x4d: {  	v54 =	vperm.xlane v20, v6  }
0x4e: {  	[tilespmem:s14+$0x1A90] =	vst v24  }
0x4f: {  	v55 =	vshll.u32 v54, $0x7;
	v24 =	vld.idx.msk [tilespmem:v25+s8+$0x0], $0xffff  }
0x50: {  	v25 =	vor.u32 v5, v55;
	_ =	sdelay $0x3  }
0x51: {  	[tilespmem:s14+$0x1AA0] =	vst v24  }
0x52: {  	v24 =	vld.idx.msk [tilespmem:v25+s8+$0x0], $0xffff;
	_ =	sdelay $0x4  }
0x53: {  	s15 =	sor.u32 $0x10, s13;
	[tilespmem:s14+$0x1AB0] =	vst v24  }
0x54: {  	v24 =	vld [tilespmem:s15+$0x0]  }
0x55: {  	s16 =	sor.u32 $0x20, s13  }
0x56: {  	v31 =	vld [tilespmem:s16+$0x0];
	_ =	sdelay $0x2  }
0x57: {  	v24 =	vcvt.s32.f32 v24;
	_ =	sdelay $0x1  }
0x58: {  	v31 =	vcvt.s32.f32 v31;
	v56 =	vmul.f32 $2.439024300e-02, v24  }
0x59: {  	v57 =	vmul.f32 $2.702702770e-02, v24;
	v58 =	vmul.f32 $3.225806360e-02, v24  }
0x5a: {  	v28 =	vmul.f32 $4.347826170e-02, v24;
	v33 =	vmul.f32 $2.439024300e-02, v31  }
0x5b: {  	v25 =	vtrunc.f32 v56;
	v26 =	vtrunc.f32 v57  }
0x5c: {  	v27 =	vtrunc.f32 v58;
	v28 =	vtrunc.f32 v28  }
0x5d: {  	v25 =	vcvt.f32.s32 v25;
	v26 =	vcvt.f32.s32 v26  }
0x5e: {  	v27 =	vcvt.f32.s32 v27;
	v28 =	vcvt.f32.s32 v28  }
0x5f: {  	v25 =	vcvt.s32.f32 v25;
	v26 =	vcvt.s32.f32 v26  }
0x60: {  	v27 =	vcvt.s32.f32 v27;
	v28 =	vcvt.s32.f32 v28  }
0x61: {  	v25 =	vmul.f32 $4.100000000e+01, v25;
	v26 =	vmul.f32 $3.700000000e+01, v26  }
0x62: {  	v27 =	vmul.f32 $3.100000000e+01, v27;
	v28 =	vmul.f32 $2.300000000e+01, v28  }
0x63: {  	v35 =	vmul.f32 $2.702702770e-02, v31;
	v25 =	vsub.f32 v24, v25;
	v26 =	vsub.f32 v24, v26  }
0x64: {  	v45 =	vmul.f32 $4.347826170e-02, v31;
	v60 =	vsub.f32 v24, v27;
	v24 =	vsub.f32 v24, v28  }
0x65: {  	v29 =	vadd.f32 $4.100000000e+01, v25;
	vm9 =	vlt.f32 v25, $0.0e+00;
	v59 =	vadd.f32 $3.700000000e+01, v26  }
0x66: {  	vm10 =	vlt.f32 v26, $0.0e+00;
	v62 =	vadd.f32 $3.100000000e+01, v60;
	v28 =	vadd.f32 $2.300000000e+01, v24  }
0x67: {  	vm13 =	vlt.f32 v60, $0.0e+00;
	vm14 =	vlt.f32 v24, $0.0e+00;
	v25 =	vsel vm9, v29, v25  }
0x68: {  	v26 =	vsel vm10, v59, v26;
	v63 =	vsel vm13, v62, v60;
	v24 =	vsel vm14, v28, v24  }
0x69: {  	v28 =	vtrunc.f32 v33;
	v30 =	vadd.f32 $-4.100000000e+01, v25;
	vm11 =	vge.f32 v25, $4.100000000e+01  }
0x6a: {  	s17 =	sor.u32 $0x30, s13;
	v29 =	vadd.f32 $-3.700000000e+01, v26;
	v34 =	vadd.f32 $-2.300000000e+01, v24;
	v28 =	vcvt.f32.s32 v28  }
0x6b: {  	v33 =	vld [tilespmem:s17+$0x0];
	vm12 =	vge.f32 v26, $3.700000000e+01;
	vm4 =	vge.f32 v24, $2.300000000e+01;
	v25 =	vsel vm11, v30, v25  }
0x6c: {  	v24 =	vsel vm4, v34, v24;
	v28 =	vcvt.s32.f32 v28;
	v34 =	vmul.f32 $3.225806360e-02, v31  }
0x6d: {  	v61 =	vsel vm12, v29, v26;
	v25 =	vtrunc.f32 v25;
	v24 =	vtrunc.f32 v24  }
0x6e: {  	v30 =	vadd.f32 $-3.100000000e+01, v63;
	v27 =	vcvt.f32.s32 v25;
	v25 =	vtrunc.f32 v61  }
0x6f: {  	vm15 =	vge.f32 v63, $3.100000000e+01;
	v24 =	vcvt.f32.s32 v24;
	v28 =	vmul.f32 $4.100000000e+01, v28  }
0x70: {  	v29 =	vsel vm15, v30, v63;
	v39 =	vtrunc.f32 v34;
	v33 =	vcvt.s32.f32 v33  }
0x71: {  	v26 =	vcvt.f32.s32 v25;
	v29 =	vtrunc.f32 v29  }
0x72: {  	v25 =	vcvt.f32.s32 v29;
	v36 =	vperm.xlane v27, v0  }
0x73: {  	v29 =	vtrunc.f32 v35;
	v44 =	vmul.f32 $2.702702770e-02, v33  }
0x74: {  	v28 =	vsub.f32 v31, v28;
	v49 =	vmul.f32 $3.225806360e-02, v33;
	v57 =	vmul.f32 $4.347826170e-02, v33  }
0x75: {  	v32 =	vperm.xlane v26, v0;
	v29 =	vcvt.f32.s32 v29;
	v30 =	vshll.u32 v36, $0x7  }
0x76: {  	v38 =	vadd.f32 $4.100000000e+01, v28;
	vm5 =	vlt.f32 v28, $0.0e+00;
	v40 =	vperm.xlane v25, v0  }
0x77: {  	v52 =	vtrunc.f32 v49;
	v37 =	vshll.u32 v32, $0x7;
	v29 =	vcvt.s32.f32 v29  }
0x78: {  	v35 =	vor.u32 v1, v30;
	v32 =	vcvt.f32.s32 v39;
	v36 =	vor.u32 v3, v37  }
0x79: {  	v28 =	vsel vm5, v38, v28;
	v34 =	vshll.u32 v40, $0x7;
	v29 =	vmul.f32 $3.700000000e+01, v29  }
0x7a: {  	v37 =	vmul.f32 $2.439024300e-02, v33;
	v30 =	vadd.f32 $-4.100000000e+01, v28;
	v32 =	vcvt.s32.f32 v32  }
0x7b: {  	v38 =	vor.u32 v4, v34;
	v34 =	vtrunc.f32 v45;
	v29 =	vsub.f32 v31, v29  }
0x7c: {  	vm0 =	vge.f32 v28, $4.100000000e+01;
	v37 =	vtrunc.f32 v37;
	v32 =	vmul.f32 $3.100000000e+01, v32  }
0x7d: {  	v46 =	vcvt.f32.s32 v34;
	v37 =	vcvt.f32.s32 v37;
	v41 =	vadd.f32 $3.700000000e+01, v29  }
0x7e: {  	v28 =	vsel vm0, v30, v28;
	vm6 =	vlt.f32 v29, $0.0e+00;
	v32 =	vsub.f32 v31, v32  }
0x7f: {  	v28 =	vtrunc.f32 v28;
	v37 =	vcvt.s32.f32 v37;
	v29 =	vsel vm6, v41, v29  }
0x80: {  	v30 =	vcvt.f32.s32 v28;
	v43 =	vadd.f32 $3.100000000e+01, v32;
	v42 =	vadd.f32 $-3.700000000e+01, v29  }
0x81: {  	vm7 =	vlt.f32 v32, $0.0e+00;
	v37 =	vmul.f32 $4.100000000e+01, v37;
	vm0 =	vge.f32 v29, $3.700000000e+01  }
0x82: {  	v56 =	vperm.xlane v30, v0;
	v28 =	vsel vm0, v42, v29;
	v29 =	vtrunc.f32 v44  }
0x83: {  	v32 =	vsel vm7, v43, v32;
	v37 =	vsub.f32 v33, v37;
	v40 =	vcvt.f32.s32 v29  }
0x84: {  	v39 =	vadd.f32 $-3.100000000e+01, v32;
	vm0 =	vge.f32 v32, $3.100000000e+01;
	v28 =	vtrunc.f32 v28  }
0x85: {  	v47 =	vadd.f32 $4.100000000e+01, v37;
	vm8 =	vlt.f32 v37, $0.0e+00;
	v48 =	vcvt.s32.f32 v40  }
0x86: {  	v29 =	vcvt.f32.s32 v28;
	v32 =	vsel vm0, v39, v32;
	v28 =	vcvt.s32.f32 v46  }
0x87: {  	v34 =	vsel vm8, v47, v37;
	v40 =	vcvt.f32.s32 v52;
	v50 =	vmul.f32 $3.700000000e+01, v48  }
0x88: {  	v32 =	vtrunc.f32 v32;
	v51 =	vmul.f32 $2.300000000e+01, v28;
	v41 =	vadd.f32 $-4.100000000e+01, v34  }
0x89: {  	vm0 =	vge.f32 v34, $4.100000000e+01;
	v55 =	vcvt.s32.f32 v40;
	v37 =	vsub.f32 v33, v50  }
0x8a: {  	v28 =	vcvt.f32.s32 v32;
	v39 =	vsub.f32 v31, v51;
	v53 =	vsel vm0, v41, v34  }
0x8b: {  	v31 =	vtrunc.f32 v53;
	v34 =	vmul.f32 $3.100000000e+01, v55;
	v54 =	vadd.f32 $3.700000000e+01, v37  }
0x8c: {  	v60 =	vperm.xlane v29, v0;
	v31 =	vcvt.f32.s32 v31;
	vm9 =	vlt.f32 v37, $0.0e+00  }
0x8d: {  	v40 =	vshll.u32 v56, $0x7;
	v34 =	vsub.f32 v33, v34;
	v32 =	vsel vm9, v54, v37  }
0x8e: {  	v42 =	vperm.xlane v31, v0;
	v37 =	vtrunc.f32 v57;
	v58 =	vadd.f32 $-3.700000000e+01, v32  }
0x8f: {  	v40 =	vor.u32 v1, v40;
	vm0 =	vge.f32 v32, $3.700000000e+01;
	v37 =	vcvt.f32.s32 v37  }
0x90: {  	v59 =	vadd.f32 $3.100000000e+01, v34;
	v42 =	vshll.u32 v42, $0x7;
	v32 =	vsel vm0, v58, v32  }
0x91: {  	v42 =	vor.u32 v1, v42;
	v37 =	vcvt.s32.f32 v37;
	v32 =	vtrunc.f32 v32  }
0x92: {  	v41 =	vshll.u32 v60, $0x7;
	vm10 =	vlt.f32 v34, $0.0e+00;
	v32 =	vcvt.f32.s32 v32  }
0x93: {  	v41 =	vor.u32 v3, v41;
	v34 =	vsel vm10, v59, v34;
	v37 =	vmul.f32 $2.300000000e+01, v37  }
0x94: {  	v35 =	vld.idx.msk [tilespmem:v35+s8+$0x0], $0xffff;
	v43 =	vadd.f32 $2.300000000e+01, v39;
	v61 =	vadd.f32 $-3.100000000e+01, v34;
	v44 =	vperm.xlane v32, v0  }
0x95: {  	vm11 =	vlt.f32 v39, $0.0e+00;
	v40 =	vld.idx.msk [tilespmem:v40+s8+$0x0], $0xffff;
	vm12 =	vge.f32 v34, $3.100000000e+01;
	v37 =	vsub.f32 v33, v37  }
0x96: {  	v39 =	vsel vm11, v43, v39;
	v62 =	vsel vm12, v61, v34;
	v63 =	vld.idx.msk [tilespmem:v42+s8+$0x0], $0xffff;
	v47 =	vshll.u32 v44, $0x7  }
0x97: {  	s15 =	sshll.u32 s15, $0x7;
	v33 =	vtrunc.f32 v62;
	v48 =	vadd.f32 $2.300000000e+01, v37;
	v42 =	vor.u32 v3, v47  }
0x98: {  	s16 =	sshll.u32 s16, $0x7;
	s15 =	sand.u32 $0x3FFFFF80, s15;
	v49 =	vadd.f32 $-2.300000000e+01, v39;
	v33 =	vcvt.f32.s32 v33;
	vm13 =	vlt.f32 v37, $0.0e+00  }
0x99: {  	s16 =	sand.u32 $0x3FFFFF80, s16;
	s17 =	sshll.u32 s17, $0x7;
	[tilespmem:s15+$0x1A00] =	vst v35;
	v51 =	vperm.xlane v28, v0;
	vm14 =	vge.f32 v39, $2.300000000e+01;
	v50 =	vsel vm13, v48, v37  }
0x9a: {  	s17 =	sand.u32 $0x3FFFFF80, s17;
	v36 =	vld.idx.msk [tilespmem:v36+s8+$0x0], $0xffff;
	v39 =	vsel vm14, v49, v39;
	[tilespmem:s16+$0x1A00] =	vst v40;
	v53 =	vperm.xlane v33, v0;
	v52 =	vadd.f32 $-2.300000000e+01, v50  }
0x9b: {  	v39 =	vtrunc.f32 v39;
	v41 =	vld.idx.msk [tilespmem:v41+s8+$0x0], $0xffff;
	v37 =	vshll.u32 v51, $0x7;
	vm15 =	vge.f32 v50, $2.300000000e+01;
	[tilespmem:s17+$0x1A00] =	vst v63  }
0x9c: {  	v37 =	vor.u32 v4, v37;
	v56 =	vshll.u32 v53, $0x7;
	v54 =	vsel vm15, v52, v50;
	v55 =	vld.idx.msk [tilespmem:v42+s8+$0x0], $0xffff  }
0x9d: {  	v35 =	vcvt.f32.s32 v39;
	v57 =	vor.u32 v4, v56;
	v34 =	vtrunc.f32 v54  }
0x9e: {  	v58 =	vperm.xlane v24, v0;
	v34 =	vcvt.f32.s32 v34  }
0x9f: {  	[tilespmem:s15+$0x1A10] =	vst v36;
	v59 =	vperm.xlane v35, v0  }
0xa0: {  	v38 =	vld.idx.msk [tilespmem:v38+s8+$0x0], $0xffff;
	[tilespmem:s16+$0x1A10] =	vst v41;
	v42 =	vshll.u32 v58, $0x7;
	v60 =	vperm.xlane v34, v0  }
0xa1: {  	v36 =	vshll.u32 v59, $0x7;
	v42 =	vor.u32 v5, v42;
	v37 =	vld.idx.msk [tilespmem:v37+s8+$0x0], $0xffff;
	[tilespmem:s17+$0x1A10] =	vst v55  }
0xa2: {  	v36 =	vor.u32 v5, v36;
	v61 =	vshll.u32 v60, $0x7;
	v39 =	vld.idx.msk [tilespmem:v57+s8+$0x0], $0xffff  }
0xa3: {  	v40 =	vor.u32 v5, v61  }
0xa4: {  	v62 =	vperm.xlane v27, v6  }
0xa5: {  	[tilespmem:s15+$0x1A20] =	vst v38;
	v63 =	vperm.xlane v30, v6  }
0xa6: {  	v44 =	vperm.xlane v31, v6;
	v41 =	vshll.u32 v62, $0x7;
	v42 =	vld.idx.msk [tilespmem:v42+s8+$0x0], $0xffff;
	[tilespmem:s16+$0x1A20] =	vst v37  }
0xa7: {  	v41 =	vor.u32 v1, v41;
	v38 =	vshll.u32 v63, $0x7;
	v36 =	vld.idx.msk [tilespmem:v36+s8+$0x0], $0xffff;
	[tilespmem:s17+$0x1A20] =	vst v39  }
0xa8: {  	v38 =	vor.u32 v1, v38;
	v37 =	vshll.u32 v44, $0x7;
	v39 =	vld.idx.msk [tilespmem:v40+s8+$0x0], $0xffff  }
0xa9: {  	v37 =	vor.u32 v1, v37  }
0xaa: {  	v45 =	vperm.xlane v26, v6  }
0xab: {  	v46 =	vperm.xlane v29, v6;
	[tilespmem:s15+$0x1A30] =	vst v42  }
0xac: {  	v48 =	vperm.xlane v32, v6;
	v47 =	vld.idx.msk [tilespmem:v41+s8+$0x0], $0xffff;
	v40 =	vshll.u32 v45, $0x7;
	[tilespmem:s16+$0x1A30] =	vst v36  }
0xad: {  	v42 =	vshll.u32 v46, $0x7;
	v40 =	vor.u32 v3, v40;
	v38 =	vld.idx.msk [tilespmem:v38+s8+$0x0], $0xffff;
	[tilespmem:s17+$0x1A30] =	vst v39  }
0xae: {  	v49 =	vor.u32 v3, v42;
	v41 =	vshll.u32 v48, $0x7;
	v37 =	vld.idx.msk [tilespmem:v37+s8+$0x0], $0xffff  }
0xaf: {  	v41 =	vor.u32 v3, v41  }
0xb0: {  	v50 =	vperm.xlane v25, v6  }
0xb1: {  	v51 =	vperm.xlane v28, v6;
	[tilespmem:s14+$0x2280] =	vst v47  }
0xb2: {  	v52 =	vperm.xlane v33, v6;
	v42 =	vshll.u32 v50, $0x7;
	v40 =	vld.idx.msk [tilespmem:v40+s8+$0x0], $0xffff;
	[tilespmem:s14+$0x2A80] =	vst v38  }
0xb3: {  	v42 =	vor.u32 v4, v42;
	v36 =	vshll.u32 v51, $0x7;
	v39 =	vld.idx.msk [tilespmem:v49+s8+$0x0], $0xffff;
	[tilespmem:s14+$0x3280] =	vst v37  }
0xb4: {  	v36 =	vor.u32 v4, v36;
	v38 =	vshll.u32 v52, $0x7;
	v37 =	vld.idx.msk [tilespmem:v41+s8+$0x0], $0xffff  }
0xb5: {  	v38 =	vor.u32 v4, v38  }
0xb6: {  	v53 =	vperm.xlane v24, v6  }
0xb7: {  	v54 =	vperm.xlane v35, v6;
	[tilespmem:s14+$0x2290] =	vst v40  }
0xb8: {  	v55 =	vperm.xlane v34, v6;
	v42 =	vld.idx.msk [tilespmem:v42+s8+$0x0], $0xffff;
	v41 =	vshll.u32 v53, $0x7;
	[tilespmem:s14+$0x2A90] =	vst v39  }
0xb9: {  	v40 =	vshll.u32 v54, $0x7;
	v41 =	vor.u32 v5, v41;
	v36 =	vld.idx.msk [tilespmem:v36+s8+$0x0], $0xffff;
	[tilespmem:s14+$0x3290] =	vst v37  }
0xba: {  	v56 =	vor.u32 v5, v40;
	v39 =	vshll.u32 v55, $0x7;
	v38 =	vld.idx.msk [tilespmem:v38+s8+$0x0], $0xffff  }
0xbb: {  	v57 =	vperm.xlane v23, v7;
	v39 =	vor.u32 v5, v39  }
0xbc: {  	v58 =	vperm.xlane v27, v7  }
0xbd: {  	v59 =	vperm.xlane v30, v7;
	v40 =	vshll.u32 v57, $0x7;
	[tilespmem:s14+$0x22A0] =	vst v42  }
0xbe: {  	v43 =	vshll.u32 v58, $0x7;
	v60 =	vperm.xlane v31, v7;
	v40 =	vor.u32 v1, v40;
	v41 =	vld.idx.msk [tilespmem:v41+s8+$0x0], $0xffff;
	[tilespmem:s14+$0x2AA0] =	vst v36  }
0xbf: {  	v43 =	vor.u32 v1, v43;
	v42 =	vshll.u32 v59, $0x7;
	v37 =	vld.idx.msk [tilespmem:v56+s8+$0x0], $0xffff;
	[tilespmem:s14+$0x32A0] =	vst v38  }
0xc0: {  	v61 =	vor.u32 v1, v42;
	v36 =	vshll.u32 v60, $0x7;
	v39 =	vld.idx.msk [tilespmem:v39+s8+$0x0], $0xffff  }
0xc1: {  	v62 =	vperm.xlane v22, v7;
	v36 =	vor.u32 v1, v36  }
0xc2: {  	v63 =	vperm.xlane v26, v7  }
0xc3: {  	v48 =	vperm.xlane v29, v7;
	v40 =	vld.idx.msk [tilespmem:v40+s8+$0x0], $0xffff;
	v42 =	vshll.u32 v62, $0x7;
	[tilespmem:s14+$0x22B0] =	vst v41  }
0xc4: {  	v44 =	vshll.u32 v63, $0x7;
	v49 =	vperm.xlane v32, v7;
	v42 =	vor.u32 v3, v42;
	v43 =	vld.idx.msk [tilespmem:v43+s8+$0x0], $0xffff;
	[tilespmem:s14+$0x2AB0] =	vst v37  }
0xc5: {  	v44 =	vor.u32 v3, v44;
	v41 =	vshll.u32 v48, $0x7;
	v38 =	vld.idx.msk [tilespmem:v61+s8+$0x0], $0xffff;
	[tilespmem:s14+$0x32B0] =	vst v39  }
0xc6: {  	v50 =	vor.u32 v3, v41;
	v37 =	vshll.u32 v49, $0x7;
	v36 =	vld.idx.msk [tilespmem:v36+s8+$0x0], $0xffff  }
0xc7: {  	v51 =	vperm.xlane v21, v7;
	v37 =	vor.u32 v3, v37  }
0xc8: {  	v52 =	vperm.xlane v25, v7;
	[tilespmem:s14+$0x1B00] =	vst v40  }
0xc9: {  	v53 =	vperm.xlane v28, v7;
	v42 =	vld.idx.msk [tilespmem:v42+s8+$0x0], $0xffff;
	v41 =	vshll.u32 v51, $0x7;
	[tilespmem:s14+$0x2300] =	vst v43  }
0xca: {  	v54 =	vperm.xlane v33, v7;
	v40 =	vshll.u32 v52, $0x7;
	v41 =	vor.u32 v4, v41;
	v44 =	vld.idx.msk [tilespmem:v44+s8+$0x0], $0xffff;
	[tilespmem:s14+$0x2B00] =	vst v38  }
0xcb: {  	v40 =	vor.u32 v4, v40;
	v43 =	vshll.u32 v53, $0x7;
	v39 =	vld.idx.msk [tilespmem:v50+s8+$0x0], $0xffff;
	[tilespmem:s14+$0x3300] =	vst v36  }
0xcc: {  	v55 =	vor.u32 v4, v43;
	v38 =	vshll.u32 v54, $0x7;
	v37 =	vld.idx.msk [tilespmem:v37+s8+$0x0], $0xffff  }
0xcd: {  	v56 =	vperm.xlane v20, v7;
	v38 =	vor.u32 v4, v38  }
0xce: {  	v57 =	vperm.xlane v24, v7;
	[tilespmem:s14+$0x1B10] =	vst v42  }
0xcf: {  	v58 =	vperm.xlane v35, v7;
	v41 =	vld.idx.msk [tilespmem:v41+s8+$0x0], $0xffff;
	v43 =	vshll.u32 v56, $0x7;
	[tilespmem:s14+$0x2310] =	vst v44  }
0xd0: {  	v59 =	vperm.xlane v34, v7;
	v42 =	vshll.u32 v57, $0x7;
	v43 =	vor.u32 v5, v43;
	v40 =	vld.idx.msk [tilespmem:v40+s8+$0x0], $0xffff;
	[tilespmem:s14+$0x2B10] =	vst v39  }
0xd1: {  	v42 =	vor.u32 v5, v42;
	v44 =	vshll.u32 v58, $0x7;
	v36 =	vld.idx.msk [tilespmem:v55+s8+$0x0], $0xffff;
	[tilespmem:s14+$0x3310] =	vst v37  }
0xd2: {  	v60 =	vor.u32 v5, v44;
	v39 =	vshll.u32 v59, $0x7;
	v38 =	vld.idx.msk [tilespmem:v38+s8+$0x0], $0xffff  }
0xd3: {  	v61 =	vperm.xlane v23, v8;
	v39 =	vor.u32 v5, v39  }
0xd4: {  	v62 =	vperm.xlane v27, v8;
	[tilespmem:s14+$0x1B20] =	vst v41  }
0xd5: {  	v63 =	vperm.xlane v30, v8;
	v43 =	vld.idx.msk [tilespmem:v43+s8+$0x0], $0xffff;
	v44 =	vshll.u32 v61, $0x7;
	[tilespmem:s14+$0x2320] =	vst v40  }
0xd6: {  	v47 =	vperm.xlane v31, v8;
	v41 =	vshll.u32 v62, $0x7;
	v44 =	vor.u32 v1, v44;
	v42 =	vld.idx.msk [tilespmem:v42+s8+$0x0], $0xffff;
	[tilespmem:s14+$0x2B20] =	vst v36  }
0xd7: {  	v41 =	vor.u32 v1, v41;
	v40 =	vshll.u32 v63, $0x7;
	v37 =	vld.idx.msk [tilespmem:v60+s8+$0x0], $0xffff;
	[tilespmem:s14+$0x3320] =	vst v38  }
0xd8: {  	v48 =	vor.u32 v1, v40;
	v36 =	vshll.u32 v47, $0x7;
	v39 =	vld.idx.msk [tilespmem:v39+s8+$0x0], $0xffff  }
0xd9: {  	v49 =	vperm.xlane v22, v8;
	v36 =	vor.u32 v1, v36  }
0xda: {  	v50 =	vperm.xlane v26, v8;
	[tilespmem:s14+$0x1B30] =	vst v43  }
0xdb: {  	v51 =	vperm.xlane v29, v8;
	v44 =	vld.idx.msk [tilespmem:v44+s8+$0x0], $0xffff;
	v40 =	vshll.u32 v49, $0x7;
	[tilespmem:s14+$0x2330] =	vst v42  }
0xdc: {  	v52 =	vperm.xlane v32, v8;
	v43 =	vshll.u32 v50, $0x7;
	v40 =	vor.u32 v3, v40;
	v41 =	vld.idx.msk [tilespmem:v41+s8+$0x0], $0xffff;
	[tilespmem:s14+$0x2B30] =	vst v37  }
0xdd: {  	v43 =	vor.u32 v3, v43;
	v42 =	vshll.u32 v51, $0x7;
	v38 =	vld.idx.msk [tilespmem:v48+s8+$0x0], $0xffff;
	[tilespmem:s14+$0x3330] =	vst v39  }
0xde: {  	v53 =	vor.u32 v3, v42;
	v37 =	vshll.u32 v52, $0x7;
	v36 =	vld.idx.msk [tilespmem:v36+s8+$0x0], $0xffff  }
0xdf: {  	v54 =	vperm.xlane v21, v8;
	v37 =	vor.u32 v3, v37  }
0xe0: {  	v55 =	vperm.xlane v25, v8;
	[tilespmem:s14+$0x1B80] =	vst v44  }
0xe1: {  	v56 =	vperm.xlane v28, v8;
	v40 =	vld.idx.msk [tilespmem:v40+s8+$0x0], $0xffff;
	v42 =	vshll.u32 v54, $0x7;
	[tilespmem:s14+$0x2380] =	vst v41  }
0xe2: {  	v57 =	vperm.xlane v33, v8;
	v44 =	vshll.u32 v55, $0x7;
	v42 =	vor.u32 v4, v42;
	v43 =	vld.idx.msk [tilespmem:v43+s8+$0x0], $0xffff;
	[tilespmem:s14+$0x2B80] =	vst v38  }
0xe3: {  	v44 =	vor.u32 v4, v44;
	v41 =	vshll.u32 v56, $0x7;
	v39 =	vld.idx.msk [tilespmem:v53+s8+$0x0], $0xffff;
	[tilespmem:s14+$0x3380] =	vst v36  }
0xe4: {  	v58 =	vor.u32 v4, v41;
	v38 =	vshll.u32 v57, $0x7;
	v37 =	vld.idx.msk [tilespmem:v37+s8+$0x0], $0xffff  }
0xe5: {  	v59 =	vperm.xlane v20, v8;
	v38 =	vor.u32 v4, v38  }
0xe6: {  	v60 =	vperm.xlane v24, v8;
	[tilespmem:s14+$0x1B90] =	vst v40  }
0xe7: {  	v61 =	vperm.xlane v35, v8;
	v42 =	vld.idx.msk [tilespmem:v42+s8+$0x0], $0xffff;
	v41 =	vshll.u32 v59, $0x7;
	[tilespmem:s14+$0x2390] =	vst v43  }
0xe8: {  	v62 =	vperm.xlane v34, v8;
	v40 =	vshll.u32 v60, $0x7;
	v41 =	vor.u32 v5, v41;
	v44 =	vld.idx.msk [tilespmem:v44+s8+$0x0], $0xffff;
	[tilespmem:s14+$0x2B90] =	vst v39  }
0xe9: {  	v40 =	vor.u32 v5, v40;
	v43 =	vshll.u32 v61, $0x7;
	v36 =	vld.idx.msk [tilespmem:v58+s8+$0x0], $0xffff;
	[tilespmem:s14+$0x3390] =	vst v37  }
0xea: {  	v63 =	vor.u32 v5, v43;
	v39 =	vshll.u32 v62, $0x7;
	v38 =	vld.idx.msk [tilespmem:v38+s8+$0x0], $0xffff  }
0xeb: {  	v47 =	vperm.xlane v23, v9;
	v39 =	vor.u32 v5, v39  }
0xec: {  	v48 =	vperm.xlane v27, v9;
	[tilespmem:s14+$0x1BA0] =	vst v42  }
0xed: {  	v49 =	vperm.xlane v30, v9;
	v41 =	vld.idx.msk [tilespmem:v41+s8+$0x0], $0xffff;
	v43 =	vshll.u32 v47, $0x7;
	[tilespmem:s14+$0x23A0] =	vst v44  }
0xee: {  	v50 =	vperm.xlane v31, v9;
	v42 =	vshll.u32 v48, $0x7;
	v43 =	vor.u32 v1, v43;
	v40 =	vld.idx.msk [tilespmem:v40+s8+$0x0], $0xffff;
	[tilespmem:s14+$0x2BA0] =	vst v36  }
0xef: {  	v42 =	vor.u32 v1, v42;
	v44 =	vshll.u32 v49, $0x7;
	v37 =	vld.idx.msk [tilespmem:v63+s8+$0x0], $0xffff;
	[tilespmem:s14+$0x33A0] =	vst v38  }
0xf0: {  	v51 =	vor.u32 v1, v44;
	v36 =	vshll.u32 v50, $0x7;
	v39 =	vld.idx.msk [tilespmem:v39+s8+$0x0], $0xffff  }
0xf1: {  	v52 =	vperm.xlane v22, v9;
	v36 =	vor.u32 v1, v36  }
0xf2: {  	v53 =	vperm.xlane v26, v9;
	[tilespmem:s14+$0x1BB0] =	vst v41  }
0xf3: {  	v54 =	vperm.xlane v29, v9;
	v43 =	vld.idx.msk [tilespmem:v43+s8+$0x0], $0xffff;
	v44 =	vshll.u32 v52, $0x7;
	[tilespmem:s14+$0x23B0] =	vst v40  }
0xf4: {  	v55 =	vperm.xlane v32, v9;
	v41 =	vshll.u32 v53, $0x7;
	v44 =	vor.u32 v3, v44;
	v42 =	vld.idx.msk [tilespmem:v42+s8+$0x0], $0xffff;
	[tilespmem:s14+$0x2BB0] =	vst v37  }
0xf5: {  	v41 =	vor.u32 v3, v41;
	v40 =	vshll.u32 v54, $0x7;
	v38 =	vld.idx.msk [tilespmem:v51+s8+$0x0], $0xffff;
	[tilespmem:s14+$0x33B0] =	vst v39  }
0xf6: {  	v56 =	vor.u32 v3, v40;
	v37 =	vshll.u32 v55, $0x7;
	v36 =	vld.idx.msk [tilespmem:v36+s8+$0x0], $0xffff  }
0xf7: {  	v57 =	vperm.xlane v21, v9;
	v37 =	vor.u32 v3, v37  }
0xf8: {  	v58 =	vperm.xlane v25, v9;
	[tilespmem:s14+$0x1C00] =	vst v43  }
0xf9: {  	v59 =	vperm.xlane v28, v9;
	v44 =	vld.idx.msk [tilespmem:v44+s8+$0x0], $0xffff;
	v40 =	vshll.u32 v57, $0x7;
	[tilespmem:s14+$0x2400] =	vst v42  }
0xfa: {  	v60 =	vperm.xlane v33, v9;
	v43 =	vshll.u32 v58, $0x7;
	v40 =	vor.u32 v4, v40;
	v41 =	vld.idx.msk [tilespmem:v41+s8+$0x0], $0xffff;
	[tilespmem:s14+$0x2C00] =	vst v38  }
0xfb: {  	v43 =	vor.u32 v4, v43;
	v42 =	vshll.u32 v59, $0x7;
	v39 =	vld.idx.msk [tilespmem:v56+s8+$0x0], $0xffff;
	[tilespmem:s14+$0x3400] =	vst v36  }
0xfc: {  	v61 =	vor.u32 v4, v42;
	v38 =	vshll.u32 v60, $0x7;
	v37 =	vld.idx.msk [tilespmem:v37+s8+$0x0], $0xffff  }
0xfd: {  	v62 =	vperm.xlane v20, v9;
	v38 =	vor.u32 v4, v38  }
0xfe: {  	v63 =	vperm.xlane v24, v9;
	[tilespmem:s14+$0x1C10] =	vst v44  }
0xff: {  	v48 =	vperm.xlane v35, v9;
	v40 =	vld.idx.msk [tilespmem:v40+s8+$0x0], $0xffff;
	v42 =	vshll.u32 v62, $0x7;
	[tilespmem:s14+$0x2410] =	vst v41  }
0x100: {  	v49 =	vperm.xlane v34, v9;
	v44 =	vshll.u32 v63, $0x7;
	v42 =	vor.u32 v5, v42;
	v43 =	vld.idx.msk [tilespmem:v43+s8+$0x0], $0xffff;
	[tilespmem:s14+$0x2C10] =	vst v39  }
0x101: {  	v44 =	vor.u32 v5, v44;
	v41 =	vshll.u32 v48, $0x7;
	v36 =	vld.idx.msk [tilespmem:v61+s8+$0x0], $0xffff;
	[tilespmem:s14+$0x3410] =	vst v37  }
0x102: {  	v50 =	vor.u32 v5, v41;
	v39 =	vshll.u32 v49, $0x7;
	v38 =	vld.idx.msk [tilespmem:v38+s8+$0x0], $0xffff  }
0x103: {  	v51 =	vperm.xlane v23, v10;
	v39 =	vor.u32 v5, v39  }
0x104: {  	v52 =	vperm.xlane v27, v10;
	[tilespmem:s14+$0x1C20] =	vst v40  }
0x105: {  	v53 =	vperm.xlane v30, v10;
	v42 =	vld.idx.msk [tilespmem:v42+s8+$0x0], $0xffff;
	v41 =	vshll.u32 v51, $0x7;
	[tilespmem:s14+$0x2420] =	vst v43  }
0x106: {  	v54 =	vperm.xlane v31, v10;
	v40 =	vshll.u32 v52, $0x7;
	v41 =	vor.u32 v1, v41;
	v44 =	vld.idx.msk [tilespmem:v44+s8+$0x0], $0xffff;
	[tilespmem:s14+$0x2C20] =	vst v36  }
0x107: {  	v40 =	vor.u32 v1, v40;
	v43 =	vshll.u32 v53, $0x7;
	v37 =	vld.idx.msk [tilespmem:v50+s8+$0x0], $0xffff;
	[tilespmem:s14+$0x3420] =	vst v38  }
0x108: {  	v55 =	vor.u32 v1, v43;
	v36 =	vshll.u32 v54, $0x7;
	v39 =	vld.idx.msk [tilespmem:v39+s8+$0x0], $0xffff  }
0x109: {  	v56 =	vperm.xlane v22, v10;
	v36 =	vor.u32 v1, v36  }
0x10a: {  	v57 =	vperm.xlane v26, v10;
	[tilespmem:s14+$0x1C30] =	vst v42  }
0x10b: {  	v58 =	vperm.xlane v29, v10;
	v41 =	vld.idx.msk [tilespmem:v41+s8+$0x0], $0xffff;
	v43 =	vshll.u32 v56, $0x7;
	[tilespmem:s14+$0x2430] =	vst v44  }
0x10c: {  	v59 =	vperm.xlane v32, v10;
	v42 =	vshll.u32 v57, $0x7;
	v43 =	vor.u32 v3, v43;
	v40 =	vld.idx.msk [tilespmem:v40+s8+$0x0], $0xffff;
	[tilespmem:s14+$0x2C30] =	vst v37  }
0x10d: {  	v42 =	vor.u32 v3, v42;
	v44 =	vshll.u32 v58, $0x7;
	v38 =	vld.idx.msk [tilespmem:v55+s8+$0x0], $0xffff;
	[tilespmem:s14+$0x3430] =	vst v39  }
0x10e: {  	v60 =	vor.u32 v3, v44;
	v37 =	vshll.u32 v59, $0x7;
	v36 =	vld.idx.msk [tilespmem:v36+s8+$0x0], $0xffff  }
0x10f: {  	v61 =	vperm.xlane v21, v10;
	v37 =	vor.u32 v3, v37  }
0x110: {  	v62 =	vperm.xlane v25, v10;
	[tilespmem:s14+$0x1C80] =	vst v41  }
0x111: {  	v63 =	vperm.xlane v28, v10;
	v43 =	vld.idx.msk [tilespmem:v43+s8+$0x0], $0xffff;
	v44 =	vshll.u32 v61, $0x7;
	[tilespmem:s14+$0x2480] =	vst v40  }
0x112: {  	v47 =	vperm.xlane v33, v10;
	v41 =	vshll.u32 v62, $0x7;
	v44 =	vor.u32 v4, v44;
	v42 =	vld.idx.msk [tilespmem:v42+s8+$0x0], $0xffff;
	[tilespmem:s14+$0x2C80] =	vst v38  }
0x113: {  	v41 =	vor.u32 v4, v41;
	v40 =	vshll.u32 v63, $0x7;
	v39 =	vld.idx.msk [tilespmem:v60+s8+$0x0], $0xffff;
	[tilespmem:s14+$0x3480] =	vst v36  }
0x114: {  	v48 =	vor.u32 v4, v40;
	v38 =	vshll.u32 v47, $0x7;
	v37 =	vld.idx.msk [tilespmem:v37+s8+$0x0], $0xffff  }
0x115: {  	v49 =	vperm.xlane v20, v10;
	v38 =	vor.u32 v4, v38  }
0x116: {  	v50 =	vperm.xlane v24, v10;
	[tilespmem:s14+$0x1C90] =	vst v43  }
0x117: {  	v51 =	vperm.xlane v35, v10;
	v44 =	vld.idx.msk [tilespmem:v44+s8+$0x0], $0xffff;
	v40 =	vshll.u32 v49, $0x7;
	[tilespmem:s14+$0x2490] =	vst v42  }
0x118: {  	v52 =	vperm.xlane v34, v10;
	v43 =	vshll.u32 v50, $0x7;
	v40 =	vor.u32 v5, v40;
	v41 =	vld.idx.msk [tilespmem:v41+s8+$0x0], $0xffff;
	[tilespmem:s14+$0x2C90] =	vst v39  }
0x119: {  	v43 =	vor.u32 v5, v43;
	v42 =	vshll.u32 v51, $0x7;
	v36 =	vld.idx.msk [tilespmem:v48+s8+$0x0], $0xffff;
	[tilespmem:s14+$0x3490] =	vst v37  }
0x11a: {  	v53 =	vor.u32 v5, v42;
	v39 =	vshll.u32 v52, $0x7;
	v38 =	vld.idx.msk [tilespmem:v38+s8+$0x0], $0xffff  }
0x11b: {  	v54 =	vperm.xlane v23, v11;
	v39 =	vor.u32 v5, v39  }
0x11c: {  	v55 =	vperm.xlane v27, v11;
	[tilespmem:s14+$0x1CA0] =	vst v44  }
0x11d: {  	v56 =	vperm.xlane v30, v11;
	v40 =	vld.idx.msk [tilespmem:v40+s8+$0x0], $0xffff;
	v42 =	vshll.u32 v54, $0x7;
	[tilespmem:s14+$0x24A0] =	vst v41  }
0x11e: {  	v57 =	vperm.xlane v31, v11;
	v44 =	vshll.u32 v55, $0x7;
	v42 =	vor.u32 v1, v42;
	v43 =	vld.idx.msk [tilespmem:v43+s8+$0x0], $0xffff;
	[tilespmem:s14+$0x2CA0] =	vst v36  }
0x11f: {  	v44 =	vor.u32 v1, v44;
	v41 =	vshll.u32 v56, $0x7;
	v37 =	vld.idx.msk [tilespmem:v53+s8+$0x0], $0xffff;
	[tilespmem:s14+$0x34A0] =	vst v38  }
0x120: {  	v58 =	vor.u32 v1, v41;
	v36 =	vshll.u32 v57, $0x7;
	v39 =	vld.idx.msk [tilespmem:v39+s8+$0x0], $0xffff  }
0x121: {  	v59 =	vperm.xlane v22, v11;
	v36 =	vor.u32 v1, v36  }
0x122: {  	v60 =	vperm.xlane v26, v11;
	[tilespmem:s14+$0x1CB0] =	vst v40  }
0x123: {  	v61 =	vperm.xlane v29, v11;
	v42 =	vld.idx.msk [tilespmem:v42+s8+$0x0], $0xffff;
	v41 =	vshll.u32 v59, $0x7;
	[tilespmem:s14+$0x24B0] =	vst v43  }
0x124: {  	v62 =	vperm.xlane v32, v11;
	v40 =	vshll.u32 v60, $0x7;
	v41 =	vor.u32 v3, v41;
	v44 =	vld.idx.msk [tilespmem:v44+s8+$0x0], $0xffff;
	[tilespmem:s14+$0x2CB0] =	vst v37  }
0x125: {  	v40 =	vor.u32 v3, v40;
	v43 =	vshll.u32 v61, $0x7;
	v38 =	vld.idx.msk [tilespmem:v58+s8+$0x0], $0xffff;
	[tilespmem:s14+$0x34B0] =	vst v39  }
0x126: {  	v63 =	vor.u32 v3, v43;
	v37 =	vshll.u32 v62, $0x7;
	v36 =	vld.idx.msk [tilespmem:v36+s8+$0x0], $0xffff  }
0x127: {  	v47 =	vperm.xlane v21, v11;
	v37 =	vor.u32 v3, v37  }
0x128: {  	v48 =	vperm.xlane v25, v11;
	[tilespmem:s14+$0x1D00] =	vst v42  }
0x129: {  	v49 =	vperm.xlane v28, v11;
	v41 =	vld.idx.msk [tilespmem:v41+s8+$0x0], $0xffff;
	v43 =	vshll.u32 v47, $0x7;
	[tilespmem:s14+$0x2500] =	vst v44  }
0x12a: {  	v50 =	vperm.xlane v33, v11;
	v42 =	vshll.u32 v48, $0x7;
	v43 =	vor.u32 v4, v43;
	v40 =	vld.idx.msk [tilespmem:v40+s8+$0x0], $0xffff;
	[tilespmem:s14+$0x2D00] =	vst v38  }
0x12b: {  	v42 =	vor.u32 v4, v42;
	v44 =	vshll.u32 v49, $0x7;
	v39 =	vld.idx.msk [tilespmem:v63+s8+$0x0], $0xffff;
	[tilespmem:s14+$0x3500] =	vst v36  }
0x12c: {  	v51 =	vor.u32 v4, v44;
	v38 =	vshll.u32 v50, $0x7;
	v37 =	vld.idx.msk [tilespmem:v37+s8+$0x0], $0xffff  }
0x12d: {  	v52 =	vperm.xlane v20, v11;
	v38 =	vor.u32 v4, v38  }
0x12e: {  	v53 =	vperm.xlane v24, v11;
	[tilespmem:s14+$0x1D10] =	vst v41  }
0x12f: {  	v54 =	vperm.xlane v35, v11;
	v43 =	vld.idx.msk [tilespmem:v43+s8+$0x0], $0xffff;
	v44 =	vshll.u32 v52, $0x7;
	[tilespmem:s14+$0x2510] =	vst v40  }
0x130: {  	v55 =	vperm.xlane v34, v11;
	v41 =	vshll.u32 v53, $0x7;
	v44 =	vor.u32 v5, v44;
	v42 =	vld.idx.msk [tilespmem:v42+s8+$0x0], $0xffff;
	[tilespmem:s14+$0x2D10] =	vst v39  }
0x131: {  	v41 =	vor.u32 v5, v41;
	v40 =	vshll.u32 v54, $0x7;
	v36 =	vld.idx.msk [tilespmem:v51+s8+$0x0], $0xffff;
	[tilespmem:s14+$0x3510] =	vst v37  }
0x132: {  	v56 =	vor.u32 v5, v40;
	v39 =	vshll.u32 v55, $0x7;
	v38 =	vld.idx.msk [tilespmem:v38+s8+$0x0], $0xffff  }
0x133: {  	v57 =	vperm.xlane v23, v2;
	v39 =	vor.u32 v5, v39  }
0x134: {  	v58 =	vperm.xlane v27, v2;
	[tilespmem:s14+$0x1D20] =	vst v43  }
0x135: {  	v59 =	vperm.xlane v30, v2;
	v44 =	vld.idx.msk [tilespmem:v44+s8+$0x0], $0xffff;
	v40 =	vshll.u32 v57, $0x7;
	[tilespmem:s14+$0x2520] =	vst v42  }
0x136: {  	v60 =	vperm.xlane v31, v2;
	v43 =	vshll.u32 v58, $0x7;
	v40 =	vor.u32 v1, v40;
	v41 =	vld.idx.msk [tilespmem:v41+s8+$0x0], $0xffff;
	[tilespmem:s14+$0x2D20] =	vst v36  }
0x137: {  	v43 =	vor.u32 v1, v43;
	v42 =	vshll.u32 v59, $0x7;
	v37 =	vld.idx.msk [tilespmem:v56+s8+$0x0], $0xffff;
	[tilespmem:s14+$0x3520] =	vst v38  }
0x138: {  	v61 =	vor.u32 v1, v42;
	v36 =	vshll.u32 v60, $0x7;
	v39 =	vld.idx.msk [tilespmem:v39+s8+$0x0], $0xffff  }
0x139: {  	v62 =	vperm.xlane v22, v2;
	v36 =	vor.u32 v1, v36  }
0x13a: {  	v63 =	vperm.xlane v26, v2;
	[tilespmem:s14+$0x1D30] =	vst v44  }
0x13b: {  	v48 =	vperm.xlane v29, v2;
	v40 =	vld.idx.msk [tilespmem:v40+s8+$0x0], $0xffff;
	v42 =	vshll.u32 v62, $0x7;
	[tilespmem:s14+$0x2530] =	vst v41  }
0x13c: {  	v49 =	vperm.xlane v32, v2;
	v44 =	vshll.u32 v63, $0x7;
	v42 =	vor.u32 v3, v42;
	v43 =	vld.idx.msk [tilespmem:v43+s8+$0x0], $0xffff;
	[tilespmem:s14+$0x2D30] =	vst v37  }
0x13d: {  	v44 =	vor.u32 v3, v44;
	v41 =	vshll.u32 v48, $0x7;
	v38 =	vld.idx.msk [tilespmem:v61+s8+$0x0], $0xffff;
	[tilespmem:s14+$0x3530] =	vst v39  }
0x13e: {  	v50 =	vor.u32 v3, v41;
	v37 =	vshll.u32 v49, $0x7;
	v36 =	vld.idx.msk [tilespmem:v36+s8+$0x0], $0xffff  }
0x13f: {  	v51 =	vperm.xlane v21, v2;
	v37 =	vor.u32 v3, v37  }
0x140: {  	v52 =	vperm.xlane v25, v2;
	[tilespmem:s14+$0x1D80] =	vst v40  }
0x141: {  	v53 =	vperm.xlane v28, v2;
	v42 =	vld.idx.msk [tilespmem:v42+s8+$0x0], $0xffff;
	v41 =	vshll.u32 v51, $0x7;
	[tilespmem:s14+$0x2580] =	vst v43  }
0x142: {  	v54 =	vperm.xlane v33, v2;
	v40 =	vshll.u32 v52, $0x7;
	v41 =	vor.u32 v4, v41;
	v44 =	vld.idx.msk [tilespmem:v44+s8+$0x0], $0xffff;
	[tilespmem:s14+$0x2D80] =	vst v38  }
0x143: {  	v40 =	vor.u32 v4, v40;
	v43 =	vshll.u32 v53, $0x7;
	v39 =	vld.idx.msk [tilespmem:v50+s8+$0x0], $0xffff;
	[tilespmem:s14+$0x3580] =	vst v36  }
0x144: {  	v55 =	vor.u32 v4, v43;
	v38 =	vshll.u32 v54, $0x7;
	v37 =	vld.idx.msk [tilespmem:v37+s8+$0x0], $0xffff  }
0x145: {  	v56 =	vperm.xlane v20, v2;
	v38 =	vor.u32 v4, v38  }
0x146: {  	v57 =	vperm.xlane v24, v2;
	[tilespmem:s14+$0x1D90] =	vst v42  }
0x147: {  	v58 =	vperm.xlane v35, v2;
	v41 =	vld.idx.msk [tilespmem:v41+s8+$0x0], $0xffff;
	v43 =	vshll.u32 v56, $0x7;
	[tilespmem:s14+$0x2590] =	vst v44  }
0x148: {  	v59 =	vperm.xlane v34, v2;
	v42 =	vshll.u32 v57, $0x7;
	v43 =	vor.u32 v5, v43;
	v40 =	vld.idx.msk [tilespmem:v40+s8+$0x0], $0xffff;
	[tilespmem:s14+$0x2D90] =	vst v39  }
0x149: {  	v42 =	vor.u32 v5, v42;
	v44 =	vshll.u32 v58, $0x7;
	v36 =	vld.idx.msk [tilespmem:v55+s8+$0x0], $0xffff;
	[tilespmem:s14+$0x3590] =	vst v37  }
0x14a: {  	v60 =	vor.u32 v5, v44;
	v39 =	vshll.u32 v59, $0x7;
	v38 =	vld.idx.msk [tilespmem:v38+s8+$0x0], $0xffff  }
0x14b: {  	v61 =	vperm.xlane v23, v12;
	v39 =	vor.u32 v5, v39  }
0x14c: {  	v62 =	vperm.xlane v27, v12;
	[tilespmem:s14+$0x1DA0] =	vst v41  }
0x14d: {  	v63 =	vperm.xlane v30, v12;
	v43 =	vld.idx.msk [tilespmem:v43+s8+$0x0], $0xffff;
	v44 =	vshll.u32 v61, $0x7;
	[tilespmem:s14+$0x25A0] =	vst v40  }
0x14e: {  	v47 =	vperm.xlane v31, v12;
	v41 =	vshll.u32 v62, $0x7;
	v44 =	vor.u32 v1, v44;
	v42 =	vld.idx.msk [tilespmem:v42+s8+$0x0], $0xffff;
	[tilespmem:s14+$0x2DA0] =	vst v36  }
0x14f: {  	v41 =	vor.u32 v1, v41;
	v40 =	vshll.u32 v63, $0x7;
	v37 =	vld.idx.msk [tilespmem:v60+s8+$0x0], $0xffff;
	[tilespmem:s14+$0x35A0] =	vst v38  }
0x150: {  	v48 =	vor.u32 v1, v40;
	v36 =	vshll.u32 v47, $0x7;
	v39 =	vld.idx.msk [tilespmem:v39+s8+$0x0], $0xffff  }
0x151: {  	v49 =	vperm.xlane v22, v12;
	v36 =	vor.u32 v1, v36  }
0x152: {  	v50 =	vperm.xlane v26, v12;
	[tilespmem:s14+$0x1DB0] =	vst v43  }
0x153: {  	v51 =	vperm.xlane v29, v12;
	v44 =	vld.idx.msk [tilespmem:v44+s8+$0x0], $0xffff;
	v40 =	vshll.u32 v49, $0x7;
	[tilespmem:s14+$0x25B0] =	vst v42  }
0x154: {  	v52 =	vperm.xlane v32, v12;
	v43 =	vshll.u32 v50, $0x7;
	v40 =	vor.u32 v3, v40;
	v41 =	vld.idx.msk [tilespmem:v41+s8+$0x0], $0xffff;
	[tilespmem:s14+$0x2DB0] =	vst v37  }
0x155: {  	v43 =	vor.u32 v3, v43;
	v42 =	vshll.u32 v51, $0x7;
	v38 =	vld.idx.msk [tilespmem:v48+s8+$0x0], $0xffff;
	[tilespmem:s14+$0x35B0] =	vst v39  }
0x156: {  	v53 =	vor.u32 v3, v42;
	v37 =	vshll.u32 v52, $0x7;
	v36 =	vld.idx.msk [tilespmem:v36+s8+$0x0], $0xffff  }
0x157: {  	v54 =	vperm.xlane v21, v12;
	v37 =	vor.u32 v3, v37  }
0x158: {  	v55 =	vperm.xlane v25, v12;
	[tilespmem:s14+$0x1E00] =	vst v44  }
0x159: {  	v56 =	vperm.xlane v28, v12;
	v40 =	vld.idx.msk [tilespmem:v40+s8+$0x0], $0xffff;
	v42 =	vshll.u32 v54, $0x7;
	[tilespmem:s14+$0x2600] =	vst v41  }
0x15a: {  	v57 =	vperm.xlane v33, v12;
	v44 =	vshll.u32 v55, $0x7;
	v42 =	vor.u32 v4, v42;
	v43 =	vld.idx.msk [tilespmem:v43+s8+$0x0], $0xffff;
	[tilespmem:s14+$0x2E00] =	vst v38  }
0x15b: {  	v44 =	vor.u32 v4, v44;
	v41 =	vshll.u32 v56, $0x7;
	v39 =	vld.idx.msk [tilespmem:v53+s8+$0x0], $0xffff;
	[tilespmem:s14+$0x3600] =	vst v36  }
0x15c: {  	v58 =	vor.u32 v4, v41;
	v38 =	vshll.u32 v57, $0x7;
	v37 =	vld.idx.msk [tilespmem:v37+s8+$0x0], $0xffff  }
0x15d: {  	v59 =	vperm.xlane v20, v12;
	v38 =	vor.u32 v4, v38  }
0x15e: {  	v60 =	vperm.xlane v24, v12;
	[tilespmem:s14+$0x1E10] =	vst v40  }
0x15f: {  	v61 =	vperm.xlane v35, v12;
	v42 =	vld.idx.msk [tilespmem:v42+s8+$0x0], $0xffff;
	v41 =	vshll.u32 v59, $0x7;
	[tilespmem:s14+$0x2610] =	vst v43  }
0x160: {  	v62 =	vperm.xlane v34, v12;
	v40 =	vshll.u32 v60, $0x7;
	v41 =	vor.u32 v5, v41;
	v44 =	vld.idx.msk [tilespmem:v44+s8+$0x0], $0xffff;
	[tilespmem:s14+$0x2E10] =	vst v39  }
0x161: {  	v40 =	vor.u32 v5, v40;
	v43 =	vshll.u32 v61, $0x7;
	v36 =	vld.idx.msk [tilespmem:v58+s8+$0x0], $0xffff;
	[tilespmem:s14+$0x3610] =	vst v37  }
0x162: {  	v63 =	vor.u32 v5, v43;
	v39 =	vshll.u32 v62, $0x7;
	v38 =	vld.idx.msk [tilespmem:v38+s8+$0x0], $0xffff  }
0x163: {  	v47 =	vperm.xlane v23, v13;
	v39 =	vor.u32 v5, v39  }
0x164: {  	v48 =	vperm.xlane v27, v13;
	[tilespmem:s14+$0x1E20] =	vst v42  }
0x165: {  	v49 =	vperm.xlane v30, v13;
	v41 =	vld.idx.msk [tilespmem:v41+s8+$0x0], $0xffff;
	v43 =	vshll.u32 v47, $0x7;
	[tilespmem:s14+$0x2620] =	vst v44  }
0x166: {  	v50 =	vperm.xlane v31, v13;
	v42 =	vshll.u32 v48, $0x7;
	v43 =	vor.u32 v1, v43;
	v40 =	vld.idx.msk [tilespmem:v40+s8+$0x0], $0xffff;
	[tilespmem:s14+$0x2E20] =	vst v36  }
0x167: {  	v42 =	vor.u32 v1, v42;
	v44 =	vshll.u32 v49, $0x7;
	v37 =	vld.idx.msk [tilespmem:v63+s8+$0x0], $0xffff;
	[tilespmem:s14+$0x3620] =	vst v38  }
0x168: {  	v51 =	vor.u32 v1, v44;
	v36 =	vshll.u32 v50, $0x7;
	v39 =	vld.idx.msk [tilespmem:v39+s8+$0x0], $0xffff  }
0x169: {  	v52 =	vperm.xlane v22, v13;
	v36 =	vor.u32 v1, v36  }
0x16a: {  	v53 =	vperm.xlane v26, v13;
	[tilespmem:s14+$0x1E30] =	vst v41  }
0x16b: {  	v54 =	vperm.xlane v29, v13;
	v43 =	vld.idx.msk [tilespmem:v43+s8+$0x0], $0xffff;
	v44 =	vshll.u32 v52, $0x7;
	[tilespmem:s14+$0x2630] =	vst v40  }
0x16c: {  	v55 =	vperm.xlane v32, v13;
	v41 =	vshll.u32 v53, $0x7;
	v44 =	vor.u32 v3, v44;
	v42 =	vld.idx.msk [tilespmem:v42+s8+$0x0], $0xffff;
	[tilespmem:s14+$0x2E30] =	vst v37  }
0x16d: {  	v41 =	vor.u32 v3, v41;
	v40 =	vshll.u32 v54, $0x7;
	v38 =	vld.idx.msk [tilespmem:v51+s8+$0x0], $0xffff;
	[tilespmem:s14+$0x3630] =	vst v39  }
0x16e: {  	v56 =	vor.u32 v3, v40;
	v37 =	vshll.u32 v55, $0x7;
	v36 =	vld.idx.msk [tilespmem:v36+s8+$0x0], $0xffff  }
0x16f: {  	v57 =	vperm.xlane v21, v13;
	v37 =	vor.u32 v3, v37  }
0x170: {  	v58 =	vperm.xlane v25, v13;
	[tilespmem:s14+$0x1E80] =	vst v43  }
0x171: {  	v59 =	vperm.xlane v28, v13;
	v44 =	vld.idx.msk [tilespmem:v44+s8+$0x0], $0xffff;
	v40 =	vshll.u32 v57, $0x7;
	[tilespmem:s14+$0x2680] =	vst v42  }
0x172: {  	v60 =	vperm.xlane v33, v13;
	v43 =	vshll.u32 v58, $0x7;
	v40 =	vor.u32 v4, v40;
	v41 =	vld.idx.msk [tilespmem:v41+s8+$0x0], $0xffff;
	[tilespmem:s14+$0x2E80] =	vst v38  }
0x173: {  	v43 =	vor.u32 v4, v43;
	v42 =	vshll.u32 v59, $0x7;
	v39 =	vld.idx.msk [tilespmem:v56+s8+$0x0], $0xffff;
	[tilespmem:s14+$0x3680] =	vst v36  }
0x174: {  	v61 =	vor.u32 v4, v42;
	v38 =	vshll.u32 v60, $0x7;
	v37 =	vld.idx.msk [tilespmem:v37+s8+$0x0], $0xffff  }
0x175: {  	v62 =	vperm.xlane v20, v13;
	v38 =	vor.u32 v4, v38  }
0x176: {  	v63 =	vperm.xlane v24, v13;
	[tilespmem:s14+$0x1E90] =	vst v44  }
0x177: {  	v48 =	vperm.xlane v35, v13;
	v40 =	vld.idx.msk [tilespmem:v40+s8+$0x0], $0xffff;
	v42 =	vshll.u32 v62, $0x7;
	[tilespmem:s14+$0x2690] =	vst v41  }
0x178: {  	v49 =	vperm.xlane v34, v13;
	v44 =	vshll.u32 v63, $0x7;
	v42 =	vor.u32 v5, v42;
	v43 =	vld.idx.msk [tilespmem:v43+s8+$0x0], $0xffff;
	[tilespmem:s14+$0x2E90] =	vst v39  }
0x179: {  	v44 =	vor.u32 v5, v44;
	v41 =	vshll.u32 v48, $0x7;
	v36 =	vld.idx.msk [tilespmem:v61+s8+$0x0], $0xffff;
	[tilespmem:s14+$0x3690] =	vst v37  }
0x17a: {  	v50 =	vor.u32 v5, v41;
	v39 =	vshll.u32 v49, $0x7;
	v38 =	vld.idx.msk [tilespmem:v38+s8+$0x0], $0xffff  }
0x17b: {  	v51 =	vperm.xlane v23, v14;
	v39 =	vor.u32 v5, v39  }
0x17c: {  	v52 =	vperm.xlane v27, v14;
	[tilespmem:s14+$0x1EA0] =	vst v40  }
0x17d: {  	v53 =	vperm.xlane v30, v14;
	v42 =	vld.idx.msk [tilespmem:v42+s8+$0x0], $0xffff;
	v41 =	vshll.u32 v51, $0x7;
	[tilespmem:s14+$0x26A0] =	vst v43  }
0x17e: {  	v54 =	vperm.xlane v31, v14;
	v40 =	vshll.u32 v52, $0x7;
	v41 =	vor.u32 v1, v41;
	v44 =	vld.idx.msk [tilespmem:v44+s8+$0x0], $0xffff;
	[tilespmem:s14+$0x2EA0] =	vst v36  }
0x17f: {  	v40 =	vor.u32 v1, v40;
	v43 =	vshll.u32 v53, $0x7;
	v37 =	vld.idx.msk [tilespmem:v50+s8+$0x0], $0xffff;
	[tilespmem:s14+$0x36A0] =	vst v38  }
0x180: {  	v55 =	vor.u32 v1, v43;
	v36 =	vshll.u32 v54, $0x7;
	v39 =	vld.idx.msk [tilespmem:v39+s8+$0x0], $0xffff  }
0x181: {  	v56 =	vperm.xlane v22, v14;
	v36 =	vor.u32 v1, v36  }
0x182: {  	v57 =	vperm.xlane v26, v14;
	[tilespmem:s14+$0x1EB0] =	vst v42  }
0x183: {  	v58 =	vperm.xlane v29, v14;
	v41 =	vld.idx.msk [tilespmem:v41+s8+$0x0], $0xffff;
	v43 =	vshll.u32 v56, $0x7;
	[tilespmem:s14+$0x26B0] =	vst v44  }
0x184: {  	v59 =	vperm.xlane v32, v14;
	v42 =	vshll.u32 v57, $0x7;
	v43 =	vor.u32 v3, v43;
	v40 =	vld.idx.msk [tilespmem:v40+s8+$0x0], $0xffff;
	[tilespmem:s14+$0x2EB0] =	vst v37  }
0x185: {  	v42 =	vor.u32 v3, v42;
	v44 =	vshll.u32 v58, $0x7;
	v38 =	vld.idx.msk [tilespmem:v55+s8+$0x0], $0xffff;
	[tilespmem:s14+$0x36B0] =	vst v39  }
0x186: {  	v60 =	vor.u32 v3, v44;
	v37 =	vshll.u32 v59, $0x7;
	v36 =	vld.idx.msk [tilespmem:v36+s8+$0x0], $0xffff  }
0x187: {  	v61 =	vperm.xlane v21, v14;
	v37 =	vor.u32 v3, v37  }
0x188: {  	v62 =	vperm.xlane v25, v14;
	[tilespmem:s14+$0x1F00] =	vst v41  }
0x189: {  	v63 =	vperm.xlane v28, v14;
	v43 =	vld.idx.msk [tilespmem:v43+s8+$0x0], $0xffff;
	v44 =	vshll.u32 v61, $0x7;
	[tilespmem:s14+$0x2700] =	vst v40  }
0x18a: {  	v47 =	vperm.xlane v33, v14;
	v41 =	vshll.u32 v62, $0x7;
	v44 =	vor.u32 v4, v44;
	v42 =	vld.idx.msk [tilespmem:v42+s8+$0x0], $0xffff;
	[tilespmem:s14+$0x2F00] =	vst v38  }
0x18b: {  	v41 =	vor.u32 v4, v41;
	v40 =	vshll.u32 v63, $0x7;
	v39 =	vld.idx.msk [tilespmem:v60+s8+$0x0], $0xffff;
	[tilespmem:s14+$0x3700] =	vst v36  }
0x18c: {  	v48 =	vor.u32 v4, v40;
	v38 =	vshll.u32 v47, $0x7;
	v37 =	vld.idx.msk [tilespmem:v37+s8+$0x0], $0xffff  }
0x18d: {  	v49 =	vperm.xlane v20, v14;
	v38 =	vor.u32 v4, v38  }
0x18e: {  	v50 =	vperm.xlane v24, v14;
	[tilespmem:s14+$0x1F10] =	vst v43  }
0x18f: {  	v51 =	vperm.xlane v35, v14;
	v44 =	vld.idx.msk [tilespmem:v44+s8+$0x0], $0xffff;
	v40 =	vshll.u32 v49, $0x7;
	[tilespmem:s14+$0x2710] =	vst v42  }
0x190: {  	v52 =	vperm.xlane v34, v14;
	v43 =	vshll.u32 v50, $0x7;
	v40 =	vor.u32 v5, v40;
	v41 =	vld.idx.msk [tilespmem:v41+s8+$0x0], $0xffff;
	[tilespmem:s14+$0x2F10] =	vst v39  }
0x191: {  	v43 =	vor.u32 v5, v43;
	v42 =	vshll.u32 v51, $0x7;
	v36 =	vld.idx.msk [tilespmem:v48+s8+$0x0], $0xffff;
	[tilespmem:s14+$0x3710] =	vst v37  }
0x192: {  	v53 =	vor.u32 v5, v42;
	v39 =	vshll.u32 v52, $0x7;
	v38 =	vld.idx.msk [tilespmem:v38+s8+$0x0], $0xffff  }
0x193: {  	v54 =	vperm.xlane v23, v15;
	v39 =	vor.u32 v5, v39  }
0x194: {  	v55 =	vperm.xlane v27, v15;
	[tilespmem:s14+$0x1F20] =	vst v44  }
0x195: {  	v56 =	vperm.xlane v30, v15;
	v40 =	vld.idx.msk [tilespmem:v40+s8+$0x0], $0xffff;
	v42 =	vshll.u32 v54, $0x7;
	[tilespmem:s14+$0x2720] =	vst v41  }
0x196: {  	v57 =	vperm.xlane v31, v15;
	v44 =	vshll.u32 v55, $0x7;
	v42 =	vor.u32 v1, v42;
	v43 =	vld.idx.msk [tilespmem:v43+s8+$0x0], $0xffff;
	[tilespmem:s14+$0x2F20] =	vst v36  }
0x197: {  	v44 =	vor.u32 v1, v44;
	v41 =	vshll.u32 v56, $0x7;
	v37 =	vld.idx.msk [tilespmem:v53+s8+$0x0], $0xffff;
	[tilespmem:s14+$0x3720] =	vst v38  }
0x198: {  	v58 =	vor.u32 v1, v41;
	v36 =	vshll.u32 v57, $0x7;
	v39 =	vld.idx.msk [tilespmem:v39+s8+$0x0], $0xffff  }
0x199: {  	v59 =	vperm.xlane v22, v15;
	v36 =	vor.u32 v1, v36  }
0x19a: {  	v60 =	vperm.xlane v26, v15;
	[tilespmem:s14+$0x1F30] =	vst v40  }
0x19b: {  	v61 =	vperm.xlane v29, v15;
	v42 =	vld.idx.msk [tilespmem:v42+s8+$0x0], $0xffff;
	v41 =	vshll.u32 v59, $0x7;
	[tilespmem:s14+$0x2730] =	vst v43  }
0x19c: {  	v62 =	vperm.xlane v32, v15;
	v40 =	vshll.u32 v60, $0x7;
	v41 =	vor.u32 v3, v41;
	v44 =	vld.idx.msk [tilespmem:v44+s8+$0x0], $0xffff;
	[tilespmem:s14+$0x2F30] =	vst v37  }
0x19d: {  	v40 =	vor.u32 v3, v40;
	v43 =	vshll.u32 v61, $0x7;
	v38 =	vld.idx.msk [tilespmem:v58+s8+$0x0], $0xffff;
	[tilespmem:s14+$0x3730] =	vst v39  }
0x19e: {  	v63 =	vor.u32 v3, v43;
	v37 =	vshll.u32 v62, $0x7;
	v36 =	vld.idx.msk [tilespmem:v36+s8+$0x0], $0xffff  }
0x19f: {  	v47 =	vperm.xlane v21, v15;
	v37 =	vor.u32 v3, v37  }
0x1a0: {  	v48 =	vperm.xlane v25, v15;
	[tilespmem:s14+$0x1F80] =	vst v42  }
0x1a1: {  	v49 =	vperm.xlane v28, v15;
	v41 =	vld.idx.msk [tilespmem:v41+s8+$0x0], $0xffff;
	v43 =	vshll.u32 v47, $0x7;
	[tilespmem:s14+$0x2780] =	vst v44  }
0x1a2: {  	v50 =	vperm.xlane v33, v15;
	v42 =	vshll.u32 v48, $0x7;
	v43 =	vor.u32 v4, v43;
	v40 =	vld.idx.msk [tilespmem:v40+s8+$0x0], $0xffff;
	[tilespmem:s14+$0x2F80] =	vst v38  }
0x1a3: {  	v42 =	vor.u32 v4, v42;
	v44 =	vshll.u32 v49, $0x7;
	v39 =	vld.idx.msk [tilespmem:v63+s8+$0x0], $0xffff;
	[tilespmem:s14+$0x3780] =	vst v36  }
0x1a4: {  	v51 =	vor.u32 v4, v44;
	v38 =	vshll.u32 v50, $0x7;
	v37 =	vld.idx.msk [tilespmem:v37+s8+$0x0], $0xffff  }
0x1a5: {  	v52 =	vperm.xlane v20, v15;
	v38 =	vor.u32 v4, v38  }
0x1a6: {  	v53 =	vperm.xlane v24, v15;
	[tilespmem:s14+$0x1F90] =	vst v41  }
0x1a7: {  	v54 =	vperm.xlane v35, v15;
	v43 =	vld.idx.msk [tilespmem:v43+s8+$0x0], $0xffff;
	v44 =	vshll.u32 v52, $0x7;
	[tilespmem:s14+$0x2790] =	vst v40  }
0x1a8: {  	v55 =	vperm.xlane v34, v15;
	v41 =	vshll.u32 v53, $0x7;
	v44 =	vor.u32 v5, v44;
	v42 =	vld.idx.msk [tilespmem:v42+s8+$0x0], $0xffff;
	[tilespmem:s14+$0x2F90] =	vst v39  }
0x1a9: {  	v41 =	vor.u32 v5, v41;
	v40 =	vshll.u32 v54, $0x7;
	v36 =	vld.idx.msk [tilespmem:v51+s8+$0x0], $0xffff;
	[tilespmem:s14+$0x3790] =	vst v37  }
0x1aa: {  	v56 =	vor.u32 v5, v40;
	v39 =	vshll.u32 v55, $0x7;
	v38 =	vld.idx.msk [tilespmem:v38+s8+$0x0], $0xffff  }
0x1ab: {  	v57 =	vperm.xlane v23, v16;
	v39 =	vor.u32 v5, v39  }
0x1ac: {  	v58 =	vperm.xlane v27, v16;
	[tilespmem:s14+$0x1FA0] =	vst v43  }
0x1ad: {  	v59 =	vperm.xlane v30, v16;
	v44 =	vld.idx.msk [tilespmem:v44+s8+$0x0], $0xffff;
	v40 =	vshll.u32 v57, $0x7;
	[tilespmem:s14+$0x27A0] =	vst v42  }
0x1ae: {  	v60 =	vperm.xlane v31, v16;
	v43 =	vshll.u32 v58, $0x7;
	v40 =	vor.u32 v1, v40;
	v41 =	vld.idx.msk [tilespmem:v41+s8+$0x0], $0xffff;
	[tilespmem:s14+$0x2FA0] =	vst v36  }
0x1af: {  	v43 =	vor.u32 v1, v43;
	v42 =	vshll.u32 v59, $0x7;
	v37 =	vld.idx.msk [tilespmem:v56+s8+$0x0], $0xffff;
	[tilespmem:s14+$0x37A0] =	vst v38  }
0x1b0: {  	v61 =	vor.u32 v1, v42;
	v36 =	vshll.u32 v60, $0x7;
	v39 =	vld.idx.msk [tilespmem:v39+s8+$0x0], $0xffff  }
0x1b1: {  	v62 =	vperm.xlane v22, v16;
	v36 =	vor.u32 v1, v36  }
0x1b2: {  	v63 =	vperm.xlane v26, v16;
	[tilespmem:s14+$0x1FB0] =	vst v44  }
0x1b3: {  	v48 =	vperm.xlane v29, v16;
	v40 =	vld.idx.msk [tilespmem:v40+s8+$0x0], $0xffff;
	v42 =	vshll.u32 v62, $0x7;
	[tilespmem:s14+$0x27B0] =	vst v41  }
0x1b4: {  	v49 =	vperm.xlane v32, v16;
	v44 =	vshll.u32 v63, $0x7;
	v42 =	vor.u32 v3, v42;
	v43 =	vld.idx.msk [tilespmem:v43+s8+$0x0], $0xffff;
	[tilespmem:s14+$0x2FB0] =	vst v37  }
0x1b5: {  	v44 =	vor.u32 v3, v44;
	v41 =	vshll.u32 v48, $0x7;
	v38 =	vld.idx.msk [tilespmem:v61+s8+$0x0], $0xffff;
	[tilespmem:s14+$0x37B0] =	vst v39  }
0x1b6: {  	v50 =	vor.u32 v3, v41;
	v37 =	vshll.u32 v49, $0x7;
	v36 =	vld.idx.msk [tilespmem:v36+s8+$0x0], $0xffff  }
0x1b7: {  	v51 =	vperm.xlane v21, v16;
	v37 =	vor.u32 v3, v37  }
0x1b8: {  	v52 =	vperm.xlane v25, v16;
	[tilespmem:s14+$0x2000] =	vst v40  }
0x1b9: {  	v53 =	vperm.xlane v28, v16;
	v42 =	vld.idx.msk [tilespmem:v42+s8+$0x0], $0xffff;
	v41 =	vshll.u32 v51, $0x7;
	[tilespmem:s14+$0x2800] =	vst v43  }
0x1ba: {  	v54 =	vperm.xlane v33, v16;
	v40 =	vshll.u32 v52, $0x7;
	v41 =	vor.u32 v4, v41;
	v44 =	vld.idx.msk [tilespmem:v44+s8+$0x0], $0xffff;
	[tilespmem:s14+$0x3000] =	vst v38  }
0x1bb: {  	v40 =	vor.u32 v4, v40;
	v43 =	vshll.u32 v53, $0x7;
	v39 =	vld.idx.msk [tilespmem:v50+s8+$0x0], $0xffff;
	[tilespmem:s14+$0x3800] =	vst v36  }
0x1bc: {  	v55 =	vor.u32 v4, v43;
	v38 =	vshll.u32 v54, $0x7;
	v37 =	vld.idx.msk [tilespmem:v37+s8+$0x0], $0xffff  }
0x1bd: {  	v56 =	vperm.xlane v20, v16;
	v38 =	vor.u32 v4, v38  }
0x1be: {  	v57 =	vperm.xlane v24, v16;
	[tilespmem:s14+$0x2010] =	vst v42  }
0x1bf: {  	v58 =	vperm.xlane v35, v16;
	v41 =	vld.idx.msk [tilespmem:v41+s8+$0x0], $0xffff;
	v43 =	vshll.u32 v56, $0x7;
	[tilespmem:s14+$0x2810] =	vst v44  }
0x1c0: {  	v59 =	vperm.xlane v34, v16;
	v42 =	vshll.u32 v57, $0x7;
	v43 =	vor.u32 v5, v43;
	v40 =	vld.idx.msk [tilespmem:v40+s8+$0x0], $0xffff;
	[tilespmem:s14+$0x3010] =	vst v39  }
0x1c1: {  	v42 =	vor.u32 v5, v42;
	v44 =	vshll.u32 v58, $0x7;
	v36 =	vld.idx.msk [tilespmem:v55+s8+$0x0], $0xffff;
	[tilespmem:s14+$0x3810] =	vst v37  }
0x1c2: {  	v60 =	vor.u32 v5, v44;
	v39 =	vshll.u32 v59, $0x7;
	v38 =	vld.idx.msk [tilespmem:v38+s8+$0x0], $0xffff  }
0x1c3: {  	v61 =	vperm.xlane v23, v17;
	v39 =	vor.u32 v5, v39  }
0x1c4: {  	v62 =	vperm.xlane v27, v17;
	[tilespmem:s14+$0x2020] =	vst v41  }
0x1c5: {  	v63 =	vperm.xlane v30, v17;
	v43 =	vld.idx.msk [tilespmem:v43+s8+$0x0], $0xffff;
	v44 =	vshll.u32 v61, $0x7;
	[tilespmem:s14+$0x2820] =	vst v40  }
0x1c6: {  	v47 =	vperm.xlane v31, v17;
	v41 =	vshll.u32 v62, $0x7;
	v44 =	vor.u32 v1, v44;
	v42 =	vld.idx.msk [tilespmem:v42+s8+$0x0], $0xffff;
	[tilespmem:s14+$0x3020] =	vst v36  }
0x1c7: {  	v41 =	vor.u32 v1, v41;
	v40 =	vshll.u32 v63, $0x7;
	v37 =	vld.idx.msk [tilespmem:v60+s8+$0x0], $0xffff;
	[tilespmem:s14+$0x3820] =	vst v38  }
0x1c8: {  	v48 =	vor.u32 v1, v40;
	v36 =	vshll.u32 v47, $0x7;
	v39 =	vld.idx.msk [tilespmem:v39+s8+$0x0], $0xffff  }
0x1c9: {  	v49 =	vperm.xlane v22, v17;
	v36 =	vor.u32 v1, v36  }
0x1ca: {  	v50 =	vperm.xlane v26, v17;
	[tilespmem:s14+$0x2030] =	vst v43  }
0x1cb: {  	v51 =	vperm.xlane v29, v17;
	v44 =	vld.idx.msk [tilespmem:v44+s8+$0x0], $0xffff;
	v40 =	vshll.u32 v49, $0x7;
	[tilespmem:s14+$0x2830] =	vst v42  }
0x1cc: {  	v52 =	vperm.xlane v32, v17;
	v43 =	vshll.u32 v50, $0x7;
	v40 =	vor.u32 v3, v40;
	v41 =	vld.idx.msk [tilespmem:v41+s8+$0x0], $0xffff;
	[tilespmem:s14+$0x3030] =	vst v37  }
0x1cd: {  	v43 =	vor.u32 v3, v43;
	v42 =	vshll.u32 v51, $0x7;
	v38 =	vld.idx.msk [tilespmem:v48+s8+$0x0], $0xffff;
	[tilespmem:s14+$0x3830] =	vst v39  }
0x1ce: {  	v53 =	vor.u32 v3, v42;
	v37 =	vshll.u32 v52, $0x7;
	v36 =	vld.idx.msk [tilespmem:v36+s8+$0x0], $0xffff  }
0x1cf: {  	v54 =	vperm.xlane v21, v17;
	v37 =	vor.u32 v3, v37  }
0x1d0: {  	v55 =	vperm.xlane v25, v17;
	[tilespmem:s14+$0x2080] =	vst v44  }
0x1d1: {  	v56 =	vperm.xlane v28, v17;
	v40 =	vld.idx.msk [tilespmem:v40+s8+$0x0], $0xffff;
	v42 =	vshll.u32 v54, $0x7;
	[tilespmem:s14+$0x2880] =	vst v41  }
0x1d2: {  	v57 =	vperm.xlane v33, v17;
	v44 =	vshll.u32 v55, $0x7;
	v42 =	vor.u32 v4, v42;
	v43 =	vld.idx.msk [tilespmem:v43+s8+$0x0], $0xffff;
	[tilespmem:s14+$0x3080] =	vst v38  }
0x1d3: {  	v44 =	vor.u32 v4, v44;
	v41 =	vshll.u32 v56, $0x7;
	v39 =	vld.idx.msk [tilespmem:v53+s8+$0x0], $0xffff;
	[tilespmem:s14+$0x3880] =	vst v36  }
0x1d4: {  	v58 =	vor.u32 v4, v41;
	v38 =	vshll.u32 v57, $0x7;
	v37 =	vld.idx.msk [tilespmem:v37+s8+$0x0], $0xffff  }
0x1d5: {  	v59 =	vperm.xlane v20, v17;
	v38 =	vor.u32 v4, v38  }
0x1d6: {  	v60 =	vperm.xlane v24, v17;
	[tilespmem:s14+$0x2090] =	vst v40  }
0x1d7: {  	v61 =	vperm.xlane v35, v17;
	v42 =	vld.idx.msk [tilespmem:v42+s8+$0x0], $0xffff;
	v41 =	vshll.u32 v59, $0x7;
	[tilespmem:s14+$0x2890] =	vst v43  }
0x1d8: {  	v62 =	vperm.xlane v34, v17;
	v40 =	vshll.u32 v60, $0x7;
	v41 =	vor.u32 v5, v41;
	v44 =	vld.idx.msk [tilespmem:v44+s8+$0x0], $0xffff;
	[tilespmem:s14+$0x3090] =	vst v39  }
0x1d9: {  	v40 =	vor.u32 v5, v40;
	v43 =	vshll.u32 v61, $0x7;
	v36 =	vld.idx.msk [tilespmem:v58+s8+$0x0], $0xffff;
	[tilespmem:s14+$0x3890] =	vst v37  }
0x1da: {  	v63 =	vor.u32 v5, v43;
	v39 =	vshll.u32 v62, $0x7;
	v38 =	vld.idx.msk [tilespmem:v38+s8+$0x0], $0xffff  }
0x1db: {  	v47 =	vperm.xlane v23, v18;
	v39 =	vor.u32 v5, v39  }
0x1dc: {  	v48 =	vperm.xlane v27, v18;
	[tilespmem:s14+$0x20A0] =	vst v42  }
0x1dd: {  	v49 =	vperm.xlane v30, v18;
	v41 =	vld.idx.msk [tilespmem:v41+s8+$0x0], $0xffff;
	v43 =	vshll.u32 v47, $0x7;
	[tilespmem:s14+$0x28A0] =	vst v44  }
0x1de: {  	v50 =	vperm.xlane v31, v18;
	v42 =	vshll.u32 v48, $0x7;
	v43 =	vor.u32 v1, v43;
	v40 =	vld.idx.msk [tilespmem:v40+s8+$0x0], $0xffff;
	[tilespmem:s14+$0x30A0] =	vst v36  }
0x1df: {  	v42 =	vor.u32 v1, v42;
	v44 =	vshll.u32 v49, $0x7;
	v37 =	vld.idx.msk [tilespmem:v63+s8+$0x0], $0xffff;
	[tilespmem:s14+$0x38A0] =	vst v38  }
0x1e0: {  	v51 =	vor.u32 v1, v44;
	v36 =	vshll.u32 v50, $0x7;
	v39 =	vld.idx.msk [tilespmem:v39+s8+$0x0], $0xffff  }
0x1e1: {  	v52 =	vperm.xlane v22, v18;
	v36 =	vor.u32 v1, v36  }
0x1e2: {  	v53 =	vperm.xlane v26, v18;
	[tilespmem:s14+$0x20B0] =	vst v41  }
0x1e3: {  	v54 =	vperm.xlane v29, v18;
	v43 =	vld.idx.msk [tilespmem:v43+s8+$0x0], $0xffff;
	v44 =	vshll.u32 v52, $0x7;
	[tilespmem:s14+$0x28B0] =	vst v40  }
0x1e4: {  	v55 =	vperm.xlane v32, v18;
	v41 =	vshll.u32 v53, $0x7;
	v44 =	vor.u32 v3, v44;
	v42 =	vld.idx.msk [tilespmem:v42+s8+$0x0], $0xffff;
	[tilespmem:s14+$0x30B0] =	vst v37  }
0x1e5: {  	v41 =	vor.u32 v3, v41;
	v40 =	vshll.u32 v54, $0x7;
	v38 =	vld.idx.msk [tilespmem:v51+s8+$0x0], $0xffff;
	[tilespmem:s14+$0x38B0] =	vst v39  }
0x1e6: {  	v56 =	vor.u32 v3, v40;
	v37 =	vshll.u32 v55, $0x7;
	v36 =	vld.idx.msk [tilespmem:v36+s8+$0x0], $0xffff  }
0x1e7: {  	v57 =	vperm.xlane v21, v18;
	v37 =	vor.u32 v3, v37  }
0x1e8: {  	v58 =	vperm.xlane v25, v18;
	[tilespmem:s14+$0x2100] =	vst v43  }
0x1e9: {  	v59 =	vperm.xlane v28, v18;
	v44 =	vld.idx.msk [tilespmem:v44+s8+$0x0], $0xffff;
	v40 =	vshll.u32 v57, $0x7;
	[tilespmem:s14+$0x2900] =	vst v42  }
0x1ea: {  	v60 =	vperm.xlane v33, v18;
	v43 =	vshll.u32 v58, $0x7;
	v40 =	vor.u32 v4, v40;
	v41 =	vld.idx.msk [tilespmem:v41+s8+$0x0], $0xffff;
	[tilespmem:s14+$0x3100] =	vst v38  }
0x1eb: {  	v43 =	vor.u32 v4, v43;
	v42 =	vshll.u32 v59, $0x7;
	v39 =	vld.idx.msk [tilespmem:v56+s8+$0x0], $0xffff;
	[tilespmem:s14+$0x3900] =	vst v36  }
0x1ec: {  	v61 =	vor.u32 v4, v42;
	v38 =	vshll.u32 v60, $0x7;
	v37 =	vld.idx.msk [tilespmem:v37+s8+$0x0], $0xffff  }
0x1ed: {  	v62 =	vperm.xlane v20, v18;
	v38 =	vor.u32 v4, v38  }
0x1ee: {  	v63 =	vperm.xlane v24, v18;
	[tilespmem:s14+$0x2110] =	vst v44  }
0x1ef: {  	v48 =	vperm.xlane v35, v18;
	v40 =	vld.idx.msk [tilespmem:v40+s8+$0x0], $0xffff;
	v42 =	vshll.u32 v62, $0x7;
	[tilespmem:s14+$0x2910] =	vst v41  }
0x1f0: {  	v49 =	vperm.xlane v34, v18;
	v44 =	vshll.u32 v63, $0x7;
	v42 =	vor.u32 v5, v42;
	v43 =	vld.idx.msk [tilespmem:v43+s8+$0x0], $0xffff;
	[tilespmem:s14+$0x3110] =	vst v39  }
0x1f1: {  	v50 =	vor.u32 v5, v44;
	v41 =	vshll.u32 v48, $0x7;
	v36 =	vld.idx.msk [tilespmem:v61+s8+$0x0], $0xffff;
	[tilespmem:s14+$0x3910] =	vst v37  }
0x1f2: {  	v41 =	vor.u32 v5, v41;
	v39 =	vshll.u32 v49, $0x7;
	v38 =	vld.idx.msk [tilespmem:v38+s8+$0x0], $0xffff  }
0x1f3: {  	v23 =	vperm.xlane v23, v19;
	v39 =	vor.u32 v5, v39  }
0x1f4: {  	v27 =	vperm.xlane v27, v19;
	[tilespmem:s14+$0x2120] =	vst v40  }
0x1f5: {  	v30 =	vperm.xlane v30, v19;
	v23 =	vshll.u32 v23, $0x7;
	v40 =	vld.idx.msk [tilespmem:v42+s8+$0x0], $0xffff;
	[tilespmem:s14+$0x2920] =	vst v43  }
0x1f6: {  	v31 =	vperm.xlane v31, v19;
	v23 =	vor.u32 v1, v23;
	v27 =	vshll.u32 v27, $0x7;
	v51 =	vld.idx.msk [tilespmem:v50+s8+$0x0], $0xffff;
	[tilespmem:s14+$0x3120] =	vst v36  }
0x1f7: {  	v30 =	vshll.u32 v30, $0x7;
	v27 =	vor.u32 v1, v27;
	v52 =	vld.idx.msk [tilespmem:v41+s8+$0x0], $0xffff;
	[tilespmem:s14+$0x3920] =	vst v38  }
0x1f8: {  	v31 =	vshll.u32 v31, $0x7;
	v30 =	vor.u32 v1, v30;
	v38 =	vld.idx.msk [tilespmem:v39+s8+$0x0], $0xffff  }
0x1f9: {  	v31 =	vor.u32 v1, v31;
	v22 =	vperm.xlane v22, v19  }
0x1fa: {  	v26 =	vperm.xlane v26, v19;
	[tilespmem:s14+$0x2130] =	vst v40  }
0x1fb: {  	v29 =	vperm.xlane v29, v19;
	v22 =	vshll.u32 v22, $0x7;
	v23 =	vld.idx.msk [tilespmem:v23+s8+$0x0], $0xffff;
	[tilespmem:s14+$0x2930] =	vst v51  }
0x1fc: {  	v32 =	vperm.xlane v32, v19;
	v22 =	vor.u32 v3, v22;
	v26 =	vshll.u32 v26, $0x7;
	v27 =	vld.idx.msk [tilespmem:v27+s8+$0x0], $0xffff;
	[tilespmem:s14+$0x3130] =	vst v52  }
0x1fd: {  	v29 =	vshll.u32 v29, $0x7;
	v26 =	vor.u32 v3, v26;
	v30 =	vld.idx.msk [tilespmem:v30+s8+$0x0], $0xffff;
	[tilespmem:s14+$0x3930] =	vst v38  }
0x1fe: {  	v32 =	vshll.u32 v32, $0x7;
	v29 =	vor.u32 v3, v29;
	v31 =	vld.idx.msk [tilespmem:v31+s8+$0x0], $0xffff  }
0x1ff: {  	v32 =	vor.u32 v3, v32;
	v21 =	vperm.xlane v21, v19  }
0x200: {  	v53 =	vperm.xlane v25, v19;
	[tilespmem:s14+$0x2180] =	vst v23  }
0x201: {  	v21 =	vshll.u32 v21, $0x7;
	v54 =	vperm.xlane v28, v19;
	v22 =	vld.idx.msk [tilespmem:v22+s8+$0x0], $0xffff;
	[tilespmem:s14+$0x2980] =	vst v27  }
0x202: {  	v21 =	vor.u32 v4, v21;
	v55 =	vperm.xlane v33, v19;
	v23 =	vshll.u32 v53, $0x7;
	v26 =	vld.idx.msk [tilespmem:v26+s8+$0x0], $0xffff;
	[tilespmem:s14+$0x3180] =	vst v30  }
0x203: {  	v25 =	vshll.u32 v54, $0x7;
	v23 =	vor.u32 v4, v23;
	v56 =	vld.idx.msk [tilespmem:v29+s8+$0x0], $0xffff;
	[tilespmem:s14+$0x3980] =	vst v31  }
0x204: {  	v25 =	vor.u32 v4, v25;
	v27 =	vshll.u32 v55, $0x7;
	v57 =	vld.idx.msk [tilespmem:v32+s8+$0x0], $0xffff  }
0x205: {  	v20 =	vperm.xlane v20, v19;
	v27 =	vor.u32 v4, v27  }
0x206: {  	v58 =	vperm.xlane v24, v19;
	[tilespmem:s14+$0x2190] =	vst v22  }
0x207: {  	v20 =	vshll.u32 v20, $0x7;
	v59 =	vperm.xlane v35, v19;
	v21 =	vld.idx.msk [tilespmem:v21+s8+$0x0], $0xffff;
	[tilespmem:s14+$0x2990] =	vst v26  }
0x208: {  	v20 =	vor.u32 v5, v20;
	v60 =	vperm.xlane v34, v19;
	v22 =	vshll.u32 v58, $0x7;
	v23 =	vld.idx.msk [tilespmem:v23+s8+$0x0], $0xffff;
	[tilespmem:s14+$0x3190] =	vst v56  }
0x209: {  	v24 =	vshll.u32 v59, $0x7;
	v22 =	vor.u32 v5, v22;
	v25 =	vld.idx.msk [tilespmem:v25+s8+$0x0], $0xffff;
	[tilespmem:s14+$0x3990] =	vst v57  }
0x20a: {  	v24 =	vor.u32 v5, v24;
	v26 =	vshll.u32 v60, $0x7;
	v27 =	vld.idx.msk [tilespmem:v27+s8+$0x0], $0xffff  }
0x20b: {  	v26 =	vor.u32 v5, v26  }
0x20c: {  	[tilespmem:s14+$0x21A0] =	vst v21  }
0x20d: {  	v20 =	vld.idx.msk [tilespmem:v20+s8+$0x0], $0xffff;
	[tilespmem:s14+$0x29A0] =	vst v23  }
0x20e: {  	v61 =	vld.idx.msk [tilespmem:v22+s8+$0x0], $0xffff;
	[tilespmem:s14+$0x31A0] =	vst v25  }
0x20f: {  	v62 =	vld.idx.msk [tilespmem:v24+s8+$0x0], $0xffff;
	[tilespmem:s14+$0x39A0] =	vst v27  }
0x210: {  	p0 =	slt.u32 s13, $0xC0;
	v63 =	vld.idx.msk [tilespmem:v26+s8+$0x0], $0xffff  }
.Ltmp0:
0x211: {  	_ = 	snop;
	(pc) =	sbr.rel @p0 .LBB2_2-.Ltmp0, $4  }
0x212: {  	[tilespmem:s14+$0x21B0] =	vst v20  }
0x213: {  	[tilespmem:s14+$0x29B0] =	vst v61  }
0x214: {  	s31 =	sadd.s32 $0x40, s13;
	[tilespmem:s14+$0x31B0] =	vst v62  }
0x215: {  	s13 =	smov.u32 s31;
	[tilespmem:s14+$0x39B0] =	vst v63  }
0x216: {  	[hbm4b:s5+s3] =	stream.linear.scatter [tilespmem:s10], [sflag:$0x1], $0x8000, $0x200038;
	[tilespmem:$0x11A00] =	vst v63  }
0x217: {  	s13 =	simm.s32 $0x100  }
.LBB2_4:
0x218: {  	v20 =	vld [tilespmem:s13+$0x0];
	_ =	sdelay $0x4  }
0x219: {  	v20 =	vcvt.s32.f32 v20;
	_ =	sdelay $0x1  }
0x21a: {  	v21 =	vmul.f32 $2.439024300e-02, v20;
	_ =	sdelay $0x1  }
0x21b: {  	v21 =	vtrunc.f32 v21  }
0x21c: {  	v21 =	vcvt.f32.s32 v21;
	_ =	sdelay $0x1  }
0x21d: {  	v21 =	vcvt.s32.f32 v21  }
0x21e: {  	v22 =	vmul.f32 $2.702702770e-02, v20  }
0x21f: {  	v21 =	vmul.f32 $4.100000000e+01, v21  }
0x220: {  	v22 =	vtrunc.f32 v22  }
0x221: {  	v22 =	vcvt.f32.s32 v22;
	v21 =	vsub.f32 v20, v21  }
0x222: {  	v24 =	vmul.f32 $3.225806360e-02, v20  }
0x223: {  	v22 =	vcvt.s32.f32 v22;
	v23 =	vadd.f32 $4.100000000e+01, v21  }
0x224: {  	v24 =	vtrunc.f32 v24;
	vm0 =	vlt.f32 v21, $0.0e+00  }
0x225: {  	v24 =	vcvt.f32.s32 v24;
	v22 =	vmul.f32 $3.700000000e+01, v22;
	v21 =	vsel vm0, v23, v21  }
0x226: {  	v23 =	vadd.f32 $-4.100000000e+01, v21  }
0x227: {  	v24 =	vcvt.s32.f32 v24;
	v22 =	vsub.f32 v20, v22;
	vm0 =	vge.f32 v21, $4.100000000e+01  }
0x228: {  	v21 =	vsel vm0, v23, v21  }
0x229: {  	v24 =	vmul.f32 $3.100000000e+01, v24;
	v25 =	vadd.f32 $3.700000000e+01, v22;
	v21 =	vtrunc.f32 v21  }
0x22a: {  	v35 =	vmul.f32 $4.347826170e-02, v20;
	vm6 =	vlt.f32 v22, $0.0e+00;
	v23 =	vcvt.f32.s32 v21  }
0x22b: {  	v24 =	vsub.f32 v20, v24;
	v34 =	vsel vm6, v25, v22  }
0x22c: {  	v22 =	vtrunc.f32 v35;
	v25 =	vadd.f32 $-3.700000000e+01, v34;
	v26 =	vperm.xlane v23, v0  }
0x22d: {  	v22 =	vcvt.f32.s32 v22;
	vm0 =	vge.f32 v34, $3.700000000e+01  }
0x22e: {  	v37 =	vadd.f32 $3.100000000e+01, v24;
	v21 =	vsel vm0, v25, v34;
	v36 =	vshll.u32 v26, $0x7  }
0x22f: {  	v27 =	vcvt.s32.f32 v22;
	v21 =	vtrunc.f32 v21;
	v25 =	vor.u32 v1, v36  }
0x230: {  	vm7 =	vlt.f32 v24, $0.0e+00;
	v22 =	vcvt.f32.s32 v21  }
0x231: {  	v38 =	vsel vm7, v37, v24;
	v39 =	vmul.f32 $2.300000000e+01, v27  }
0x232: {  	v26 =	vadd.f32 $-3.100000000e+01, v38;
	v40 =	vperm.xlane v22, v0  }
0x233: {  	vm0 =	vge.f32 v38, $3.100000000e+01;
	v20 =	vsub.f32 v20, v39  }
0x234: {  	v21 =	vsel vm0, v26, v38;
	v42 =	vshll.u32 v40, $0x7;
	v41 =	vld.idx.msk [tilespmem:v25+s8+$0x0], $0xffff  }
0x235: {  	v43 =	vadd.f32 $2.300000000e+01, v20;
	v21 =	vtrunc.f32 v21;
	v25 =	vor.u32 v3, v42  }
0x236: {  	vm8 =	vlt.f32 v20, $0.0e+00;
	v21 =	vcvt.f32.s32 v21  }
0x237: {  	s14 =	sshll.u32 s13, $0x7;
	v20 =	vsel vm8, v43, v20  }
0x238: {  	s14 =	sand.u32 $0x3FFFFF80, s14;
	v26 =	vadd.f32 $-2.300000000e+01, v20;
	v44 =	vperm.xlane v21, v0  }
0x239: {  	vm0 =	vge.f32 v20, $2.300000000e+01;
	[tilespmem:s14+$0x1A00] =	vst v41  }
0x23a: {  	v20 =	vsel vm0, v26, v20;
	v45 =	vshll.u32 v44, $0x7;
	v24 =	vld.idx.msk [tilespmem:v25+s8+$0x0], $0xffff  }
0x23b: {  	v20 =	vtrunc.f32 v20;
	v25 =	vor.u32 v4, v45  }
0x23c: {  	v20 =	vcvt.f32.s32 v20;
	_ =	sdelay $0x1  }
0x23d: {  	v46 =	vperm.xlane v20, v0  }
0x23e: {  	[tilespmem:s14+$0x1A10] =	vst v24  }
0x23f: {  	v47 =	vshll.u32 v46, $0x7;
	v24 =	vld.idx.msk [tilespmem:v25+s8+$0x0], $0xffff  }
0x240: {  	v25 =	vor.u32 v5, v47;
	_ =	sdelay $0x2  }
0x241: {  	v48 =	vperm.xlane v23, v6  }
0x242: {  	[tilespmem:s14+$0x1A20] =	vst v24  }
0x243: {  	v49 =	vshll.u32 v48, $0x7;
	v24 =	vld.idx.msk [tilespmem:v25+s8+$0x0], $0xffff  }
0x244: {  	v25 =	vor.u32 v1, v49;
	_ =	sdelay $0x2  }
0x245: {  	v50 =	vperm.xlane v22, v6  }
0x246: {  	[tilespmem:s14+$0x1A30] =	vst v24  }
0x247: {  	v51 =	vshll.u32 v50, $0x7;
	v24 =	vld.idx.msk [tilespmem:v25+s8+$0x0], $0xffff  }
0x248: {  	v25 =	vor.u32 v3, v51;
	_ =	sdelay $0x2  }
0x249: {  	v52 =	vperm.xlane v21, v6  }
0x24a: {  	[tilespmem:s14+$0x1A80] =	vst v24  }
0x24b: {  	v53 =	vshll.u32 v52, $0x7;
	v24 =	vld.idx.msk [tilespmem:v25+s8+$0x0], $0xffff  }
0x24c: {  	v25 =	vor.u32 v4, v53;
	_ =	sdelay $0x2  }
0x24d: {  	v54 =	vperm.xlane v20, v6  }
0x24e: {  	[tilespmem:s14+$0x1A90] =	vst v24  }
0x24f: {  	v55 =	vshll.u32 v54, $0x7;
	v24 =	vld.idx.msk [tilespmem:v25+s8+$0x0], $0xffff  }
0x250: {  	v25 =	vor.u32 v5, v55;
	_ =	sdelay $0x3  }
0x251: {  	[tilespmem:s14+$0x1AA0] =	vst v24  }
0x252: {  	v24 =	vld.idx.msk [tilespmem:v25+s8+$0x0], $0xffff;
	_ =	sdelay $0x4  }
0x253: {  	s15 =	sor.u32 $0x10, s13;
	[tilespmem:s14+$0x1AB0] =	vst v24  }
0x254: {  	v24 =	vld [tilespmem:s15+$0x0]  }
0x255: {  	s16 =	sor.u32 $0x20, s13  }
0x256: {  	v31 =	vld [tilespmem:s16+$0x0];
	_ =	sdelay $0x2  }
0x257: {  	v24 =	vcvt.s32.f32 v24;
	_ =	sdelay $0x1  }
0x258: {  	v31 =	vcvt.s32.f32 v31;
	v56 =	vmul.f32 $2.439024300e-02, v24  }
0x259: {  	v57 =	vmul.f32 $2.702702770e-02, v24;
	v58 =	vmul.f32 $3.225806360e-02, v24  }
0x25a: {  	v28 =	vmul.f32 $4.347826170e-02, v24;
	v33 =	vmul.f32 $2.439024300e-02, v31  }
0x25b: {  	v25 =	vtrunc.f32 v56;
	v26 =	vtrunc.f32 v57  }
0x25c: {  	v27 =	vtrunc.f32 v58;
	v28 =	vtrunc.f32 v28  }
0x25d: {  	v25 =	vcvt.f32.s32 v25;
	v26 =	vcvt.f32.s32 v26  }
0x25e: {  	v27 =	vcvt.f32.s32 v27;
	v28 =	vcvt.f32.s32 v28  }
0x25f: {  	v25 =	vcvt.s32.f32 v25;
	v26 =	vcvt.s32.f32 v26  }
0x260: {  	v27 =	vcvt.s32.f32 v27;
	v28 =	vcvt.s32.f32 v28  }
0x261: {  	v25 =	vmul.f32 $4.100000000e+01, v25;
	v26 =	vmul.f32 $3.700000000e+01, v26  }
0x262: {  	v27 =	vmul.f32 $3.100000000e+01, v27;
	v28 =	vmul.f32 $2.300000000e+01, v28  }
0x263: {  	v35 =	vmul.f32 $2.702702770e-02, v31;
	v25 =	vsub.f32 v24, v25;
	v26 =	vsub.f32 v24, v26  }
0x264: {  	v45 =	vmul.f32 $4.347826170e-02, v31;
	v60 =	vsub.f32 v24, v27;
	v24 =	vsub.f32 v24, v28  }
0x265: {  	v29 =	vadd.f32 $4.100000000e+01, v25;
	vm9 =	vlt.f32 v25, $0.0e+00;
	v59 =	vadd.f32 $3.700000000e+01, v26  }
0x266: {  	vm10 =	vlt.f32 v26, $0.0e+00;
	v62 =	vadd.f32 $3.100000000e+01, v60;
	v28 =	vadd.f32 $2.300000000e+01, v24  }
0x267: {  	vm13 =	vlt.f32 v60, $0.0e+00;
	vm14 =	vlt.f32 v24, $0.0e+00;
	v25 =	vsel vm9, v29, v25  }
0x268: {  	v26 =	vsel vm10, v59, v26;
	v63 =	vsel vm13, v62, v60;
	v24 =	vsel vm14, v28, v24  }
0x269: {  	v28 =	vtrunc.f32 v33;
	v30 =	vadd.f32 $-4.100000000e+01, v25;
	vm11 =	vge.f32 v25, $4.100000000e+01  }
0x26a: {  	s17 =	sor.u32 $0x30, s13;
	v29 =	vadd.f32 $-3.700000000e+01, v26;
	v34 =	vadd.f32 $-2.300000000e+01, v24;
	v28 =	vcvt.f32.s32 v28  }
0x26b: {  	v33 =	vld [tilespmem:s17+$0x0];
	vm12 =	vge.f32 v26, $3.700000000e+01;
	vm4 =	vge.f32 v24, $2.300000000e+01;
	v25 =	vsel vm11, v30, v25  }
0x26c: {  	v24 =	vsel vm4, v34, v24;
	v28 =	vcvt.s32.f32 v28;
	v34 =	vmul.f32 $3.225806360e-02, v31  }
0x26d: {  	v61 =	vsel vm12, v29, v26;
	v25 =	vtrunc.f32 v25;
	v24 =	vtrunc.f32 v24  }
0x26e: {  	v30 =	vadd.f32 $-3.100000000e+01, v63;
	v27 =	vcvt.f32.s32 v25;
	v25 =	vtrunc.f32 v61  }
0x26f: {  	vm15 =	vge.f32 v63, $3.100000000e+01;
	v24 =	vcvt.f32.s32 v24;
	v28 =	vmul.f32 $4.100000000e+01, v28  }
0x270: {  	v29 =	vsel vm15, v30, v63;
	v39 =	vtrunc.f32 v34;
	v33 =	vcvt.s32.f32 v33  }
0x271: {  	v26 =	vcvt.f32.s32 v25;
	v29 =	vtrunc.f32 v29  }
0x272: {  	v25 =	vcvt.f32.s32 v29;
	v36 =	vperm.xlane v27, v0  }
0x273: {  	v29 =	vtrunc.f32 v35;
	v44 =	vmul.f32 $2.702702770e-02, v33  }
0x274: {  	v28 =	vsub.f32 v31, v28;
	v49 =	vmul.f32 $3.225806360e-02, v33;
	v57 =	vmul.f32 $4.347826170e-02, v33  }
0x275: {  	v32 =	vperm.xlane v26, v0;
	v29 =	vcvt.f32.s32 v29;
	v30 =	vshll.u32 v36, $0x7  }
0x276: {  	v38 =	vadd.f32 $4.100000000e+01, v28;
	vm5 =	vlt.f32 v28, $0.0e+00;
	v40 =	vperm.xlane v25, v0  }
0x277: {  	v52 =	vtrunc.f32 v49;
	v37 =	vshll.u32 v32, $0x7;
	v29 =	vcvt.s32.f32 v29  }
0x278: {  	v35 =	vor.u32 v1, v30;
	v32 =	vcvt.f32.s32 v39;
	v36 =	vor.u32 v3, v37  }
0x279: {  	v28 =	vsel vm5, v38, v28;
	v34 =	vshll.u32 v40, $0x7;
	v29 =	vmul.f32 $3.700000000e+01, v29  }
0x27a: {  	v37 =	vmul.f32 $2.439024300e-02, v33;
	v30 =	vadd.f32 $-4.100000000e+01, v28;
	v32 =	vcvt.s32.f32 v32  }
0x27b: {  	v38 =	vor.u32 v4, v34;
	v34 =	vtrunc.f32 v45;
	v29 =	vsub.f32 v31, v29  }
0x27c: {  	vm0 =	vge.f32 v28, $4.100000000e+01;
	v37 =	vtrunc.f32 v37;
	v32 =	vmul.f32 $3.100000000e+01, v32  }
0x27d: {  	v46 =	vcvt.f32.s32 v34;
	v37 =	vcvt.f32.s32 v37;
	v41 =	vadd.f32 $3.700000000e+01, v29  }
0x27e: {  	v28 =	vsel vm0, v30, v28;
	vm6 =	vlt.f32 v29, $0.0e+00;
	v32 =	vsub.f32 v31, v32  }
0x27f: {  	v28 =	vtrunc.f32 v28;
	v37 =	vcvt.s32.f32 v37;
	v29 =	vsel vm6, v41, v29  }
0x280: {  	v30 =	vcvt.f32.s32 v28;
	v43 =	vadd.f32 $3.100000000e+01, v32;
	v42 =	vadd.f32 $-3.700000000e+01, v29  }
0x281: {  	vm7 =	vlt.f32 v32, $0.0e+00;
	v37 =	vmul.f32 $4.100000000e+01, v37;
	vm0 =	vge.f32 v29, $3.700000000e+01  }
0x282: {  	v56 =	vperm.xlane v30, v0;
	v28 =	vsel vm0, v42, v29;
	v29 =	vtrunc.f32 v44  }
0x283: {  	v32 =	vsel vm7, v43, v32;
	v37 =	vsub.f32 v33, v37;
	v40 =	vcvt.f32.s32 v29  }
0x284: {  	v39 =	vadd.f32 $-3.100000000e+01, v32;
	vm0 =	vge.f32 v32, $3.100000000e+01;
	v28 =	vtrunc.f32 v28  }
0x285: {  	v47 =	vadd.f32 $4.100000000e+01, v37;
	vm8 =	vlt.f32 v37, $0.0e+00;
	v48 =	vcvt.s32.f32 v40  }
0x286: {  	v29 =	vcvt.f32.s32 v28;
	v32 =	vsel vm0, v39, v32;
	v28 =	vcvt.s32.f32 v46  }
0x287: {  	v34 =	vsel vm8, v47, v37;
	v40 =	vcvt.f32.s32 v52;
	v50 =	vmul.f32 $3.700000000e+01, v48  }
0x288: {  	v32 =	vtrunc.f32 v32;
	v51 =	vmul.f32 $2.300000000e+01, v28;
	v41 =	vadd.f32 $-4.100000000e+01, v34  }
0x289: {  	vm0 =	vge.f32 v34, $4.100000000e+01;
	v55 =	vcvt.s32.f32 v40;
	v37 =	vsub.f32 v33, v50  }
0x28a: {  	v28 =	vcvt.f32.s32 v32;
	v39 =	vsub.f32 v31, v51;
	v53 =	vsel vm0, v41, v34  }
0x28b: {  	v31 =	vtrunc.f32 v53;
	v34 =	vmul.f32 $3.100000000e+01, v55;
	v54 =	vadd.f32 $3.700000000e+01, v37  }
0x28c: {  	v60 =	vperm.xlane v29, v0;
	v31 =	vcvt.f32.s32 v31;
	vm9 =	vlt.f32 v37, $0.0e+00  }
0x28d: {  	v40 =	vshll.u32 v56, $0x7;
	v34 =	vsub.f32 v33, v34;
	v32 =	vsel vm9, v54, v37  }
0x28e: {  	v42 =	vperm.xlane v31, v0;
	v37 =	vtrunc.f32 v57;
	v58 =	vadd.f32 $-3.700000000e+01, v32  }
0x28f: {  	v40 =	vor.u32 v1, v40;
	vm0 =	vge.f32 v32, $3.700000000e+01;
	v37 =	vcvt.f32.s32 v37  }
0x290: {  	v59 =	vadd.f32 $3.100000000e+01, v34;
	v42 =	vshll.u32 v42, $0x7;
	v32 =	vsel vm0, v58, v32  }
0x291: {  	v42 =	vor.u32 v1, v42;
	v37 =	vcvt.s32.f32 v37;
	v32 =	vtrunc.f32 v32  }
0x292: {  	v41 =	vshll.u32 v60, $0x7;
	vm10 =	vlt.f32 v34, $0.0e+00;
	v32 =	vcvt.f32.s32 v32  }
0x293: {  	v41 =	vor.u32 v3, v41;
	v34 =	vsel vm10, v59, v34;
	v37 =	vmul.f32 $2.300000000e+01, v37  }
0x294: {  	v35 =	vld.idx.msk [tilespmem:v35+s8+$0x0], $0xffff;
	v43 =	vadd.f32 $2.300000000e+01, v39;
	v61 =	vadd.f32 $-3.100000000e+01, v34;
	v44 =	vperm.xlane v32, v0  }
0x295: {  	vm11 =	vlt.f32 v39, $0.0e+00;
	v40 =	vld.idx.msk [tilespmem:v40+s8+$0x0], $0xffff;
	vm12 =	vge.f32 v34, $3.100000000e+01;
	v37 =	vsub.f32 v33, v37  }
0x296: {  	v39 =	vsel vm11, v43, v39;
	v62 =	vsel vm12, v61, v34;
	v63 =	vld.idx.msk [tilespmem:v42+s8+$0x0], $0xffff;
	v47 =	vshll.u32 v44, $0x7  }
0x297: {  	s15 =	sshll.u32 s15, $0x7;
	v33 =	vtrunc.f32 v62;
	v48 =	vadd.f32 $2.300000000e+01, v37;
	v42 =	vor.u32 v3, v47  }
0x298: {  	s16 =	sshll.u32 s16, $0x7;
	s15 =	sand.u32 $0x3FFFFF80, s15;
	v49 =	vadd.f32 $-2.300000000e+01, v39;
	v33 =	vcvt.f32.s32 v33;
	vm13 =	vlt.f32 v37, $0.0e+00  }
0x299: {  	s16 =	sand.u32 $0x3FFFFF80, s16;
	s17 =	sshll.u32 s17, $0x7;
	[tilespmem:s15+$0x1A00] =	vst v35;
	v51 =	vperm.xlane v28, v0;
	vm14 =	vge.f32 v39, $2.300000000e+01;
	v50 =	vsel vm13, v48, v37  }
0x29a: {  	s17 =	sand.u32 $0x3FFFFF80, s17;
	v36 =	vld.idx.msk [tilespmem:v36+s8+$0x0], $0xffff;
	v39 =	vsel vm14, v49, v39;
	[tilespmem:s16+$0x1A00] =	vst v40;
	v53 =	vperm.xlane v33, v0;
	v52 =	vadd.f32 $-2.300000000e+01, v50  }
0x29b: {  	v39 =	vtrunc.f32 v39;
	v41 =	vld.idx.msk [tilespmem:v41+s8+$0x0], $0xffff;
	v37 =	vshll.u32 v51, $0x7;
	vm15 =	vge.f32 v50, $2.300000000e+01;
	[tilespmem:s17+$0x1A00] =	vst v63  }
0x29c: {  	v37 =	vor.u32 v4, v37;
	v56 =	vshll.u32 v53, $0x7;
	v54 =	vsel vm15, v52, v50;
	v55 =	vld.idx.msk [tilespmem:v42+s8+$0x0], $0xffff  }
0x29d: {  	v35 =	vcvt.f32.s32 v39;
	v57 =	vor.u32 v4, v56;
	v34 =	vtrunc.f32 v54  }
0x29e: {  	v58 =	vperm.xlane v24, v0;
	v34 =	vcvt.f32.s32 v34  }
0x29f: {  	[tilespmem:s15+$0x1A10] =	vst v36;
	v59 =	vperm.xlane v35, v0  }
0x2a0: {  	v38 =	vld.idx.msk [tilespmem:v38+s8+$0x0], $0xffff;
	[tilespmem:s16+$0x1A10] =	vst v41;
	v42 =	vshll.u32 v58, $0x7;
	v60 =	vperm.xlane v34, v0  }
0x2a1: {  	v36 =	vshll.u32 v59, $0x7;
	v42 =	vor.u32 v5, v42;
	v37 =	vld.idx.msk [tilespmem:v37+s8+$0x0], $0xffff;
	[tilespmem:s17+$0x1A10] =	vst v55  }
0x2a2: {  	v36 =	vor.u32 v5, v36;
	v61 =	vshll.u32 v60, $0x7;
	v39 =	vld.idx.msk [tilespmem:v57+s8+$0x0], $0xffff  }
0x2a3: {  	v40 =	vor.u32 v5, v61  }
0x2a4: {  	v62 =	vperm.xlane v27, v6  }
0x2a5: {  	[tilespmem:s15+$0x1A20] =	vst v38;
	v63 =	vperm.xlane v30, v6  }
0x2a6: {  	v44 =	vperm.xlane v31, v6;
	v41 =	vshll.u32 v62, $0x7;
	v42 =	vld.idx.msk [tilespmem:v42+s8+$0x0], $0xffff;
	[tilespmem:s16+$0x1A20] =	vst v37  }
0x2a7: {  	v41 =	vor.u32 v1, v41;
	v38 =	vshll.u32 v63, $0x7;
	v36 =	vld.idx.msk [tilespmem:v36+s8+$0x0], $0xffff;
	[tilespmem:s17+$0x1A20] =	vst v39  }
0x2a8: {  	v38 =	vor.u32 v1, v38;
	v37 =	vshll.u32 v44, $0x7;
	v39 =	vld.idx.msk [tilespmem:v40+s8+$0x0], $0xffff  }
0x2a9: {  	v37 =	vor.u32 v1, v37  }
0x2aa: {  	v45 =	vperm.xlane v26, v6  }
0x2ab: {  	v46 =	vperm.xlane v29, v6;
	[tilespmem:s15+$0x1A30] =	vst v42  }
0x2ac: {  	v48 =	vperm.xlane v32, v6;
	v47 =	vld.idx.msk [tilespmem:v41+s8+$0x0], $0xffff;
	v40 =	vshll.u32 v45, $0x7;
	[tilespmem:s16+$0x1A30] =	vst v36  }
0x2ad: {  	v42 =	vshll.u32 v46, $0x7;
	v40 =	vor.u32 v3, v40;
	v38 =	vld.idx.msk [tilespmem:v38+s8+$0x0], $0xffff;
	[tilespmem:s17+$0x1A30] =	vst v39  }
0x2ae: {  	v49 =	vor.u32 v3, v42;
	v41 =	vshll.u32 v48, $0x7;
	v37 =	vld.idx.msk [tilespmem:v37+s8+$0x0], $0xffff  }
0x2af: {  	v41 =	vor.u32 v3, v41  }
0x2b0: {  	v50 =	vperm.xlane v25, v6  }
0x2b1: {  	v51 =	vperm.xlane v28, v6;
	[tilespmem:s14+$0x2280] =	vst v47  }
0x2b2: {  	v52 =	vperm.xlane v33, v6;
	v42 =	vshll.u32 v50, $0x7;
	v40 =	vld.idx.msk [tilespmem:v40+s8+$0x0], $0xffff;
	[tilespmem:s14+$0x2A80] =	vst v38  }
0x2b3: {  	v42 =	vor.u32 v4, v42;
	v36 =	vshll.u32 v51, $0x7;
	v39 =	vld.idx.msk [tilespmem:v49+s8+$0x0], $0xffff;
	[tilespmem:s14+$0x3280] =	vst v37  }
0x2b4: {  	v36 =	vor.u32 v4, v36;
	v38 =	vshll.u32 v52, $0x7;
	v37 =	vld.idx.msk [tilespmem:v41+s8+$0x0], $0xffff  }
0x2b5: {  	v38 =	vor.u32 v4, v38  }
0x2b6: {  	v53 =	vperm.xlane v24, v6  }
0x2b7: {  	v54 =	vperm.xlane v35, v6;
	[tilespmem:s14+$0x2290] =	vst v40  }
0x2b8: {  	v55 =	vperm.xlane v34, v6;
	v42 =	vld.idx.msk [tilespmem:v42+s8+$0x0], $0xffff;
	v41 =	vshll.u32 v53, $0x7;
	[tilespmem:s14+$0x2A90] =	vst v39  }
0x2b9: {  	v40 =	vshll.u32 v54, $0x7;
	v41 =	vor.u32 v5, v41;
	v36 =	vld.idx.msk [tilespmem:v36+s8+$0x0], $0xffff;
	[tilespmem:s14+$0x3290] =	vst v37  }
0x2ba: {  	v56 =	vor.u32 v5, v40;
	v39 =	vshll.u32 v55, $0x7;
	v38 =	vld.idx.msk [tilespmem:v38+s8+$0x0], $0xffff  }
0x2bb: {  	v57 =	vperm.xlane v23, v7;
	v39 =	vor.u32 v5, v39  }
0x2bc: {  	v58 =	vperm.xlane v27, v7  }
0x2bd: {  	v59 =	vperm.xlane v30, v7;
	v40 =	vshll.u32 v57, $0x7;
	[tilespmem:s14+$0x22A0] =	vst v42  }
0x2be: {  	v43 =	vshll.u32 v58, $0x7;
	v60 =	vperm.xlane v31, v7;
	v40 =	vor.u32 v1, v40;
	v41 =	vld.idx.msk [tilespmem:v41+s8+$0x0], $0xffff;
	[tilespmem:s14+$0x2AA0] =	vst v36  }
0x2bf: {  	v43 =	vor.u32 v1, v43;
	v42 =	vshll.u32 v59, $0x7;
	v37 =	vld.idx.msk [tilespmem:v56+s8+$0x0], $0xffff;
	[tilespmem:s14+$0x32A0] =	vst v38  }
0x2c0: {  	v61 =	vor.u32 v1, v42;
	v36 =	vshll.u32 v60, $0x7;
	v39 =	vld.idx.msk [tilespmem:v39+s8+$0x0], $0xffff  }
0x2c1: {  	v62 =	vperm.xlane v22, v7;
	v36 =	vor.u32 v1, v36  }
0x2c2: {  	v63 =	vperm.xlane v26, v7  }
0x2c3: {  	v48 =	vperm.xlane v29, v7;
	v40 =	vld.idx.msk [tilespmem:v40+s8+$0x0], $0xffff;
	v42 =	vshll.u32 v62, $0x7;
	[tilespmem:s14+$0x22B0] =	vst v41  }
0x2c4: {  	v44 =	vshll.u32 v63, $0x7;
	v49 =	vperm.xlane v32, v7;
	v42 =	vor.u32 v3, v42;
	v43 =	vld.idx.msk [tilespmem:v43+s8+$0x0], $0xffff;
	[tilespmem:s14+$0x2AB0] =	vst v37  }
0x2c5: {  	v44 =	vor.u32 v3, v44;
	v41 =	vshll.u32 v48, $0x7;
	v38 =	vld.idx.msk [tilespmem:v61+s8+$0x0], $0xffff;
	[tilespmem:s14+$0x32B0] =	vst v39  }
0x2c6: {  	v50 =	vor.u32 v3, v41;
	v37 =	vshll.u32 v49, $0x7;
	v36 =	vld.idx.msk [tilespmem:v36+s8+$0x0], $0xffff  }
0x2c7: {  	v51 =	vperm.xlane v21, v7;
	v37 =	vor.u32 v3, v37  }
0x2c8: {  	v52 =	vperm.xlane v25, v7;
	[tilespmem:s14+$0x1B00] =	vst v40  }
0x2c9: {  	v53 =	vperm.xlane v28, v7;
	v42 =	vld.idx.msk [tilespmem:v42+s8+$0x0], $0xffff;
	v41 =	vshll.u32 v51, $0x7;
	[tilespmem:s14+$0x2300] =	vst v43  }
0x2ca: {  	v54 =	vperm.xlane v33, v7;
	v40 =	vshll.u32 v52, $0x7;
	v41 =	vor.u32 v4, v41;
	v44 =	vld.idx.msk [tilespmem:v44+s8+$0x0], $0xffff;
	[tilespmem:s14+$0x2B00] =	vst v38  }
0x2cb: {  	v40 =	vor.u32 v4, v40;
	v43 =	vshll.u32 v53, $0x7;
	v39 =	vld.idx.msk [tilespmem:v50+s8+$0x0], $0xffff;
	[tilespmem:s14+$0x3300] =	vst v36  }
0x2cc: {  	v55 =	vor.u32 v4, v43;
	v38 =	vshll.u32 v54, $0x7;
	v37 =	vld.idx.msk [tilespmem:v37+s8+$0x0], $0xffff  }
0x2cd: {  	v56 =	vperm.xlane v20, v7;
	v38 =	vor.u32 v4, v38  }
0x2ce: {  	v57 =	vperm.xlane v24, v7;
	[tilespmem:s14+$0x1B10] =	vst v42  }
0x2cf: {  	v58 =	vperm.xlane v35, v7;
	v41 =	vld.idx.msk [tilespmem:v41+s8+$0x0], $0xffff;
	v43 =	vshll.u32 v56, $0x7;
	[tilespmem:s14+$0x2310] =	vst v44  }
0x2d0: {  	v59 =	vperm.xlane v34, v7;
	v42 =	vshll.u32 v57, $0x7;
	v43 =	vor.u32 v5, v43;
	v40 =	vld.idx.msk [tilespmem:v40+s8+$0x0], $0xffff;
	[tilespmem:s14+$0x2B10] =	vst v39  }
0x2d1: {  	v42 =	vor.u32 v5, v42;
	v44 =	vshll.u32 v58, $0x7;
	v36 =	vld.idx.msk [tilespmem:v55+s8+$0x0], $0xffff;
	[tilespmem:s14+$0x3310] =	vst v37  }
0x2d2: {  	v60 =	vor.u32 v5, v44;
	v39 =	vshll.u32 v59, $0x7;
	v38 =	vld.idx.msk [tilespmem:v38+s8+$0x0], $0xffff  }
0x2d3: {  	v61 =	vperm.xlane v23, v8;
	v39 =	vor.u32 v5, v39  }
0x2d4: {  	v62 =	vperm.xlane v27, v8;
	[tilespmem:s14+$0x1B20] =	vst v41  }
0x2d5: {  	v63 =	vperm.xlane v30, v8;
	v43 =	vld.idx.msk [tilespmem:v43+s8+$0x0], $0xffff;
	v44 =	vshll.u32 v61, $0x7;
	[tilespmem:s14+$0x2320] =	vst v40  }
0x2d6: {  	v47 =	vperm.xlane v31, v8;
	v41 =	vshll.u32 v62, $0x7;
	v44 =	vor.u32 v1, v44;
	v42 =	vld.idx.msk [tilespmem:v42+s8+$0x0], $0xffff;
	[tilespmem:s14+$0x2B20] =	vst v36  }
0x2d7: {  	v41 =	vor.u32 v1, v41;
	v40 =	vshll.u32 v63, $0x7;
	v37 =	vld.idx.msk [tilespmem:v60+s8+$0x0], $0xffff;
	[tilespmem:s14+$0x3320] =	vst v38  }
0x2d8: {  	v48 =	vor.u32 v1, v40;
	v36 =	vshll.u32 v47, $0x7;
	v39 =	vld.idx.msk [tilespmem:v39+s8+$0x0], $0xffff  }
0x2d9: {  	v49 =	vperm.xlane v22, v8;
	v36 =	vor.u32 v1, v36  }
0x2da: {  	v50 =	vperm.xlane v26, v8;
	[tilespmem:s14+$0x1B30] =	vst v43  }
0x2db: {  	v51 =	vperm.xlane v29, v8;
	v44 =	vld.idx.msk [tilespmem:v44+s8+$0x0], $0xffff;
	v40 =	vshll.u32 v49, $0x7;
	[tilespmem:s14+$0x2330] =	vst v42  }
0x2dc: {  	v52 =	vperm.xlane v32, v8;
	v43 =	vshll.u32 v50, $0x7;
	v40 =	vor.u32 v3, v40;
	v41 =	vld.idx.msk [tilespmem:v41+s8+$0x0], $0xffff;
	[tilespmem:s14+$0x2B30] =	vst v37  }
0x2dd: {  	v43 =	vor.u32 v3, v43;
	v42 =	vshll.u32 v51, $0x7;
	v38 =	vld.idx.msk [tilespmem:v48+s8+$0x0], $0xffff;
	[tilespmem:s14+$0x3330] =	vst v39  }
0x2de: {  	v53 =	vor.u32 v3, v42;
	v37 =	vshll.u32 v52, $0x7;
	v36 =	vld.idx.msk [tilespmem:v36+s8+$0x0], $0xffff  }
0x2df: {  	v54 =	vperm.xlane v21, v8;
	v37 =	vor.u32 v3, v37  }
0x2e0: {  	v55 =	vperm.xlane v25, v8;
	[tilespmem:s14+$0x1B80] =	vst v44  }
0x2e1: {  	v56 =	vperm.xlane v28, v8;
	v40 =	vld.idx.msk [tilespmem:v40+s8+$0x0], $0xffff;
	v42 =	vshll.u32 v54, $0x7;
	[tilespmem:s14+$0x2380] =	vst v41  }
0x2e2: {  	v57 =	vperm.xlane v33, v8;
	v44 =	vshll.u32 v55, $0x7;
	v42 =	vor.u32 v4, v42;
	v43 =	vld.idx.msk [tilespmem:v43+s8+$0x0], $0xffff;
	[tilespmem:s14+$0x2B80] =	vst v38  }
0x2e3: {  	v44 =	vor.u32 v4, v44;
	v41 =	vshll.u32 v56, $0x7;
	v39 =	vld.idx.msk [tilespmem:v53+s8+$0x0], $0xffff;
	[tilespmem:s14+$0x3380] =	vst v36  }
0x2e4: {  	v58 =	vor.u32 v4, v41;
	v38 =	vshll.u32 v57, $0x7;
	v37 =	vld.idx.msk [tilespmem:v37+s8+$0x0], $0xffff  }
0x2e5: {  	v59 =	vperm.xlane v20, v8;
	v38 =	vor.u32 v4, v38  }
0x2e6: {  	v60 =	vperm.xlane v24, v8;
	[tilespmem:s14+$0x1B90] =	vst v40  }
0x2e7: {  	v61 =	vperm.xlane v35, v8;
	v42 =	vld.idx.msk [tilespmem:v42+s8+$0x0], $0xffff;
	v41 =	vshll.u32 v59, $0x7;
	[tilespmem:s14+$0x2390] =	vst v43  }
0x2e8: {  	v62 =	vperm.xlane v34, v8;
	v40 =	vshll.u32 v60, $0x7;
	v41 =	vor.u32 v5, v41;
	v44 =	vld.idx.msk [tilespmem:v44+s8+$0x0], $0xffff;
	[tilespmem:s14+$0x2B90] =	vst v39  }
0x2e9: {  	v40 =	vor.u32 v5, v40;
	v43 =	vshll.u32 v61, $0x7;
	v36 =	vld.idx.msk [tilespmem:v58+s8+$0x0], $0xffff;
	[tilespmem:s14+$0x3390] =	vst v37  }
0x2ea: {  	v63 =	vor.u32 v5, v43;
	v39 =	vshll.u32 v62, $0x7;
	v38 =	vld.idx.msk [tilespmem:v38+s8+$0x0], $0xffff  }
0x2eb: {  	v47 =	vperm.xlane v23, v9;
	v39 =	vor.u32 v5, v39  }
0x2ec: {  	v48 =	vperm.xlane v27, v9;
	[tilespmem:s14+$0x1BA0] =	vst v42  }
0x2ed: {  	v49 =	vperm.xlane v30, v9;
	v41 =	vld.idx.msk [tilespmem:v41+s8+$0x0], $0xffff;
	v43 =	vshll.u32 v47, $0x7;
	[tilespmem:s14+$0x23A0] =	vst v44  }
0x2ee: {  	v50 =	vperm.xlane v31, v9;
	v42 =	vshll.u32 v48, $0x7;
	v43 =	vor.u32 v1, v43;
	v40 =	vld.idx.msk [tilespmem:v40+s8+$0x0], $0xffff;
	[tilespmem:s14+$0x2BA0] =	vst v36  }
0x2ef: {  	v42 =	vor.u32 v1, v42;
	v44 =	vshll.u32 v49, $0x7;
	v37 =	vld.idx.msk [tilespmem:v63+s8+$0x0], $0xffff;
	[tilespmem:s14+$0x33A0] =	vst v38  }
0x2f0: {  	v51 =	vor.u32 v1, v44;
	v36 =	vshll.u32 v50, $0x7;
	v39 =	vld.idx.msk [tilespmem:v39+s8+$0x0], $0xffff  }
0x2f1: {  	v52 =	vperm.xlane v22, v9;
	v36 =	vor.u32 v1, v36  }
0x2f2: {  	v53 =	vperm.xlane v26, v9;
	[tilespmem:s14+$0x1BB0] =	vst v41  }
0x2f3: {  	v54 =	vperm.xlane v29, v9;
	v43 =	vld.idx.msk [tilespmem:v43+s8+$0x0], $0xffff;
	v44 =	vshll.u32 v52, $0x7;
	[tilespmem:s14+$0x23B0] =	vst v40  }
0x2f4: {  	v55 =	vperm.xlane v32, v9;
	v41 =	vshll.u32 v53, $0x7;
	v44 =	vor.u32 v3, v44;
	v42 =	vld.idx.msk [tilespmem:v42+s8+$0x0], $0xffff;
	[tilespmem:s14+$0x2BB0] =	vst v37  }
0x2f5: {  	v41 =	vor.u32 v3, v41;
	v40 =	vshll.u32 v54, $0x7;
	v38 =	vld.idx.msk [tilespmem:v51+s8+$0x0], $0xffff;
	[tilespmem:s14+$0x33B0] =	vst v39  }
0x2f6: {  	v56 =	vor.u32 v3, v40;
	v37 =	vshll.u32 v55, $0x7;
	v36 =	vld.idx.msk [tilespmem:v36+s8+$0x0], $0xffff  }
0x2f7: {  	v57 =	vperm.xlane v21, v9;
	v37 =	vor.u32 v3, v37  }
0x2f8: {  	v58 =	vperm.xlane v25, v9;
	[tilespmem:s14+$0x1C00] =	vst v43  }
0x2f9: {  	v59 =	vperm.xlane v28, v9;
	v44 =	vld.idx.msk [tilespmem:v44+s8+$0x0], $0xffff;
	v40 =	vshll.u32 v57, $0x7;
	[tilespmem:s14+$0x2400] =	vst v42  }
0x2fa: {  	v60 =	vperm.xlane v33, v9;
	v43 =	vshll.u32 v58, $0x7;
	v40 =	vor.u32 v4, v40;
	v41 =	vld.idx.msk [tilespmem:v41+s8+$0x0], $0xffff;
	[tilespmem:s14+$0x2C00] =	vst v38  }
0x2fb: {  	v43 =	vor.u32 v4, v43;
	v42 =	vshll.u32 v59, $0x7;
	v39 =	vld.idx.msk [tilespmem:v56+s8+$0x0], $0xffff;
	[tilespmem:s14+$0x3400] =	vst v36  }
0x2fc: {  	v61 =	vor.u32 v4, v42;
	v38 =	vshll.u32 v60, $0x7;
	v37 =	vld.idx.msk [tilespmem:v37+s8+$0x0], $0xffff  }
0x2fd: {  	v62 =	vperm.xlane v20, v9;
	v38 =	vor.u32 v4, v38  }
0x2fe: {  	v63 =	vperm.xlane v24, v9;
	[tilespmem:s14+$0x1C10] =	vst v44  }
0x2ff: {  	v48 =	vperm.xlane v35, v9;
	v40 =	vld.idx.msk [tilespmem:v40+s8+$0x0], $0xffff;
	v42 =	vshll.u32 v62, $0x7;
	[tilespmem:s14+$0x2410] =	vst v41  }
0x300: {  	v49 =	vperm.xlane v34, v9;
	v44 =	vshll.u32 v63, $0x7;
	v42 =	vor.u32 v5, v42;
	v43 =	vld.idx.msk [tilespmem:v43+s8+$0x0], $0xffff;
	[tilespmem:s14+$0x2C10] =	vst v39  }
0x301: {  	v44 =	vor.u32 v5, v44;
	v41 =	vshll.u32 v48, $0x7;
	v36 =	vld.idx.msk [tilespmem:v61+s8+$0x0], $0xffff;
	[tilespmem:s14+$0x3410] =	vst v37  }
0x302: {  	v50 =	vor.u32 v5, v41;
	v39 =	vshll.u32 v49, $0x7;
	v38 =	vld.idx.msk [tilespmem:v38+s8+$0x0], $0xffff  }
0x303: {  	v51 =	vperm.xlane v23, v10;
	v39 =	vor.u32 v5, v39  }
0x304: {  	v52 =	vperm.xlane v27, v10;
	[tilespmem:s14+$0x1C20] =	vst v40  }
0x305: {  	v53 =	vperm.xlane v30, v10;
	v42 =	vld.idx.msk [tilespmem:v42+s8+$0x0], $0xffff;
	v41 =	vshll.u32 v51, $0x7;
	[tilespmem:s14+$0x2420] =	vst v43  }
0x306: {  	v54 =	vperm.xlane v31, v10;
	v40 =	vshll.u32 v52, $0x7;
	v41 =	vor.u32 v1, v41;
	v44 =	vld.idx.msk [tilespmem:v44+s8+$0x0], $0xffff;
	[tilespmem:s14+$0x2C20] =	vst v36  }
0x307: {  	v40 =	vor.u32 v1, v40;
	v43 =	vshll.u32 v53, $0x7;
	v37 =	vld.idx.msk [tilespmem:v50+s8+$0x0], $0xffff;
	[tilespmem:s14+$0x3420] =	vst v38  }
0x308: {  	v55 =	vor.u32 v1, v43;
	v36 =	vshll.u32 v54, $0x7;
	v39 =	vld.idx.msk [tilespmem:v39+s8+$0x0], $0xffff  }
0x309: {  	v56 =	vperm.xlane v22, v10;
	v36 =	vor.u32 v1, v36  }
0x30a: {  	v57 =	vperm.xlane v26, v10;
	[tilespmem:s14+$0x1C30] =	vst v42  }
0x30b: {  	v58 =	vperm.xlane v29, v10;
	v41 =	vld.idx.msk [tilespmem:v41+s8+$0x0], $0xffff;
	v43 =	vshll.u32 v56, $0x7;
	[tilespmem:s14+$0x2430] =	vst v44  }
0x30c: {  	v59 =	vperm.xlane v32, v10;
	v42 =	vshll.u32 v57, $0x7;
	v43 =	vor.u32 v3, v43;
	v40 =	vld.idx.msk [tilespmem:v40+s8+$0x0], $0xffff;
	[tilespmem:s14+$0x2C30] =	vst v37  }
0x30d: {  	v42 =	vor.u32 v3, v42;
	v44 =	vshll.u32 v58, $0x7;
	v38 =	vld.idx.msk [tilespmem:v55+s8+$0x0], $0xffff;
	[tilespmem:s14+$0x3430] =	vst v39  }
0x30e: {  	v60 =	vor.u32 v3, v44;
	v37 =	vshll.u32 v59, $0x7;
	v36 =	vld.idx.msk [tilespmem:v36+s8+$0x0], $0xffff  }
0x30f: {  	v61 =	vperm.xlane v21, v10;
	v37 =	vor.u32 v3, v37  }
0x310: {  	v62 =	vperm.xlane v25, v10;
	[tilespmem:s14+$0x1C80] =	vst v41  }
0x311: {  	v63 =	vperm.xlane v28, v10;
	v43 =	vld.idx.msk [tilespmem:v43+s8+$0x0], $0xffff;
	v44 =	vshll.u32 v61, $0x7;
	[tilespmem:s14+$0x2480] =	vst v40  }
0x312: {  	v47 =	vperm.xlane v33, v10;
	v41 =	vshll.u32 v62, $0x7;
	v44 =	vor.u32 v4, v44;
	v42 =	vld.idx.msk [tilespmem:v42+s8+$0x0], $0xffff;
	[tilespmem:s14+$0x2C80] =	vst v38  }
0x313: {  	v41 =	vor.u32 v4, v41;
	v40 =	vshll.u32 v63, $0x7;
	v39 =	vld.idx.msk [tilespmem:v60+s8+$0x0], $0xffff;
	[tilespmem:s14+$0x3480] =	vst v36  }
0x314: {  	v48 =	vor.u32 v4, v40;
	v38 =	vshll.u32 v47, $0x7;
	v37 =	vld.idx.msk [tilespmem:v37+s8+$0x0], $0xffff  }
0x315: {  	v49 =	vperm.xlane v20, v10;
	v38 =	vor.u32 v4, v38  }
0x316: {  	v50 =	vperm.xlane v24, v10;
	[tilespmem:s14+$0x1C90] =	vst v43  }
0x317: {  	v51 =	vperm.xlane v35, v10;
	v44 =	vld.idx.msk [tilespmem:v44+s8+$0x0], $0xffff;
	v40 =	vshll.u32 v49, $0x7;
	[tilespmem:s14+$0x2490] =	vst v42  }
0x318: {  	v52 =	vperm.xlane v34, v10;
	v43 =	vshll.u32 v50, $0x7;
	v40 =	vor.u32 v5, v40;
	v41 =	vld.idx.msk [tilespmem:v41+s8+$0x0], $0xffff;
	[tilespmem:s14+$0x2C90] =	vst v39  }
0x319: {  	v43 =	vor.u32 v5, v43;
	v42 =	vshll.u32 v51, $0x7;
	v36 =	vld.idx.msk [tilespmem:v48+s8+$0x0], $0xffff;
	[tilespmem:s14+$0x3490] =	vst v37  }
0x31a: {  	v53 =	vor.u32 v5, v42;
	v39 =	vshll.u32 v52, $0x7;
	v38 =	vld.idx.msk [tilespmem:v38+s8+$0x0], $0xffff  }
0x31b: {  	v54 =	vperm.xlane v23, v11;
	v39 =	vor.u32 v5, v39  }
0x31c: {  	v55 =	vperm.xlane v27, v11;
	[tilespmem:s14+$0x1CA0] =	vst v44  }
0x31d: {  	v56 =	vperm.xlane v30, v11;
	v40 =	vld.idx.msk [tilespmem:v40+s8+$0x0], $0xffff;
	v42 =	vshll.u32 v54, $0x7;
	[tilespmem:s14+$0x24A0] =	vst v41  }
0x31e: {  	v57 =	vperm.xlane v31, v11;
	v44 =	vshll.u32 v55, $0x7;
	v42 =	vor.u32 v1, v42;
	v43 =	vld.idx.msk [tilespmem:v43+s8+$0x0], $0xffff;
	[tilespmem:s14+$0x2CA0] =	vst v36  }
0x31f: {  	v44 =	vor.u32 v1, v44;
	v41 =	vshll.u32 v56, $0x7;
	v37 =	vld.idx.msk [tilespmem:v53+s8+$0x0], $0xffff;
	[tilespmem:s14+$0x34A0] =	vst v38  }
0x320: {  	v58 =	vor.u32 v1, v41;
	v36 =	vshll.u32 v57, $0x7;
	v39 =	vld.idx.msk [tilespmem:v39+s8+$0x0], $0xffff  }
0x321: {  	v59 =	vperm.xlane v22, v11;
	v36 =	vor.u32 v1, v36  }
0x322: {  	v60 =	vperm.xlane v26, v11;
	[tilespmem:s14+$0x1CB0] =	vst v40  }
0x323: {  	v61 =	vperm.xlane v29, v11;
	v42 =	vld.idx.msk [tilespmem:v42+s8+$0x0], $0xffff;
	v41 =	vshll.u32 v59, $0x7;
	[tilespmem:s14+$0x24B0] =	vst v43  }
0x324: {  	v62 =	vperm.xlane v32, v11;
	v40 =	vshll.u32 v60, $0x7;
	v41 =	vor.u32 v3, v41;
	v44 =	vld.idx.msk [tilespmem:v44+s8+$0x0], $0xffff;
	[tilespmem:s14+$0x2CB0] =	vst v37  }
0x325: {  	v40 =	vor.u32 v3, v40;
	v43 =	vshll.u32 v61, $0x7;
	v38 =	vld.idx.msk [tilespmem:v58+s8+$0x0], $0xffff;
	[tilespmem:s14+$0x34B0] =	vst v39  }
0x326: {  	v63 =	vor.u32 v3, v43;
	v37 =	vshll.u32 v62, $0x7;
	v36 =	vld.idx.msk [tilespmem:v36+s8+$0x0], $0xffff  }
0x327: {  	v47 =	vperm.xlane v21, v11;
	v37 =	vor.u32 v3, v37  }
0x328: {  	v48 =	vperm.xlane v25, v11;
	[tilespmem:s14+$0x1D00] =	vst v42  }
0x329: {  	v49 =	vperm.xlane v28, v11;
	v41 =	vld.idx.msk [tilespmem:v41+s8+$0x0], $0xffff;
	v43 =	vshll.u32 v47, $0x7;
	[tilespmem:s14+$0x2500] =	vst v44  }
0x32a: {  	v50 =	vperm.xlane v33, v11;
	v42 =	vshll.u32 v48, $0x7;
	v43 =	vor.u32 v4, v43;
	v40 =	vld.idx.msk [tilespmem:v40+s8+$0x0], $0xffff;
	[tilespmem:s14+$0x2D00] =	vst v38  }
0x32b: {  	v42 =	vor.u32 v4, v42;
	v44 =	vshll.u32 v49, $0x7;
	v39 =	vld.idx.msk [tilespmem:v63+s8+$0x0], $0xffff;
	[tilespmem:s14+$0x3500] =	vst v36  }
0x32c: {  	v51 =	vor.u32 v4, v44;
	v38 =	vshll.u32 v50, $0x7;
	v37 =	vld.idx.msk [tilespmem:v37+s8+$0x0], $0xffff  }
0x32d: {  	v52 =	vperm.xlane v20, v11;
	v38 =	vor.u32 v4, v38  }
0x32e: {  	v53 =	vperm.xlane v24, v11;
	[tilespmem:s14+$0x1D10] =	vst v41  }
0x32f: {  	v54 =	vperm.xlane v35, v11;
	v43 =	vld.idx.msk [tilespmem:v43+s8+$0x0], $0xffff;
	v44 =	vshll.u32 v52, $0x7;
	[tilespmem:s14+$0x2510] =	vst v40  }
0x330: {  	v55 =	vperm.xlane v34, v11;
	v41 =	vshll.u32 v53, $0x7;
	v44 =	vor.u32 v5, v44;
	v42 =	vld.idx.msk [tilespmem:v42+s8+$0x0], $0xffff;
	[tilespmem:s14+$0x2D10] =	vst v39  }
0x331: {  	v41 =	vor.u32 v5, v41;
	v40 =	vshll.u32 v54, $0x7;
	v36 =	vld.idx.msk [tilespmem:v51+s8+$0x0], $0xffff;
	[tilespmem:s14+$0x3510] =	vst v37  }
0x332: {  	v56 =	vor.u32 v5, v40;
	v39 =	vshll.u32 v55, $0x7;
	v38 =	vld.idx.msk [tilespmem:v38+s8+$0x0], $0xffff  }
0x333: {  	v57 =	vperm.xlane v23, v2;
	v39 =	vor.u32 v5, v39  }
0x334: {  	v58 =	vperm.xlane v27, v2;
	[tilespmem:s14+$0x1D20] =	vst v43  }
0x335: {  	v59 =	vperm.xlane v30, v2;
	v44 =	vld.idx.msk [tilespmem:v44+s8+$0x0], $0xffff;
	v40 =	vshll.u32 v57, $0x7;
	[tilespmem:s14+$0x2520] =	vst v42  }
0x336: {  	v60 =	vperm.xlane v31, v2;
	v43 =	vshll.u32 v58, $0x7;
	v40 =	vor.u32 v1, v40;
	v41 =	vld.idx.msk [tilespmem:v41+s8+$0x0], $0xffff;
	[tilespmem:s14+$0x2D20] =	vst v36  }
0x337: {  	v43 =	vor.u32 v1, v43;
	v42 =	vshll.u32 v59, $0x7;
	v37 =	vld.idx.msk [tilespmem:v56+s8+$0x0], $0xffff;
	[tilespmem:s14+$0x3520] =	vst v38  }
0x338: {  	v61 =	vor.u32 v1, v42;
	v36 =	vshll.u32 v60, $0x7;
	v39 =	vld.idx.msk [tilespmem:v39+s8+$0x0], $0xffff  }
0x339: {  	v62 =	vperm.xlane v22, v2;
	v36 =	vor.u32 v1, v36  }
0x33a: {  	v63 =	vperm.xlane v26, v2;
	[tilespmem:s14+$0x1D30] =	vst v44  }
0x33b: {  	v48 =	vperm.xlane v29, v2;
	v40 =	vld.idx.msk [tilespmem:v40+s8+$0x0], $0xffff;
	v42 =	vshll.u32 v62, $0x7;
	[tilespmem:s14+$0x2530] =	vst v41  }
0x33c: {  	v49 =	vperm.xlane v32, v2;
	v44 =	vshll.u32 v63, $0x7;
	v42 =	vor.u32 v3, v42;
	v43 =	vld.idx.msk [tilespmem:v43+s8+$0x0], $0xffff;
	[tilespmem:s14+$0x2D30] =	vst v37  }
0x33d: {  	v44 =	vor.u32 v3, v44;
	v41 =	vshll.u32 v48, $0x7;
	v38 =	vld.idx.msk [tilespmem:v61+s8+$0x0], $0xffff;
	[tilespmem:s14+$0x3530] =	vst v39  }
0x33e: {  	v50 =	vor.u32 v3, v41;
	v37 =	vshll.u32 v49, $0x7;
	v36 =	vld.idx.msk [tilespmem:v36+s8+$0x0], $0xffff  }
0x33f: {  	v51 =	vperm.xlane v21, v2;
	v37 =	vor.u32 v3, v37  }
0x340: {  	v52 =	vperm.xlane v25, v2;
	[tilespmem:s14+$0x1D80] =	vst v40  }
0x341: {  	v53 =	vperm.xlane v28, v2;
	v42 =	vld.idx.msk [tilespmem:v42+s8+$0x0], $0xffff;
	v41 =	vshll.u32 v51, $0x7;
	[tilespmem:s14+$0x2580] =	vst v43  }
0x342: {  	v54 =	vperm.xlane v33, v2;
	v40 =	vshll.u32 v52, $0x7;
	v41 =	vor.u32 v4, v41;
	v44 =	vld.idx.msk [tilespmem:v44+s8+$0x0], $0xffff;
	[tilespmem:s14+$0x2D80] =	vst v38  }
0x343: {  	v40 =	vor.u32 v4, v40;
	v43 =	vshll.u32 v53, $0x7;
	v39 =	vld.idx.msk [tilespmem:v50+s8+$0x0], $0xffff;
	[tilespmem:s14+$0x3580] =	vst v36  }
0x344: {  	v55 =	vor.u32 v4, v43;
	v38 =	vshll.u32 v54, $0x7;
	v37 =	vld.idx.msk [tilespmem:v37+s8+$0x0], $0xffff  }
0x345: {  	v56 =	vperm.xlane v20, v2;
	v38 =	vor.u32 v4, v38  }
0x346: {  	v57 =	vperm.xlane v24, v2;
	[tilespmem:s14+$0x1D90] =	vst v42  }
0x347: {  	v58 =	vperm.xlane v35, v2;
	v41 =	vld.idx.msk [tilespmem:v41+s8+$0x0], $0xffff;
	v43 =	vshll.u32 v56, $0x7;
	[tilespmem:s14+$0x2590] =	vst v44  }
0x348: {  	v59 =	vperm.xlane v34, v2;
	v42 =	vshll.u32 v57, $0x7;
	v43 =	vor.u32 v5, v43;
	v40 =	vld.idx.msk [tilespmem:v40+s8+$0x0], $0xffff;
	[tilespmem:s14+$0x2D90] =	vst v39  }
0x349: {  	v42 =	vor.u32 v5, v42;
	v44 =	vshll.u32 v58, $0x7;
	v36 =	vld.idx.msk [tilespmem:v55+s8+$0x0], $0xffff;
	[tilespmem:s14+$0x3590] =	vst v37  }
0x34a: {  	v60 =	vor.u32 v5, v44;
	v39 =	vshll.u32 v59, $0x7;
	v38 =	vld.idx.msk [tilespmem:v38+s8+$0x0], $0xffff  }
0x34b: {  	v61 =	vperm.xlane v23, v12;
	v39 =	vor.u32 v5, v39  }
0x34c: {  	v62 =	vperm.xlane v27, v12;
	[tilespmem:s14+$0x1DA0] =	vst v41  }
0x34d: {  	v63 =	vperm.xlane v30, v12;
	v43 =	vld.idx.msk [tilespmem:v43+s8+$0x0], $0xffff;
	v44 =	vshll.u32 v61, $0x7;
	[tilespmem:s14+$0x25A0] =	vst v40  }
0x34e: {  	v47 =	vperm.xlane v31, v12;
	v41 =	vshll.u32 v62, $0x7;
	v44 =	vor.u32 v1, v44;
	v42 =	vld.idx.msk [tilespmem:v42+s8+$0x0], $0xffff;
	[tilespmem:s14+$0x2DA0] =	vst v36  }
0x34f: {  	v41 =	vor.u32 v1, v41;
	v40 =	vshll.u32 v63, $0x7;
	v37 =	vld.idx.msk [tilespmem:v60+s8+$0x0], $0xffff;
	[tilespmem:s14+$0x35A0] =	vst v38  }
0x350: {  	v48 =	vor.u32 v1, v40;
	v36 =	vshll.u32 v47, $0x7;
	v39 =	vld.idx.msk [tilespmem:v39+s8+$0x0], $0xffff  }
0x351: {  	v49 =	vperm.xlane v22, v12;
	v36 =	vor.u32 v1, v36  }
0x352: {  	v50 =	vperm.xlane v26, v12;
	[tilespmem:s14+$0x1DB0] =	vst v43  }
0x353: {  	v51 =	vperm.xlane v29, v12;
	v44 =	vld.idx.msk [tilespmem:v44+s8+$0x0], $0xffff;
	v40 =	vshll.u32 v49, $0x7;
	[tilespmem:s14+$0x25B0] =	vst v42  }
0x354: {  	v52 =	vperm.xlane v32, v12;
	v43 =	vshll.u32 v50, $0x7;
	v40 =	vor.u32 v3, v40;
	v41 =	vld.idx.msk [tilespmem:v41+s8+$0x0], $0xffff;
	[tilespmem:s14+$0x2DB0] =	vst v37  }
0x355: {  	v43 =	vor.u32 v3, v43;
	v42 =	vshll.u32 v51, $0x7;
	v38 =	vld.idx.msk [tilespmem:v48+s8+$0x0], $0xffff;
	[tilespmem:s14+$0x35B0] =	vst v39  }
0x356: {  	v53 =	vor.u32 v3, v42;
	v37 =	vshll.u32 v52, $0x7;
	v36 =	vld.idx.msk [tilespmem:v36+s8+$0x0], $0xffff  }
0x357: {  	v54 =	vperm.xlane v21, v12;
	v37 =	vor.u32 v3, v37  }
0x358: {  	v55 =	vperm.xlane v25, v12;
	[tilespmem:s14+$0x1E00] =	vst v44  }
0x359: {  	v56 =	vperm.xlane v28, v12;
	v40 =	vld.idx.msk [tilespmem:v40+s8+$0x0], $0xffff;
	v42 =	vshll.u32 v54, $0x7;
	[tilespmem:s14+$0x2600] =	vst v41  }
0x35a: {  	v57 =	vperm.xlane v33, v12;
	v44 =	vshll.u32 v55, $0x7;
	v42 =	vor.u32 v4, v42;
	v43 =	vld.idx.msk [tilespmem:v43+s8+$0x0], $0xffff;
	[tilespmem:s14+$0x2E00] =	vst v38  }
0x35b: {  	v44 =	vor.u32 v4, v44;
	v41 =	vshll.u32 v56, $0x7;
	v39 =	vld.idx.msk [tilespmem:v53+s8+$0x0], $0xffff;
	[tilespmem:s14+$0x3600] =	vst v36  }
0x35c: {  	v58 =	vor.u32 v4, v41;
	v38 =	vshll.u32 v57, $0x7;
	v37 =	vld.idx.msk [tilespmem:v37+s8+$0x0], $0xffff  }
0x35d: {  	v59 =	vperm.xlane v20, v12;
	v38 =	vor.u32 v4, v38  }
0x35e: {  	v60 =	vperm.xlane v24, v12;
	[tilespmem:s14+$0x1E10] =	vst v40  }
0x35f: {  	v61 =	vperm.xlane v35, v12;
	v42 =	vld.idx.msk [tilespmem:v42+s8+$0x0], $0xffff;
	v41 =	vshll.u32 v59, $0x7;
	[tilespmem:s14+$0x2610] =	vst v43  }
0x360: {  	v62 =	vperm.xlane v34, v12;
	v40 =	vshll.u32 v60, $0x7;
	v41 =	vor.u32 v5, v41;
	v44 =	vld.idx.msk [tilespmem:v44+s8+$0x0], $0xffff;
	[tilespmem:s14+$0x2E10] =	vst v39  }
0x361: {  	v40 =	vor.u32 v5, v40;
	v43 =	vshll.u32 v61, $0x7;
	v36 =	vld.idx.msk [tilespmem:v58+s8+$0x0], $0xffff;
	[tilespmem:s14+$0x3610] =	vst v37  }
0x362: {  	v63 =	vor.u32 v5, v43;
	v39 =	vshll.u32 v62, $0x7;
	v38 =	vld.idx.msk [tilespmem:v38+s8+$0x0], $0xffff  }
0x363: {  	v47 =	vperm.xlane v23, v13;
	v39 =	vor.u32 v5, v39  }
0x364: {  	v48 =	vperm.xlane v27, v13;
	[tilespmem:s14+$0x1E20] =	vst v42  }
0x365: {  	v49 =	vperm.xlane v30, v13;
	v41 =	vld.idx.msk [tilespmem:v41+s8+$0x0], $0xffff;
	v43 =	vshll.u32 v47, $0x7;
	[tilespmem:s14+$0x2620] =	vst v44  }
0x366: {  	v50 =	vperm.xlane v31, v13;
	v42 =	vshll.u32 v48, $0x7;
	v43 =	vor.u32 v1, v43;
	v40 =	vld.idx.msk [tilespmem:v40+s8+$0x0], $0xffff;
	[tilespmem:s14+$0x2E20] =	vst v36  }
0x367: {  	v42 =	vor.u32 v1, v42;
	v44 =	vshll.u32 v49, $0x7;
	v37 =	vld.idx.msk [tilespmem:v63+s8+$0x0], $0xffff;
	[tilespmem:s14+$0x3620] =	vst v38  }
0x368: {  	v51 =	vor.u32 v1, v44;
	v36 =	vshll.u32 v50, $0x7;
	v39 =	vld.idx.msk [tilespmem:v39+s8+$0x0], $0xffff  }
0x369: {  	v52 =	vperm.xlane v22, v13;
	v36 =	vor.u32 v1, v36  }
0x36a: {  	v53 =	vperm.xlane v26, v13;
	[tilespmem:s14+$0x1E30] =	vst v41  }
0x36b: {  	v54 =	vperm.xlane v29, v13;
	v43 =	vld.idx.msk [tilespmem:v43+s8+$0x0], $0xffff;
	v44 =	vshll.u32 v52, $0x7;
	[tilespmem:s14+$0x2630] =	vst v40  }
0x36c: {  	v55 =	vperm.xlane v32, v13;
	v41 =	vshll.u32 v53, $0x7;
	v44 =	vor.u32 v3, v44;
	v42 =	vld.idx.msk [tilespmem:v42+s8+$0x0], $0xffff;
	[tilespmem:s14+$0x2E30] =	vst v37  }
0x36d: {  	v41 =	vor.u32 v3, v41;
	v40 =	vshll.u32 v54, $0x7;
	v38 =	vld.idx.msk [tilespmem:v51+s8+$0x0], $0xffff;
	[tilespmem:s14+$0x3630] =	vst v39  }
0x36e: {  	v56 =	vor.u32 v3, v40;
	v37 =	vshll.u32 v55, $0x7;
	v36 =	vld.idx.msk [tilespmem:v36+s8+$0x0], $0xffff  }
0x36f: {  	v57 =	vperm.xlane v21, v13;
	v37 =	vor.u32 v3, v37  }
0x370: {  	v58 =	vperm.xlane v25, v13;
	[tilespmem:s14+$0x1E80] =	vst v43  }
0x371: {  	v59 =	vperm.xlane v28, v13;
	v44 =	vld.idx.msk [tilespmem:v44+s8+$0x0], $0xffff;
	v40 =	vshll.u32 v57, $0x7;
	[tilespmem:s14+$0x2680] =	vst v42  }
0x372: {  	v60 =	vperm.xlane v33, v13;
	v43 =	vshll.u32 v58, $0x7;
	v40 =	vor.u32 v4, v40;
	v41 =	vld.idx.msk [tilespmem:v41+s8+$0x0], $0xffff;
	[tilespmem:s14+$0x2E80] =	vst v38  }
0x373: {  	v43 =	vor.u32 v4, v43;
	v42 =	vshll.u32 v59, $0x7;
	v39 =	vld.idx.msk [tilespmem:v56+s8+$0x0], $0xffff;
	[tilespmem:s14+$0x3680] =	vst v36  }
0x374: {  	v61 =	vor.u32 v4, v42;
	v38 =	vshll.u32 v60, $0x7;
	v37 =	vld.idx.msk [tilespmem:v37+s8+$0x0], $0xffff  }
0x375: {  	v62 =	vperm.xlane v20, v13;
	v38 =	vor.u32 v4, v38  }
0x376: {  	v63 =	vperm.xlane v24, v13;
	[tilespmem:s14+$0x1E90] =	vst v44  }
0x377: {  	v48 =	vperm.xlane v35, v13;
	v40 =	vld.idx.msk [tilespmem:v40+s8+$0x0], $0xffff;
	v42 =	vshll.u32 v62, $0x7;
	[tilespmem:s14+$0x2690] =	vst v41  }
0x378: {  	v49 =	vperm.xlane v34, v13;
	v44 =	vshll.u32 v63, $0x7;
	v42 =	vor.u32 v5, v42;
	v43 =	vld.idx.msk [tilespmem:v43+s8+$0x0], $0xffff;
	[tilespmem:s14+$0x2E90] =	vst v39  }
0x379: {  	v44 =	vor.u32 v5, v44;
	v41 =	vshll.u32 v48, $0x7;
	v36 =	vld.idx.msk [tilespmem:v61+s8+$0x0], $0xffff;
	[tilespmem:s14+$0x3690] =	vst v37  }
0x37a: {  	v50 =	vor.u32 v5, v41;
	v39 =	vshll.u32 v49, $0x7;
	v38 =	vld.idx.msk [tilespmem:v38+s8+$0x0], $0xffff  }
0x37b: {  	v51 =	vperm.xlane v23, v14;
	v39 =	vor.u32 v5, v39  }
0x37c: {  	v52 =	vperm.xlane v27, v14;
	[tilespmem:s14+$0x1EA0] =	vst v40  }
0x37d: {  	v53 =	vperm.xlane v30, v14;
	v42 =	vld.idx.msk [tilespmem:v42+s8+$0x0], $0xffff;
	v41 =	vshll.u32 v51, $0x7;
	[tilespmem:s14+$0x26A0] =	vst v43  }
0x37e: {  	v54 =	vperm.xlane v31, v14;
	v40 =	vshll.u32 v52, $0x7;
	v41 =	vor.u32 v1, v41;
	v44 =	vld.idx.msk [tilespmem:v44+s8+$0x0], $0xffff;
	[tilespmem:s14+$0x2EA0] =	vst v36  }
0x37f: {  	v40 =	vor.u32 v1, v40;
	v43 =	vshll.u32 v53, $0x7;
	v37 =	vld.idx.msk [tilespmem:v50+s8+$0x0], $0xffff;
	[tilespmem:s14+$0x36A0] =	vst v38  }
0x380: {  	v55 =	vor.u32 v1, v43;
	v36 =	vshll.u32 v54, $0x7;
	v39 =	vld.idx.msk [tilespmem:v39+s8+$0x0], $0xffff  }
0x381: {  	v56 =	vperm.xlane v22, v14;
	v36 =	vor.u32 v1, v36  }
0x382: {  	v57 =	vperm.xlane v26, v14;
	[tilespmem:s14+$0x1EB0] =	vst v42  }
0x383: {  	v58 =	vperm.xlane v29, v14;
	v41 =	vld.idx.msk [tilespmem:v41+s8+$0x0], $0xffff;
	v43 =	vshll.u32 v56, $0x7;
	[tilespmem:s14+$0x26B0] =	vst v44  }
0x384: {  	v59 =	vperm.xlane v32, v14;
	v42 =	vshll.u32 v57, $0x7;
	v43 =	vor.u32 v3, v43;
	v40 =	vld.idx.msk [tilespmem:v40+s8+$0x0], $0xffff;
	[tilespmem:s14+$0x2EB0] =	vst v37  }
0x385: {  	v42 =	vor.u32 v3, v42;
	v44 =	vshll.u32 v58, $0x7;
	v38 =	vld.idx.msk [tilespmem:v55+s8+$0x0], $0xffff;
	[tilespmem:s14+$0x36B0] =	vst v39  }
0x386: {  	v60 =	vor.u32 v3, v44;
	v37 =	vshll.u32 v59, $0x7;
	v36 =	vld.idx.msk [tilespmem:v36+s8+$0x0], $0xffff  }
0x387: {  	v61 =	vperm.xlane v21, v14;
	v37 =	vor.u32 v3, v37  }
0x388: {  	v62 =	vperm.xlane v25, v14;
	[tilespmem:s14+$0x1F00] =	vst v41  }
0x389: {  	v63 =	vperm.xlane v28, v14;
	v43 =	vld.idx.msk [tilespmem:v43+s8+$0x0], $0xffff;
	v44 =	vshll.u32 v61, $0x7;
	[tilespmem:s14+$0x2700] =	vst v40  }
0x38a: {  	v47 =	vperm.xlane v33, v14;
	v41 =	vshll.u32 v62, $0x7;
	v44 =	vor.u32 v4, v44;
	v42 =	vld.idx.msk [tilespmem:v42+s8+$0x0], $0xffff;
	[tilespmem:s14+$0x2F00] =	vst v38  }
0x38b: {  	v41 =	vor.u32 v4, v41;
	v40 =	vshll.u32 v63, $0x7;
	v39 =	vld.idx.msk [tilespmem:v60+s8+$0x0], $0xffff;
	[tilespmem:s14+$0x3700] =	vst v36  }
0x38c: {  	v48 =	vor.u32 v4, v40;
	v38 =	vshll.u32 v47, $0x7;
	v37 =	vld.idx.msk [tilespmem:v37+s8+$0x0], $0xffff  }
0x38d: {  	v49 =	vperm.xlane v20, v14;
	v38 =	vor.u32 v4, v38  }
0x38e: {  	v50 =	vperm.xlane v24, v14;
	[tilespmem:s14+$0x1F10] =	vst v43  }
0x38f: {  	v51 =	vperm.xlane v35, v14;
	v44 =	vld.idx.msk [tilespmem:v44+s8+$0x0], $0xffff;
	v40 =	vshll.u32 v49, $0x7;
	[tilespmem:s14+$0x2710] =	vst v42  }
0x390: {  	v52 =	vperm.xlane v34, v14;
	v43 =	vshll.u32 v50, $0x7;
	v40 =	vor.u32 v5, v40;
	v41 =	vld.idx.msk [tilespmem:v41+s8+$0x0], $0xffff;
	[tilespmem:s14+$0x2F10] =	vst v39  }
0x391: {  	v43 =	vor.u32 v5, v43;
	v42 =	vshll.u32 v51, $0x7;
	v36 =	vld.idx.msk [tilespmem:v48+s8+$0x0], $0xffff;
	[tilespmem:s14+$0x3710] =	vst v37  }
0x392: {  	v53 =	vor.u32 v5, v42;
	v39 =	vshll.u32 v52, $0x7;
	v38 =	vld.idx.msk [tilespmem:v38+s8+$0x0], $0xffff  }
0x393: {  	v54 =	vperm.xlane v23, v15;
	v39 =	vor.u32 v5, v39  }
0x394: {  	v55 =	vperm.xlane v27, v15;
	[tilespmem:s14+$0x1F20] =	vst v44  }
0x395: {  	v56 =	vperm.xlane v30, v15;
	v40 =	vld.idx.msk [tilespmem:v40+s8+$0x0], $0xffff;
	v42 =	vshll.u32 v54, $0x7;
	[tilespmem:s14+$0x2720] =	vst v41  }
0x396: {  	v57 =	vperm.xlane v31, v15;
	v44 =	vshll.u32 v55, $0x7;
	v42 =	vor.u32 v1, v42;
	v43 =	vld.idx.msk [tilespmem:v43+s8+$0x0], $0xffff;
	[tilespmem:s14+$0x2F20] =	vst v36  }
0x397: {  	v44 =	vor.u32 v1, v44;
	v41 =	vshll.u32 v56, $0x7;
	v37 =	vld.idx.msk [tilespmem:v53+s8+$0x0], $0xffff;
	[tilespmem:s14+$0x3720] =	vst v38  }
0x398: {  	v58 =	vor.u32 v1, v41;
	v36 =	vshll.u32 v57, $0x7;
	v39 =	vld.idx.msk [tilespmem:v39+s8+$0x0], $0xffff  }
0x399: {  	v59 =	vperm.xlane v22, v15;
	v36 =	vor.u32 v1, v36  }
0x39a: {  	v60 =	vperm.xlane v26, v15;
	[tilespmem:s14+$0x1F30] =	vst v40  }
0x39b: {  	v61 =	vperm.xlane v29, v15;
	v42 =	vld.idx.msk [tilespmem:v42+s8+$0x0], $0xffff;
	v41 =	vshll.u32 v59, $0x7;
	[tilespmem:s14+$0x2730] =	vst v43  }
0x39c: {  	v62 =	vperm.xlane v32, v15;
	v40 =	vshll.u32 v60, $0x7;
	v41 =	vor.u32 v3, v41;
	v44 =	vld.idx.msk [tilespmem:v44+s8+$0x0], $0xffff;
	[tilespmem:s14+$0x2F30] =	vst v37  }
0x39d: {  	v40 =	vor.u32 v3, v40;
	v43 =	vshll.u32 v61, $0x7;
	v38 =	vld.idx.msk [tilespmem:v58+s8+$0x0], $0xffff;
	[tilespmem:s14+$0x3730] =	vst v39  }
0x39e: {  	v63 =	vor.u32 v3, v43;
	v37 =	vshll.u32 v62, $0x7;
	v36 =	vld.idx.msk [tilespmem:v36+s8+$0x0], $0xffff  }
0x39f: {  	v47 =	vperm.xlane v21, v15;
	v37 =	vor.u32 v3, v37  }
0x3a0: {  	v48 =	vperm.xlane v25, v15;
	[tilespmem:s14+$0x1F80] =	vst v42  }
0x3a1: {  	v49 =	vperm.xlane v28, v15;
	v41 =	vld.idx.msk [tilespmem:v41+s8+$0x0], $0xffff;
	v43 =	vshll.u32 v47, $0x7;
	[tilespmem:s14+$0x2780] =	vst v44  }
0x3a2: {  	v50 =	vperm.xlane v33, v15;
	v42 =	vshll.u32 v48, $0x7;
	v43 =	vor.u32 v4, v43;
	v40 =	vld.idx.msk [tilespmem:v40+s8+$0x0], $0xffff;
	[tilespmem:s14+$0x2F80] =	vst v38  }
0x3a3: {  	v42 =	vor.u32 v4, v42;
	v44 =	vshll.u32 v49, $0x7;
	v39 =	vld.idx.msk [tilespmem:v63+s8+$0x0], $0xffff;
	[tilespmem:s14+$0x3780] =	vst v36  }
0x3a4: {  	v51 =	vor.u32 v4, v44;
	v38 =	vshll.u32 v50, $0x7;
	v37 =	vld.idx.msk [tilespmem:v37+s8+$0x0], $0xffff  }
0x3a5: {  	v52 =	vperm.xlane v20, v15;
	v38 =	vor.u32 v4, v38  }
0x3a6: {  	v53 =	vperm.xlane v24, v15;
	[tilespmem:s14+$0x1F90] =	vst v41  }
0x3a7: {  	v54 =	vperm.xlane v35, v15;
	v43 =	vld.idx.msk [tilespmem:v43+s8+$0x0], $0xffff;
	v44 =	vshll.u32 v52, $0x7;
	[tilespmem:s14+$0x2790] =	vst v40  }
0x3a8: {  	v55 =	vperm.xlane v34, v15;
	v41 =	vshll.u32 v53, $0x7;
	v44 =	vor.u32 v5, v44;
	v42 =	vld.idx.msk [tilespmem:v42+s8+$0x0], $0xffff;
	[tilespmem:s14+$0x2F90] =	vst v39  }
0x3a9: {  	v41 =	vor.u32 v5, v41;
	v40 =	vshll.u32 v54, $0x7;
	v36 =	vld.idx.msk [tilespmem:v51+s8+$0x0], $0xffff;
	[tilespmem:s14+$0x3790] =	vst v37  }
0x3aa: {  	v56 =	vor.u32 v5, v40;
	v39 =	vshll.u32 v55, $0x7;
	v38 =	vld.idx.msk [tilespmem:v38+s8+$0x0], $0xffff  }
0x3ab: {  	v57 =	vperm.xlane v23, v16;
	v39 =	vor.u32 v5, v39  }
0x3ac: {  	v58 =	vperm.xlane v27, v16;
	[tilespmem:s14+$0x1FA0] =	vst v43  }
0x3ad: {  	v59 =	vperm.xlane v30, v16;
	v44 =	vld.idx.msk [tilespmem:v44+s8+$0x0], $0xffff;
	v40 =	vshll.u32 v57, $0x7;
	[tilespmem:s14+$0x27A0] =	vst v42  }
0x3ae: {  	v60 =	vperm.xlane v31, v16;
	v43 =	vshll.u32 v58, $0x7;
	v40 =	vor.u32 v1, v40;
	v41 =	vld.idx.msk [tilespmem:v41+s8+$0x0], $0xffff;
	[tilespmem:s14+$0x2FA0] =	vst v36  }
0x3af: {  	v43 =	vor.u32 v1, v43;
	v42 =	vshll.u32 v59, $0x7;
	v37 =	vld.idx.msk [tilespmem:v56+s8+$0x0], $0xffff;
	[tilespmem:s14+$0x37A0] =	vst v38  }
0x3b0: {  	v61 =	vor.u32 v1, v42;
	v36 =	vshll.u32 v60, $0x7;
	v39 =	vld.idx.msk [tilespmem:v39+s8+$0x0], $0xffff  }
0x3b1: {  	v62 =	vperm.xlane v22, v16;
	v36 =	vor.u32 v1, v36  }
0x3b2: {  	v63 =	vperm.xlane v26, v16;
	[tilespmem:s14+$0x1FB0] =	vst v44  }
0x3b3: {  	v48 =	vperm.xlane v29, v16;
	v40 =	vld.idx.msk [tilespmem:v40+s8+$0x0], $0xffff;
	v42 =	vshll.u32 v62, $0x7;
	[tilespmem:s14+$0x27B0] =	vst v41  }
0x3b4: {  	v49 =	vperm.xlane v32, v16;
	v44 =	vshll.u32 v63, $0x7;
	v42 =	vor.u32 v3, v42;
	v43 =	vld.idx.msk [tilespmem:v43+s8+$0x0], $0xffff;
	[tilespmem:s14+$0x2FB0] =	vst v37  }
0x3b5: {  	v44 =	vor.u32 v3, v44;
	v41 =	vshll.u32 v48, $0x7;
	v38 =	vld.idx.msk [tilespmem:v61+s8+$0x0], $0xffff;
	[tilespmem:s14+$0x37B0] =	vst v39  }
0x3b6: {  	v50 =	vor.u32 v3, v41;
	v37 =	vshll.u32 v49, $0x7;
	v36 =	vld.idx.msk [tilespmem:v36+s8+$0x0], $0xffff  }
0x3b7: {  	v51 =	vperm.xlane v21, v16;
	v37 =	vor.u32 v3, v37  }
0x3b8: {  	v52 =	vperm.xlane v25, v16;
	[tilespmem:s14+$0x2000] =	vst v40  }
0x3b9: {  	v53 =	vperm.xlane v28, v16;
	v42 =	vld.idx.msk [tilespmem:v42+s8+$0x0], $0xffff;
	v41 =	vshll.u32 v51, $0x7;
	[tilespmem:s14+$0x2800] =	vst v43  }
0x3ba: {  	v54 =	vperm.xlane v33, v16;
	v40 =	vshll.u32 v52, $0x7;
	v41 =	vor.u32 v4, v41;
	v44 =	vld.idx.msk [tilespmem:v44+s8+$0x0], $0xffff;
	[tilespmem:s14+$0x3000] =	vst v38  }
0x3bb: {  	v40 =	vor.u32 v4, v40;
	v43 =	vshll.u32 v53, $0x7;
	v39 =	vld.idx.msk [tilespmem:v50+s8+$0x0], $0xffff;
	[tilespmem:s14+$0x3800] =	vst v36  }
0x3bc: {  	v55 =	vor.u32 v4, v43;
	v38 =	vshll.u32 v54, $0x7;
	v37 =	vld.idx.msk [tilespmem:v37+s8+$0x0], $0xffff  }
0x3bd: {  	v56 =	vperm.xlane v20, v16;
	v38 =	vor.u32 v4, v38  }
0x3be: {  	v57 =	vperm.xlane v24, v16;
	[tilespmem:s14+$0x2010] =	vst v42  }
0x3bf: {  	v58 =	vperm.xlane v35, v16;
	v41 =	vld.idx.msk [tilespmem:v41+s8+$0x0], $0xffff;
	v43 =	vshll.u32 v56, $0x7;
	[tilespmem:s14+$0x2810] =	vst v44  }
0x3c0: {  	v59 =	vperm.xlane v34, v16;
	v42 =	vshll.u32 v57, $0x7;
	v43 =	vor.u32 v5, v43;
	v40 =	vld.idx.msk [tilespmem:v40+s8+$0x0], $0xffff;
	[tilespmem:s14+$0x3010] =	vst v39  }
0x3c1: {  	v42 =	vor.u32 v5, v42;
	v44 =	vshll.u32 v58, $0x7;
	v36 =	vld.idx.msk [tilespmem:v55+s8+$0x0], $0xffff;
	[tilespmem:s14+$0x3810] =	vst v37  }
0x3c2: {  	v60 =	vor.u32 v5, v44;
	v39 =	vshll.u32 v59, $0x7;
	v38 =	vld.idx.msk [tilespmem:v38+s8+$0x0], $0xffff  }
0x3c3: {  	v61 =	vperm.xlane v23, v17;
	v39 =	vor.u32 v5, v39  }
0x3c4: {  	v62 =	vperm.xlane v27, v17;
	[tilespmem:s14+$0x2020] =	vst v41  }
0x3c5: {  	v63 =	vperm.xlane v30, v17;
	v43 =	vld.idx.msk [tilespmem:v43+s8+$0x0], $0xffff;
	v44 =	vshll.u32 v61, $0x7;
	[tilespmem:s14+$0x2820] =	vst v40  }
0x3c6: {  	v47 =	vperm.xlane v31, v17;
	v41 =	vshll.u32 v62, $0x7;
	v44 =	vor.u32 v1, v44;
	v42 =	vld.idx.msk [tilespmem:v42+s8+$0x0], $0xffff;
	[tilespmem:s14+$0x3020] =	vst v36  }
0x3c7: {  	v41 =	vor.u32 v1, v41;
	v40 =	vshll.u32 v63, $0x7;
	v37 =	vld.idx.msk [tilespmem:v60+s8+$0x0], $0xffff;
	[tilespmem:s14+$0x3820] =	vst v38  }
0x3c8: {  	v48 =	vor.u32 v1, v40;
	v36 =	vshll.u32 v47, $0x7;
	v39 =	vld.idx.msk [tilespmem:v39+s8+$0x0], $0xffff  }
0x3c9: {  	v49 =	vperm.xlane v22, v17;
	v36 =	vor.u32 v1, v36  }
0x3ca: {  	v50 =	vperm.xlane v26, v17;
	[tilespmem:s14+$0x2030] =	vst v43  }
0x3cb: {  	v51 =	vperm.xlane v29, v17;
	v44 =	vld.idx.msk [tilespmem:v44+s8+$0x0], $0xffff;
	v40 =	vshll.u32 v49, $0x7;
	[tilespmem:s14+$0x2830] =	vst v42  }
0x3cc: {  	v52 =	vperm.xlane v32, v17;
	v43 =	vshll.u32 v50, $0x7;
	v40 =	vor.u32 v3, v40;
	v41 =	vld.idx.msk [tilespmem:v41+s8+$0x0], $0xffff;
	[tilespmem:s14+$0x3030] =	vst v37  }
0x3cd: {  	v43 =	vor.u32 v3, v43;
	v42 =	vshll.u32 v51, $0x7;
	v38 =	vld.idx.msk [tilespmem:v48+s8+$0x0], $0xffff;
	[tilespmem:s14+$0x3830] =	vst v39  }
0x3ce: {  	v53 =	vor.u32 v3, v42;
	v37 =	vshll.u32 v52, $0x7;
	v36 =	vld.idx.msk [tilespmem:v36+s8+$0x0], $0xffff  }
0x3cf: {  	v54 =	vperm.xlane v21, v17;
	v37 =	vor.u32 v3, v37  }
0x3d0: {  	v55 =	vperm.xlane v25, v17;
	[tilespmem:s14+$0x2080] =	vst v44  }
0x3d1: {  	v56 =	vperm.xlane v28, v17;
	v40 =	vld.idx.msk [tilespmem:v40+s8+$0x0], $0xffff;
	v42 =	vshll.u32 v54, $0x7;
	[tilespmem:s14+$0x2880] =	vst v41  }
0x3d2: {  	v57 =	vperm.xlane v33, v17;
	v44 =	vshll.u32 v55, $0x7;
	v42 =	vor.u32 v4, v42;
	v43 =	vld.idx.msk [tilespmem:v43+s8+$0x0], $0xffff;
	[tilespmem:s14+$0x3080] =	vst v38  }
0x3d3: {  	v44 =	vor.u32 v4, v44;
	v41 =	vshll.u32 v56, $0x7;
	v39 =	vld.idx.msk [tilespmem:v53+s8+$0x0], $0xffff;
	[tilespmem:s14+$0x3880] =	vst v36  }
0x3d4: {  	v58 =	vor.u32 v4, v41;
	v38 =	vshll.u32 v57, $0x7;
	v37 =	vld.idx.msk [tilespmem:v37+s8+$0x0], $0xffff  }
0x3d5: {  	v59 =	vperm.xlane v20, v17;
	v38 =	vor.u32 v4, v38  }
0x3d6: {  	v60 =	vperm.xlane v24, v17;
	[tilespmem:s14+$0x2090] =	vst v40  }
0x3d7: {  	v61 =	vperm.xlane v35, v17;
	v42 =	vld.idx.msk [tilespmem:v42+s8+$0x0], $0xffff;
	v41 =	vshll.u32 v59, $0x7;
	[tilespmem:s14+$0x2890] =	vst v43  }
0x3d8: {  	v62 =	vperm.xlane v34, v17;
	v40 =	vshll.u32 v60, $0x7;
	v41 =	vor.u32 v5, v41;
	v44 =	vld.idx.msk [tilespmem:v44+s8+$0x0], $0xffff;
	[tilespmem:s14+$0x3090] =	vst v39  }
0x3d9: {  	v40 =	vor.u32 v5, v40;
	v43 =	vshll.u32 v61, $0x7;
	v36 =	vld.idx.msk [tilespmem:v58+s8+$0x0], $0xffff;
	[tilespmem:s14+$0x3890] =	vst v37  }
0x3da: {  	v63 =	vor.u32 v5, v43;
	v39 =	vshll.u32 v62, $0x7;
	v38 =	vld.idx.msk [tilespmem:v38+s8+$0x0], $0xffff  }
0x3db: {  	v47 =	vperm.xlane v23, v18;
	v39 =	vor.u32 v5, v39  }
0x3dc: {  	v48 =	vperm.xlane v27, v18;
	[tilespmem:s14+$0x20A0] =	vst v42  }
0x3dd: {  	v49 =	vperm.xlane v30, v18;
	v41 =	vld.idx.msk [tilespmem:v41+s8+$0x0], $0xffff;
	v43 =	vshll.u32 v47, $0x7;
	[tilespmem:s14+$0x28A0] =	vst v44  }
0x3de: {  	v50 =	vperm.xlane v31, v18;
	v42 =	vshll.u32 v48, $0x7;
	v43 =	vor.u32 v1, v43;
	v40 =	vld.idx.msk [tilespmem:v40+s8+$0x0], $0xffff;
	[tilespmem:s14+$0x30A0] =	vst v36  }
0x3df: {  	v42 =	vor.u32 v1, v42;
	v44 =	vshll.u32 v49, $0x7;
	v37 =	vld.idx.msk [tilespmem:v63+s8+$0x0], $0xffff;
	[tilespmem:s14+$0x38A0] =	vst v38  }
0x3e0: {  	v51 =	vor.u32 v1, v44;
	v36 =	vshll.u32 v50, $0x7;
	v39 =	vld.idx.msk [tilespmem:v39+s8+$0x0], $0xffff  }
0x3e1: {  	v52 =	vperm.xlane v22, v18;
	v36 =	vor.u32 v1, v36  }
0x3e2: {  	v53 =	vperm.xlane v26, v18;
	[tilespmem:s14+$0x20B0] =	vst v41  }
0x3e3: {  	v54 =	vperm.xlane v29, v18;
	v43 =	vld.idx.msk [tilespmem:v43+s8+$0x0], $0xffff;
	v44 =	vshll.u32 v52, $0x7;
	[tilespmem:s14+$0x28B0] =	vst v40  }
0x3e4: {  	v55 =	vperm.xlane v32, v18;
	v41 =	vshll.u32 v53, $0x7;
	v44 =	vor.u32 v3, v44;
	v42 =	vld.idx.msk [tilespmem:v42+s8+$0x0], $0xffff;
	[tilespmem:s14+$0x30B0] =	vst v37  }
0x3e5: {  	v41 =	vor.u32 v3, v41;
	v40 =	vshll.u32 v54, $0x7;
	v38 =	vld.idx.msk [tilespmem:v51+s8+$0x0], $0xffff;
	[tilespmem:s14+$0x38B0] =	vst v39  }
0x3e6: {  	v56 =	vor.u32 v3, v40;
	v37 =	vshll.u32 v55, $0x7;
	v36 =	vld.idx.msk [tilespmem:v36+s8+$0x0], $0xffff  }
0x3e7: {  	v57 =	vperm.xlane v21, v18;
	v37 =	vor.u32 v3, v37  }
0x3e8: {  	v58 =	vperm.xlane v25, v18;
	[tilespmem:s14+$0x2100] =	vst v43  }
0x3e9: {  	v59 =	vperm.xlane v28, v18;
	v44 =	vld.idx.msk [tilespmem:v44+s8+$0x0], $0xffff;
	v40 =	vshll.u32 v57, $0x7;
	[tilespmem:s14+$0x2900] =	vst v42  }
0x3ea: {  	v60 =	vperm.xlane v33, v18;
	v43 =	vshll.u32 v58, $0x7;
	v40 =	vor.u32 v4, v40;
	v41 =	vld.idx.msk [tilespmem:v41+s8+$0x0], $0xffff;
	[tilespmem:s14+$0x3100] =	vst v38  }
0x3eb: {  	v43 =	vor.u32 v4, v43;
	v42 =	vshll.u32 v59, $0x7;
	v39 =	vld.idx.msk [tilespmem:v56+s8+$0x0], $0xffff;
	[tilespmem:s14+$0x3900] =	vst v36  }
0x3ec: {  	v61 =	vor.u32 v4, v42;
	v38 =	vshll.u32 v60, $0x7;
	v37 =	vld.idx.msk [tilespmem:v37+s8+$0x0], $0xffff  }
0x3ed: {  	v62 =	vperm.xlane v20, v18;
	v38 =	vor.u32 v4, v38  }
0x3ee: {  	v63 =	vperm.xlane v24, v18;
	[tilespmem:s14+$0x2110] =	vst v44  }
0x3ef: {  	v48 =	vperm.xlane v35, v18;
	v40 =	vld.idx.msk [tilespmem:v40+s8+$0x0], $0xffff;
	v42 =	vshll.u32 v62, $0x7;
	[tilespmem:s14+$0x2910] =	vst v41  }
0x3f0: {  	v49 =	vperm.xlane v34, v18;
	v44 =	vshll.u32 v63, $0x7;
	v42 =	vor.u32 v5, v42;
	v43 =	vld.idx.msk [tilespmem:v43+s8+$0x0], $0xffff;
	[tilespmem:s14+$0x3110] =	vst v39  }
0x3f1: {  	v50 =	vor.u32 v5, v44;
	v41 =	vshll.u32 v48, $0x7;
	v36 =	vld.idx.msk [tilespmem:v61+s8+$0x0], $0xffff;
	[tilespmem:s14+$0x3910] =	vst v37  }
0x3f2: {  	v41 =	vor.u32 v5, v41;
	v39 =	vshll.u32 v49, $0x7;
	v38 =	vld.idx.msk [tilespmem:v38+s8+$0x0], $0xffff  }
0x3f3: {  	v23 =	vperm.xlane v23, v19;
	v39 =	vor.u32 v5, v39  }
0x3f4: {  	v27 =	vperm.xlane v27, v19;
	[tilespmem:s14+$0x2120] =	vst v40  }
0x3f5: {  	v30 =	vperm.xlane v30, v19;
	v23 =	vshll.u32 v23, $0x7;
	v40 =	vld.idx.msk [tilespmem:v42+s8+$0x0], $0xffff;
	[tilespmem:s14+$0x2920] =	vst v43  }
0x3f6: {  	v31 =	vperm.xlane v31, v19;
	v23 =	vor.u32 v1, v23;
	v27 =	vshll.u32 v27, $0x7;
	v51 =	vld.idx.msk [tilespmem:v50+s8+$0x0], $0xffff;
	[tilespmem:s14+$0x3120] =	vst v36  }
0x3f7: {  	v30 =	vshll.u32 v30, $0x7;
	v27 =	vor.u32 v1, v27;
	v52 =	vld.idx.msk [tilespmem:v41+s8+$0x0], $0xffff;
	[tilespmem:s14+$0x3920] =	vst v38  }
0x3f8: {  	v31 =	vshll.u32 v31, $0x7;
	v30 =	vor.u32 v1, v30;
	v38 =	vld.idx.msk [tilespmem:v39+s8+$0x0], $0xffff  }
0x3f9: {  	v31 =	vor.u32 v1, v31;
	v22 =	vperm.xlane v22, v19  }
0x3fa: {  	v26 =	vperm.xlane v26, v19;
	[tilespmem:s14+$0x2130] =	vst v40  }
0x3fb: {  	v29 =	vperm.xlane v29, v19;
	v22 =	vshll.u32 v22, $0x7;
	v23 =	vld.idx.msk [tilespmem:v23+s8+$0x0], $0xffff;
	[tilespmem:s14+$0x2930] =	vst v51  }
0x3fc: {  	v32 =	vperm.xlane v32, v19;
	v22 =	vor.u32 v3, v22;
	v26 =	vshll.u32 v26, $0x7;
	v27 =	vld.idx.msk [tilespmem:v27+s8+$0x0], $0xffff;
	[tilespmem:s14+$0x3130] =	vst v52  }
0x3fd: {  	v29 =	vshll.u32 v29, $0x7;
	v26 =	vor.u32 v3, v26;
	v30 =	vld.idx.msk [tilespmem:v30+s8+$0x0], $0xffff;
	[tilespmem:s14+$0x3930] =	vst v38  }
0x3fe: {  	v32 =	vshll.u32 v32, $0x7;
	v29 =	vor.u32 v3, v29;
	v31 =	vld.idx.msk [tilespmem:v31+s8+$0x0], $0xffff  }
0x3ff: {  	v32 =	vor.u32 v3, v32;
	v21 =	vperm.xlane v21, v19  }
0x400: {  	v53 =	vperm.xlane v25, v19;
	[tilespmem:s14+$0x2180] =	vst v23  }
0x401: {  	v21 =	vshll.u32 v21, $0x7;
	v54 =	vperm.xlane v28, v19;
	v22 =	vld.idx.msk [tilespmem:v22+s8+$0x0], $0xffff;
	[tilespmem:s14+$0x2980] =	vst v27  }
0x402: {  	v21 =	vor.u32 v4, v21;
	v55 =	vperm.xlane v33, v19;
	v23 =	vshll.u32 v53, $0x7;
	v26 =	vld.idx.msk [tilespmem:v26+s8+$0x0], $0xffff;
	[tilespmem:s14+$0x3180] =	vst v30  }
0x403: {  	v25 =	vshll.u32 v54, $0x7;
	v23 =	vor.u32 v4, v23;
	v56 =	vld.idx.msk [tilespmem:v29+s8+$0x0], $0xffff;
	[tilespmem:s14+$0x3980] =	vst v31  }
0x404: {  	v25 =	vor.u32 v4, v25;
	v27 =	vshll.u32 v55, $0x7;
	v57 =	vld.idx.msk [tilespmem:v32+s8+$0x0], $0xffff  }
0x405: {  	v20 =	vperm.xlane v20, v19;
	v27 =	vor.u32 v4, v27  }
0x406: {  	v58 =	vperm.xlane v24, v19;
	[tilespmem:s14+$0x2190] =	vst v22  }
0x407: {  	v20 =	vshll.u32 v20, $0x7;
	v59 =	vperm.xlane v35, v19;
	v21 =	vld.idx.msk [tilespmem:v21+s8+$0x0], $0xffff;
	[tilespmem:s14+$0x2990] =	vst v26  }
0x408: {  	v20 =	vor.u32 v5, v20;
	v60 =	vperm.xlane v34, v19;
	v22 =	vshll.u32 v58, $0x7;
	v23 =	vld.idx.msk [tilespmem:v23+s8+$0x0], $0xffff;
	[tilespmem:s14+$0x3190] =	vst v56  }
0x409: {  	v24 =	vshll.u32 v59, $0x7;
	v22 =	vor.u32 v5, v22;
	v25 =	vld.idx.msk [tilespmem:v25+s8+$0x0], $0xffff;
	[tilespmem:s14+$0x3990] =	vst v57  }
0x40a: {  	v24 =	vor.u32 v5, v24;
	v26 =	vshll.u32 v60, $0x7;
	v27 =	vld.idx.msk [tilespmem:v27+s8+$0x0], $0xffff  }
0x40b: {  	v26 =	vor.u32 v5, v26  }
0x40c: {  	[tilespmem:s14+$0x21A0] =	vst v21  }
0x40d: {  	v20 =	vld.idx.msk [tilespmem:v20+s8+$0x0], $0xffff;
	[tilespmem:s14+$0x29A0] =	vst v23  }
0x40e: {  	v61 =	vld.idx.msk [tilespmem:v22+s8+$0x0], $0xffff;
	[tilespmem:s14+$0x31A0] =	vst v25  }
0x40f: {  	v62 =	vld.idx.msk [tilespmem:v24+s8+$0x0], $0xffff;
	[tilespmem:s14+$0x39A0] =	vst v27  }
0x410: {  	p0 =	slt.u32 s13, $0x1C0;
	v63 =	vld.idx.msk [tilespmem:v26+s8+$0x0], $0xffff  }
.Ltmp1:
0x411: {  	_ = 	snop;
	(pc) =	sbr.rel @p0 .LBB2_4-.Ltmp1, $4  }
0x412: {  	[tilespmem:s14+$0x21B0] =	vst v20  }
0x413: {  	[tilespmem:s14+$0x29B0] =	vst v61  }
0x414: {  	s31 =	sadd.s32 $0x40, s13;
	[tilespmem:s14+$0x31B0] =	vst v62  }
0x415: {  	s13 =	smov.u32 s31;
	[tilespmem:s14+$0x39B0] =	vst v63  }
0x416: {  	[hbm4b:s6+s3] =	stream.linear.scatter [tilespmem:s11], [sflag:$0x1], $0x8000, $0x200038;
	[tilespmem:$0x11A00] =	vst v63  }
0x417: {  	_ =	strace $0x90000049  }
0x418: {  	_ =	strace $0x8000004A  }
0x419: {  	s12 =	sadd.s32 $0x1, s12;
	_ =	swait.ge [sflag:s9], $0x8000  }
0x41a: {  	p0 =	sne.s32 s12, s7;
	[sflag:s9] =	ssyncset.done $0x0  }
.Ltmp2:
0x41b: {  	[sflag:s9] =	ssyncadd.s32 $0xFFFF8000;
	(pc) =	sbr.rel @p0 .LBB2_1-.Ltmp2, $4  }
0x41c: {  	_ =	swait.ge [sflag:s9], $0x8000  }
0x41d: {  	[sflag:s9] =	ssyncset.done $0x0  }
0x41e: {  	[sflag:s9] =	ssyncadd.s32 $0xFFFF8000  }
0x41f: {  	_ =	strace $0x9000004A  }
0x420: {  	_ =	sfence.sel $0x180000  }
0x421: {  	[bflag:$0x0] =	sbarrier.arrive $0xFFFF  }
0x422: {  	p0 =	sne.s32 s1, $0x0;
	_ =	strace $0x90000047  }
0x423: {  	s0 =	sadd.s32 @!p0 $0x100000, s0;
	[bflag:$0x2] =	sbarrier.arrive $0xFFFF  }
0x424: {  	[sflag:s0] =	ssyncadd.tile.s32 @!p0 $0x1;
	_ =	shalt  }
.Lfunc_end2:
_tile_overlayer_lowered:
.L_overlay_start_2:
0x425: {  	(tag) =	ssettag $0x2  }
0x426: {  	s0 =	rddreg [dreg:$0x0];
	s2 =	stileid.u32  }
0x427: {  	s1 =	rddreg [dreg:$0x1];
	p0 =	sne.s32 s2, $0x0  }
0x428: {  	s3 =	rddreg [dreg:$0x2];
	[bflag:$0x3] =	sbarrier.arrive $0xFFFF;
	s2 =	simm.s32 @!p0 $0x1C02  }
0x429: {  	[timem:s3], [sflag:s2] =	dma.local @!p0 [hbm:s0], s1  }
0x42a: {  	s0 =	simm.s32 @!p0 $0x2  }
0x42b: {  	_ =	swait.ge @!p0 [sflag:s0], s1  }
0x42c: {  	s1 =	ssub.s32 @!p0 $0x0, s1;
	[sflag:s0] =	ssyncset.done @!p0 $0x0  }
0x42d: {  	[sflag:s0] =	ssyncadd.s32 @!p0 s1  }
0x42e: {  	[bflag:$0x3] =	sbarrier.arrive $0xFFFF  }
0x42f: {  	_ =	shalt  }

</sc_bundles>
